<compile_context>
chip_gen: v7x
topology: tpu7x:2x2x1
jax: 0.10.2.dev20260603
libtpu: 0.0.44.dev20260713+nightly
codegen_flags: <defaults>
</compile_context>

<pallas_src>
import jax
import jax.numpy as jnp
from jax import lax
from jax.experimental import pallas as pl
from jax.experimental.pallas import tpu as pltpu
from jax.experimental.pallas import tpu_sc as plsc

B_TOTAL = 1024 * 200
D_EMBED = 64
D_PAD = 80
NW = 32
B_PER_W = B_TOTAL // NW
CHUNK = 128
NCHUNK = B_PER_W // CHUNK
NBUF = 5
LOOK = 3
NROUND = NCHUNK // NBUF
GPB = CHUNK // 16


def _gather_kernel(idx_hbm, table_hbm, out_hbm, idx_v, rows_v, gsem, osem):
    wid = lax.axis_index("s") * 2 + lax.axis_index("c")
    base = wid * B_PER_W
    pltpu.sync_copy(idx_hbm.at[pl.ds(base, B_PER_W)], idx_v)

    class _G:

        def __init__(self, g, b):
            self.g, self.b = g, b

        def start(self):
            for j in range(GPB):
                ivec = idx_v[pl.ds(self.g * CHUNK + j * 16, 16)]
                pltpu.make_async_copy(
                    table_hbm.at[ivec],
                    rows_v.at[self.b].at[pl.ds(j * 16, 16)],
                    gsem.at[self.b],
                ).start()

        def wait(self):
            pltpu.make_async_copy(
                table_hbm.at[pl.ds(0, CHUNK)],
                rows_v.at[self.b],
                gsem.at[self.b],
            ).wait()

    def gather(g, b):
        return _G(g, b)

    def out_copy(g, b):
        return pltpu.make_async_copy(
            rows_v.at[b].at[:, pl.ds(0, D_EMBED)],
            out_hbm.at[pl.ds(base + g * CHUNK, CHUNK)],
            osem.at[b],
        )

    for b in range(LOOK):
        gather(b, b).start()

    for b in range(NBUF):
        g = b
        gather(g, b).wait()
        out_copy(g, b).start()
        h = g + LOOK
        hb = h % NBUF
        if h >= NBUF:
            out_copy(h - NBUF, hb).wait()
        gather(h, hb).start()

    def round_body(i, carry):
        for b in range(NBUF):
            g = i * NBUF + b
            hb = (b + LOOK) % NBUF
            gather(g, b).wait()
            out_copy(g, b).start()
            out_copy(g - (NBUF - LOOK), hb).wait()
            gather(g + LOOK, hb).start()
        return carry

    lax.fori_loop(1, NROUND - 1, round_body, 0)

    for b in range(NBUF):
        g = (NROUND - 1) * NBUF + b
        gather(g, b).wait()
        out_copy(g, b).start()
        h = g + LOOK
        if h < NCHUNK:
            hb = h % NBUF
            out_copy(g - (NBUF - LOOK), hb).wait()
            gather(h, hb).start()

    for b in range(NBUF):
        g = (NROUND - 1) * NBUF + b
        out_copy(g, b).wait()


@jax.jit
def kernel(x, emb):
    idx = x.reshape(-1).astype(jnp.int32)
    embp = jnp.pad(emb, ((0, 0), (0, D_PAD - D_EMBED)))
    mesh = plsc.VectorSubcoreMesh(core_axis_name="c", subcore_axis_name="s")
    out = pl.kernel(
        _gather_kernel,
        out_type=jax.ShapeDtypeStruct((B_TOTAL, D_EMBED), jnp.float32),
        mesh=mesh,
        scratch_types=[
            pltpu.VMEM((B_PER_W,), jnp.int32),
            pltpu.VMEM((NBUF, CHUNK, D_PAD), jnp.float32),
            pltpu.SemaphoreType.DMA((NBUF,)),
            pltpu.SemaphoreType.DMA((NBUF,)),
        ],
        compiler_params=pltpu.CompilerParams(use_tc_tiling_on_sc=False),
    )(idx, embp)
    return out.reshape(x.shape[0], x.shape[1], D_EMBED)

# --- scband reference (transcript-rebuilt; emitter-appended) ---
"""Pipeline reference for scband-embedding-15109694947513 (READ-ONLY COPY).

The authoritative reference and input builder live on the scoring server;
editing this copy changes nothing except your own understanding.
"""

import jax, jax.numpy as jnp
import numpy as np

N_TOKENS = 1000000
D_EMBED = 64
D_MODEL = 64

def setup_inputs(seed: int = 0) -> dict:
    key = jax.random.key(seed)
    k1, k2 = jax.random.split(key)
    x = jax.random.randint(k1, (1024, 200), 0, N_TOKENS, dtype=jnp.int64 if jax.config.jax_enable_x64 else jnp.int32)
    emb = jax.random.normal(k2, (N_TOKENS, D_EMBED), dtype=jnp.float32)
    return {"x": x, "emb": emb}

def reference(x, emb):
    # nn.Embedding lookup: table[idx]
    out = jnp.take(emb, x, axis=0)
    # d_model == d_embed, so no projection is applied (matches torch module)
    return out

if __name__ == "__main__":
    import jax
    _d = setup_inputs()
    print(jax.jit(kernel)(*tuple(_d.values())))

</pallas_src>

<mosaic_0001>
#map = affine_map<(d0, d1) -> (0)>
#map1 = affine_map<(d0, d1) -> (0, 0)>
module attributes {stable_mosaic.version = 14 : i64} {
  func.func @_gather_kernel(%arg0: i32, %arg1: i32, %arg2: memref<204800xi32, #tpu.memory_space<hbm>>, %arg3: memref<1000000x80xf32, #tpu.memory_space<hbm>>, %arg4: memref<204800x64xf32, #tpu.memory_space<hbm>>, %arg5: memref<6400xi32, #tpu.memory_space<vmem>>, %arg6: memref<5x128x80xf32, #tpu.memory_space<vmem>>, %arg7: memref<5x!tpu.dma_semaphore, #tpu.memory_space<semaphore_mem>>, %arg8: memref<5x!tpu.dma_semaphore, #tpu.memory_space<semaphore_mem>>) attributes {dimension_semantics = [#tpu.dimension_semantics<core_parallel>, #tpu.dimension_semantics<subcore_parallel>], iteration_bounds = array<i64: 2, 16>, scalar_prefetch = 0 : i64, scratch_operands = 4 : i64, tpu.core_type = #tpu.core_type<sc_vector_subcore>, window_params = [{transform_indices = #map}, {transform_indices = #map1}, {transform_indices = #map1}]} {
    %mul3A = arith.constant 2 : i32
    %mul3A_0 = arith.muli %arg1, %mul3A : i32
    %add3A = arith.addi %mul3A_0, %arg0 : i32
    %mul3A_1 = arith.constant 6400 : i32
    %mul3A_2 = arith.muli %add3A, %mul3A_1 : i32
    "tpu.region"() ({
      %run_scoped3A = tpu.sem_alloc : memref<!tpu.dma_semaphore, #tpu.memory_space<semaphore_mem>>
      %dma_start3A_2025 = tpu.memref_slice %arg2[%mul3A_2] : memref<204800xi32, #tpu.memory_space<hbm>> -> memref<6400xi32, #tpu.memory_space<hbm>>
      %dma_start3A_2026 = tpu.memref_slice %arg2[%mul3A_2] : memref<204800xi32, #tpu.memory_space<hbm>> -> memref<6400xi32, #tpu.memory_space<hbm>>
      tpu.enqueue_dma source(%dma_start3A_2026 : memref<6400xi32, #tpu.memory_space<hbm>>) target(%arg5 : memref<6400xi32, #tpu.memory_space<vmem>>) target_semaphore(%run_scoped3A : memref<!tpu.dma_semaphore, #tpu.memory_space<semaphore_mem>>)
      %dma_wait3A_2027 = tpu.memref_slice %arg2[%mul3A_2] : memref<204800xi32, #tpu.memory_space<hbm>> -> memref<6400xi32, #tpu.memory_space<hbm>>
      %dma_wait3A_2028 = tpu.memref_slice %arg2[%mul3A_2] : memref<204800xi32, #tpu.memory_space<hbm>> -> memref<6400xi32, #tpu.memory_space<hbm>>
      tpu.wait_dma2 semaphore(%run_scoped3A : memref<!tpu.dma_semaphore, #tpu.memory_space<semaphore_mem>>) src(%dma_wait3A_2028 : memref<6400xi32, #tpu.memory_space<hbm>>) dst(%arg5 : memref<6400xi32, #tpu.memory_space<vmem>>)
      tpu.yield
    }) : () -> ()
    %get3A = arith.constant 0 : index
    %get3A_3 = tpu.vector_load %arg5[%get3A] {strides = array<i32>} : memref<6400xi32, #tpu.memory_space<vmem>>, vector<16xi32>,
    %get3A_4 = vector.shape_cast %get3A_3 : vector<16xi32> to vector<16xi32>
    %dma_start3A = arith.constant 0 : i32
    %dma_start3A_5 = arith.constant 0 : i32
    %dma_start3A_6 = arith.constant 0 : i32
    %dma_start3A_7 = arith.constant 0 : i32
    %dma_start3A_8 = tpu.memref_slice %arg6[%dma_start3A, %dma_start3A_6, %dma_start3A_7] : memref<5x128x80xf32, #tpu.memory_space<vmem>> -> memref<1x128x80xf32, #tpu.memory_space<vmem>>
    %dma_start3A_9 = tpu.memref_squeeze %dma_start3A_8 : memref<1x128x80xf32, #tpu.memory_space<vmem>> -> memref<128x80xf32, #tpu.memory_space<vmem>>
    %dma_start3A_10 = arith.constant 0 : i32
    %dma_start3A_11 = arith.constant 0 : i32
    %dma_start3A_12 = tpu.memref_slice %dma_start3A_9[%dma_start3A_10, %dma_start3A_11] : memref<128x80xf32, #tpu.memory_space<vmem>> -> memref<16x80xf32, #tpu.memory_space<vmem>>
    %dma_start3A_13 = arith.constant 0 : i32
    %dma_start3A_14 = arith.constant 0 : i32
    %dma_start3A_15 = tpu.memref_slice %arg3[%dma_start3A_13, %dma_start3A_14] : memref<1000000x80xf32, #tpu.memory_space<hbm>> -> memref<1000000x80xf32, #tpu.memory_space<hbm>>
    %dma_start3A_16 = tpu.memref_slice %arg7[%dma_start3A_5] : memref<5x!tpu.dma_semaphore, #tpu.memory_space<semaphore_mem>> -> memref<1x!tpu.dma_semaphore, #tpu.memory_space<semaphore_mem>>
    %dma_start3A_17 = tpu.memref_squeeze %dma_start3A_16 : memref<1x!tpu.dma_semaphore, #tpu.memory_space<semaphore_mem>> -> memref<!tpu.dma_semaphore, #tpu.memory_space<semaphore_mem>>
    tpu.enqueue_indirect_dma source(%dma_start3A_15 : memref<1000000x80xf32, #tpu.memory_space<hbm>>) target(%dma_start3A_12 : memref<16x80xf32, #tpu.memory_space<vmem>>) offsets(%get3A_4 : vector<16xi32>) semaphore(%dma_start3A_17 : memref<!tpu.dma_semaphore, #tpu.memory_space<semaphore_mem>>)
    %get3A_18 = arith.constant 16 : index
    %get3A_19 = tpu.vector_load %arg5[%get3A_18] {strides = array<i32>} : memref<6400xi32, #tpu.memory_space<vmem>>, vector<16xi32>,
    %get3A_20 = vector.shape_cast %get3A_19 : vector<16xi32> to vector<16xi32>
    %dma_start3A_21 = arith.constant 0 : i32
    %dma_start3A_22 = arith.constant 0 : i32
    %dma_start3A_23 = arith.constant 0 : i32
    %dma_start3A_24 = arith.constant 0 : i32
    %dma_start3A_25 = tpu.memref_slice %arg6[%dma_start3A_21, %dma_start3A_23, %dma_start3A_24] : memref<5x128x80xf32, #tpu.memory_space<vmem>> -> memref<1x128x80xf32, #tpu.memory_space<vmem>>
    %dma_start3A_26 = tpu.memref_squeeze %dma_start3A_25 : memref<1x128x80xf32, #tpu.memory_space<vmem>> -> memref<128x80xf32, #tpu.memory_space<vmem>>
    %dma_start3A_27 = arith.constant 16 : i32
    %dma_start3A_28 = arith.constant 0 : i32
    %dma_start3A_29 = tpu.memref_slice %dma_start3A_26[%dma_start3A_27, %dma_start3A_28] : memref<128x80xf32, #tpu.memory_space<vmem>> -> memref<16x80xf32, #tpu.memory_space<vmem>>
    %dma_start3A_30 = arith.constant 0 : i32
    %dma_start3A_31 = arith.constant 0 : i32
    %dma_start3A_32 = tpu.memref_slice %arg3[%dma_start3A_30, %dma_start3A_31] : memref<1000000x80xf32, #tpu.memory_space<hbm>> -> memref<1000000x80xf32, #tpu.memory_space<hbm>>
    %dma_start3A_33 = tpu.memref_slice %arg7[%dma_start3A_22] : memref<5x!tpu.dma_semaphore, #tpu.memory_space<semaphore_mem>> -> memref<1x!tpu.dma_semaphore, #tpu.memory_space<semaphore_mem>>
    %dma_start3A_34 = tpu.memref_squeeze %dma_start3A_33 : memref<1x!tpu.dma_semaphore, #tpu.memory_space<semaphore_mem>> -> memref<!tpu.dma_semaphore, #tpu.memory_space<semaphore_mem>>
    tpu.enqueue_indirect_dma source(%dma_start3A_32 : memref<1000000x80xf32, #tpu.memory_space<hbm>>) target(%dma_start3A_29 : memref<16x80xf32, #tpu.memory_space<vmem>>) offsets(%get3A_20 : vector<16xi32>) semaphore(%dma_start3A_34 : memref<!tpu.dma_semaphore, #tpu.memory_space<semaphore_mem>>)
    %get3A_35 = arith.constant 32 : index
    %get3A_36 = tpu.vector_load %arg5[%get3A_35] {strides = array<i32>} : memref<6400xi32, #tpu.memory_space<vmem>>, vector<16xi32>,
    %get3A_37 = vector.shape_cast %get3A_36 : vector<16xi32> to vector<16xi32>
    %dma_start3A_38 = arith.constant 0 : i32
    %dma_start3A_39 = arith.constant 0 : i32
    %dma_start3A_40 = arith.constant 0 : i32
    %dma_start3A_41 = arith.constant 0 : i32
    %dma_start3A_42 = tpu.memref_slice %arg6[%dma_start3A_38, %dma_start3A_40, %dma_start3A_41] : memref<5x128x80xf32, #tpu.memory_space<vmem>> -> memref<1x128x80xf32, #tpu.memory_space<vmem>>
    %dma_start3A_43 = tpu.memref_squeeze %dma_start3A_42 : memref<1x128x80xf32, #tpu.memory_space<vmem>> -> memref<128x80xf32, #tpu.memory_space<vmem>>
    %dma_start3A_44 = arith.constant 32 : i32
    %dma_start3A_45 = arith.constant 0 : i32
    %dma_start3A_46 = tpu.memref_slice %dma_start3A_43[%dma_start3A_44, %dma_start3A_45] : memref<128x80xf32, #tpu.memory_space<vmem>> -> memref<16x80xf32, #tpu.memory_space<vmem>>
    %dma_start3A_47 = arith.constant 0 : i32
    %dma_start3A_48 = arith.constant 0 : i32
    %dma_start3A_49 = tpu.memref_slice %arg3[%dma_start3A_47, %dma_start3A_48] : memref<1000000x80xf32, #tpu.memory_space<hbm>> -> memref<1000000x80xf32, #tpu.memory_space<hbm>>
    %dma_start3A_50 = tpu.memref_slice %arg7[%dma_start3A_39] : memref<5x!tpu.dma_semaphore, #tpu.memory_space<semaphore_mem>> -> memref<1x!tpu.dma_semaphore, #tpu.memory_space<semaphore_mem>>
    %dma_start3A_51 = tpu.memref_squeeze %dma_start3A_50 : memref<1x!tpu.dma_semaphore, #tpu.memory_space<semaphore_mem>> -> memref<!tpu.dma_semaphore, #tpu.memory_space<semaphore_mem>>
    tpu.enqueue_indirect_dma source(%dma_start3A_49 : memref<1000000x80xf32, #tpu.memory_space<hbm>>) target(%dma_start3A_46 : memref<16x80xf32, #tpu.memory_space<vmem>>) offsets(%get3A_37 : vector<16xi32>) semaphore(%dma_start3A_51 : memref<!tpu.dma_semaphore, #tpu.memory_space<semaphore_mem>>)
    %get3A_52 = arith.constant 48 : index
    %get3A_53 = tpu.vector_load %arg5[%get3A_52] {strides = array<i32>} : memref<6400xi32, #tpu.memory_space<vmem>>, vector<16xi32>,
    %get3A_54 = vector.shape_cast %get3A_53 : vector<16xi32> to vector<16xi32>
    %dma_start3A_55 = arith.constant 0 : i32
    %dma_start3A_56 = arith.constant 0 : i32
    %dma_start3A_57 = arith.constant 0 : i32
    %dma_start3A_58 = arith.constant 0 : i32
    %dma_start3A_59 = tpu.memref_slice %arg6[%dma_start3A_55, %dma_start3A_57, %dma_start3A_58] : memref<5x128x80xf32, #tpu.memory_space<vmem>> -> memref<1x128x80xf32, #tpu.memory_space<vmem>>
    %dma_start3A_60 = tpu.memref_squeeze %dma_start3A_59 : memref<1x128x80xf32, #tpu.memory_space<vmem>> -> memref<128x80xf32, #tpu.memory_space<vmem>>
    %dma_start3A_61 = arith.constant 48 : i32
    %dma_start3A_62 = arith.constant 0 : i32
    %dma_start3A_63 = tpu.memref_slice %dma_start3A_60[%dma_start3A_61, %dma_start3A_62] : memref<128x80xf32, #tpu.memory_space<vmem>> -> memref<16x80xf32, #tpu.memory_space<vmem>>
    %dma_start3A_64 = arith.constant 0 : i32
    %dma_start3A_65 = arith.constant 0 : i32
    %dma_start3A_66 = tpu.memref_slice %arg3[%dma_start3A_64, %dma_start3A_65] : memref<1000000x80xf32, #tpu.memory_space<hbm>> -> memref<1000000x80xf32, #tpu.memory_space<hbm>>
    %dma_start3A_67 = tpu.memref_slice %arg7[%dma_start3A_56] : memref<5x!tpu.dma_semaphore, #tpu.memory_space<semaphore_mem>> -> memref<1x!tpu.dma_semaphore, #tpu.memory_space<semaphore_mem>>
    %dma_start3A_68 = tpu.memref_squeeze %dma_start3A_67 : memref<1x!tpu.dma_semaphore, #tpu.memory_space<semaphore_mem>> -> memref<!tpu.dma_semaphore, #tpu.memory_space<semaphore_mem>>
    tpu.enqueue_indirect_dma source(%dma_start3A_66 : memref<1000000x80xf32, #tpu.memory_space<hbm>>) target(%dma_start3A_63 : memref<16x80xf32, #tpu.memory_space<vmem>>) offsets(%get3A_54 : vector<16xi32>) semaphore(%dma_start3A_68 : memref<!tpu.dma_semaphore, #tpu.memory_space<semaphore_mem>>)
    %get3A_69 = arith.constant 64 : index
    %get3A_70 = tpu.vector_load %arg5[%get3A_69] {strides = array<i32>} : memref<6400xi32, #tpu.memory_space<vmem>>, vector<16xi32>,
    %get3A_71 = vector.shape_cast %get3A_70 : vector<16xi32> to vector<16xi32>
    %dma_start3A_72 = arith.constant 0 : i32
    %dma_start3A_73 = arith.constant 0 : i32
    %dma_start3A_74 = arith.constant 0 : i32
    %dma_start3A_75 = arith.constant 0 : i32
    %dma_start3A_76 = tpu.memref_slice %arg6[%dma_start3A_72, %dma_start3A_74, %dma_start3A_75] : memref<5x128x80xf32, #tpu.memory_space<vmem>> -> memref<1x128x80xf32, #tpu.memory_space<vmem>>
    %dma_start3A_77 = tpu.memref_squeeze %dma_start3A_76 : memref<1x128x80xf32, #tpu.memory_space<vmem>> -> memref<128x80xf32, #tpu.memory_space<vmem>>
    %dma_start3A_78 = arith.constant 64 : i32
    %dma_start3A_79 = arith.constant 0 : i32
    %dma_start3A_80 = tpu.memref_slice %dma_start3A_77[%dma_start3A_78, %dma_start3A_79] : memref<128x80xf32, #tpu.memory_space<vmem>> -> memref<16x80xf32, #tpu.memory_space<vmem>>
    %dma_start3A_81 = arith.constant 0 : i32
    %dma_start3A_82 = arith.constant 0 : i32
    %dma_start3A_83 = tpu.memref_slice %arg3[%dma_start3A_81, %dma_start3A_82] : memref<1000000x80xf32, #tpu.memory_space<hbm>> -> memref<1000000x80xf32, #tpu.memory_space<hbm>>
    %dma_start3A_84 = tpu.memref_slice %arg7[%dma_start3A_73] : memref<5x!tpu.dma_semaphore, #tpu.memory_space<semaphore_mem>> -> memref<1x!tpu.dma_semaphore, #tpu.memory_space<semaphore_mem>>
    %dma_start3A_85 = tpu.memref_squeeze %dma_start3A_84 : memref<1x!tpu.dma_semaphore, #tpu.memory_space<semaphore_mem>> -> memref<!tpu.dma_semaphore, #tpu.memory_space<semaphore_mem>>
    tpu.enqueue_indirect_dma source(%dma_start3A_83 : memref<1000000x80xf32, #tpu.memory_space<hbm>>) target(%dma_start3A_80 : memref<16x80xf32, #tpu.memory_space<vmem>>) offsets(%get3A_71 : vector<16xi32>) semaphore(%dma_start3A_85 : memref<!tpu.dma_semaphore, #tpu.memory_space<semaphore_mem>>)
    %get3A_86 = arith.constant 80 : index
    %get3A_87 = tpu.vector_load %arg5[%get3A_86] {strides = array<i32>} : memref<6400xi32, #tpu.memory_space<vmem>>, vector<16xi32>,
    %get3A_88 = vector.shape_cast %get3A_87 : vector<16xi32> to vector<16xi32>
    %dma_start3A_89 = arith.constant 0 : i32
    %dma_start3A_90 = arith.constant 0 : i32
    %dma_start3A_91 = arith.constant 0 : i32
    %dma_start3A_92 = arith.constant 0 : i32
    %dma_start3A_93 = tpu.memref_slice %arg6[%dma_start3A_89, %dma_start3A_91, %dma_start3A_92] : memref<5x128x80xf32, #tpu.memory_space<vmem>> -> memref<1x128x80xf32, #tpu.memory_space<vmem>>
    %dma_start3A_94 = tpu.memref_squeeze %dma_start3A_93 : memref<1x128x80xf32, #tpu.memory_space<vmem>> -> memref<128x80xf32, #tpu.memory_space<vmem>>
    %dma_start3A_95 = arith.constant 80 : i32
    %dma_start3A_96 = arith.constant 0 : i32
    %dma_start3A_97 = tpu.memref_slice %dma_start3A_94[%dma_start3A_95, %dma_start3A_96] : memref<128x80xf32, #tpu.memory_space<vmem>> -> memref<16x80xf32, #tpu.memory_space<vmem>>
    %dma_start3A_98 = arith.constant 0 : i32
    %dma_start3A_99 = arith.constant 0 : i32
    %dma_start3A_100 = tpu.memref_slice %arg3[%dma_start3A_98, %dma_start3A_99] : memref<1000000x80xf32, #tpu.memory_space<hbm>> -> memref<1000000x80xf32, #tpu.memory_space<hbm>>
    %dma_start3A_101 = tpu.memref_slice %arg7[%dma_start3A_90] : memref<5x!tpu.dma_semaphore, #tpu.memory_space<semaphore_mem>> -> memref<1x!tpu.dma_semaphore, #tpu.memory_space<semaphore_mem>>
    %dma_start3A_102 = tpu.memref_squeeze %dma_start3A_101 : memref<1x!tpu.dma_semaphore, #tpu.memory_space<semaphore_mem>> -> memref<!tpu.dma_semaphore, #tpu.memory_space<semaphore_mem>>
    tpu.enqueue_indirect_dma source(%dma_start3A_100 : memref<1000000x80xf32, #tpu.memory_space<hbm>>) target(%dma_start3A_97 : memref<16x80xf32, #tpu.memory_space<vmem>>) offsets(%get3A_88 : vector<16xi32>) semaphore(%dma_start3A_102 : memref<!tpu.dma_semaphore, #tpu.memory_space<semaphore_mem>>)
    %get3A_103 = arith.constant 96 : index
    %get3A_104 = tpu.vector_load %arg5[%get3A_103] {strides = array<i32>} : memref<6400xi32, #tpu.memory_space<vmem>>, vector<16xi32>,
    %get3A_105 = vector.shape_cast %get3A_104 : vector<16xi32> to vector<16xi32>
    %dma_start3A_106 = arith.constant 0 : i32
    %dma_start3A_107 = arith.constant 0 : i32
    %dma_start3A_108 = arith.constant 0 : i32
    %dma_start3A_109 = arith.constant 0 : i32
    %dma_start3A_110 = tpu.memref_slice %arg6[%dma_start3A_106, %dma_start3A_108, %dma_start3A_109] : memref<5x128x80xf32, #tpu.memory_space<vmem>> -> memref<1x128x80xf32, #tpu.memory_space<vmem>>
    %dma_start3A_111 = tpu.memref_squeeze %dma_start3A_110 : memref<1x128x80xf32, #tpu.memory_space<vmem>> -> memref<128x80xf32, #tpu.memory_space<vmem>>
    %dma_start3A_112 = arith.constant 96 : i32
    %dma_start3A_113 = arith.constant 0 : i32
    %dma_start3A_114 = tpu.memref_slice %dma_start3A_111[%dma_start3A_112, %dma_start3A_113] : memref<128x80xf32, #tpu.memory_space<vmem>> -> memref<16x80xf32, #tpu.memory_space<vmem>>
    %dma_start3A_115 = arith.constant 0 : i32
    %dma_start3A_116 = arith.constant 0 : i32
    %dma_start3A_117 = tpu.memref_slice %arg3[%dma_start3A_115, %dma_start3A_116] : memref<1000000x80xf32, #tpu.memory_space<hbm>> -> memref<1000000x80xf32, #tpu.memory_space<hbm>>
    %dma_start3A_118 = tpu.memref_slice %arg7[%dma_start3A_107] : memref<5x!tpu.dma_semaphore, #tpu.memory_space<semaphore_mem>> -> memref<1x!tpu.dma_semaphore, #tpu.memory_space<semaphore_mem>>
    %dma_start3A_119 = tpu.memref_squeeze %dma_start3A_118 : memref<1x!tpu.dma_semaphore, #tpu.memory_space<semaphore_mem>> -> memref<!tpu.dma_semaphore, #tpu.memory_space<semaphore_mem>>
    tpu.enqueue_indirect_dma source(%dma_start3A_117 : memref<1000000x80xf32, #tpu.memory_space<hbm>>) target(%dma_start3A_114 : memref<16x80xf32, #tpu.memory_space<vmem>>) offsets(%get3A_105 : vector<16xi32>) semaphore(%dma_start3A_119 : memref<!tpu.dma_semaphore, #tpu.memory_space<semaphore_mem>>)
    %get3A_120 = arith.constant 112 : index
    %get3A_121 = tpu.vector_load %arg5[%get3A_120] {strides = array<i32>} : memref<6400xi32, #tpu.memory_space<vmem>>, vector<16xi32>,
    %get3A_122 = vector.shape_cast %get3A_121 : vector<16xi32> to vector<16xi32>
    %dma_start3A_123 = arith.constant 0 : i32
    %dma_start3A_124 = arith.constant 0 : i32
    %dma_start3A_125 = arith.constant 0 : i32
    %dma_start3A_126 = arith.constant 0 : i32
    %dma_start3A_127 = tpu.memref_slice %arg6[%dma_start3A_123, %dma_start3A_125, %dma_start3A_126] : memref<5x128x80xf32, #tpu.memory_space<vmem>> -> memref<1x128x80xf32, #tpu.memory_space<vmem>>
    %dma_start3A_128 = tpu.memref_squeeze %dma_start3A_127 : memref<1x128x80xf32, #tpu.memory_space<vmem>> -> memref<128x80xf32, #tpu.memory_space<vmem>>
    %dma_start3A_129 = arith.constant 112 : i32
    %dma_start3A_130 = arith.constant 0 : i32
    %dma_start3A_131 = tpu.memref_slice %dma_start3A_128[%dma_start3A_129, %dma_start3A_130] : memref<128x80xf32, #tpu.memory_space<vmem>> -> memref<16x80xf32, #tpu.memory_space<vmem>>
    %dma_start3A_132 = arith.constant 0 : i32
    %dma_start3A_133 = arith.constant 0 : i32
    %dma_start3A_134 = tpu.memref_slice %arg3[%dma_start3A_132, %dma_start3A_133] : memref<1000000x80xf32, #tpu.memory_space<hbm>> -> memref<1000000x80xf32, #tpu.memory_space<hbm>>
    %dma_start3A_135 = tpu.memref_slice %arg7[%dma_start3A_124] : memref<5x!tpu.dma_semaphore, #tpu.memory_space<semaphore_mem>> -> memref<1x!tpu.dma_semaphore, #tpu.memory_space<semaphore_mem>>
    %dma_start3A_136 = tpu.memref_squeeze %dma_start3A_135 : memref<1x!tpu.dma_semaphore, #tpu.memory_space<semaphore_mem>> -> memref<!tpu.dma_semaphore, #tpu.memory_space<semaphore_mem>>
    tpu.enqueue_indirect_dma source(%dma_start3A_134 : memref<1000000x80xf32, #tpu.memory_space<hbm>>) target(%dma_start3A_131 : memref<16x80xf32, #tpu.memory_space<vmem>>) offsets(%get3A_122 : vector<16xi32>) semaphore(%dma_start3A_136 : memref<!tpu.dma_semaphore, #tpu.memory_space<semaphore_mem>>)
    %get3A_137 = arith.constant 128 : index
    %get3A_138 = tpu.vector_load %arg5[%get3A_137] {strides = array<i32>} : memref<6400xi32, #tpu.memory_space<vmem>>, vector<16xi32>,
    %get3A_139 = vector.shape_cast %get3A_138 : vector<16xi32> to vector<16xi32>
    %dma_start3A_140 = arith.constant 1 : i32
    %dma_start3A_141 = arith.constant 1 : i32
    %dma_start3A_142 = arith.constant 0 : i32
    %dma_start3A_143 = arith.constant 0 : i32
    %dma_start3A_144 = tpu.memref_slice %arg6[%dma_start3A_140, %dma_start3A_142, %dma_start3A_143] : memref<5x128x80xf32, #tpu.memory_space<vmem>> -> memref<1x128x80xf32, #tpu.memory_space<vmem>>
    %dma_start3A_145 = tpu.memref_squeeze %dma_start3A_144 : memref<1x128x80xf32, #tpu.memory_space<vmem>> -> memref<128x80xf32, #tpu.memory_space<vmem>>
    %dma_start3A_146 = arith.constant 0 : i32
    %dma_start3A_147 = arith.constant 0 : i32
    %dma_start3A_148 = tpu.memref_slice %dma_start3A_145[%dma_start3A_146, %dma_start3A_147] : memref<128x80xf32, #tpu.memory_space<vmem>> -> memref<16x80xf32, #tpu.memory_space<vmem>>
    %dma_start3A_149 = arith.constant 0 : i32
    %dma_start3A_150 = arith.constant 0 : i32
    %dma_start3A_151 = tpu.memref_slice %arg3[%dma_start3A_149, %dma_start3A_150] : memref<1000000x80xf32, #tpu.memory_space<hbm>> -> memref<1000000x80xf32, #tpu.memory_space<hbm>>
    %dma_start3A_152 = tpu.memref_slice %arg7[%dma_start3A_141] : memref<5x!tpu.dma_semaphore, #tpu.memory_space<semaphore_mem>> -> memref<1x!tpu.dma_semaphore, #tpu.memory_space<semaphore_mem>>
    %dma_start3A_153 = tpu.memref_squeeze %dma_start3A_152 : memref<1x!tpu.dma_semaphore, #tpu.memory_space<semaphore_mem>> -> memref<!tpu.dma_semaphore, #tpu.memory_space<semaphore_mem>>
    tpu.enqueue_indirect_dma source(%dma_start3A_151 : memref<1000000x80xf32, #tpu.memory_space<hbm>>) target(%dma_start3A_148 : memref<16x80xf32, #tpu.memory_space<vmem>>) offsets(%get3A_139 : vector<16xi32>) semaphore(%dma_start3A_153 : memref<!tpu.dma_semaphore, #tpu.memory_space<semaphore_mem>>)
    %get3A_154 = arith.constant 144 : index
    %get3A_155 = tpu.vector_load %arg5[%get3A_154] {strides = array<i32>} : memref<6400xi32, #tpu.memory_space<vmem>>, vector<16xi32>,
    %get3A_156 = vector.shape_cast %get3A_155 : vector<16xi32> to vector<16xi32>
    %dma_start3A_157 = arith.constant 1 : i32
    %dma_start3A_158 = arith.constant 1 : i32
    %dma_start3A_159 = arith.constant 0 : i32
    %dma_start3A_160 = arith.constant 0 : i32
    %dma_start3A_161 = tpu.memref_slice %arg6[%dma_start3A_157, %dma_start3A_159, %dma_start3A_160] : memref<5x128x80xf32, #tpu.memory_space<vmem>> -> memref<1x128x80xf32, #tpu.memory_space<vmem>>
    %dma_start3A_162 = tpu.memref_squeeze %dma_start3A_161 : memref<1x128x80xf32, #tpu.memory_space<vmem>> -> memref<128x80xf32, #tpu.memory_space<vmem>>
    %dma_start3A_163 = arith.constant 16 : i32
    %dma_start3A_164 = arith.constant 0 : i32
    %dma_start3A_165 = tpu.memref_slice %dma_start3A_162[%dma_start3A_163, %dma_start3A_164] : memref<128x80xf32, #tpu.memory_space<vmem>> -> memref<16x80xf32, #tpu.memory_space<vmem>>
    %dma_start3A_166 = arith.constant 0 : i32
    %dma_start3A_167 = arith.constant 0 : i32
    %dma_start3A_168 = tpu.memref_slice %arg3[%dma_start3A_166, %dma_start3A_167] : memref<1000000x80xf32, #tpu.memory_space<hbm>> -> memref<1000000x80xf32, #tpu.memory_space<hbm>>
    %dma_start3A_169 = tpu.memref_slice %arg7[%dma_start3A_158] : memref<5x!tpu.dma_semaphore, #tpu.memory_space<semaphore_mem>> -> memref<1x!tpu.dma_semaphore, #tpu.memory_space<semaphore_mem>>
    %dma_start3A_170 = tpu.memref_squeeze %dma_start3A_169 : memref<1x!tpu.dma_semaphore, #tpu.memory_space<semaphore_mem>> -> memref<!tpu.dma_semaphore, #tpu.memory_space<semaphore_mem>>
    tpu.enqueue_indirect_dma source(%dma_start3A_168 : memref<1000000x80xf32, #tpu.memory_space<hbm>>) target(%dma_start3A_165 : memref<16x80xf32, #tpu.memory_space<vmem>>) offsets(%get3A_156 : vector<16xi32>) semaphore(%dma_start3A_170 : memref<!tpu.dma_semaphore, #tpu.memory_space<semaphore_mem>>)
    %get3A_171 = arith.constant 160 : index
    %get3A_172 = tpu.vector_load %arg5[%get3A_171] {strides = array<i32>} : memref<6400xi32, #tpu.memory_space<vmem>>, vector<16xi32>,
    %get3A_173 = vector.shape_cast %get3A_172 : vector<16xi32> to vector<16xi32>
    %dma_start3A_174 = arith.constant 1 : i32
    %dma_start3A_175 = arith.constant 1 : i32
    %dma_start3A_176 = arith.constant 0 : i32
    %dma_start3A_177 = arith.constant 0 : i32
    %dma_start3A_178 = tpu.memref_slice %arg6[%dma_start3A_174, %dma_start3A_176, %dma_start3A_177] : memref<5x128x80xf32, #tpu.memory_space<vmem>> -> memref<1x128x80xf32, #tpu.memory_space<vmem>>
    %dma_start3A_179 = tpu.memref_squeeze %dma_start3A_178 : memref<1x128x80xf32, #tpu.memory_space<vmem>> -> memref<128x80xf32, #tpu.memory_space<vmem>>
    %dma_start3A_180 = arith.constant 32 : i32
    %dma_start3A_181 = arith.constant 0 : i32
    %dma_start3A_182 = tpu.memref_slice %dma_start3A_179[%dma_start3A_180, %dma_start3A_181] : memref<128x80xf32, #tpu.memory_space<vmem>> -> memref<16x80xf32, #tpu.memory_space<vmem>>
    %dma_start3A_183 = arith.constant 0 : i32
    %dma_start3A_184 = arith.constant 0 : i32
    %dma_start3A_185 = tpu.memref_slice %arg3[%dma_start3A_183, %dma_start3A_184] : memref<1000000x80xf32, #tpu.memory_space<hbm>> -> memref<1000000x80xf32, #tpu.memory_space<hbm>>
    %dma_start3A_186 = tpu.memref_slice %arg7[%dma_start3A_175] : memref<5x!tpu.dma_semaphore, #tpu.memory_space<semaphore_mem>> -> memref<1x!tpu.dma_semaphore, #tpu.memory_space<semaphore_mem>>
    %dma_start3A_187 = tpu.memref_squeeze %dma_start3A_186 : memref<1x!tpu.dma_semaphore, #tpu.memory_space<semaphore_mem>> -> memref<!tpu.dma_semaphore, #tpu.memory_space<semaphore_mem>>
    tpu.enqueue_indirect_dma source(%dma_start3A_185 : memref<1000000x80xf32, #tpu.memory_space<hbm>>) target(%dma_start3A_182 : memref<16x80xf32, #tpu.memory_space<vmem>>) offsets(%get3A_173 : vector<16xi32>) semaphore(%dma_start3A_187 : memref<!tpu.dma_semaphore, #tpu.memory_space<semaphore_mem>>)
    %get3A_188 = arith.constant 176 : index
    %get3A_189 = tpu.vector_load %arg5[%get3A_188] {strides = array<i32>} : memref<6400xi32, #tpu.memory_space<vmem>>, vector<16xi32>,
    %get3A_190 = vector.shape_cast %get3A_189 : vector<16xi32> to vector<16xi32>
    %dma_start3A_191 = arith.constant 1 : i32
    %dma_start3A_192 = arith.constant 1 : i32
    %dma_start3A_193 = arith.constant 0 : i32
    %dma_start3A_194 = arith.constant 0 : i32
    %dma_start3A_195 = tpu.memref_slice %arg6[%dma_start3A_191, %dma_start3A_193, %dma_start3A_194] : memref<5x128x80xf32, #tpu.memory_space<vmem>> -> memref<1x128x80xf32, #tpu.memory_space<vmem>>
    %dma_start3A_196 = tpu.memref_squeeze %dma_start3A_195 : memref<1x128x80xf32, #tpu.memory_space<vmem>> -> memref<128x80xf32, #tpu.memory_space<vmem>>
    %dma_start3A_197 = arith.constant 48 : i32
    %dma_start3A_198 = arith.constant 0 : i32
    %dma_start3A_199 = tpu.memref_slice %dma_start3A_196[%dma_start3A_197, %dma_start3A_198] : memref<128x80xf32, #tpu.memory_space<vmem>> -> memref<16x80xf32, #tpu.memory_space<vmem>>
    %dma_start3A_200 = arith.constant 0 : i32
    %dma_start3A_201 = arith.constant 0 : i32
    %dma_start3A_202 = tpu.memref_slice %arg3[%dma_start3A_200, %dma_start3A_201] : memref<1000000x80xf32, #tpu.memory_space<hbm>> -> memref<1000000x80xf32, #tpu.memory_space<hbm>>
    %dma_start3A_203 = tpu.memref_slice %arg7[%dma_start3A_192] : memref<5x!tpu.dma_semaphore, #tpu.memory_space<semaphore_mem>> -> memref<1x!tpu.dma_semaphore, #tpu.memory_space<semaphore_mem>>
    %dma_start3A_204 = tpu.memref_squeeze %dma_start3A_203 : memref<1x!tpu.dma_semaphore, #tpu.memory_space<semaphore_mem>> -> memref<!tpu.dma_semaphore, #tpu.memory_space<semaphore_mem>>
    tpu.enqueue_indirect_dma source(%dma_start3A_202 : memref<1000000x80xf32, #tpu.memory_space<hbm>>) target(%dma_start3A_199 : memref<16x80xf32, #tpu.memory_space<vmem>>) offsets(%get3A_190 : vector<16xi32>) semaphore(%dma_start3A_204 : memref<!tpu.dma_semaphore, #tpu.memory_space<semaphore_mem>>)
    %get3A_205 = arith.constant 192 : index
    %get3A_206 = tpu.vector_load %arg5[%get3A_205] {strides = array<i32>} : memref<6400xi32, #tpu.memory_space<vmem>>, vector<16xi32>,
    %get3A_207 = vector.shape_cast %get3A_206 : vector<16xi32> to vector<16xi32>
    %dma_start3A_208 = arith.constant 1 : i32
    %dma_start3A_209 = arith.constant 1 : i32
    %dma_start3A_210 = arith.constant 0 : i32
    %dma_start3A_211 = arith.constant 0 : i32
    %dma_start3A_212 = tpu.memref_slice %arg6[%dma_start3A_208, %dma_start3A_210, %dma_start3A_211] : memref<5x128x80xf32, #tpu.memory_space<vmem>> -> memref<1x128x80xf32, #tpu.memory_space<vmem>>
    %dma_start3A_213 = tpu.memref_squeeze %dma_start3A_212 : memref<1x128x80xf32, #tpu.memory_space<vmem>> -> memref<128x80xf32, #tpu.memory_space<vmem>>
    %dma_start3A_214 = arith.constant 64 : i32
    %dma_start3A_215 = arith.constant 0 : i32
    %dma_start3A_216 = tpu.memref_slice %dma_start3A_213[%dma_start3A_214, %dma_start3A_215] : memref<128x80xf32, #tpu.memory_space<vmem>> -> memref<16x80xf32, #tpu.memory_space<vmem>>
    %dma_start3A_217 = arith.constant 0 : i32
    %dma_start3A_218 = arith.constant 0 : i32
    %dma_start3A_219 = tpu.memref_slice %arg3[%dma_start3A_217, %dma_start3A_218] : memref<1000000x80xf32, #tpu.memory_space<hbm>> -> memref<1000000x80xf32, #tpu.memory_space<hbm>>
    %dma_start3A_220 = tpu.memref_slice %arg7[%dma_start3A_209] : memref<5x!tpu.dma_semaphore, #tpu.memory_space<semaphore_mem>> -> memref<1x!tpu.dma_semaphore, #tpu.memory_space<semaphore_mem>>
    %dma_start3A_221 = tpu.memref_squeeze %dma_start3A_220 : memref<1x!tpu.dma_semaphore, #tpu.memory_space<semaphore_mem>> -> memref<!tpu.dma_semaphore, #tpu.memory_space<semaphore_mem>>
    tpu.enqueue_indirect_dma source(%dma_start3A_219 : memref<1000000x80xf32, #tpu.memory_space<hbm>>) target(%dma_start3A_216 : memref<16x80xf32, #tpu.memory_space<vmem>>) offsets(%get3A_207 : vector<16xi32>) semaphore(%dma_start3A_221 : memref<!tpu.dma_semaphore, #tpu.memory_space<semaphore_mem>>)
    %get3A_222 = arith.constant 208 : index
    %get3A_223 = tpu.vector_load %arg5[%get3A_222] {strides = array<i32>} : memref<6400xi32, #tpu.memory_space<vmem>>, vector<16xi32>,
    %get3A_224 = vector.shape_cast %get3A_223 : vector<16xi32> to vector<16xi32>
    %dma_start3A_225 = arith.constant 1 : i32
    %dma_start3A_226 = arith.constant 1 : i32
    %dma_start3A_227 = arith.constant 0 : i32
    %dma_start3A_228 = arith.constant 0 : i32
    %dma_start3A_229 = tpu.memref_slice %arg6[%dma_start3A_225, %dma_start3A_227, %dma_start3A_228] : memref<5x128x80xf32, #tpu.memory_space<vmem>> -> memref<1x128x80xf32, #tpu.memory_space<vmem>>
    %dma_start3A_230 = tpu.memref_squeeze %dma_start3A_229 : memref<1x128x80xf32, #tpu.memory_space<vmem>> -> memref<128x80xf32, #tpu.memory_space<vmem>>
    %dma_start3A_231 = arith.constant 80 : i32
    %dma_start3A_232 = arith.constant 0 : i32
    %dma_start3A_233 = tpu.memref_slice %dma_start3A_230[%dma_start3A_231, %dma_start3A_232] : memref<128x80xf32, #tpu.memory_space<vmem>> -> memref<16x80xf32, #tpu.memory_space<vmem>>
    %dma_start3A_234 = arith.constant 0 : i32
    %dma_start3A_235 = arith.constant 0 : i32
    %dma_start3A_236 = tpu.memref_slice %arg3[%dma_start3A_234, %dma_start3A_235] : memref<1000000x80xf32, #tpu.memory_space<hbm>> -> memref<1000000x80xf32, #tpu.memory_space<hbm>>
    %dma_start3A_237 = tpu.memref_slice %arg7[%dma_start3A_226] : memref<5x!tpu.dma_semaphore, #tpu.memory_space<semaphore_mem>> -> memref<1x!tpu.dma_semaphore, #tpu.memory_space<semaphore_mem>>
    %dma_start3A_238 = tpu.memref_squeeze %dma_start3A_237 : memref<1x!tpu.dma_semaphore, #tpu.memory_space<semaphore_mem>> -> memref<!tpu.dma_semaphore, #tpu.memory_space<semaphore_mem>>
    tpu.enqueue_indirect_dma source(%dma_start3A_236 : memref<1000000x80xf32, #tpu.memory_space<hbm>>) target(%dma_start3A_233 : memref<16x80xf32, #tpu.memory_space<vmem>>) offsets(%get3A_224 : vector<16xi32>) semaphore(%dma_start3A_238 : memref<!tpu.dma_semaphore, #tpu.memory_space<semaphore_mem>>)
    %get3A_239 = arith.constant 224 : index
    %get3A_240 = tpu.vector_load %arg5[%get3A_239] {strides = array<i32>} : memref<6400xi32, #tpu.memory_space<vmem>>, vector<16xi32>,
    %get3A_241 = vector.shape_cast %get3A_240 : vector<16xi32> to vector<16xi32>
    %dma_start3A_242 = arith.constant 1 : i32
    %dma_start3A_243 = arith.constant 1 : i32
    %dma_start3A_244 = arith.constant 0 : i32
    %dma_start3A_245 = arith.constant 0 : i32
    %dma_start3A_246 = tpu.memref_slice %arg6[%dma_start3A_242, %dma_start3A_244, %dma_start3A_245] : memref<5x128x80xf32, #tpu.memory_space<vmem>> -> memref<1x128x80xf32, #tpu.memory_space<vmem>>
    %dma_start3A_247 = tpu.memref_squeeze %dma_start3A_246 : memref<1x128x80xf32, #tpu.memory_space<vmem>> -> memref<128x80xf32, #tpu.memory_space<vmem>>
    %dma_start3A_248 = arith.constant 96 : i32
    %dma_start3A_249 = arith.constant 0 : i32
    %dma_start3A_250 = tpu.memref_slice %dma_start3A_247[%dma_start3A_248, %dma_start3A_249] : memref<128x80xf32, #tpu.memory_space<vmem>> -> memref<16x80xf32, #tpu.memory_space<vmem>>
    %dma_start3A_251 = arith.constant 0 : i32
    %dma_start3A_252 = arith.constant 0 : i32
    %dma_start3A_253 = tpu.memref_slice %arg3[%dma_start3A_251, %dma_start3A_252] : memref<1000000x80xf32, #tpu.memory_space<hbm>> -> memref<1000000x80xf32, #tpu.memory_space<hbm>>
    %dma_start3A_254 = tpu.memref_slice %arg7[%dma_start3A_243] : memref<5x!tpu.dma_semaphore, #tpu.memory_space<semaphore_mem>> -> memref<1x!tpu.dma_semaphore, #tpu.memory_space<semaphore_mem>>
    %dma_start3A_255 = tpu.memref_squeeze %dma_start3A_254 : memref<1x!tpu.dma_semaphore, #tpu.memory_space<semaphore_mem>> -> memref<!tpu.dma_semaphore, #tpu.memory_space<semaphore_mem>>
    tpu.enqueue_indirect_dma source(%dma_start3A_253 : memref<1000000x80xf32, #tpu.memory_space<hbm>>) target(%dma_start3A_250 : memref<16x80xf32, #tpu.memory_space<vmem>>) offsets(%get3A_241 : vector<16xi32>) semaphore(%dma_start3A_255 : memref<!tpu.dma_semaphore, #tpu.memory_space<semaphore_mem>>)
    %get3A_256 = arith.constant 240 : index
    %get3A_257 = tpu.vector_load %arg5[%get3A_256] {strides = array<i32>} : memref<6400xi32, #tpu.memory_space<vmem>>, vector<16xi32>,
    %get3A_258 = vector.shape_cast %get3A_257 : vector<16xi32> to vector<16xi32>
    %dma_start3A_259 = arith.constant 1 : i32
    %dma_start3A_260 = arith.constant 1 : i32
    %dma_start3A_261 = arith.constant 0 : i32
    %dma_start3A_262 = arith.constant 0 : i32
    %dma_start3A_263 = tpu.memref_slice %arg6[%dma_start3A_259, %dma_start3A_261, %dma_start3A_262] : memref<5x128x80xf32, #tpu.memory_space<vmem>> -> memref<1x128x80xf32, #tpu.memory_space<vmem>>
    %dma_start3A_264 = tpu.memref_squeeze %dma_start3A_263 : memref<1x128x80xf32, #tpu.memory_space<vmem>> -> memref<128x80xf32, #tpu.memory_space<vmem>>
    %dma_start3A_265 = arith.constant 112 : i32
    %dma_start3A_266 = arith.constant 0 : i32
    %dma_start3A_267 = tpu.memref_slice %dma_start3A_264[%dma_start3A_265, %dma_start3A_266] : memref<128x80xf32, #tpu.memory_space<vmem>> -> memref<16x80xf32, #tpu.memory_space<vmem>>
    %dma_start3A_268 = arith.constant 0 : i32
    %dma_start3A_269 = arith.constant 0 : i32
    %dma_start3A_270 = tpu.memref_slice %arg3[%dma_start3A_268, %dma_start3A_269] : memref<1000000x80xf32, #tpu.memory_space<hbm>> -> memref<1000000x80xf32, #tpu.memory_space<hbm>>
    %dma_start3A_271 = tpu.memref_slice %arg7[%dma_start3A_260] : memref<5x!tpu.dma_semaphore, #tpu.memory_space<semaphore_mem>> -> memref<1x!tpu.dma_semaphore, #tpu.memory_space<semaphore_mem>>
    %dma_start3A_272 = tpu.memref_squeeze %dma_start3A_271 : memref<1x!tpu.dma_semaphore, #tpu.memory_space<semaphore_mem>> -> memref<!tpu.dma_semaphore, #tpu.memory_space<semaphore_mem>>
    tpu.enqueue_indirect_dma source(%dma_start3A_270 : memref<1000000x80xf32, #tpu.memory_space<hbm>>) target(%dma_start3A_267 : memref<16x80xf32, #tpu.memory_space<vmem>>) offsets(%get3A_258 : vector<16xi32>) semaphore(%dma_start3A_272 : memref<!tpu.dma_semaphore, #tpu.memory_space<semaphore_mem>>)
    %get3A_273 = arith.constant 256 : index
    %get3A_274 = tpu.vector_load %arg5[%get3A_273] {strides = array<i32>} : memref<6400xi32, #tpu.memory_space<vmem>>, vector<16xi32>,
    %get3A_275 = vector.shape_cast %get3A_274 : vector<16xi32> to vector<16xi32>
    %dma_start3A_276 = arith.constant 2 : i32
    %dma_start3A_277 = arith.constant 2 : i32
    %dma_start3A_278 = arith.constant 0 : i32
    %dma_start3A_279 = arith.constant 0 : i32
    %dma_start3A_280 = tpu.memref_slice %arg6[%dma_start3A_276, %dma_start3A_278, %dma_start3A_279] : memref<5x128x80xf32, #tpu.memory_space<vmem>> -> memref<1x128x80xf32, #tpu.memory_space<vmem>>
    %dma_start3A_281 = tpu.memref_squeeze %dma_start3A_280 : memref<1x128x80xf32, #tpu.memory_space<vmem>> -> memref<128x80xf32, #tpu.memory_space<vmem>>
    %dma_start3A_282 = arith.constant 0 : i32
    %dma_start3A_283 = arith.constant 0 : i32
    %dma_start3A_284 = tpu.memref_slice %dma_start3A_281[%dma_start3A_282, %dma_start3A_283] : memref<128x80xf32, #tpu.memory_space<vmem>> -> memref<16x80xf32, #tpu.memory_space<vmem>>
    %dma_start3A_285 = arith.constant 0 : i32
    %dma_start3A_286 = arith.constant 0 : i32
    %dma_start3A_287 = tpu.memref_slice %arg3[%dma_start3A_285, %dma_start3A_286] : memref<1000000x80xf32, #tpu.memory_space<hbm>> -> memref<1000000x80xf32, #tpu.memory_space<hbm>>
    %dma_start3A_288 = tpu.memref_slice %arg7[%dma_start3A_277] : memref<5x!tpu.dma_semaphore, #tpu.memory_space<semaphore_mem>> -> memref<1x!tpu.dma_semaphore, #tpu.memory_space<semaphore_mem>>
    %dma_start3A_289 = tpu.memref_squeeze %dma_start3A_288 : memref<1x!tpu.dma_semaphore, #tpu.memory_space<semaphore_mem>> -> memref<!tpu.dma_semaphore, #tpu.memory_space<semaphore_mem>>
    tpu.enqueue_indirect_dma source(%dma_start3A_287 : memref<1000000x80xf32, #tpu.memory_space<hbm>>) target(%dma_start3A_284 : memref<16x80xf32, #tpu.memory_space<vmem>>) offsets(%get3A_275 : vector<16xi32>) semaphore(%dma_start3A_289 : memref<!tpu.dma_semaphore, #tpu.memory_space<semaphore_mem>>)
    %get3A_290 = arith.constant 272 : index
    %get3A_291 = tpu.vector_load %arg5[%get3A_290] {strides = array<i32>} : memref<6400xi32, #tpu.memory_space<vmem>>, vector<16xi32>,
    %get3A_292 = vector.shape_cast %get3A_291 : vector<16xi32> to vector<16xi32>
    %dma_start3A_293 = arith.constant 2 : i32
    %dma_start3A_294 = arith.constant 2 : i32
    %dma_start3A_295 = arith.constant 0 : i32
    %dma_start3A_296 = arith.constant 0 : i32
    %dma_start3A_297 = tpu.memref_slice %arg6[%dma_start3A_293, %dma_start3A_295, %dma_start3A_296] : memref<5x128x80xf32, #tpu.memory_space<vmem>> -> memref<1x128x80xf32, #tpu.memory_space<vmem>>
    %dma_start3A_298 = tpu.memref_squeeze %dma_start3A_297 : memref<1x128x80xf32, #tpu.memory_space<vmem>> -> memref<128x80xf32, #tpu.memory_space<vmem>>
    %dma_start3A_299 = arith.constant 16 : i32
    %dma_start3A_300 = arith.constant 0 : i32
    %dma_start3A_301 = tpu.memref_slice %dma_start3A_298[%dma_start3A_299, %dma_start3A_300] : memref<128x80xf32, #tpu.memory_space<vmem>> -> memref<16x80xf32, #tpu.memory_space<vmem>>
    %dma_start3A_302 = arith.constant 0 : i32
    %dma_start3A_303 = arith.constant 0 : i32
    %dma_start3A_304 = tpu.memref_slice %arg3[%dma_start3A_302, %dma_start3A_303] : memref<1000000x80xf32, #tpu.memory_space<hbm>> -> memref<1000000x80xf32, #tpu.memory_space<hbm>>
    %dma_start3A_305 = tpu.memref_slice %arg7[%dma_start3A_294] : memref<5x!tpu.dma_semaphore, #tpu.memory_space<semaphore_mem>> -> memref<1x!tpu.dma_semaphore, #tpu.memory_space<semaphore_mem>>
    %dma_start3A_306 = tpu.memref_squeeze %dma_start3A_305 : memref<1x!tpu.dma_semaphore, #tpu.memory_space<semaphore_mem>> -> memref<!tpu.dma_semaphore, #tpu.memory_space<semaphore_mem>>
    tpu.enqueue_indirect_dma source(%dma_start3A_304 : memref<1000000x80xf32, #tpu.memory_space<hbm>>) target(%dma_start3A_301 : memref<16x80xf32, #tpu.memory_space<vmem>>) offsets(%get3A_292 : vector<16xi32>) semaphore(%dma_start3A_306 : memref<!tpu.dma_semaphore, #tpu.memory_space<semaphore_mem>>)
    %get3A_307 = arith.constant 288 : index
    %get3A_308 = tpu.vector_load %arg5[%get3A_307] {strides = array<i32>} : memref<6400xi32, #tpu.memory_space<vmem>>, vector<16xi32>,
    %get3A_309 = vector.shape_cast %get3A_308 : vector<16xi32> to vector<16xi32>
    %dma_start3A_310 = arith.constant 2 : i32
    %dma_start3A_311 = arith.constant 2 : i32
    %dma_start3A_312 = arith.constant 0 : i32
    %dma_start3A_313 = arith.constant 0 : i32
    %dma_start3A_314 = tpu.memref_slice %arg6[%dma_start3A_310, %dma_start3A_312, %dma_start3A_313] : memref<5x128x80xf32, #tpu.memory_space<vmem>> -> memref<1x128x80xf32, #tpu.memory_space<vmem>>
    %dma_start3A_315 = tpu.memref_squeeze %dma_start3A_314 : memref<1x128x80xf32, #tpu.memory_space<vmem>> -> memref<128x80xf32, #tpu.memory_space<vmem>>
    %dma_start3A_316 = arith.constant 32 : i32
    %dma_start3A_317 = arith.constant 0 : i32
    %dma_start3A_318 = tpu.memref_slice %dma_start3A_315[%dma_start3A_316, %dma_start3A_317] : memref<128x80xf32, #tpu.memory_space<vmem>> -> memref<16x80xf32, #tpu.memory_space<vmem>>
    %dma_start3A_319 = arith.constant 0 : i32
    %dma_start3A_320 = arith.constant 0 : i32
    %dma_start3A_321 = tpu.memref_slice %arg3[%dma_start3A_319, %dma_start3A_320] : memref<1000000x80xf32, #tpu.memory_space<hbm>> -> memref<1000000x80xf32, #tpu.memory_space<hbm>>
    %dma_start3A_322 = tpu.memref_slice %arg7[%dma_start3A_311] : memref<5x!tpu.dma_semaphore, #tpu.memory_space<semaphore_mem>> -> memref<1x!tpu.dma_semaphore, #tpu.memory_space<semaphore_mem>>
    %dma_start3A_323 = tpu.memref_squeeze %dma_start3A_322 : memref<1x!tpu.dma_semaphore, #tpu.memory_space<semaphore_mem>> -> memref<!tpu.dma_semaphore, #tpu.memory_space<semaphore_mem>>
    tpu.enqueue_indirect_dma source(%dma_start3A_321 : memref<1000000x80xf32, #tpu.memory_space<hbm>>) target(%dma_start3A_318 : memref<16x80xf32, #tpu.memory_space<vmem>>) offsets(%get3A_309 : vector<16xi32>) semaphore(%dma_start3A_323 : memref<!tpu.dma_semaphore, #tpu.memory_space<semaphore_mem>>)
    %get3A_324 = arith.constant 304 : index
    %get3A_325 = tpu.vector_load %arg5[%get3A_324] {strides = array<i32>} : memref<6400xi32, #tpu.memory_space<vmem>>, vector<16xi32>,
    %get3A_326 = vector.shape_cast %get3A_325 : vector<16xi32> to vector<16xi32>
    %dma_start3A_327 = arith.constant 2 : i32
    %dma_start3A_328 = arith.constant 2 : i32
    %dma_start3A_329 = arith.constant 0 : i32
    %dma_start3A_330 = arith.constant 0 : i32
    %dma_start3A_331 = tpu.memref_slice %arg6[%dma_start3A_327, %dma_start3A_329, %dma_start3A_330] : memref<5x128x80xf32, #tpu.memory_space<vmem>> -> memref<1x128x80xf32, #tpu.memory_space<vmem>>
    %dma_start3A_332 = tpu.memref_squeeze %dma_start3A_331 : memref<1x128x80xf32, #tpu.memory_space<vmem>> -> memref<128x80xf32, #tpu.memory_space<vmem>>
    %dma_start3A_333 = arith.constant 48 : i32
    %dma_start3A_334 = arith.constant 0 : i32
    %dma_start3A_335 = tpu.memref_slice %dma_start3A_332[%dma_start3A_333, %dma_start3A_334] : memref<128x80xf32, #tpu.memory_space<vmem>> -> memref<16x80xf32, #tpu.memory_space<vmem>>
    %dma_start3A_336 = arith.constant 0 : i32
    %dma_start3A_337 = arith.constant 0 : i32
    %dma_start3A_338 = tpu.memref_slice %arg3[%dma_start3A_336, %dma_start3A_337] : memref<1000000x80xf32, #tpu.memory_space<hbm>> -> memref<1000000x80xf32, #tpu.memory_space<hbm>>
    %dma_start3A_339 = tpu.memref_slice %arg7[%dma_start3A_328] : memref<5x!tpu.dma_semaphore, #tpu.memory_space<semaphore_mem>> -> memref<1x!tpu.dma_semaphore, #tpu.memory_space<semaphore_mem>>
    %dma_start3A_340 = tpu.memref_squeeze %dma_start3A_339 : memref<1x!tpu.dma_semaphore, #tpu.memory_space<semaphore_mem>> -> memref<!tpu.dma_semaphore, #tpu.memory_space<semaphore_mem>>
    tpu.enqueue_indirect_dma source(%dma_start3A_338 : memref<1000000x80xf32, #tpu.memory_space<hbm>>) target(%dma_start3A_335 : memref<16x80xf32, #tpu.memory_space<vmem>>) offsets(%get3A_326 : vector<16xi32>) semaphore(%dma_start3A_340 : memref<!tpu.dma_semaphore, #tpu.memory_space<semaphore_mem>>)
    %get3A_341 = arith.constant 320 : index
    %get3A_342 = tpu.vector_load %arg5[%get3A_341] {strides = array<i32>} : memref<6400xi32, #tpu.memory_space<vmem>>, vector<16xi32>,
    %get3A_343 = vector.shape_cast %get3A_342 : vector<16xi32> to vector<16xi32>
    %dma_start3A_344 = arith.constant 2 : i32
    %dma_start3A_345 = arith.constant 2 : i32
    %dma_start3A_346 = arith.constant 0 : i32
    %dma_start3A_347 = arith.constant 0 : i32
    %dma_start3A_348 = tpu.memref_slice %arg6[%dma_start3A_344, %dma_start3A_346, %dma_start3A_347] : memref<5x128x80xf32, #tpu.memory_space<vmem>> -> memref<1x128x80xf32, #tpu.memory_space<vmem>>
    %dma_start3A_349 = tpu.memref_squeeze %dma_start3A_348 : memref<1x128x80xf32, #tpu.memory_space<vmem>> -> memref<128x80xf32, #tpu.memory_space<vmem>>
    %dma_start3A_350 = arith.constant 64 : i32
    %dma_start3A_351 = arith.constant 0 : i32
    %dma_start3A_352 = tpu.memref_slice %dma_start3A_349[%dma_start3A_350, %dma_start3A_351] : memref<128x80xf32, #tpu.memory_space<vmem>> -> memref<16x80xf32, #tpu.memory_space<vmem>>
    %dma_start3A_353 = arith.constant 0 : i32
    %dma_start3A_354 = arith.constant 0 : i32
    %dma_start3A_355 = tpu.memref_slice %arg3[%dma_start3A_353, %dma_start3A_354] : memref<1000000x80xf32, #tpu.memory_space<hbm>> -> memref<1000000x80xf32, #tpu.memory_space<hbm>>
    %dma_start3A_356 = tpu.memref_slice %arg7[%dma_start3A_345] : memref<5x!tpu.dma_semaphore, #tpu.memory_space<semaphore_mem>> -> memref<1x!tpu.dma_semaphore, #tpu.memory_space<semaphore_mem>>
    %dma_start3A_357 = tpu.memref_squeeze %dma_start3A_356 : memref<1x!tpu.dma_semaphore, #tpu.memory_space<semaphore_mem>> -> memref<!tpu.dma_semaphore, #tpu.memory_space<semaphore_mem>>
    tpu.enqueue_indirect_dma source(%dma_start3A_355 : memref<1000000x80xf32, #tpu.memory_space<hbm>>) target(%dma_start3A_352 : memref<16x80xf32, #tpu.memory_space<vmem>>) offsets(%get3A_343 : vector<16xi32>) semaphore(%dma_start3A_357 : memref<!tpu.dma_semaphore, #tpu.memory_space<semaphore_mem>>)
    %get3A_358 = arith.constant 336 : index
    %get3A_359 = tpu.vector_load %arg5[%get3A_358] {strides = array<i32>} : memref<6400xi32, #tpu.memory_space<vmem>>, vector<16xi32>,
    %get3A_360 = vector.shape_cast %get3A_359 : vector<16xi32> to vector<16xi32>
    %dma_start3A_361 = arith.constant 2 : i32
    %dma_start3A_362 = arith.constant 2 : i32
    %dma_start3A_363 = arith.constant 0 : i32
    %dma_start3A_364 = arith.constant 0 : i32
    %dma_start3A_365 = tpu.memref_slice %arg6[%dma_start3A_361, %dma_start3A_363, %dma_start3A_364] : memref<5x128x80xf32, #tpu.memory_space<vmem>> -> memref<1x128x80xf32, #tpu.memory_space<vmem>>
    %dma_start3A_366 = tpu.memref_squeeze %dma_start3A_365 : memref<1x128x80xf32, #tpu.memory_space<vmem>> -> memref<128x80xf32, #tpu.memory_space<vmem>>
    %dma_start3A_367 = arith.constant 80 : i32
    %dma_start3A_368 = arith.constant 0 : i32
    %dma_start3A_369 = tpu.memref_slice %dma_start3A_366[%dma_start3A_367, %dma_start3A_368] : memref<128x80xf32, #tpu.memory_space<vmem>> -> memref<16x80xf32, #tpu.memory_space<vmem>>
    %dma_start3A_370 = arith.constant 0 : i32
    %dma_start3A_371 = arith.constant 0 : i32
    %dma_start3A_372 = tpu.memref_slice %arg3[%dma_start3A_370, %dma_start3A_371] : memref<1000000x80xf32, #tpu.memory_space<hbm>> -> memref<1000000x80xf32, #tpu.memory_space<hbm>>
    %dma_start3A_373 = tpu.memref_slice %arg7[%dma_start3A_362] : memref<5x!tpu.dma_semaphore, #tpu.memory_space<semaphore_mem>> -> memref<1x!tpu.dma_semaphore, #tpu.memory_space<semaphore_mem>>
    %dma_start3A_374 = tpu.memref_squeeze %dma_start3A_373 : memref<1x!tpu.dma_semaphore, #tpu.memory_space<semaphore_mem>> -> memref<!tpu.dma_semaphore, #tpu.memory_space<semaphore_mem>>
    tpu.enqueue_indirect_dma source(%dma_start3A_372 : memref<1000000x80xf32, #tpu.memory_space<hbm>>) target(%dma_start3A_369 : memref<16x80xf32, #tpu.memory_space<vmem>>) offsets(%get3A_360 : vector<16xi32>) semaphore(%dma_start3A_374 : memref<!tpu.dma_semaphore, #tpu.memory_space<semaphore_mem>>)
    %get3A_375 = arith.constant 352 : index
    %get3A_376 = tpu.vector_load %arg5[%get3A_375] {strides = array<i32>} : memref<6400xi32, #tpu.memory_space<vmem>>, vector<16xi32>,
    %get3A_377 = vector.shape_cast %get3A_376 : vector<16xi32> to vector<16xi32>
    %dma_start3A_378 = arith.constant 2 : i32
    %dma_start3A_379 = arith.constant 2 : i32
    %dma_start3A_380 = arith.constant 0 : i32
    %dma_start3A_381 = arith.constant 0 : i32
    %dma_start3A_382 = tpu.memref_slice %arg6[%dma_start3A_378, %dma_start3A_380, %dma_start3A_381] : memref<5x128x80xf32, #tpu.memory_space<vmem>> -> memref<1x128x80xf32, #tpu.memory_space<vmem>>
    %dma_start3A_383 = tpu.memref_squeeze %dma_start3A_382 : memref<1x128x80xf32, #tpu.memory_space<vmem>> -> memref<128x80xf32, #tpu.memory_space<vmem>>
    %dma_start3A_384 = arith.constant 96 : i32
    %dma_start3A_385 = arith.constant 0 : i32
    %dma_start3A_386 = tpu.memref_slice %dma_start3A_383[%dma_start3A_384, %dma_start3A_385] : memref<128x80xf32, #tpu.memory_space<vmem>> -> memref<16x80xf32, #tpu.memory_space<vmem>>
    %dma_start3A_387 = arith.constant 0 : i32
    %dma_start3A_388 = arith.constant 0 : i32
    %dma_start3A_389 = tpu.memref_slice %arg3[%dma_start3A_387, %dma_start3A_388] : memref<1000000x80xf32, #tpu.memory_space<hbm>> -> memref<1000000x80xf32, #tpu.memory_space<hbm>>
    %dma_start3A_390 = tpu.memref_slice %arg7[%dma_start3A_379] : memref<5x!tpu.dma_semaphore, #tpu.memory_space<semaphore_mem>> -> memref<1x!tpu.dma_semaphore, #tpu.memory_space<semaphore_mem>>
    %dma_start3A_391 = tpu.memref_squeeze %dma_start3A_390 : memref<1x!tpu.dma_semaphore, #tpu.memory_space<semaphore_mem>> -> memref<!tpu.dma_semaphore, #tpu.memory_space<semaphore_mem>>
    tpu.enqueue_indirect_dma source(%dma_start3A_389 : memref<1000000x80xf32, #tpu.memory_space<hbm>>) target(%dma_start3A_386 : memref<16x80xf32, #tpu.memory_space<vmem>>) offsets(%get3A_377 : vector<16xi32>) semaphore(%dma_start3A_391 : memref<!tpu.dma_semaphore, #tpu.memory_space<semaphore_mem>>)
    %get3A_392 = arith.constant 368 : index
    %get3A_393 = tpu.vector_load %arg5[%get3A_392] {strides = array<i32>} : memref<6400xi32, #tpu.memory_space<vmem>>, vector<16xi32>,
    %get3A_394 = vector.shape_cast %get3A_393 : vector<16xi32> to vector<16xi32>
    %dma_start3A_395 = arith.constant 2 : i32
    %dma_start3A_396 = arith.constant 2 : i32
    %dma_start3A_397 = arith.constant 0 : i32
    %dma_start3A_398 = arith.constant 0 : i32
    %dma_start3A_399 = tpu.memref_slice %arg6[%dma_start3A_395, %dma_start3A_397, %dma_start3A_398] : memref<5x128x80xf32, #tpu.memory_space<vmem>> -> memref<1x128x80xf32, #tpu.memory_space<vmem>>
    %dma_start3A_400 = tpu.memref_squeeze %dma_start3A_399 : memref<1x128x80xf32, #tpu.memory_space<vmem>> -> memref<128x80xf32, #tpu.memory_space<vmem>>
    %dma_start3A_401 = arith.constant 112 : i32
    %dma_start3A_402 = arith.constant 0 : i32
    %dma_start3A_403 = tpu.memref_slice %dma_start3A_400[%dma_start3A_401, %dma_start3A_402] : memref<128x80xf32, #tpu.memory_space<vmem>> -> memref<16x80xf32, #tpu.memory_space<vmem>>
    %dma_start3A_404 = arith.constant 0 : i32
    %dma_start3A_405 = arith.constant 0 : i32
    %dma_start3A_406 = tpu.memref_slice %arg3[%dma_start3A_404, %dma_start3A_405] : memref<1000000x80xf32, #tpu.memory_space<hbm>> -> memref<1000000x80xf32, #tpu.memory_space<hbm>>
    %dma_start3A_407 = tpu.memref_slice %arg7[%dma_start3A_396] : memref<5x!tpu.dma_semaphore, #tpu.memory_space<semaphore_mem>> -> memref<1x!tpu.dma_semaphore, #tpu.memory_space<semaphore_mem>>
    %dma_start3A_408 = tpu.memref_squeeze %dma_start3A_407 : memref<1x!tpu.dma_semaphore, #tpu.memory_space<semaphore_mem>> -> memref<!tpu.dma_semaphore, #tpu.memory_space<semaphore_mem>>
    tpu.enqueue_indirect_dma source(%dma_start3A_406 : memref<1000000x80xf32, #tpu.memory_space<hbm>>) target(%dma_start3A_403 : memref<16x80xf32, #tpu.memory_space<vmem>>) offsets(%get3A_394 : vector<16xi32>) semaphore(%dma_start3A_408 : memref<!tpu.dma_semaphore, #tpu.memory_space<semaphore_mem>>)
    %dma_wait3A = arith.constant 0 : i32
    %dma_wait3A_409 = arith.constant 0 : i32
    %dma_wait3A_410 = arith.constant 0 : i32
    %dma_wait3A_411 = arith.constant 0 : i32
    %dma_wait3A_412 = tpu.memref_slice %arg6[%dma_wait3A, %dma_wait3A_410, %dma_wait3A_411] : memref<5x128x80xf32, #tpu.memory_space<vmem>> -> memref<1x128x80xf32, #tpu.memory_space<vmem>>
    %dma_wait3A_413 = tpu.memref_squeeze %dma_wait3A_412 : memref<1x128x80xf32, #tpu.memory_space<vmem>> -> memref<128x80xf32, #tpu.memory_space<vmem>>
    %dma_wait3A_414 = arith.constant 0 : i32
    %dma_wait3A_415 = arith.constant 0 : i32
    %dma_wait3A_416 = tpu.memref_slice %arg3[%dma_wait3A_414, %dma_wait3A_415] : memref<1000000x80xf32, #tpu.memory_space<hbm>> -> memref<128x80xf32, #tpu.memory_space<hbm>>
    %dma_wait3A_417 = tpu.memref_slice %arg7[%dma_wait3A_409] : memref<5x!tpu.dma_semaphore, #tpu.memory_space<semaphore_mem>> -> memref<1x!tpu.dma_semaphore, #tpu.memory_space<semaphore_mem>>
    %dma_wait3A_418 = tpu.memref_squeeze %dma_wait3A_417 : memref<1x!tpu.dma_semaphore, #tpu.memory_space<semaphore_mem>> -> memref<!tpu.dma_semaphore, #tpu.memory_space<semaphore_mem>>
    %dma_wait3A_419 = arith.constant 0 : i32
    %dma_wait3A_420 = arith.constant 0 : i32
    %dma_wait3A_421 = tpu.memref_slice %arg6[%dma_wait3A, %dma_wait3A_419, %dma_wait3A_420] : memref<5x128x80xf32, #tpu.memory_space<vmem>> -> memref<1x128x80xf32, #tpu.memory_space<vmem>>
    %dma_wait3A_422 = tpu.memref_squeeze %dma_wait3A_421 : memref<1x128x80xf32, #tpu.memory_space<vmem>> -> memref<128x80xf32, #tpu.memory_space<vmem>>
    %dma_wait3A_423 = arith.constant 0 : i32
    %dma_wait3A_424 = arith.constant 0 : i32
    %dma_wait3A_425 = tpu.memref_slice %arg3[%dma_wait3A_423, %dma_wait3A_424] : memref<1000000x80xf32, #tpu.memory_space<hbm>> -> memref<128x80xf32, #tpu.memory_space<hbm>>
    tpu.wait_dma2 semaphore(%dma_wait3A_418 : memref<!tpu.dma_semaphore, #tpu.memory_space<semaphore_mem>>) src(%dma_wait3A_425 : memref<128x80xf32, #tpu.memory_space<hbm>>) dst(%dma_wait3A_422 : memref<128x80xf32, #tpu.memory_space<vmem>>)
    %add3A_426 = arith.constant 0 : i32
    %add3A_427 = arith.addi %mul3A_2, %add3A_426 : i32
    %dma_start3A_428 = arith.constant 0 : i32
    %dma_start3A_429 = arith.constant 0 : i32
    %dma_start3A_430 = arith.constant 0 : i32
    %dma_start3A_431 = arith.constant 0 : i32
    %dma_start3A_432 = tpu.memref_slice %arg6[%dma_start3A_428, %dma_start3A_430, %dma_start3A_431] : memref<5x128x80xf32, #tpu.memory_space<vmem>> -> memref<1x128x80xf32, #tpu.memory_space<vmem>>
    %dma_start3A_433 = tpu.memref_squeeze %dma_start3A_432 : memref<1x128x80xf32, #tpu.memory_space<vmem>> -> memref<128x80xf32, #tpu.memory_space<vmem>>
    %dma_start3A_434 = arith.constant 0 : i32
    %dma_start3A_435 = arith.constant 0 : i32
    %dma_start3A_436 = tpu.memref_slice %dma_start3A_433[%dma_start3A_434, %dma_start3A_435] : memref<128x80xf32, #tpu.memory_space<vmem>> -> memref<128x64xf32, #tpu.memory_space<vmem>>
    %dma_start3A_437 = arith.constant 0 : i32
    %dma_start3A_438 = tpu.memref_slice %arg4[%add3A_427, %dma_start3A_437] : memref<204800x64xf32, #tpu.memory_space<hbm>> -> memref<128x64xf32, #tpu.memory_space<hbm>>
    %dma_start3A_439 = tpu.memref_slice %arg8[%dma_start3A_429] : memref<5x!tpu.dma_semaphore, #tpu.memory_space<semaphore_mem>> -> memref<1x!tpu.dma_semaphore, #tpu.memory_space<semaphore_mem>>
    %dma_start3A_440 = tpu.memref_squeeze %dma_start3A_439 : memref<1x!tpu.dma_semaphore, #tpu.memory_space<semaphore_mem>> -> memref<!tpu.dma_semaphore, #tpu.memory_space<semaphore_mem>>
    %dma_start3A_441 = arith.constant 0 : i32
    %dma_start3A_442 = tpu.memref_slice %arg4[%add3A_427, %dma_start3A_441] : memref<204800x64xf32, #tpu.memory_space<hbm>> -> memref<128x64xf32, #tpu.memory_space<hbm>>
    %dma_start3A_443 = arith.constant 0 : i32
    %dma_start3A_444 = arith.constant 0 : i32
    %dma_start3A_445 = tpu.memref_slice %arg6[%dma_start3A_428, %dma_start3A_443, %dma_start3A_444] : memref<5x128x80xf32, #tpu.memory_space<vmem>> -> memref<1x128x80xf32, #tpu.memory_space<vmem>>
    %dma_start3A_446 = tpu.memref_squeeze %dma_start3A_445 : memref<1x128x80xf32, #tpu.memory_space<vmem>> -> memref<128x80xf32, #tpu.memory_space<vmem>>
    %dma_start3A_447 = arith.constant 0 : i32
    %dma_start3A_448 = arith.constant 0 : i32
    %dma_start3A_449 = tpu.memref_slice %dma_start3A_446[%dma_start3A_447, %dma_start3A_448] : memref<128x80xf32, #tpu.memory_space<vmem>> -> memref<128x64xf32, #tpu.memory_space<vmem>>
    tpu.enqueue_dma source(%dma_start3A_449 : memref<128x64xf32, #tpu.memory_space<vmem>>) target(%dma_start3A_442 : memref<128x64xf32, #tpu.memory_space<hbm>>) target_semaphore(%dma_start3A_440 : memref<!tpu.dma_semaphore, #tpu.memory_space<semaphore_mem>>)
    %get3A_450 = arith.constant 384 : index
    %get3A_451 = tpu.vector_load %arg5[%get3A_450] {strides = array<i32>} : memref<6400xi32, #tpu.memory_space<vmem>>, vector<16xi32>,
    %get3A_452 = vector.shape_cast %get3A_451 : vector<16xi32> to vector<16xi32>
    %dma_start3A_453 = arith.constant 3 : i32
    %dma_start3A_454 = arith.constant 3 : i32
    %dma_start3A_455 = arith.constant 0 : i32
    %dma_start3A_456 = arith.constant 0 : i32
    %dma_start3A_457 = tpu.memref_slice %arg6[%dma_start3A_453, %dma_start3A_455, %dma_start3A_456] : memref<5x128x80xf32, #tpu.memory_space<vmem>> -> memref<1x128x80xf32, #tpu.memory_space<vmem>>
    %dma_start3A_458 = tpu.memref_squeeze %dma_start3A_457 : memref<1x128x80xf32, #tpu.memory_space<vmem>> -> memref<128x80xf32, #tpu.memory_space<vmem>>
    %dma_start3A_459 = arith.constant 0 : i32
    %dma_start3A_460 = arith.constant 0 : i32
    %dma_start3A_461 = tpu.memref_slice %dma_start3A_458[%dma_start3A_459, %dma_start3A_460] : memref<128x80xf32, #tpu.memory_space<vmem>> -> memref<16x80xf32, #tpu.memory_space<vmem>>
    %dma_start3A_462 = arith.constant 0 : i32
    %dma_start3A_463 = arith.constant 0 : i32
    %dma_start3A_464 = tpu.memref_slice %arg3[%dma_start3A_462, %dma_start3A_463] : memref<1000000x80xf32, #tpu.memory_space<hbm>> -> memref<1000000x80xf32, #tpu.memory_space<hbm>>
    %dma_start3A_465 = tpu.memref_slice %arg7[%dma_start3A_454] : memref<5x!tpu.dma_semaphore, #tpu.memory_space<semaphore_mem>> -> memref<1x!tpu.dma_semaphore, #tpu.memory_space<semaphore_mem>>
    %dma_start3A_466 = tpu.memref_squeeze %dma_start3A_465 : memref<1x!tpu.dma_semaphore, #tpu.memory_space<semaphore_mem>> -> memref<!tpu.dma_semaphore, #tpu.memory_space<semaphore_mem>>
    tpu.enqueue_indirect_dma source(%dma_start3A_464 : memref<1000000x80xf32, #tpu.memory_space<hbm>>) target(%dma_start3A_461 : memref<16x80xf32, #tpu.memory_space<vmem>>) offsets(%get3A_452 : vector<16xi32>) semaphore(%dma_start3A_466 : memref<!tpu.dma_semaphore, #tpu.memory_space<semaphore_mem>>)
    %get3A_467 = arith.constant 400 : index
    %get3A_468 = tpu.vector_load %arg5[%get3A_467] {strides = array<i32>} : memref<6400xi32, #tpu.memory_space<vmem>>, vector<16xi32>,
    %get3A_469 = vector.shape_cast %get3A_468 : vector<16xi32> to vector<16xi32>
    %dma_start3A_470 = arith.constant 3 : i32
    %dma_start3A_471 = arith.constant 3 : i32
    %dma_start3A_472 = arith.constant 0 : i32
    %dma_start3A_473 = arith.constant 0 : i32
    %dma_start3A_474 = tpu.memref_slice %arg6[%dma_start3A_470, %dma_start3A_472, %dma_start3A_473] : memref<5x128x80xf32, #tpu.memory_space<vmem>> -> memref<1x128x80xf32, #tpu.memory_space<vmem>>
    %dma_start3A_475 = tpu.memref_squeeze %dma_start3A_474 : memref<1x128x80xf32, #tpu.memory_space<vmem>> -> memref<128x80xf32, #tpu.memory_space<vmem>>
    %dma_start3A_476 = arith.constant 16 : i32
    %dma_start3A_477 = arith.constant 0 : i32
    %dma_start3A_478 = tpu.memref_slice %dma_start3A_475[%dma_start3A_476, %dma_start3A_477] : memref<128x80xf32, #tpu.memory_space<vmem>> -> memref<16x80xf32, #tpu.memory_space<vmem>>
    %dma_start3A_479 = arith.constant 0 : i32
    %dma_start3A_480 = arith.constant 0 : i32
    %dma_start3A_481 = tpu.memref_slice %arg3[%dma_start3A_479, %dma_start3A_480] : memref<1000000x80xf32, #tpu.memory_space<hbm>> -> memref<1000000x80xf32, #tpu.memory_space<hbm>>
    %dma_start3A_482 = tpu.memref_slice %arg7[%dma_start3A_471] : memref<5x!tpu.dma_semaphore, #tpu.memory_space<semaphore_mem>> -> memref<1x!tpu.dma_semaphore, #tpu.memory_space<semaphore_mem>>
    %dma_start3A_483 = tpu.memref_squeeze %dma_start3A_482 : memref<1x!tpu.dma_semaphore, #tpu.memory_space<semaphore_mem>> -> memref<!tpu.dma_semaphore, #tpu.memory_space<semaphore_mem>>
    tpu.enqueue_indirect_dma source(%dma_start3A_481 : memref<1000000x80xf32, #tpu.memory_space<hbm>>) target(%dma_start3A_478 : memref<16x80xf32, #tpu.memory_space<vmem>>) offsets(%get3A_469 : vector<16xi32>) semaphore(%dma_start3A_483 : memref<!tpu.dma_semaphore, #tpu.memory_space<semaphore_mem>>)
    %get3A_484 = arith.constant 416 : index
    %get3A_485 = tpu.vector_load %arg5[%get3A_484] {strides = array<i32>} : memref<6400xi32, #tpu.memory_space<vmem>>, vector<16xi32>,
    %get3A_486 = vector.shape_cast %get3A_485 : vector<16xi32> to vector<16xi32>
    %dma_start3A_487 = arith.constant 3 : i32
    %dma_start3A_488 = arith.constant 3 : i32
    %dma_start3A_489 = arith.constant 0 : i32
    %dma_start3A_490 = arith.constant 0 : i32
    %dma_start3A_491 = tpu.memref_slice %arg6[%dma_start3A_487, %dma_start3A_489, %dma_start3A_490] : memref<5x128x80xf32, #tpu.memory_space<vmem>> -> memref<1x128x80xf32, #tpu.memory_space<vmem>>
    %dma_start3A_492 = tpu.memref_squeeze %dma_start3A_491 : memref<1x128x80xf32, #tpu.memory_space<vmem>> -> memref<128x80xf32, #tpu.memory_space<vmem>>
    %dma_start3A_493 = arith.constant 32 : i32
    %dma_start3A_494 = arith.constant 0 : i32
    %dma_start3A_495 = tpu.memref_slice %dma_start3A_492[%dma_start3A_493, %dma_start3A_494] : memref<128x80xf32, #tpu.memory_space<vmem>> -> memref<16x80xf32, #tpu.memory_space<vmem>>
    %dma_start3A_496 = arith.constant 0 : i32
    %dma_start3A_497 = arith.constant 0 : i32
    %dma_start3A_498 = tpu.memref_slice %arg3[%dma_start3A_496, %dma_start3A_497] : memref<1000000x80xf32, #tpu.memory_space<hbm>> -> memref<1000000x80xf32, #tpu.memory_space<hbm>>
    %dma_start3A_499 = tpu.memref_slice %arg7[%dma_start3A_488] : memref<5x!tpu.dma_semaphore, #tpu.memory_space<semaphore_mem>> -> memref<1x!tpu.dma_semaphore, #tpu.memory_space<semaphore_mem>>
    %dma_start3A_500 = tpu.memref_squeeze %dma_start3A_499 : memref<1x!tpu.dma_semaphore, #tpu.memory_space<semaphore_mem>> -> memref<!tpu.dma_semaphore, #tpu.memory_space<semaphore_mem>>
    tpu.enqueue_indirect_dma source(%dma_start3A_498 : memref<1000000x80xf32, #tpu.memory_space<hbm>>) target(%dma_start3A_495 : memref<16x80xf32, #tpu.memory_space<vmem>>) offsets(%get3A_486 : vector<16xi32>) semaphore(%dma_start3A_500 : memref<!tpu.dma_semaphore, #tpu.memory_space<semaphore_mem>>)
    %get3A_501 = arith.constant 432 : index
    %get3A_502 = tpu.vector_load %arg5[%get3A_501] {strides = array<i32>} : memref<6400xi32, #tpu.memory_space<vmem>>, vector<16xi32>,
    %get3A_503 = vector.shape_cast %get3A_502 : vector<16xi32> to vector<16xi32>
    %dma_start3A_504 = arith.constant 3 : i32
    %dma_start3A_505 = arith.constant 3 : i32
    %dma_start3A_506 = arith.constant 0 : i32
    %dma_start3A_507 = arith.constant 0 : i32
    %dma_start3A_508 = tpu.memref_slice %arg6[%dma_start3A_504, %dma_start3A_506, %dma_start3A_507] : memref<5x128x80xf32, #tpu.memory_space<vmem>> -> memref<1x128x80xf32, #tpu.memory_space<vmem>>
    %dma_start3A_509 = tpu.memref_squeeze %dma_start3A_508 : memref<1x128x80xf32, #tpu.memory_space<vmem>> -> memref<128x80xf32, #tpu.memory_space<vmem>>
    %dma_start3A_510 = arith.constant 48 : i32
    %dma_start3A_511 = arith.constant 0 : i32
    %dma_start3A_512 = tpu.memref_slice %dma_start3A_509[%dma_start3A_510, %dma_start3A_511] : memref<128x80xf32, #tpu.memory_space<vmem>> -> memref<16x80xf32, #tpu.memory_space<vmem>>
    %dma_start3A_513 = arith.constant 0 : i32
    %dma_start3A_514 = arith.constant 0 : i32
    %dma_start3A_515 = tpu.memref_slice %arg3[%dma_start3A_513, %dma_start3A_514] : memref<1000000x80xf32, #tpu.memory_space<hbm>> -> memref<1000000x80xf32, #tpu.memory_space<hbm>>
    %dma_start3A_516 = tpu.memref_slice %arg7[%dma_start3A_505] : memref<5x!tpu.dma_semaphore, #tpu.memory_space<semaphore_mem>> -> memref<1x!tpu.dma_semaphore, #tpu.memory_space<semaphore_mem>>
    %dma_start3A_517 = tpu.memref_squeeze %dma_start3A_516 : memref<1x!tpu.dma_semaphore, #tpu.memory_space<semaphore_mem>> -> memref<!tpu.dma_semaphore, #tpu.memory_space<semaphore_mem>>
    tpu.enqueue_indirect_dma source(%dma_start3A_515 : memref<1000000x80xf32, #tpu.memory_space<hbm>>) target(%dma_start3A_512 : memref<16x80xf32, #tpu.memory_space<vmem>>) offsets(%get3A_503 : vector<16xi32>) semaphore(%dma_start3A_517 : memref<!tpu.dma_semaphore, #tpu.memory_space<semaphore_mem>>)
    %get3A_518 = arith.constant 448 : index
    %get3A_519 = tpu.vector_load %arg5[%get3A_518] {strides = array<i32>} : memref<6400xi32, #tpu.memory_space<vmem>>, vector<16xi32>,
    %get3A_520 = vector.shape_cast %get3A_519 : vector<16xi32> to vector<16xi32>
    %dma_start3A_521 = arith.constant 3 : i32
    %dma_start3A_522 = arith.constant 3 : i32
    %dma_start3A_523 = arith.constant 0 : i32
    %dma_start3A_524 = arith.constant 0 : i32
    %dma_start3A_525 = tpu.memref_slice %arg6[%dma_start3A_521, %dma_start3A_523, %dma_start3A_524] : memref<5x128x80xf32, #tpu.memory_space<vmem>> -> memref<1x128x80xf32, #tpu.memory_space<vmem>>
    %dma_start3A_526 = tpu.memref_squeeze %dma_start3A_525 : memref<1x128x80xf32, #tpu.memory_space<vmem>> -> memref<128x80xf32, #tpu.memory_space<vmem>>
    %dma_start3A_527 = arith.constant 64 : i32
    %dma_start3A_528 = arith.constant 0 : i32
    %dma_start3A_529 = tpu.memref_slice %dma_start3A_526[%dma_start3A_527, %dma_start3A_528] : memref<128x80xf32, #tpu.memory_space<vmem>> -> memref<16x80xf32, #tpu.memory_space<vmem>>
    %dma_start3A_530 = arith.constant 0 : i32
    %dma_start3A_531 = arith.constant 0 : i32
    %dma_start3A_532 = tpu.memref_slice %arg3[%dma_start3A_530, %dma_start3A_531] : memref<1000000x80xf32, #tpu.memory_space<hbm>> -> memref<1000000x80xf32, #tpu.memory_space<hbm>>
    %dma_start3A_533 = tpu.memref_slice %arg7[%dma_start3A_522] : memref<5x!tpu.dma_semaphore, #tpu.memory_space<semaphore_mem>> -> memref<1x!tpu.dma_semaphore, #tpu.memory_space<semaphore_mem>>
    %dma_start3A_534 = tpu.memref_squeeze %dma_start3A_533 : memref<1x!tpu.dma_semaphore, #tpu.memory_space<semaphore_mem>> -> memref<!tpu.dma_semaphore, #tpu.memory_space<semaphore_mem>>
    tpu.enqueue_indirect_dma source(%dma_start3A_532 : memref<1000000x80xf32, #tpu.memory_space<hbm>>) target(%dma_start3A_529 : memref<16x80xf32, #tpu.memory_space<vmem>>) offsets(%get3A_520 : vector<16xi32>) semaphore(%dma_start3A_534 : memref<!tpu.dma_semaphore, #tpu.memory_space<semaphore_mem>>)
    %get3A_535 = arith.constant 464 : index
    %get3A_536 = tpu.vector_load %arg5[%get3A_535] {strides = array<i32>} : memref<6400xi32, #tpu.memory_space<vmem>>, vector<16xi32>,
    %get3A_537 = vector.shape_cast %get3A_536 : vector<16xi32> to vector<16xi32>
    %dma_start3A_538 = arith.constant 3 : i32
    %dma_start3A_539 = arith.constant 3 : i32
    %dma_start3A_540 = arith.constant 0 : i32
    %dma_start3A_541 = arith.constant 0 : i32
    %dma_start3A_542 = tpu.memref_slice %arg6[%dma_start3A_538, %dma_start3A_540, %dma_start3A_541] : memref<5x128x80xf32, #tpu.memory_space<vmem>> -> memref<1x128x80xf32, #tpu.memory_space<vmem>>
    %dma_start3A_543 = tpu.memref_squeeze %dma_start3A_542 : memref<1x128x80xf32, #tpu.memory_space<vmem>> -> memref<128x80xf32, #tpu.memory_space<vmem>>
    %dma_start3A_544 = arith.constant 80 : i32
    %dma_start3A_545 = arith.constant 0 : i32
    %dma_start3A_546 = tpu.memref_slice %dma_start3A_543[%dma_start3A_544, %dma_start3A_545] : memref<128x80xf32, #tpu.memory_space<vmem>> -> memref<16x80xf32, #tpu.memory_space<vmem>>
    %dma_start3A_547 = arith.constant 0 : i32
    %dma_start3A_548 = arith.constant 0 : i32
    %dma_start3A_549 = tpu.memref_slice %arg3[%dma_start3A_547, %dma_start3A_548] : memref<1000000x80xf32, #tpu.memory_space<hbm>> -> memref<1000000x80xf32, #tpu.memory_space<hbm>>
    %dma_start3A_550 = tpu.memref_slice %arg7[%dma_start3A_539] : memref<5x!tpu.dma_semaphore, #tpu.memory_space<semaphore_mem>> -> memref<1x!tpu.dma_semaphore, #tpu.memory_space<semaphore_mem>>
    %dma_start3A_551 = tpu.memref_squeeze %dma_start3A_550 : memref<1x!tpu.dma_semaphore, #tpu.memory_space<semaphore_mem>> -> memref<!tpu.dma_semaphore, #tpu.memory_space<semaphore_mem>>
    tpu.enqueue_indirect_dma source(%dma_start3A_549 : memref<1000000x80xf32, #tpu.memory_space<hbm>>) target(%dma_start3A_546 : memref<16x80xf32, #tpu.memory_space<vmem>>) offsets(%get3A_537 : vector<16xi32>) semaphore(%dma_start3A_551 : memref<!tpu.dma_semaphore, #tpu.memory_space<semaphore_mem>>)
    %get3A_552 = arith.constant 480 : index
    %get3A_553 = tpu.vector_load %arg5[%get3A_552] {strides = array<i32>} : memref<6400xi32, #tpu.memory_space<vmem>>, vector<16xi32>,
    %get3A_554 = vector.shape_cast %get3A_553 : vector<16xi32> to vector<16xi32>
    %dma_start3A_555 = arith.constant 3 : i32
    %dma_start3A_556 = arith.constant 3 : i32
    %dma_start3A_557 = arith.constant 0 : i32
    %dma_start3A_558 = arith.constant 0 : i32
    %dma_start3A_559 = tpu.memref_slice %arg6[%dma_start3A_555, %dma_start3A_557, %dma_start3A_558] : memref<5x128x80xf32, #tpu.memory_space<vmem>> -> memref<1x128x80xf32, #tpu.memory_space<vmem>>
    %dma_start3A_560 = tpu.memref_squeeze %dma_start3A_559 : memref<1x128x80xf32, #tpu.memory_space<vmem>> -> memref<128x80xf32, #tpu.memory_space<vmem>>
    %dma_start3A_561 = arith.constant 96 : i32
    %dma_start3A_562 = arith.constant 0 : i32
    %dma_start3A_563 = tpu.memref_slice %dma_start3A_560[%dma_start3A_561, %dma_start3A_562] : memref<128x80xf32, #tpu.memory_space<vmem>> -> memref<16x80xf32, #tpu.memory_space<vmem>>
    %dma_start3A_564 = arith.constant 0 : i32
    %dma_start3A_565 = arith.constant 0 : i32
    %dma_start3A_566 = tpu.memref_slice %arg3[%dma_start3A_564, %dma_start3A_565] : memref<1000000x80xf32, #tpu.memory_space<hbm>> -> memref<1000000x80xf32, #tpu.memory_space<hbm>>
    %dma_start3A_567 = tpu.memref_slice %arg7[%dma_start3A_556] : memref<5x!tpu.dma_semaphore, #tpu.memory_space<semaphore_mem>> -> memref<1x!tpu.dma_semaphore, #tpu.memory_space<semaphore_mem>>
    %dma_start3A_568 = tpu.memref_squeeze %dma_start3A_567 : memref<1x!tpu.dma_semaphore, #tpu.memory_space<semaphore_mem>> -> memref<!tpu.dma_semaphore, #tpu.memory_space<semaphore_mem>>
    tpu.enqueue_indirect_dma source(%dma_start3A_566 : memref<1000000x80xf32, #tpu.memory_space<hbm>>) target(%dma_start3A_563 : memref<16x80xf32, #tpu.memory_space<vmem>>) offsets(%get3A_554 : vector<16xi32>) semaphore(%dma_start3A_568 : memref<!tpu.dma_semaphore, #tpu.memory_space<semaphore_mem>>)
    %get3A_569 = arith.constant 496 : index
    %get3A_570 = tpu.vector_load %arg5[%get3A_569] {strides = array<i32>} : memref<6400xi32, #tpu.memory_space<vmem>>, vector<16xi32>,
    %get3A_571 = vector.shape_cast %get3A_570 : vector<16xi32> to vector<16xi32>
    %dma_start3A_572 = arith.constant 3 : i32
    %dma_start3A_573 = arith.constant 3 : i32
    %dma_start3A_574 = arith.constant 0 : i32
    %dma_start3A_575 = arith.constant 0 : i32
    %dma_start3A_576 = tpu.memref_slice %arg6[%dma_start3A_572, %dma_start3A_574, %dma_start3A_575] : memref<5x128x80xf32, #tpu.memory_space<vmem>> -> memref<1x128x80xf32, #tpu.memory_space<vmem>>
    %dma_start3A_577 = tpu.memref_squeeze %dma_start3A_576 : memref<1x128x80xf32, #tpu.memory_space<vmem>> -> memref<128x80xf32, #tpu.memory_space<vmem>>
    %dma_start3A_578 = arith.constant 112 : i32
    %dma_start3A_579 = arith.constant 0 : i32
    %dma_start3A_580 = tpu.memref_slice %dma_start3A_577[%dma_start3A_578, %dma_start3A_579] : memref<128x80xf32, #tpu.memory_space<vmem>> -> memref<16x80xf32, #tpu.memory_space<vmem>>
    %dma_start3A_581 = arith.constant 0 : i32
    %dma_start3A_582 = arith.constant 0 : i32
    %dma_start3A_583 = tpu.memref_slice %arg3[%dma_start3A_581, %dma_start3A_582] : memref<1000000x80xf32, #tpu.memory_space<hbm>> -> memref<1000000x80xf32, #tpu.memory_space<hbm>>
    %dma_start3A_584 = tpu.memref_slice %arg7[%dma_start3A_573] : memref<5x!tpu.dma_semaphore, #tpu.memory_space<semaphore_mem>> -> memref<1x!tpu.dma_semaphore, #tpu.memory_space<semaphore_mem>>
    %dma_start3A_585 = tpu.memref_squeeze %dma_start3A_584 : memref<1x!tpu.dma_semaphore, #tpu.memory_space<semaphore_mem>> -> memref<!tpu.dma_semaphore, #tpu.memory_space<semaphore_mem>>
    tpu.enqueue_indirect_dma source(%dma_start3A_583 : memref<1000000x80xf32, #tpu.memory_space<hbm>>) target(%dma_start3A_580 : memref<16x80xf32, #tpu.memory_space<vmem>>) offsets(%get3A_571 : vector<16xi32>) semaphore(%dma_start3A_585 : memref<!tpu.dma_semaphore, #tpu.memory_space<semaphore_mem>>)
    %dma_wait3A_586 = arith.constant 1 : i32
    %dma_wait3A_587 = arith.constant 1 : i32
    %dma_wait3A_588 = arith.constant 0 : i32
    %dma_wait3A_589 = arith.constant 0 : i32
    %dma_wait3A_590 = tpu.memref_slice %arg6[%dma_wait3A_586, %dma_wait3A_588, %dma_wait3A_589] : memref<5x128x80xf32, #tpu.memory_space<vmem>> -> memref<1x128x80xf32, #tpu.memory_space<vmem>>
    %dma_wait3A_591 = tpu.memref_squeeze %dma_wait3A_590 : memref<1x128x80xf32, #tpu.memory_space<vmem>> -> memref<128x80xf32, #tpu.memory_space<vmem>>
    %dma_wait3A_592 = arith.constant 0 : i32
    %dma_wait3A_593 = arith.constant 0 : i32
    %dma_wait3A_594 = tpu.memref_slice %arg3[%dma_wait3A_592, %dma_wait3A_593] : memref<1000000x80xf32, #tpu.memory_space<hbm>> -> memref<128x80xf32, #tpu.memory_space<hbm>>
    %dma_wait3A_595 = tpu.memref_slice %arg7[%dma_wait3A_587] : memref<5x!tpu.dma_semaphore, #tpu.memory_space<semaphore_mem>> -> memref<1x!tpu.dma_semaphore, #tpu.memory_space<semaphore_mem>>
    %dma_wait3A_596 = tpu.memref_squeeze %dma_wait3A_595 : memref<1x!tpu.dma_semaphore, #tpu.memory_space<semaphore_mem>> -> memref<!tpu.dma_semaphore, #tpu.memory_space<semaphore_mem>>
    %dma_wait3A_597 = arith.constant 0 : i32
    %dma_wait3A_598 = arith.constant 0 : i32
    %dma_wait3A_599 = tpu.memref_slice %arg6[%dma_wait3A_586, %dma_wait3A_597, %dma_wait3A_598] : memref<5x128x80xf32, #tpu.memory_space<vmem>> -> memref<1x128x80xf32, #tpu.memory_space<vmem>>
    %dma_wait3A_600 = tpu.memref_squeeze %dma_wait3A_599 : memref<1x128x80xf32, #tpu.memory_space<vmem>> -> memref<128x80xf32, #tpu.memory_space<vmem>>
    %dma_wait3A_601 = arith.constant 0 : i32
    %dma_wait3A_602 = arith.constant 0 : i32
    %dma_wait3A_603 = tpu.memref_slice %arg3[%dma_wait3A_601, %dma_wait3A_602] : memref<1000000x80xf32, #tpu.memory_space<hbm>> -> memref<128x80xf32, #tpu.memory_space<hbm>>
    tpu.wait_dma2 semaphore(%dma_wait3A_596 : memref<!tpu.dma_semaphore, #tpu.memory_space<semaphore_mem>>) src(%dma_wait3A_603 : memref<128x80xf32, #tpu.memory_space<hbm>>) dst(%dma_wait3A_600 : memref<128x80xf32, #tpu.memory_space<vmem>>)
    %add3A_604 = arith.constant 128 : i32
    %add3A_605 = arith.addi %mul3A_2, %add3A_604 : i32
    %dma_start3A_606 = arith.constant 1 : i32
    %dma_start3A_607 = arith.constant 1 : i32
    %dma_start3A_608 = arith.constant 0 : i32
    %dma_start3A_609 = arith.constant 0 : i32
    %dma_start3A_610 = tpu.memref_slice %arg6[%dma_start3A_606, %dma_start3A_608, %dma_start3A_609] : memref<5x128x80xf32, #tpu.memory_space<vmem>> -> memref<1x128x80xf32, #tpu.memory_space<vmem>>
    %dma_start3A_611 = tpu.memref_squeeze %dma_start3A_610 : memref<1x128x80xf32, #tpu.memory_space<vmem>> -> memref<128x80xf32, #tpu.memory_space<vmem>>
    %dma_start3A_612 = arith.constant 0 : i32
    %dma_start3A_613 = arith.constant 0 : i32
    %dma_start3A_614 = tpu.memref_slice %dma_start3A_611[%dma_start3A_612, %dma_start3A_613] : memref<128x80xf32, #tpu.memory_space<vmem>> -> memref<128x64xf32, #tpu.memory_space<vmem>>
    %dma_start3A_615 = arith.constant 0 : i32
    %dma_start3A_616 = tpu.memref_slice %arg4[%add3A_605, %dma_start3A_615] : memref<204800x64xf32, #tpu.memory_space<hbm>> -> memref<128x64xf32, #tpu.memory_space<hbm>>
    %dma_start3A_617 = tpu.memref_slice %arg8[%dma_start3A_607] : memref<5x!tpu.dma_semaphore, #tpu.memory_space<semaphore_mem>> -> memref<1x!tpu.dma_semaphore, #tpu.memory_space<semaphore_mem>>
    %dma_start3A_618 = tpu.memref_squeeze %dma_start3A_617 : memref<1x!tpu.dma_semaphore, #tpu.memory_space<semaphore_mem>> -> memref<!tpu.dma_semaphore, #tpu.memory_space<semaphore_mem>>
    %dma_start3A_619 = arith.constant 0 : i32
    %dma_start3A_620 = tpu.memref_slice %arg4[%add3A_605, %dma_start3A_619] : memref<204800x64xf32, #tpu.memory_space<hbm>> -> memref<128x64xf32, #tpu.memory_space<hbm>>
    %dma_start3A_621 = arith.constant 0 : i32
    %dma_start3A_622 = arith.constant 0 : i32
    %dma_start3A_623 = tpu.memref_slice %arg6[%dma_start3A_606, %dma_start3A_621, %dma_start3A_622] : memref<5x128x80xf32, #tpu.memory_space<vmem>> -> memref<1x128x80xf32, #tpu.memory_space<vmem>>
    %dma_start3A_624 = tpu.memref_squeeze %dma_start3A_623 : memref<1x128x80xf32, #tpu.memory_space<vmem>> -> memref<128x80xf32, #tpu.memory_space<vmem>>
    %dma_start3A_625 = arith.constant 0 : i32
    %dma_start3A_626 = arith.constant 0 : i32
    %dma_start3A_627 = tpu.memref_slice %dma_start3A_624[%dma_start3A_625, %dma_start3A_626] : memref<128x80xf32, #tpu.memory_space<vmem>> -> memref<128x64xf32, #tpu.memory_space<vmem>>
    tpu.enqueue_dma source(%dma_start3A_627 : memref<128x64xf32, #tpu.memory_space<vmem>>) target(%dma_start3A_620 : memref<128x64xf32, #tpu.memory_space<hbm>>) target_semaphore(%dma_start3A_618 : memref<!tpu.dma_semaphore, #tpu.memory_space<semaphore_mem>>)
    %get3A_628 = arith.constant 512 : index
    %get3A_629 = tpu.vector_load %arg5[%get3A_628] {strides = array<i32>} : memref<6400xi32, #tpu.memory_space<vmem>>, vector<16xi32>,
    %get3A_630 = vector.shape_cast %get3A_629 : vector<16xi32> to vector<16xi32>
    %dma_start3A_631 = arith.constant 4 : i32
    %dma_start3A_632 = arith.constant 4 : i32
    %dma_start3A_633 = arith.constant 0 : i32
    %dma_start3A_634 = arith.constant 0 : i32
    %dma_start3A_635 = tpu.memref_slice %arg6[%dma_start3A_631, %dma_start3A_633, %dma_start3A_634] : memref<5x128x80xf32, #tpu.memory_space<vmem>> -> memref<1x128x80xf32, #tpu.memory_space<vmem>>
    %dma_start3A_636 = tpu.memref_squeeze %dma_start3A_635 : memref<1x128x80xf32, #tpu.memory_space<vmem>> -> memref<128x80xf32, #tpu.memory_space<vmem>>
    %dma_start3A_637 = arith.constant 0 : i32
    %dma_start3A_638 = arith.constant 0 : i32
    %dma_start3A_639 = tpu.memref_slice %dma_start3A_636[%dma_start3A_637, %dma_start3A_638] : memref<128x80xf32, #tpu.memory_space<vmem>> -> memref<16x80xf32, #tpu.memory_space<vmem>>
    %dma_start3A_640 = arith.constant 0 : i32
    %dma_start3A_641 = arith.constant 0 : i32
    %dma_start3A_642 = tpu.memref_slice %arg3[%dma_start3A_640, %dma_start3A_641] : memref<1000000x80xf32, #tpu.memory_space<hbm>> -> memref<1000000x80xf32, #tpu.memory_space<hbm>>
    %dma_start3A_643 = tpu.memref_slice %arg7[%dma_start3A_632] : memref<5x!tpu.dma_semaphore, #tpu.memory_space<semaphore_mem>> -> memref<1x!tpu.dma_semaphore, #tpu.memory_space<semaphore_mem>>
    %dma_start3A_644 = tpu.memref_squeeze %dma_start3A_643 : memref<1x!tpu.dma_semaphore, #tpu.memory_space<semaphore_mem>> -> memref<!tpu.dma_semaphore, #tpu.memory_space<semaphore_mem>>
    tpu.enqueue_indirect_dma source(%dma_start3A_642 : memref<1000000x80xf32, #tpu.memory_space<hbm>>) target(%dma_start3A_639 : memref<16x80xf32, #tpu.memory_space<vmem>>) offsets(%get3A_630 : vector<16xi32>) semaphore(%dma_start3A_644 : memref<!tpu.dma_semaphore, #tpu.memory_space<semaphore_mem>>)
    %get3A_645 = arith.constant 528 : index
    %get3A_646 = tpu.vector_load %arg5[%get3A_645] {strides = array<i32>} : memref<6400xi32, #tpu.memory_space<vmem>>, vector<16xi32>,
    %get3A_647 = vector.shape_cast %get3A_646 : vector<16xi32> to vector<16xi32>
    %dma_start3A_648 = arith.constant 4 : i32
    %dma_start3A_649 = arith.constant 4 : i32
    %dma_start3A_650 = arith.constant 0 : i32
    %dma_start3A_651 = arith.constant 0 : i32
    %dma_start3A_652 = tpu.memref_slice %arg6[%dma_start3A_648, %dma_start3A_650, %dma_start3A_651] : memref<5x128x80xf32, #tpu.memory_space<vmem>> -> memref<1x128x80xf32, #tpu.memory_space<vmem>>
    %dma_start3A_653 = tpu.memref_squeeze %dma_start3A_652 : memref<1x128x80xf32, #tpu.memory_space<vmem>> -> memref<128x80xf32, #tpu.memory_space<vmem>>
    %dma_start3A_654 = arith.constant 16 : i32
    %dma_start3A_655 = arith.constant 0 : i32
    %dma_start3A_656 = tpu.memref_slice %dma_start3A_653[%dma_start3A_654, %dma_start3A_655] : memref<128x80xf32, #tpu.memory_space<vmem>> -> memref<16x80xf32, #tpu.memory_space<vmem>>
    %dma_start3A_657 = arith.constant 0 : i32
    %dma_start3A_658 = arith.constant 0 : i32
    %dma_start3A_659 = tpu.memref_slice %arg3[%dma_start3A_657, %dma_start3A_658] : memref<1000000x80xf32, #tpu.memory_space<hbm>> -> memref<1000000x80xf32, #tpu.memory_space<hbm>>
    %dma_start3A_660 = tpu.memref_slice %arg7[%dma_start3A_649] : memref<5x!tpu.dma_semaphore, #tpu.memory_space<semaphore_mem>> -> memref<1x!tpu.dma_semaphore, #tpu.memory_space<semaphore_mem>>
    %dma_start3A_661 = tpu.memref_squeeze %dma_start3A_660 : memref<1x!tpu.dma_semaphore, #tpu.memory_space<semaphore_mem>> -> memref<!tpu.dma_semaphore, #tpu.memory_space<semaphore_mem>>
    tpu.enqueue_indirect_dma source(%dma_start3A_659 : memref<1000000x80xf32, #tpu.memory_space<hbm>>) target(%dma_start3A_656 : memref<16x80xf32, #tpu.memory_space<vmem>>) offsets(%get3A_647 : vector<16xi32>) semaphore(%dma_start3A_661 : memref<!tpu.dma_semaphore, #tpu.memory_space<semaphore_mem>>)
    %get3A_662 = arith.constant 544 : index
    %get3A_663 = tpu.vector_load %arg5[%get3A_662] {strides = array<i32>} : memref<6400xi32, #tpu.memory_space<vmem>>, vector<16xi32>,
    %get3A_664 = vector.shape_cast %get3A_663 : vector<16xi32> to vector<16xi32>
    %dma_start3A_665 = arith.constant 4 : i32
    %dma_start3A_666 = arith.constant 4 : i32
    %dma_start3A_667 = arith.constant 0 : i32
    %dma_start3A_668 = arith.constant 0 : i32
    %dma_start3A_669 = tpu.memref_slice %arg6[%dma_start3A_665, %dma_start3A_667, %dma_start3A_668] : memref<5x128x80xf32, #tpu.memory_space<vmem>> -> memref<1x128x80xf32, #tpu.memory_space<vmem>>
    %dma_start3A_670 = tpu.memref_squeeze %dma_start3A_669 : memref<1x128x80xf32, #tpu.memory_space<vmem>> -> memref<128x80xf32, #tpu.memory_space<vmem>>
    %dma_start3A_671 = arith.constant 32 : i32
    %dma_start3A_672 = arith.constant 0 : i32
    %dma_start3A_673 = tpu.memref_slice %dma_start3A_670[%dma_start3A_671, %dma_start3A_672] : memref<128x80xf32, #tpu.memory_space<vmem>> -> memref<16x80xf32, #tpu.memory_space<vmem>>
    %dma_start3A_674 = arith.constant 0 : i32
    %dma_start3A_675 = arith.constant 0 : i32
    %dma_start3A_676 = tpu.memref_slice %arg3[%dma_start3A_674, %dma_start3A_675] : memref<1000000x80xf32, #tpu.memory_space<hbm>> -> memref<1000000x80xf32, #tpu.memory_space<hbm>>
    %dma_start3A_677 = tpu.memref_slice %arg7[%dma_start3A_666] : memref<5x!tpu.dma_semaphore, #tpu.memory_space<semaphore_mem>> -> memref<1x!tpu.dma_semaphore, #tpu.memory_space<semaphore_mem>>
    %dma_start3A_678 = tpu.memref_squeeze %dma_start3A_677 : memref<1x!tpu.dma_semaphore, #tpu.memory_space<semaphore_mem>> -> memref<!tpu.dma_semaphore, #tpu.memory_space<semaphore_mem>>
    tpu.enqueue_indirect_dma source(%dma_start3A_676 : memref<1000000x80xf32, #tpu.memory_space<hbm>>) target(%dma_start3A_673 : memref<16x80xf32, #tpu.memory_space<vmem>>) offsets(%get3A_664 : vector<16xi32>) semaphore(%dma_start3A_678 : memref<!tpu.dma_semaphore, #tpu.memory_space<semaphore_mem>>)
    %get3A_679 = arith.constant 560 : index
    %get3A_680 = tpu.vector_load %arg5[%get3A_679] {strides = array<i32>} : memref<6400xi32, #tpu.memory_space<vmem>>, vector<16xi32>,
    %get3A_681 = vector.shape_cast %get3A_680 : vector<16xi32> to vector<16xi32>
    %dma_start3A_682 = arith.constant 4 : i32
    %dma_start3A_683 = arith.constant 4 : i32
    %dma_start3A_684 = arith.constant 0 : i32
    %dma_start3A_685 = arith.constant 0 : i32
    %dma_start3A_686 = tpu.memref_slice %arg6[%dma_start3A_682, %dma_start3A_684, %dma_start3A_685] : memref<5x128x80xf32, #tpu.memory_space<vmem>> -> memref<1x128x80xf32, #tpu.memory_space<vmem>>
    %dma_start3A_687 = tpu.memref_squeeze %dma_start3A_686 : memref<1x128x80xf32, #tpu.memory_space<vmem>> -> memref<128x80xf32, #tpu.memory_space<vmem>>
    %dma_start3A_688 = arith.constant 48 : i32
    %dma_start3A_689 = arith.constant 0 : i32
    %dma_start3A_690 = tpu.memref_slice %dma_start3A_687[%dma_start3A_688, %dma_start3A_689] : memref<128x80xf32, #tpu.memory_space<vmem>> -> memref<16x80xf32, #tpu.memory_space<vmem>>
    %dma_start3A_691 = arith.constant 0 : i32
    %dma_start3A_692 = arith.constant 0 : i32
    %dma_start3A_693 = tpu.memref_slice %arg3[%dma_start3A_691, %dma_start3A_692] : memref<1000000x80xf32, #tpu.memory_space<hbm>> -> memref<1000000x80xf32, #tpu.memory_space<hbm>>
    %dma_start3A_694 = tpu.memref_slice %arg7[%dma_start3A_683] : memref<5x!tpu.dma_semaphore, #tpu.memory_space<semaphore_mem>> -> memref<1x!tpu.dma_semaphore, #tpu.memory_space<semaphore_mem>>
    %dma_start3A_695 = tpu.memref_squeeze %dma_start3A_694 : memref<1x!tpu.dma_semaphore, #tpu.memory_space<semaphore_mem>> -> memref<!tpu.dma_semaphore, #tpu.memory_space<semaphore_mem>>
    tpu.enqueue_indirect_dma source(%dma_start3A_693 : memref<1000000x80xf32, #tpu.memory_space<hbm>>) target(%dma_start3A_690 : memref<16x80xf32, #tpu.memory_space<vmem>>) offsets(%get3A_681 : vector<16xi32>) semaphore(%dma_start3A_695 : memref<!tpu.dma_semaphore, #tpu.memory_space<semaphore_mem>>)
    %get3A_696 = arith.constant 576 : index
    %get3A_697 = tpu.vector_load %arg5[%get3A_696] {strides = array<i32>} : memref<6400xi32, #tpu.memory_space<vmem>>, vector<16xi32>,
    %get3A_698 = vector.shape_cast %get3A_697 : vector<16xi32> to vector<16xi32>
    %dma_start3A_699 = arith.constant 4 : i32
    %dma_start3A_700 = arith.constant 4 : i32
    %dma_start3A_701 = arith.constant 0 : i32
    %dma_start3A_702 = arith.constant 0 : i32
    %dma_start3A_703 = tpu.memref_slice %arg6[%dma_start3A_699, %dma_start3A_701, %dma_start3A_702] : memref<5x128x80xf32, #tpu.memory_space<vmem>> -> memref<1x128x80xf32, #tpu.memory_space<vmem>>
    %dma_start3A_704 = tpu.memref_squeeze %dma_start3A_703 : memref<1x128x80xf32, #tpu.memory_space<vmem>> -> memref<128x80xf32, #tpu.memory_space<vmem>>
    %dma_start3A_705 = arith.constant 64 : i32
    %dma_start3A_706 = arith.constant 0 : i32
    %dma_start3A_707 = tpu.memref_slice %dma_start3A_704[%dma_start3A_705, %dma_start3A_706] : memref<128x80xf32, #tpu.memory_space<vmem>> -> memref<16x80xf32, #tpu.memory_space<vmem>>
    %dma_start3A_708 = arith.constant 0 : i32
    %dma_start3A_709 = arith.constant 0 : i32
    %dma_start3A_710 = tpu.memref_slice %arg3[%dma_start3A_708, %dma_start3A_709] : memref<1000000x80xf32, #tpu.memory_space<hbm>> -> memref<1000000x80xf32, #tpu.memory_space<hbm>>
    %dma_start3A_711 = tpu.memref_slice %arg7[%dma_start3A_700] : memref<5x!tpu.dma_semaphore, #tpu.memory_space<semaphore_mem>> -> memref<1x!tpu.dma_semaphore, #tpu.memory_space<semaphore_mem>>
    %dma_start3A_712 = tpu.memref_squeeze %dma_start3A_711 : memref<1x!tpu.dma_semaphore, #tpu.memory_space<semaphore_mem>> -> memref<!tpu.dma_semaphore, #tpu.memory_space<semaphore_mem>>
    tpu.enqueue_indirect_dma source(%dma_start3A_710 : memref<1000000x80xf32, #tpu.memory_space<hbm>>) target(%dma_start3A_707 : memref<16x80xf32, #tpu.memory_space<vmem>>) offsets(%get3A_698 : vector<16xi32>) semaphore(%dma_start3A_712 : memref<!tpu.dma_semaphore, #tpu.memory_space<semaphore_mem>>)
    %get3A_713 = arith.constant 592 : index
    %get3A_714 = tpu.vector_load %arg5[%get3A_713] {strides = array<i32>} : memref<6400xi32, #tpu.memory_space<vmem>>, vector<16xi32>,
    %get3A_715 = vector.shape_cast %get3A_714 : vector<16xi32> to vector<16xi32>
    %dma_start3A_716 = arith.constant 4 : i32
    %dma_start3A_717 = arith.constant 4 : i32
    %dma_start3A_718 = arith.constant 0 : i32
    %dma_start3A_719 = arith.constant 0 : i32
    %dma_start3A_720 = tpu.memref_slice %arg6[%dma_start3A_716, %dma_start3A_718, %dma_start3A_719] : memref<5x128x80xf32, #tpu.memory_space<vmem>> -> memref<1x128x80xf32, #tpu.memory_space<vmem>>
    %dma_start3A_721 = tpu.memref_squeeze %dma_start3A_720 : memref<1x128x80xf32, #tpu.memory_space<vmem>> -> memref<128x80xf32, #tpu.memory_space<vmem>>
    %dma_start3A_722 = arith.constant 80 : i32
    %dma_start3A_723 = arith.constant 0 : i32
    %dma_start3A_724 = tpu.memref_slice %dma_start3A_721[%dma_start3A_722, %dma_start3A_723] : memref<128x80xf32, #tpu.memory_space<vmem>> -> memref<16x80xf32, #tpu.memory_space<vmem>>
    %dma_start3A_725 = arith.constant 0 : i32
    %dma_start3A_726 = arith.constant 0 : i32
    %dma_start3A_727 = tpu.memref_slice %arg3[%dma_start3A_725, %dma_start3A_726] : memref<1000000x80xf32, #tpu.memory_space<hbm>> -> memref<1000000x80xf32, #tpu.memory_space<hbm>>
    %dma_start3A_728 = tpu.memref_slice %arg7[%dma_start3A_717] : memref<5x!tpu.dma_semaphore, #tpu.memory_space<semaphore_mem>> -> memref<1x!tpu.dma_semaphore, #tpu.memory_space<semaphore_mem>>
    %dma_start3A_729 = tpu.memref_squeeze %dma_start3A_728 : memref<1x!tpu.dma_semaphore, #tpu.memory_space<semaphore_mem>> -> memref<!tpu.dma_semaphore, #tpu.memory_space<semaphore_mem>>
    tpu.enqueue_indirect_dma source(%dma_start3A_727 : memref<1000000x80xf32, #tpu.memory_space<hbm>>) target(%dma_start3A_724 : memref<16x80xf32, #tpu.memory_space<vmem>>) offsets(%get3A_715 : vector<16xi32>) semaphore(%dma_start3A_729 : memref<!tpu.dma_semaphore, #tpu.memory_space<semaphore_mem>>)
    %get3A_730 = arith.constant 608 : index
    %get3A_731 = tpu.vector_load %arg5[%get3A_730] {strides = array<i32>} : memref<6400xi32, #tpu.memory_space<vmem>>, vector<16xi32>,
    %get3A_732 = vector.shape_cast %get3A_731 : vector<16xi32> to vector<16xi32>
    %dma_start3A_733 = arith.constant 4 : i32
    %dma_start3A_734 = arith.constant 4 : i32
    %dma_start3A_735 = arith.constant 0 : i32
    %dma_start3A_736 = arith.constant 0 : i32
    %dma_start3A_737 = tpu.memref_slice %arg6[%dma_start3A_733, %dma_start3A_735, %dma_start3A_736] : memref<5x128x80xf32, #tpu.memory_space<vmem>> -> memref<1x128x80xf32, #tpu.memory_space<vmem>>
    %dma_start3A_738 = tpu.memref_squeeze %dma_start3A_737 : memref<1x128x80xf32, #tpu.memory_space<vmem>> -> memref<128x80xf32, #tpu.memory_space<vmem>>
    %dma_start3A_739 = arith.constant 96 : i32
    %dma_start3A_740 = arith.constant 0 : i32
    %dma_start3A_741 = tpu.memref_slice %dma_start3A_738[%dma_start3A_739, %dma_start3A_740] : memref<128x80xf32, #tpu.memory_space<vmem>> -> memref<16x80xf32, #tpu.memory_space<vmem>>
    %dma_start3A_742 = arith.constant 0 : i32
    %dma_start3A_743 = arith.constant 0 : i32
    %dma_start3A_744 = tpu.memref_slice %arg3[%dma_start3A_742, %dma_start3A_743] : memref<1000000x80xf32, #tpu.memory_space<hbm>> -> memref<1000000x80xf32, #tpu.memory_space<hbm>>
    %dma_start3A_745 = tpu.memref_slice %arg7[%dma_start3A_734] : memref<5x!tpu.dma_semaphore, #tpu.memory_space<semaphore_mem>> -> memref<1x!tpu.dma_semaphore, #tpu.memory_space<semaphore_mem>>
    %dma_start3A_746 = tpu.memref_squeeze %dma_start3A_745 : memref<1x!tpu.dma_semaphore, #tpu.memory_space<semaphore_mem>> -> memref<!tpu.dma_semaphore, #tpu.memory_space<semaphore_mem>>
    tpu.enqueue_indirect_dma source(%dma_start3A_744 : memref<1000000x80xf32, #tpu.memory_space<hbm>>) target(%dma_start3A_741 : memref<16x80xf32, #tpu.memory_space<vmem>>) offsets(%get3A_732 : vector<16xi32>) semaphore(%dma_start3A_746 : memref<!tpu.dma_semaphore, #tpu.memory_space<semaphore_mem>>)
    %get3A_747 = arith.constant 624 : index
    %get3A_748 = tpu.vector_load %arg5[%get3A_747] {strides = array<i32>} : memref<6400xi32, #tpu.memory_space<vmem>>, vector<16xi32>,
    %get3A_749 = vector.shape_cast %get3A_748 : vector<16xi32> to vector<16xi32>
    %dma_start3A_750 = arith.constant 4 : i32
    %dma_start3A_751 = arith.constant 4 : i32
    %dma_start3A_752 = arith.constant 0 : i32
    %dma_start3A_753 = arith.constant 0 : i32
    %dma_start3A_754 = tpu.memref_slice %arg6[%dma_start3A_750, %dma_start3A_752, %dma_start3A_753] : memref<5x128x80xf32, #tpu.memory_space<vmem>> -> memref<1x128x80xf32, #tpu.memory_space<vmem>>
    %dma_start3A_755 = tpu.memref_squeeze %dma_start3A_754 : memref<1x128x80xf32, #tpu.memory_space<vmem>> -> memref<128x80xf32, #tpu.memory_space<vmem>>
    %dma_start3A_756 = arith.constant 112 : i32
    %dma_start3A_757 = arith.constant 0 : i32
    %dma_start3A_758 = tpu.memref_slice %dma_start3A_755[%dma_start3A_756, %dma_start3A_757] : memref<128x80xf32, #tpu.memory_space<vmem>> -> memref<16x80xf32, #tpu.memory_space<vmem>>
    %dma_start3A_759 = arith.constant 0 : i32
    %dma_start3A_760 = arith.constant 0 : i32
    %dma_start3A_761 = tpu.memref_slice %arg3[%dma_start3A_759, %dma_start3A_760] : memref<1000000x80xf32, #tpu.memory_space<hbm>> -> memref<1000000x80xf32, #tpu.memory_space<hbm>>
    %dma_start3A_762 = tpu.memref_slice %arg7[%dma_start3A_751] : memref<5x!tpu.dma_semaphore, #tpu.memory_space<semaphore_mem>> -> memref<1x!tpu.dma_semaphore, #tpu.memory_space<semaphore_mem>>
    %dma_start3A_763 = tpu.memref_squeeze %dma_start3A_762 : memref<1x!tpu.dma_semaphore, #tpu.memory_space<semaphore_mem>> -> memref<!tpu.dma_semaphore, #tpu.memory_space<semaphore_mem>>
    tpu.enqueue_indirect_dma source(%dma_start3A_761 : memref<1000000x80xf32, #tpu.memory_space<hbm>>) target(%dma_start3A_758 : memref<16x80xf32, #tpu.memory_space<vmem>>) offsets(%get3A_749 : vector<16xi32>) semaphore(%dma_start3A_763 : memref<!tpu.dma_semaphore, #tpu.memory_space<semaphore_mem>>)
    %dma_wait3A_764 = arith.constant 2 : i32
    %dma_wait3A_765 = arith.constant 2 : i32
    %dma_wait3A_766 = arith.constant 0 : i32
    %dma_wait3A_767 = arith.constant 0 : i32
    %dma_wait3A_768 = tpu.memref_slice %arg6[%dma_wait3A_764, %dma_wait3A_766, %dma_wait3A_767] : memref<5x128x80xf32, #tpu.memory_space<vmem>> -> memref<1x128x80xf32, #tpu.memory_space<vmem>>
    %dma_wait3A_769 = tpu.memref_squeeze %dma_wait3A_768 : memref<1x128x80xf32, #tpu.memory_space<vmem>> -> memref<128x80xf32, #tpu.memory_space<vmem>>
    %dma_wait3A_770 = arith.constant 0 : i32
    %dma_wait3A_771 = arith.constant 0 : i32
    %dma_wait3A_772 = tpu.memref_slice %arg3[%dma_wait3A_770, %dma_wait3A_771] : memref<1000000x80xf32, #tpu.memory_space<hbm>> -> memref<128x80xf32, #tpu.memory_space<hbm>>
    %dma_wait3A_773 = tpu.memref_slice %arg7[%dma_wait3A_765] : memref<5x!tpu.dma_semaphore, #tpu.memory_space<semaphore_mem>> -> memref<1x!tpu.dma_semaphore, #tpu.memory_space<semaphore_mem>>
    %dma_wait3A_774 = tpu.memref_squeeze %dma_wait3A_773 : memref<1x!tpu.dma_semaphore, #tpu.memory_space<semaphore_mem>> -> memref<!tpu.dma_semaphore, #tpu.memory_space<semaphore_mem>>
    %dma_wait3A_775 = arith.constant 0 : i32
    %dma_wait3A_776 = arith.constant 0 : i32
    %dma_wait3A_777 = tpu.memref_slice %arg6[%dma_wait3A_764, %dma_wait3A_775, %dma_wait3A_776] : memref<5x128x80xf32, #tpu.memory_space<vmem>> -> memref<1x128x80xf32, #tpu.memory_space<vmem>>
    %dma_wait3A_778 = tpu.memref_squeeze %dma_wait3A_777 : memref<1x128x80xf32, #tpu.memory_space<vmem>> -> memref<128x80xf32, #tpu.memory_space<vmem>>
    %dma_wait3A_779 = arith.constant 0 : i32
    %dma_wait3A_780 = arith.constant 0 : i32
    %dma_wait3A_781 = tpu.memref_slice %arg3[%dma_wait3A_779, %dma_wait3A_780] : memref<1000000x80xf32, #tpu.memory_space<hbm>> -> memref<128x80xf32, #tpu.memory_space<hbm>>
    tpu.wait_dma2 semaphore(%dma_wait3A_774 : memref<!tpu.dma_semaphore, #tpu.memory_space<semaphore_mem>>) src(%dma_wait3A_781 : memref<128x80xf32, #tpu.memory_space<hbm>>) dst(%dma_wait3A_778 : memref<128x80xf32, #tpu.memory_space<vmem>>)
    %add3A_782 = arith.constant 256 : i32
    %add3A_783 = arith.addi %mul3A_2, %add3A_782 : i32
    %dma_start3A_784 = arith.constant 2 : i32
    %dma_start3A_785 = arith.constant 2 : i32
    %dma_start3A_786 = arith.constant 0 : i32
    %dma_start3A_787 = arith.constant 0 : i32
    %dma_start3A_788 = tpu.memref_slice %arg6[%dma_start3A_784, %dma_start3A_786, %dma_start3A_787] : memref<5x128x80xf32, #tpu.memory_space<vmem>> -> memref<1x128x80xf32, #tpu.memory_space<vmem>>
    %dma_start3A_789 = tpu.memref_squeeze %dma_start3A_788 : memref<1x128x80xf32, #tpu.memory_space<vmem>> -> memref<128x80xf32, #tpu.memory_space<vmem>>
    %dma_start3A_790 = arith.constant 0 : i32
    %dma_start3A_791 = arith.constant 0 : i32
    %dma_start3A_792 = tpu.memref_slice %dma_start3A_789[%dma_start3A_790, %dma_start3A_791] : memref<128x80xf32, #tpu.memory_space<vmem>> -> memref<128x64xf32, #tpu.memory_space<vmem>>
    %dma_start3A_793 = arith.constant 0 : i32
    %dma_start3A_794 = tpu.memref_slice %arg4[%add3A_783, %dma_start3A_793] : memref<204800x64xf32, #tpu.memory_space<hbm>> -> memref<128x64xf32, #tpu.memory_space<hbm>>
    %dma_start3A_795 = tpu.memref_slice %arg8[%dma_start3A_785] : memref<5x!tpu.dma_semaphore, #tpu.memory_space<semaphore_mem>> -> memref<1x!tpu.dma_semaphore, #tpu.memory_space<semaphore_mem>>
    %dma_start3A_796 = tpu.memref_squeeze %dma_start3A_795 : memref<1x!tpu.dma_semaphore, #tpu.memory_space<semaphore_mem>> -> memref<!tpu.dma_semaphore, #tpu.memory_space<semaphore_mem>>
    %dma_start3A_797 = arith.constant 0 : i32
    %dma_start3A_798 = tpu.memref_slice %arg4[%add3A_783, %dma_start3A_797] : memref<204800x64xf32, #tpu.memory_space<hbm>> -> memref<128x64xf32, #tpu.memory_space<hbm>>
    %dma_start3A_799 = arith.constant 0 : i32
    %dma_start3A_800 = arith.constant 0 : i32
    %dma_start3A_801 = tpu.memref_slice %arg6[%dma_start3A_784, %dma_start3A_799, %dma_start3A_800] : memref<5x128x80xf32, #tpu.memory_space<vmem>> -> memref<1x128x80xf32, #tpu.memory_space<vmem>>
    %dma_start3A_802 = tpu.memref_squeeze %dma_start3A_801 : memref<1x128x80xf32, #tpu.memory_space<vmem>> -> memref<128x80xf32, #tpu.memory_space<vmem>>
    %dma_start3A_803 = arith.constant 0 : i32
    %dma_start3A_804 = arith.constant 0 : i32
    %dma_start3A_805 = tpu.memref_slice %dma_start3A_802[%dma_start3A_803, %dma_start3A_804] : memref<128x80xf32, #tpu.memory_space<vmem>> -> memref<128x64xf32, #tpu.memory_space<vmem>>
    tpu.enqueue_dma source(%dma_start3A_805 : memref<128x64xf32, #tpu.memory_space<vmem>>) target(%dma_start3A_798 : memref<128x64xf32, #tpu.memory_space<hbm>>) target_semaphore(%dma_start3A_796 : memref<!tpu.dma_semaphore, #tpu.memory_space<semaphore_mem>>)
    %add3A_806 = arith.constant 0 : i32
    %add3A_807 = arith.addi %mul3A_2, %add3A_806 : i32
    %dma_wait3A_808 = arith.constant 0 : i32
    %dma_wait3A_809 = arith.constant 0 : i32
    %dma_wait3A_810 = arith.constant 0 : i32
    %dma_wait3A_811 = arith.constant 0 : i32
    %dma_wait3A_812 = tpu.memref_slice %arg6[%dma_wait3A_808, %dma_wait3A_810, %dma_wait3A_811] : memref<5x128x80xf32, #tpu.memory_space<vmem>> -> memref<1x128x80xf32, #tpu.memory_space<vmem>>
    %dma_wait3A_813 = tpu.memref_squeeze %dma_wait3A_812 : memref<1x128x80xf32, #tpu.memory_space<vmem>> -> memref<128x80xf32, #tpu.memory_space<vmem>>
    %dma_wait3A_814 = arith.constant 0 : i32
    %dma_wait3A_815 = arith.constant 0 : i32
    %dma_wait3A_816 = tpu.memref_slice %dma_wait3A_813[%dma_wait3A_814, %dma_wait3A_815] : memref<128x80xf32, #tpu.memory_space<vmem>> -> memref<128x64xf32, #tpu.memory_space<vmem>>
    %dma_wait3A_817 = arith.constant 0 : i32
    %dma_wait3A_818 = tpu.memref_slice %arg4[%add3A_807, %dma_wait3A_817] : memref<204800x64xf32, #tpu.memory_space<hbm>> -> memref<128x64xf32, #tpu.memory_space<hbm>>
    %dma_wait3A_819 = tpu.memref_slice %arg8[%dma_wait3A_809] : memref<5x!tpu.dma_semaphore, #tpu.memory_space<semaphore_mem>> -> memref<1x!tpu.dma_semaphore, #tpu.memory_space<semaphore_mem>>
    %dma_wait3A_820 = tpu.memref_squeeze %dma_wait3A_819 : memref<1x!tpu.dma_semaphore, #tpu.memory_space<semaphore_mem>> -> memref<!tpu.dma_semaphore, #tpu.memory_space<semaphore_mem>>
    %dma_wait3A_821 = arith.constant 0 : i32
    %dma_wait3A_822 = tpu.memref_slice %arg4[%add3A_807, %dma_wait3A_821] : memref<204800x64xf32, #tpu.memory_space<hbm>> -> memref<128x64xf32, #tpu.memory_space<hbm>>
    %dma_wait3A_823 = arith.constant 0 : i32
    %dma_wait3A_824 = arith.constant 0 : i32
    %dma_wait3A_825 = tpu.memref_slice %arg6[%dma_wait3A_808, %dma_wait3A_823, %dma_wait3A_824] : memref<5x128x80xf32, #tpu.memory_space<vmem>> -> memref<1x128x80xf32, #tpu.memory_space<vmem>>
    %dma_wait3A_826 = tpu.memref_squeeze %dma_wait3A_825 : memref<1x128x80xf32, #tpu.memory_space<vmem>> -> memref<128x80xf32, #tpu.memory_space<vmem>>
    %dma_wait3A_827 = arith.constant 0 : i32
    %dma_wait3A_828 = arith.constant 0 : i32
    %dma_wait3A_829 = tpu.memref_slice %dma_wait3A_826[%dma_wait3A_827, %dma_wait3A_828] : memref<128x80xf32, #tpu.memory_space<vmem>> -> memref<128x64xf32, #tpu.memory_space<vmem>>
    tpu.wait_dma2 semaphore(%dma_wait3A_820 : memref<!tpu.dma_semaphore, #tpu.memory_space<semaphore_mem>>) src(%dma_wait3A_829 : memref<128x64xf32, #tpu.memory_space<vmem>>) dst(%dma_wait3A_822 : memref<128x64xf32, #tpu.memory_space<hbm>>)
    %get3A_830 = arith.constant 640 : index
    %get3A_831 = tpu.vector_load %arg5[%get3A_830] {strides = array<i32>} : memref<6400xi32, #tpu.memory_space<vmem>>, vector<16xi32>,
    %get3A_832 = vector.shape_cast %get3A_831 : vector<16xi32> to vector<16xi32>
    %dma_start3A_833 = arith.constant 0 : i32
    %dma_start3A_834 = arith.constant 0 : i32
    %dma_start3A_835 = arith.constant 0 : i32
    %dma_start3A_836 = arith.constant 0 : i32
    %dma_start3A_837 = tpu.memref_slice %arg6[%dma_start3A_833, %dma_start3A_835, %dma_start3A_836] : memref<5x128x80xf32, #tpu.memory_space<vmem>> -> memref<1x128x80xf32, #tpu.memory_space<vmem>>
    %dma_start3A_838 = tpu.memref_squeeze %dma_start3A_837 : memref<1x128x80xf32, #tpu.memory_space<vmem>> -> memref<128x80xf32, #tpu.memory_space<vmem>>
    %dma_start3A_839 = arith.constant 0 : i32
    %dma_start3A_840 = arith.constant 0 : i32
    %dma_start3A_841 = tpu.memref_slice %dma_start3A_838[%dma_start3A_839, %dma_start3A_840] : memref<128x80xf32, #tpu.memory_space<vmem>> -> memref<16x80xf32, #tpu.memory_space<vmem>>
    %dma_start3A_842 = arith.constant 0 : i32
    %dma_start3A_843 = arith.constant 0 : i32
    %dma_start3A_844 = tpu.memref_slice %arg3[%dma_start3A_842, %dma_start3A_843] : memref<1000000x80xf32, #tpu.memory_space<hbm>> -> memref<1000000x80xf32, #tpu.memory_space<hbm>>
    %dma_start3A_845 = tpu.memref_slice %arg7[%dma_start3A_834] : memref<5x!tpu.dma_semaphore, #tpu.memory_space<semaphore_mem>> -> memref<1x!tpu.dma_semaphore, #tpu.memory_space<semaphore_mem>>
    %dma_start3A_846 = tpu.memref_squeeze %dma_start3A_845 : memref<1x!tpu.dma_semaphore, #tpu.memory_space<semaphore_mem>> -> memref<!tpu.dma_semaphore, #tpu.memory_space<semaphore_mem>>
    tpu.enqueue_indirect_dma source(%dma_start3A_844 : memref<1000000x80xf32, #tpu.memory_space<hbm>>) target(%dma_start3A_841 : memref<16x80xf32, #tpu.memory_space<vmem>>) offsets(%get3A_832 : vector<16xi32>) semaphore(%dma_start3A_846 : memref<!tpu.dma_semaphore, #tpu.memory_space<semaphore_mem>>)
    %get3A_847 = arith.constant 656 : index
    %get3A_848 = tpu.vector_load %arg5[%get3A_847] {strides = array<i32>} : memref<6400xi32, #tpu.memory_space<vmem>>, vector<16xi32>,
    %get3A_849 = vector.shape_cast %get3A_848 : vector<16xi32> to vector<16xi32>
    %dma_start3A_850 = arith.constant 0 : i32
    %dma_start3A_851 = arith.constant 0 : i32
    %dma_start3A_852 = arith.constant 0 : i32
    %dma_start3A_853 = arith.constant 0 : i32
    %dma_start3A_854 = tpu.memref_slice %arg6[%dma_start3A_850, %dma_start3A_852, %dma_start3A_853] : memref<5x128x80xf32, #tpu.memory_space<vmem>> -> memref<1x128x80xf32, #tpu.memory_space<vmem>>
    %dma_start3A_855 = tpu.memref_squeeze %dma_start3A_854 : memref<1x128x80xf32, #tpu.memory_space<vmem>> -> memref<128x80xf32, #tpu.memory_space<vmem>>
    %dma_start3A_856 = arith.constant 16 : i32
    %dma_start3A_857 = arith.constant 0 : i32
    %dma_start3A_858 = tpu.memref_slice %dma_start3A_855[%dma_start3A_856, %dma_start3A_857] : memref<128x80xf32, #tpu.memory_space<vmem>> -> memref<16x80xf32, #tpu.memory_space<vmem>>
    %dma_start3A_859 = arith.constant 0 : i32
    %dma_start3A_860 = arith.constant 0 : i32
    %dma_start3A_861 = tpu.memref_slice %arg3[%dma_start3A_859, %dma_start3A_860] : memref<1000000x80xf32, #tpu.memory_space<hbm>> -> memref<1000000x80xf32, #tpu.memory_space<hbm>>
    %dma_start3A_862 = tpu.memref_slice %arg7[%dma_start3A_851] : memref<5x!tpu.dma_semaphore, #tpu.memory_space<semaphore_mem>> -> memref<1x!tpu.dma_semaphore, #tpu.memory_space<semaphore_mem>>
    %dma_start3A_863 = tpu.memref_squeeze %dma_start3A_862 : memref<1x!tpu.dma_semaphore, #tpu.memory_space<semaphore_mem>> -> memref<!tpu.dma_semaphore, #tpu.memory_space<semaphore_mem>>
    tpu.enqueue_indirect_dma source(%dma_start3A_861 : memref<1000000x80xf32, #tpu.memory_space<hbm>>) target(%dma_start3A_858 : memref<16x80xf32, #tpu.memory_space<vmem>>) offsets(%get3A_849 : vector<16xi32>) semaphore(%dma_start3A_863 : memref<!tpu.dma_semaphore, #tpu.memory_space<semaphore_mem>>)
    %get3A_864 = arith.constant 672 : index
    %get3A_865 = tpu.vector_load %arg5[%get3A_864] {strides = array<i32>} : memref<6400xi32, #tpu.memory_space<vmem>>, vector<16xi32>,
    %get3A_866 = vector.shape_cast %get3A_865 : vector<16xi32> to vector<16xi32>
    %dma_start3A_867 = arith.constant 0 : i32
    %dma_start3A_868 = arith.constant 0 : i32
    %dma_start3A_869 = arith.constant 0 : i32
    %dma_start3A_870 = arith.constant 0 : i32
    %dma_start3A_871 = tpu.memref_slice %arg6[%dma_start3A_867, %dma_start3A_869, %dma_start3A_870] : memref<5x128x80xf32, #tpu.memory_space<vmem>> -> memref<1x128x80xf32, #tpu.memory_space<vmem>>
    %dma_start3A_872 = tpu.memref_squeeze %dma_start3A_871 : memref<1x128x80xf32, #tpu.memory_space<vmem>> -> memref<128x80xf32, #tpu.memory_space<vmem>>
    %dma_start3A_873 = arith.constant 32 : i32
    %dma_start3A_874 = arith.constant 0 : i32
    %dma_start3A_875 = tpu.memref_slice %dma_start3A_872[%dma_start3A_873, %dma_start3A_874] : memref<128x80xf32, #tpu.memory_space<vmem>> -> memref<16x80xf32, #tpu.memory_space<vmem>>
    %dma_start3A_876 = arith.constant 0 : i32
    %dma_start3A_877 = arith.constant 0 : i32
    %dma_start3A_878 = tpu.memref_slice %arg3[%dma_start3A_876, %dma_start3A_877] : memref<1000000x80xf32, #tpu.memory_space<hbm>> -> memref<1000000x80xf32, #tpu.memory_space<hbm>>
    %dma_start3A_879 = tpu.memref_slice %arg7[%dma_start3A_868] : memref<5x!tpu.dma_semaphore, #tpu.memory_space<semaphore_mem>> -> memref<1x!tpu.dma_semaphore, #tpu.memory_space<semaphore_mem>>
    %dma_start3A_880 = tpu.memref_squeeze %dma_start3A_879 : memref<1x!tpu.dma_semaphore, #tpu.memory_space<semaphore_mem>> -> memref<!tpu.dma_semaphore, #tpu.memory_space<semaphore_mem>>
    tpu.enqueue_indirect_dma source(%dma_start3A_878 : memref<1000000x80xf32, #tpu.memory_space<hbm>>) target(%dma_start3A_875 : memref<16x80xf32, #tpu.memory_space<vmem>>) offsets(%get3A_866 : vector<16xi32>) semaphore(%dma_start3A_880 : memref<!tpu.dma_semaphore, #tpu.memory_space<semaphore_mem>>)
    %get3A_881 = arith.constant 688 : index
    %get3A_882 = tpu.vector_load %arg5[%get3A_881] {strides = array<i32>} : memref<6400xi32, #tpu.memory_space<vmem>>, vector<16xi32>,
    %get3A_883 = vector.shape_cast %get3A_882 : vector<16xi32> to vector<16xi32>
    %dma_start3A_884 = arith.constant 0 : i32
    %dma_start3A_885 = arith.constant 0 : i32
    %dma_start3A_886 = arith.constant 0 : i32
    %dma_start3A_887 = arith.constant 0 : i32
    %dma_start3A_888 = tpu.memref_slice %arg6[%dma_start3A_884, %dma_start3A_886, %dma_start3A_887] : memref<5x128x80xf32, #tpu.memory_space<vmem>> -> memref<1x128x80xf32, #tpu.memory_space<vmem>>
    %dma_start3A_889 = tpu.memref_squeeze %dma_start3A_888 : memref<1x128x80xf32, #tpu.memory_space<vmem>> -> memref<128x80xf32, #tpu.memory_space<vmem>>
    %dma_start3A_890 = arith.constant 48 : i32
    %dma_start3A_891 = arith.constant 0 : i32
    %dma_start3A_892 = tpu.memref_slice %dma_start3A_889[%dma_start3A_890, %dma_start3A_891] : memref<128x80xf32, #tpu.memory_space<vmem>> -> memref<16x80xf32, #tpu.memory_space<vmem>>
    %dma_start3A_893 = arith.constant 0 : i32
    %dma_start3A_894 = arith.constant 0 : i32
    %dma_start3A_895 = tpu.memref_slice %arg3[%dma_start3A_893, %dma_start3A_894] : memref<1000000x80xf32, #tpu.memory_space<hbm>> -> memref<1000000x80xf32, #tpu.memory_space<hbm>>
    %dma_start3A_896 = tpu.memref_slice %arg7[%dma_start3A_885] : memref<5x!tpu.dma_semaphore, #tpu.memory_space<semaphore_mem>> -> memref<1x!tpu.dma_semaphore, #tpu.memory_space<semaphore_mem>>
    %dma_start3A_897 = tpu.memref_squeeze %dma_start3A_896 : memref<1x!tpu.dma_semaphore, #tpu.memory_space<semaphore_mem>> -> memref<!tpu.dma_semaphore, #tpu.memory_space<semaphore_mem>>
    tpu.enqueue_indirect_dma source(%dma_start3A_895 : memref<1000000x80xf32, #tpu.memory_space<hbm>>) target(%dma_start3A_892 : memref<16x80xf32, #tpu.memory_space<vmem>>) offsets(%get3A_883 : vector<16xi32>) semaphore(%dma_start3A_897 : memref<!tpu.dma_semaphore, #tpu.memory_space<semaphore_mem>>)
    %get3A_898 = arith.constant 704 : index
    %get3A_899 = tpu.vector_load %arg5[%get3A_898] {strides = array<i32>} : memref<6400xi32, #tpu.memory_space<vmem>>, vector<16xi32>,
    %get3A_900 = vector.shape_cast %get3A_899 : vector<16xi32> to vector<16xi32>
    %dma_start3A_901 = arith.constant 0 : i32
    %dma_start3A_902 = arith.constant 0 : i32
    %dma_start3A_903 = arith.constant 0 : i32
    %dma_start3A_904 = arith.constant 0 : i32
    %dma_start3A_905 = tpu.memref_slice %arg6[%dma_start3A_901, %dma_start3A_903, %dma_start3A_904] : memref<5x128x80xf32, #tpu.memory_space<vmem>> -> memref<1x128x80xf32, #tpu.memory_space<vmem>>
    %dma_start3A_906 = tpu.memref_squeeze %dma_start3A_905 : memref<1x128x80xf32, #tpu.memory_space<vmem>> -> memref<128x80xf32, #tpu.memory_space<vmem>>
    %dma_start3A_907 = arith.constant 64 : i32
    %dma_start3A_908 = arith.constant 0 : i32
    %dma_start3A_909 = tpu.memref_slice %dma_start3A_906[%dma_start3A_907, %dma_start3A_908] : memref<128x80xf32, #tpu.memory_space<vmem>> -> memref<16x80xf32, #tpu.memory_space<vmem>>
    %dma_start3A_910 = arith.constant 0 : i32
    %dma_start3A_911 = arith.constant 0 : i32
    %dma_start3A_912 = tpu.memref_slice %arg3[%dma_start3A_910, %dma_start3A_911] : memref<1000000x80xf32, #tpu.memory_space<hbm>> -> memref<1000000x80xf32, #tpu.memory_space<hbm>>
    %dma_start3A_913 = tpu.memref_slice %arg7[%dma_start3A_902] : memref<5x!tpu.dma_semaphore, #tpu.memory_space<semaphore_mem>> -> memref<1x!tpu.dma_semaphore, #tpu.memory_space<semaphore_mem>>
    %dma_start3A_914 = tpu.memref_squeeze %dma_start3A_913 : memref<1x!tpu.dma_semaphore, #tpu.memory_space<semaphore_mem>> -> memref<!tpu.dma_semaphore, #tpu.memory_space<semaphore_mem>>
    tpu.enqueue_indirect_dma source(%dma_start3A_912 : memref<1000000x80xf32, #tpu.memory_space<hbm>>) target(%dma_start3A_909 : memref<16x80xf32, #tpu.memory_space<vmem>>) offsets(%get3A_900 : vector<16xi32>) semaphore(%dma_start3A_914 : memref<!tpu.dma_semaphore, #tpu.memory_space<semaphore_mem>>)
    %get3A_915 = arith.constant 720 : index
    %get3A_916 = tpu.vector_load %arg5[%get3A_915] {strides = array<i32>} : memref<6400xi32, #tpu.memory_space<vmem>>, vector<16xi32>,
    %get3A_917 = vector.shape_cast %get3A_916 : vector<16xi32> to vector<16xi32>
    %dma_start3A_918 = arith.constant 0 : i32
    %dma_start3A_919 = arith.constant 0 : i32
    %dma_start3A_920 = arith.constant 0 : i32
    %dma_start3A_921 = arith.constant 0 : i32
    %dma_start3A_922 = tpu.memref_slice %arg6[%dma_start3A_918, %dma_start3A_920, %dma_start3A_921] : memref<5x128x80xf32, #tpu.memory_space<vmem>> -> memref<1x128x80xf32, #tpu.memory_space<vmem>>
    %dma_start3A_923 = tpu.memref_squeeze %dma_start3A_922 : memref<1x128x80xf32, #tpu.memory_space<vmem>> -> memref<128x80xf32, #tpu.memory_space<vmem>>
    %dma_start3A_924 = arith.constant 80 : i32
    %dma_start3A_925 = arith.constant 0 : i32
    %dma_start3A_926 = tpu.memref_slice %dma_start3A_923[%dma_start3A_924, %dma_start3A_925] : memref<128x80xf32, #tpu.memory_space<vmem>> -> memref<16x80xf32, #tpu.memory_space<vmem>>
    %dma_start3A_927 = arith.constant 0 : i32
    %dma_start3A_928 = arith.constant 0 : i32
    %dma_start3A_929 = tpu.memref_slice %arg3[%dma_start3A_927, %dma_start3A_928] : memref<1000000x80xf32, #tpu.memory_space<hbm>> -> memref<1000000x80xf32, #tpu.memory_space<hbm>>
    %dma_start3A_930 = tpu.memref_slice %arg7[%dma_start3A_919] : memref<5x!tpu.dma_semaphore, #tpu.memory_space<semaphore_mem>> -> memref<1x!tpu.dma_semaphore, #tpu.memory_space<semaphore_mem>>
    %dma_start3A_931 = tpu.memref_squeeze %dma_start3A_930 : memref<1x!tpu.dma_semaphore, #tpu.memory_space<semaphore_mem>> -> memref<!tpu.dma_semaphore, #tpu.memory_space<semaphore_mem>>
    tpu.enqueue_indirect_dma source(%dma_start3A_929 : memref<1000000x80xf32, #tpu.memory_space<hbm>>) target(%dma_start3A_926 : memref<16x80xf32, #tpu.memory_space<vmem>>) offsets(%get3A_917 : vector<16xi32>) semaphore(%dma_start3A_931 : memref<!tpu.dma_semaphore, #tpu.memory_space<semaphore_mem>>)
    %get3A_932 = arith.constant 736 : index
    %get3A_933 = tpu.vector_load %arg5[%get3A_932] {strides = array<i32>} : memref<6400xi32, #tpu.memory_space<vmem>>, vector<16xi32>,
    %get3A_934 = vector.shape_cast %get3A_933 : vector<16xi32> to vector<16xi32>
    %dma_start3A_935 = arith.constant 0 : i32
    %dma_start3A_936 = arith.constant 0 : i32
    %dma_start3A_937 = arith.constant 0 : i32
    %dma_start3A_938 = arith.constant 0 : i32
    %dma_start3A_939 = tpu.memref_slice %arg6[%dma_start3A_935, %dma_start3A_937, %dma_start3A_938] : memref<5x128x80xf32, #tpu.memory_space<vmem>> -> memref<1x128x80xf32, #tpu.memory_space<vmem>>
    %dma_start3A_940 = tpu.memref_squeeze %dma_start3A_939 : memref<1x128x80xf32, #tpu.memory_space<vmem>> -> memref<128x80xf32, #tpu.memory_space<vmem>>
    %dma_start3A_941 = arith.constant 96 : i32
    %dma_start3A_942 = arith.constant 0 : i32
    %dma_start3A_943 = tpu.memref_slice %dma_start3A_940[%dma_start3A_941, %dma_start3A_942] : memref<128x80xf32, #tpu.memory_space<vmem>> -> memref<16x80xf32, #tpu.memory_space<vmem>>
    %dma_start3A_944 = arith.constant 0 : i32
    %dma_start3A_945 = arith.constant 0 : i32
    %dma_start3A_946 = tpu.memref_slice %arg3[%dma_start3A_944, %dma_start3A_945] : memref<1000000x80xf32, #tpu.memory_space<hbm>> -> memref<1000000x80xf32, #tpu.memory_space<hbm>>
    %dma_start3A_947 = tpu.memref_slice %arg7[%dma_start3A_936] : memref<5x!tpu.dma_semaphore, #tpu.memory_space<semaphore_mem>> -> memref<1x!tpu.dma_semaphore, #tpu.memory_space<semaphore_mem>>
    %dma_start3A_948 = tpu.memref_squeeze %dma_start3A_947 : memref<1x!tpu.dma_semaphore, #tpu.memory_space<semaphore_mem>> -> memref<!tpu.dma_semaphore, #tpu.memory_space<semaphore_mem>>
    tpu.enqueue_indirect_dma source(%dma_start3A_946 : memref<1000000x80xf32, #tpu.memory_space<hbm>>) target(%dma_start3A_943 : memref<16x80xf32, #tpu.memory_space<vmem>>) offsets(%get3A_934 : vector<16xi32>) semaphore(%dma_start3A_948 : memref<!tpu.dma_semaphore, #tpu.memory_space<semaphore_mem>>)
    %get3A_949 = arith.constant 752 : index
    %get3A_950 = tpu.vector_load %arg5[%get3A_949] {strides = array<i32>} : memref<6400xi32, #tpu.memory_space<vmem>>, vector<16xi32>,
    %get3A_951 = vector.shape_cast %get3A_950 : vector<16xi32> to vector<16xi32>
    %dma_start3A_952 = arith.constant 0 : i32
    %dma_start3A_953 = arith.constant 0 : i32
    %dma_start3A_954 = arith.constant 0 : i32
    %dma_start3A_955 = arith.constant 0 : i32
    %dma_start3A_956 = tpu.memref_slice %arg6[%dma_start3A_952, %dma_start3A_954, %dma_start3A_955] : memref<5x128x80xf32, #tpu.memory_space<vmem>> -> memref<1x128x80xf32, #tpu.memory_space<vmem>>
    %dma_start3A_957 = tpu.memref_squeeze %dma_start3A_956 : memref<1x128x80xf32, #tpu.memory_space<vmem>> -> memref<128x80xf32, #tpu.memory_space<vmem>>
    %dma_start3A_958 = arith.constant 112 : i32
    %dma_start3A_959 = arith.constant 0 : i32
    %dma_start3A_960 = tpu.memref_slice %dma_start3A_957[%dma_start3A_958, %dma_start3A_959] : memref<128x80xf32, #tpu.memory_space<vmem>> -> memref<16x80xf32, #tpu.memory_space<vmem>>
    %dma_start3A_961 = arith.constant 0 : i32
    %dma_start3A_962 = arith.constant 0 : i32
    %dma_start3A_963 = tpu.memref_slice %arg3[%dma_start3A_961, %dma_start3A_962] : memref<1000000x80xf32, #tpu.memory_space<hbm>> -> memref<1000000x80xf32, #tpu.memory_space<hbm>>
    %dma_start3A_964 = tpu.memref_slice %arg7[%dma_start3A_953] : memref<5x!tpu.dma_semaphore, #tpu.memory_space<semaphore_mem>> -> memref<1x!tpu.dma_semaphore, #tpu.memory_space<semaphore_mem>>
    %dma_start3A_965 = tpu.memref_squeeze %dma_start3A_964 : memref<1x!tpu.dma_semaphore, #tpu.memory_space<semaphore_mem>> -> memref<!tpu.dma_semaphore, #tpu.memory_space<semaphore_mem>>
    tpu.enqueue_indirect_dma source(%dma_start3A_963 : memref<1000000x80xf32, #tpu.memory_space<hbm>>) target(%dma_start3A_960 : memref<16x80xf32, #tpu.memory_space<vmem>>) offsets(%get3A_951 : vector<16xi32>) semaphore(%dma_start3A_965 : memref<!tpu.dma_semaphore, #tpu.memory_space<semaphore_mem>>)
    %dma_wait3A_966 = arith.constant 3 : i32
    %dma_wait3A_967 = arith.constant 3 : i32
    %dma_wait3A_968 = arith.constant 0 : i32
    %dma_wait3A_969 = arith.constant 0 : i32
    %dma_wait3A_970 = tpu.memref_slice %arg6[%dma_wait3A_966, %dma_wait3A_968, %dma_wait3A_969] : memref<5x128x80xf32, #tpu.memory_space<vmem>> -> memref<1x128x80xf32, #tpu.memory_space<vmem>>
    %dma_wait3A_971 = tpu.memref_squeeze %dma_wait3A_970 : memref<1x128x80xf32, #tpu.memory_space<vmem>> -> memref<128x80xf32, #tpu.memory_space<vmem>>
    %dma_wait3A_972 = arith.constant 0 : i32
    %dma_wait3A_973 = arith.constant 0 : i32
    %dma_wait3A_974 = tpu.memref_slice %arg3[%dma_wait3A_972, %dma_wait3A_973] : memref<1000000x80xf32, #tpu.memory_space<hbm>> -> memref<128x80xf32, #tpu.memory_space<hbm>>
    %dma_wait3A_975 = tpu.memref_slice %arg7[%dma_wait3A_967] : memref<5x!tpu.dma_semaphore, #tpu.memory_space<semaphore_mem>> -> memref<1x!tpu.dma_semaphore, #tpu.memory_space<semaphore_mem>>
    %dma_wait3A_976 = tpu.memref_squeeze %dma_wait3A_975 : memref<1x!tpu.dma_semaphore, #tpu.memory_space<semaphore_mem>> -> memref<!tpu.dma_semaphore, #tpu.memory_space<semaphore_mem>>
    %dma_wait3A_977 = arith.constant 0 : i32
    %dma_wait3A_978 = arith.constant 0 : i32
    %dma_wait3A_979 = tpu.memref_slice %arg6[%dma_wait3A_966, %dma_wait3A_977, %dma_wait3A_978] : memref<5x128x80xf32, #tpu.memory_space<vmem>> -> memref<1x128x80xf32, #tpu.memory_space<vmem>>
    %dma_wait3A_980 = tpu.memref_squeeze %dma_wait3A_979 : memref<1x128x80xf32, #tpu.memory_space<vmem>> -> memref<128x80xf32, #tpu.memory_space<vmem>>
    %dma_wait3A_981 = arith.constant 0 : i32
    %dma_wait3A_982 = arith.constant 0 : i32
    %dma_wait3A_983 = tpu.memref_slice %arg3[%dma_wait3A_981, %dma_wait3A_982] : memref<1000000x80xf32, #tpu.memory_space<hbm>> -> memref<128x80xf32, #tpu.memory_space<hbm>>
    tpu.wait_dma2 semaphore(%dma_wait3A_976 : memref<!tpu.dma_semaphore, #tpu.memory_space<semaphore_mem>>) src(%dma_wait3A_983 : memref<128x80xf32, #tpu.memory_space<hbm>>) dst(%dma_wait3A_980 : memref<128x80xf32, #tpu.memory_space<vmem>>)
    %add3A_984 = arith.constant 384 : i32
    %add3A_985 = arith.addi %mul3A_2, %add3A_984 : i32
    %dma_start3A_986 = arith.constant 3 : i32
    %dma_start3A_987 = arith.constant 3 : i32
    %dma_start3A_988 = arith.constant 0 : i32
    %dma_start3A_989 = arith.constant 0 : i32
    %dma_start3A_990 = tpu.memref_slice %arg6[%dma_start3A_986, %dma_start3A_988, %dma_start3A_989] : memref<5x128x80xf32, #tpu.memory_space<vmem>> -> memref<1x128x80xf32, #tpu.memory_space<vmem>>
    %dma_start3A_991 = tpu.memref_squeeze %dma_start3A_990 : memref<1x128x80xf32, #tpu.memory_space<vmem>> -> memref<128x80xf32, #tpu.memory_space<vmem>>
    %dma_start3A_992 = arith.constant 0 : i32
    %dma_start3A_993 = arith.constant 0 : i32
    %dma_start3A_994 = tpu.memref_slice %dma_start3A_991[%dma_start3A_992, %dma_start3A_993] : memref<128x80xf32, #tpu.memory_space<vmem>> -> memref<128x64xf32, #tpu.memory_space<vmem>>
    %dma_start3A_995 = arith.constant 0 : i32
    %dma_start3A_996 = tpu.memref_slice %arg4[%add3A_985, %dma_start3A_995] : memref<204800x64xf32, #tpu.memory_space<hbm>> -> memref<128x64xf32, #tpu.memory_space<hbm>>
    %dma_start3A_997 = tpu.memref_slice %arg8[%dma_start3A_987] : memref<5x!tpu.dma_semaphore, #tpu.memory_space<semaphore_mem>> -> memref<1x!tpu.dma_semaphore, #tpu.memory_space<semaphore_mem>>
    %dma_start3A_998 = tpu.memref_squeeze %dma_start3A_997 : memref<1x!tpu.dma_semaphore, #tpu.memory_space<semaphore_mem>> -> memref<!tpu.dma_semaphore, #tpu.memory_space<semaphore_mem>>
    %dma_start3A_999 = arith.constant 0 : i32
    %dma_start3A_1000 = tpu.memref_slice %arg4[%add3A_985, %dma_start3A_999] : memref<204800x64xf32, #tpu.memory_space<hbm>> -> memref<128x64xf32, #tpu.memory_space<hbm>>
    %dma_start3A_1001 = arith.constant 0 : i32
    %dma_start3A_1002 = arith.constant 0 : i32
    %dma_start3A_1003 = tpu.memref_slice %arg6[%dma_start3A_986, %dma_start3A_1001, %dma_start3A_1002] : memref<5x128x80xf32, #tpu.memory_space<vmem>> -> memref<1x128x80xf32, #tpu.memory_space<vmem>>
    %dma_start3A_1004 = tpu.memref_squeeze %dma_start3A_1003 : memref<1x128x80xf32, #tpu.memory_space<vmem>> -> memref<128x80xf32, #tpu.memory_space<vmem>>
    %dma_start3A_1005 = arith.constant 0 : i32
    %dma_start3A_1006 = arith.constant 0 : i32
    %dma_start3A_1007 = tpu.memref_slice %dma_start3A_1004[%dma_start3A_1005, %dma_start3A_1006] : memref<128x80xf32, #tpu.memory_space<vmem>> -> memref<128x64xf32, #tpu.memory_space<vmem>>
    tpu.enqueue_dma source(%dma_start3A_1007 : memref<128x64xf32, #tpu.memory_space<vmem>>) target(%dma_start3A_1000 : memref<128x64xf32, #tpu.memory_space<hbm>>) target_semaphore(%dma_start3A_998 : memref<!tpu.dma_semaphore, #tpu.memory_space<semaphore_mem>>)
    %add3A_1008 = arith.constant 128 : i32
    %add3A_1009 = arith.addi %mul3A_2, %add3A_1008 : i32
    %dma_wait3A_1010 = arith.constant 1 : i32
    %dma_wait3A_1011 = arith.constant 1 : i32
    %dma_wait3A_1012 = arith.constant 0 : i32
    %dma_wait3A_1013 = arith.constant 0 : i32
    %dma_wait3A_1014 = tpu.memref_slice %arg6[%dma_wait3A_1010, %dma_wait3A_1012, %dma_wait3A_1013] : memref<5x128x80xf32, #tpu.memory_space<vmem>> -> memref<1x128x80xf32, #tpu.memory_space<vmem>>
    %dma_wait3A_1015 = tpu.memref_squeeze %dma_wait3A_1014 : memref<1x128x80xf32, #tpu.memory_space<vmem>> -> memref<128x80xf32, #tpu.memory_space<vmem>>
    %dma_wait3A_1016 = arith.constant 0 : i32
    %dma_wait3A_1017 = arith.constant 0 : i32
    %dma_wait3A_1018 = tpu.memref_slice %dma_wait3A_1015[%dma_wait3A_1016, %dma_wait3A_1017] : memref<128x80xf32, #tpu.memory_space<vmem>> -> memref<128x64xf32, #tpu.memory_space<vmem>>
    %dma_wait3A_1019 = arith.constant 0 : i32
    %dma_wait3A_1020 = tpu.memref_slice %arg4[%add3A_1009, %dma_wait3A_1019] : memref<204800x64xf32, #tpu.memory_space<hbm>> -> memref<128x64xf32, #tpu.memory_space<hbm>>
    %dma_wait3A_1021 = tpu.memref_slice %arg8[%dma_wait3A_1011] : memref<5x!tpu.dma_semaphore, #tpu.memory_space<semaphore_mem>> -> memref<1x!tpu.dma_semaphore, #tpu.memory_space<semaphore_mem>>
    %dma_wait3A_1022 = tpu.memref_squeeze %dma_wait3A_1021 : memref<1x!tpu.dma_semaphore, #tpu.memory_space<semaphore_mem>> -> memref<!tpu.dma_semaphore, #tpu.memory_space<semaphore_mem>>
    %dma_wait3A_1023 = arith.constant 0 : i32
    %dma_wait3A_1024 = tpu.memref_slice %arg4[%add3A_1009, %dma_wait3A_1023] : memref<204800x64xf32, #tpu.memory_space<hbm>> -> memref<128x64xf32, #tpu.memory_space<hbm>>
    %dma_wait3A_1025 = arith.constant 0 : i32
    %dma_wait3A_1026 = arith.constant 0 : i32
    %dma_wait3A_1027 = tpu.memref_slice %arg6[%dma_wait3A_1010, %dma_wait3A_1025, %dma_wait3A_1026] : memref<5x128x80xf32, #tpu.memory_space<vmem>> -> memref<1x128x80xf32, #tpu.memory_space<vmem>>
    %dma_wait3A_1028 = tpu.memref_squeeze %dma_wait3A_1027 : memref<1x128x80xf32, #tpu.memory_space<vmem>> -> memref<128x80xf32, #tpu.memory_space<vmem>>
    %dma_wait3A_1029 = arith.constant 0 : i32
    %dma_wait3A_1030 = arith.constant 0 : i32
    %dma_wait3A_1031 = tpu.memref_slice %dma_wait3A_1028[%dma_wait3A_1029, %dma_wait3A_1030] : memref<128x80xf32, #tpu.memory_space<vmem>> -> memref<128x64xf32, #tpu.memory_space<vmem>>
    tpu.wait_dma2 semaphore(%dma_wait3A_1022 : memref<!tpu.dma_semaphore, #tpu.memory_space<semaphore_mem>>) src(%dma_wait3A_1031 : memref<128x64xf32, #tpu.memory_space<vmem>>) dst(%dma_wait3A_1024 : memref<128x64xf32, #tpu.memory_space<hbm>>)
    %get3A_1032 = arith.constant 768 : index
    %get3A_1033 = tpu.vector_load %arg5[%get3A_1032] {strides = array<i32>} : memref<6400xi32, #tpu.memory_space<vmem>>, vector<16xi32>,
    %get3A_1034 = vector.shape_cast %get3A_1033 : vector<16xi32> to vector<16xi32>
    %dma_start3A_1035 = arith.constant 1 : i32
    %dma_start3A_1036 = arith.constant 1 : i32
    %dma_start3A_1037 = arith.constant 0 : i32
    %dma_start3A_1038 = arith.constant 0 : i32
    %dma_start3A_1039 = tpu.memref_slice %arg6[%dma_start3A_1035, %dma_start3A_1037, %dma_start3A_1038] : memref<5x128x80xf32, #tpu.memory_space<vmem>> -> memref<1x128x80xf32, #tpu.memory_space<vmem>>
    %dma_start3A_1040 = tpu.memref_squeeze %dma_start3A_1039 : memref<1x128x80xf32, #tpu.memory_space<vmem>> -> memref<128x80xf32, #tpu.memory_space<vmem>>
    %dma_start3A_1041 = arith.constant 0 : i32
    %dma_start3A_1042 = arith.constant 0 : i32
    %dma_start3A_1043 = tpu.memref_slice %dma_start3A_1040[%dma_start3A_1041, %dma_start3A_1042] : memref<128x80xf32, #tpu.memory_space<vmem>> -> memref<16x80xf32, #tpu.memory_space<vmem>>
    %dma_start3A_1044 = arith.constant 0 : i32
    %dma_start3A_1045 = arith.constant 0 : i32
    %dma_start3A_1046 = tpu.memref_slice %arg3[%dma_start3A_1044, %dma_start3A_1045] : memref<1000000x80xf32, #tpu.memory_space<hbm>> -> memref<1000000x80xf32, #tpu.memory_space<hbm>>
    %dma_start3A_1047 = tpu.memref_slice %arg7[%dma_start3A_1036] : memref<5x!tpu.dma_semaphore, #tpu.memory_space<semaphore_mem>> -> memref<1x!tpu.dma_semaphore, #tpu.memory_space<semaphore_mem>>
    %dma_start3A_1048 = tpu.memref_squeeze %dma_start3A_1047 : memref<1x!tpu.dma_semaphore, #tpu.memory_space<semaphore_mem>> -> memref<!tpu.dma_semaphore, #tpu.memory_space<semaphore_mem>>
    tpu.enqueue_indirect_dma source(%dma_start3A_1046 : memref<1000000x80xf32, #tpu.memory_space<hbm>>) target(%dma_start3A_1043 : memref<16x80xf32, #tpu.memory_space<vmem>>) offsets(%get3A_1034 : vector<16xi32>) semaphore(%dma_start3A_1048 : memref<!tpu.dma_semaphore, #tpu.memory_space<semaphore_mem>>)
    %get3A_1049 = arith.constant 784 : index
    %get3A_1050 = tpu.vector_load %arg5[%get3A_1049] {strides = array<i32>} : memref<6400xi32, #tpu.memory_space<vmem>>, vector<16xi32>,
    %get3A_1051 = vector.shape_cast %get3A_1050 : vector<16xi32> to vector<16xi32>
    %dma_start3A_1052 = arith.constant 1 : i32
    %dma_start3A_1053 = arith.constant 1 : i32
    %dma_start3A_1054 = arith.constant 0 : i32
    %dma_start3A_1055 = arith.constant 0 : i32
    %dma_start3A_1056 = tpu.memref_slice %arg6[%dma_start3A_1052, %dma_start3A_1054, %dma_start3A_1055] : memref<5x128x80xf32, #tpu.memory_space<vmem>> -> memref<1x128x80xf32, #tpu.memory_space<vmem>>
    %dma_start3A_1057 = tpu.memref_squeeze %dma_start3A_1056 : memref<1x128x80xf32, #tpu.memory_space<vmem>> -> memref<128x80xf32, #tpu.memory_space<vmem>>
    %dma_start3A_1058 = arith.constant 16 : i32
    %dma_start3A_1059 = arith.constant 0 : i32
    %dma_start3A_1060 = tpu.memref_slice %dma_start3A_1057[%dma_start3A_1058, %dma_start3A_1059] : memref<128x80xf32, #tpu.memory_space<vmem>> -> memref<16x80xf32, #tpu.memory_space<vmem>>
    %dma_start3A_1061 = arith.constant 0 : i32
    %dma_start3A_1062 = arith.constant 0 : i32
    %dma_start3A_1063 = tpu.memref_slice %arg3[%dma_start3A_1061, %dma_start3A_1062] : memref<1000000x80xf32, #tpu.memory_space<hbm>> -> memref<1000000x80xf32, #tpu.memory_space<hbm>>
    %dma_start3A_1064 = tpu.memref_slice %arg7[%dma_start3A_1053] : memref<5x!tpu.dma_semaphore, #tpu.memory_space<semaphore_mem>> -> memref<1x!tpu.dma_semaphore, #tpu.memory_space<semaphore_mem>>
    %dma_start3A_1065 = tpu.memref_squeeze %dma_start3A_1064 : memref<1x!tpu.dma_semaphore, #tpu.memory_space<semaphore_mem>> -> memref<!tpu.dma_semaphore, #tpu.memory_space<semaphore_mem>>
    tpu.enqueue_indirect_dma source(%dma_start3A_1063 : memref<1000000x80xf32, #tpu.memory_space<hbm>>) target(%dma_start3A_1060 : memref<16x80xf32, #tpu.memory_space<vmem>>) offsets(%get3A_1051 : vector<16xi32>) semaphore(%dma_start3A_1065 : memref<!tpu.dma_semaphore, #tpu.memory_space<semaphore_mem>>)
    %get3A_1066 = arith.constant 800 : index
    %get3A_1067 = tpu.vector_load %arg5[%get3A_1066] {strides = array<i32>} : memref<6400xi32, #tpu.memory_space<vmem>>, vector<16xi32>,
    %get3A_1068 = vector.shape_cast %get3A_1067 : vector<16xi32> to vector<16xi32>
    %dma_start3A_1069 = arith.constant 1 : i32
    %dma_start3A_1070 = arith.constant 1 : i32
    %dma_start3A_1071 = arith.constant 0 : i32
    %dma_start3A_1072 = arith.constant 0 : i32
    %dma_start3A_1073 = tpu.memref_slice %arg6[%dma_start3A_1069, %dma_start3A_1071, %dma_start3A_1072] : memref<5x128x80xf32, #tpu.memory_space<vmem>> -> memref<1x128x80xf32, #tpu.memory_space<vmem>>
    %dma_start3A_1074 = tpu.memref_squeeze %dma_start3A_1073 : memref<1x128x80xf32, #tpu.memory_space<vmem>> -> memref<128x80xf32, #tpu.memory_space<vmem>>
    %dma_start3A_1075 = arith.constant 32 : i32
    %dma_start3A_1076 = arith.constant 0 : i32
    %dma_start3A_1077 = tpu.memref_slice %dma_start3A_1074[%dma_start3A_1075, %dma_start3A_1076] : memref<128x80xf32, #tpu.memory_space<vmem>> -> memref<16x80xf32, #tpu.memory_space<vmem>>
    %dma_start3A_1078 = arith.constant 0 : i32
    %dma_start3A_1079 = arith.constant 0 : i32
    %dma_start3A_1080 = tpu.memref_slice %arg3[%dma_start3A_1078, %dma_start3A_1079] : memref<1000000x80xf32, #tpu.memory_space<hbm>> -> memref<1000000x80xf32, #tpu.memory_space<hbm>>
    %dma_start3A_1081 = tpu.memref_slice %arg7[%dma_start3A_1070] : memref<5x!tpu.dma_semaphore, #tpu.memory_space<semaphore_mem>> -> memref<1x!tpu.dma_semaphore, #tpu.memory_space<semaphore_mem>>
    %dma_start3A_1082 = tpu.memref_squeeze %dma_start3A_1081 : memref<1x!tpu.dma_semaphore, #tpu.memory_space<semaphore_mem>> -> memref<!tpu.dma_semaphore, #tpu.memory_space<semaphore_mem>>
    tpu.enqueue_indirect_dma source(%dma_start3A_1080 : memref<1000000x80xf32, #tpu.memory_space<hbm>>) target(%dma_start3A_1077 : memref<16x80xf32, #tpu.memory_space<vmem>>) offsets(%get3A_1068 : vector<16xi32>) semaphore(%dma_start3A_1082 : memref<!tpu.dma_semaphore, #tpu.memory_space<semaphore_mem>>)
    %get3A_1083 = arith.constant 816 : index
    %get3A_1084 = tpu.vector_load %arg5[%get3A_1083] {strides = array<i32>} : memref<6400xi32, #tpu.memory_space<vmem>>, vector<16xi32>,
    %get3A_1085 = vector.shape_cast %get3A_1084 : vector<16xi32> to vector<16xi32>
    %dma_start3A_1086 = arith.constant 1 : i32
    %dma_start3A_1087 = arith.constant 1 : i32
    %dma_start3A_1088 = arith.constant 0 : i32
    %dma_start3A_1089 = arith.constant 0 : i32
    %dma_start3A_1090 = tpu.memref_slice %arg6[%dma_start3A_1086, %dma_start3A_1088, %dma_start3A_1089] : memref<5x128x80xf32, #tpu.memory_space<vmem>> -> memref<1x128x80xf32, #tpu.memory_space<vmem>>
    %dma_start3A_1091 = tpu.memref_squeeze %dma_start3A_1090 : memref<1x128x80xf32, #tpu.memory_space<vmem>> -> memref<128x80xf32, #tpu.memory_space<vmem>>
    %dma_start3A_1092 = arith.constant 48 : i32
    %dma_start3A_1093 = arith.constant 0 : i32
    %dma_start3A_1094 = tpu.memref_slice %dma_start3A_1091[%dma_start3A_1092, %dma_start3A_1093] : memref<128x80xf32, #tpu.memory_space<vmem>> -> memref<16x80xf32, #tpu.memory_space<vmem>>
    %dma_start3A_1095 = arith.constant 0 : i32
    %dma_start3A_1096 = arith.constant 0 : i32
    %dma_start3A_1097 = tpu.memref_slice %arg3[%dma_start3A_1095, %dma_start3A_1096] : memref<1000000x80xf32, #tpu.memory_space<hbm>> -> memref<1000000x80xf32, #tpu.memory_space<hbm>>
    %dma_start3A_1098 = tpu.memref_slice %arg7[%dma_start3A_1087] : memref<5x!tpu.dma_semaphore, #tpu.memory_space<semaphore_mem>> -> memref<1x!tpu.dma_semaphore, #tpu.memory_space<semaphore_mem>>
    %dma_start3A_1099 = tpu.memref_squeeze %dma_start3A_1098 : memref<1x!tpu.dma_semaphore, #tpu.memory_space<semaphore_mem>> -> memref<!tpu.dma_semaphore, #tpu.memory_space<semaphore_mem>>
    tpu.enqueue_indirect_dma source(%dma_start3A_1097 : memref<1000000x80xf32, #tpu.memory_space<hbm>>) target(%dma_start3A_1094 : memref<16x80xf32, #tpu.memory_space<vmem>>) offsets(%get3A_1085 : vector<16xi32>) semaphore(%dma_start3A_1099 : memref<!tpu.dma_semaphore, #tpu.memory_space<semaphore_mem>>)
    %get3A_1100 = arith.constant 832 : index
    %get3A_1101 = tpu.vector_load %arg5[%get3A_1100] {strides = array<i32>} : memref<6400xi32, #tpu.memory_space<vmem>>, vector<16xi32>,
    %get3A_1102 = vector.shape_cast %get3A_1101 : vector<16xi32> to vector<16xi32>
    %dma_start3A_1103 = arith.constant 1 : i32
    %dma_start3A_1104 = arith.constant 1 : i32
    %dma_start3A_1105 = arith.constant 0 : i32
    %dma_start3A_1106 = arith.constant 0 : i32
    %dma_start3A_1107 = tpu.memref_slice %arg6[%dma_start3A_1103, %dma_start3A_1105, %dma_start3A_1106] : memref<5x128x80xf32, #tpu.memory_space<vmem>> -> memref<1x128x80xf32, #tpu.memory_space<vmem>>
    %dma_start3A_1108 = tpu.memref_squeeze %dma_start3A_1107 : memref<1x128x80xf32, #tpu.memory_space<vmem>> -> memref<128x80xf32, #tpu.memory_space<vmem>>
    %dma_start3A_1109 = arith.constant 64 : i32
    %dma_start3A_1110 = arith.constant 0 : i32
    %dma_start3A_1111 = tpu.memref_slice %dma_start3A_1108[%dma_start3A_1109, %dma_start3A_1110] : memref<128x80xf32, #tpu.memory_space<vmem>> -> memref<16x80xf32, #tpu.memory_space<vmem>>
    %dma_start3A_1112 = arith.constant 0 : i32
    %dma_start3A_1113 = arith.constant 0 : i32
    %dma_start3A_1114 = tpu.memref_slice %arg3[%dma_start3A_1112, %dma_start3A_1113] : memref<1000000x80xf32, #tpu.memory_space<hbm>> -> memref<1000000x80xf32, #tpu.memory_space<hbm>>
    %dma_start3A_1115 = tpu.memref_slice %arg7[%dma_start3A_1104] : memref<5x!tpu.dma_semaphore, #tpu.memory_space<semaphore_mem>> -> memref<1x!tpu.dma_semaphore, #tpu.memory_space<semaphore_mem>>
    %dma_start3A_1116 = tpu.memref_squeeze %dma_start3A_1115 : memref<1x!tpu.dma_semaphore, #tpu.memory_space<semaphore_mem>> -> memref<!tpu.dma_semaphore, #tpu.memory_space<semaphore_mem>>
    tpu.enqueue_indirect_dma source(%dma_start3A_1114 : memref<1000000x80xf32, #tpu.memory_space<hbm>>) target(%dma_start3A_1111 : memref<16x80xf32, #tpu.memory_space<vmem>>) offsets(%get3A_1102 : vector<16xi32>) semaphore(%dma_start3A_1116 : memref<!tpu.dma_semaphore, #tpu.memory_space<semaphore_mem>>)
    %get3A_1117 = arith.constant 848 : index
    %get3A_1118 = tpu.vector_load %arg5[%get3A_1117] {strides = array<i32>} : memref<6400xi32, #tpu.memory_space<vmem>>, vector<16xi32>,
    %get3A_1119 = vector.shape_cast %get3A_1118 : vector<16xi32> to vector<16xi32>
    %dma_start3A_1120 = arith.constant 1 : i32
    %dma_start3A_1121 = arith.constant 1 : i32
    %dma_start3A_1122 = arith.constant 0 : i32
    %dma_start3A_1123 = arith.constant 0 : i32
    %dma_start3A_1124 = tpu.memref_slice %arg6[%dma_start3A_1120, %dma_start3A_1122, %dma_start3A_1123] : memref<5x128x80xf32, #tpu.memory_space<vmem>> -> memref<1x128x80xf32, #tpu.memory_space<vmem>>
    %dma_start3A_1125 = tpu.memref_squeeze %dma_start3A_1124 : memref<1x128x80xf32, #tpu.memory_space<vmem>> -> memref<128x80xf32, #tpu.memory_space<vmem>>
    %dma_start3A_1126 = arith.constant 80 : i32
    %dma_start3A_1127 = arith.constant 0 : i32
    %dma_start3A_1128 = tpu.memref_slice %dma_start3A_1125[%dma_start3A_1126, %dma_start3A_1127] : memref<128x80xf32, #tpu.memory_space<vmem>> -> memref<16x80xf32, #tpu.memory_space<vmem>>
    %dma_start3A_1129 = arith.constant 0 : i32
    %dma_start3A_1130 = arith.constant 0 : i32
    %dma_start3A_1131 = tpu.memref_slice %arg3[%dma_start3A_1129, %dma_start3A_1130] : memref<1000000x80xf32, #tpu.memory_space<hbm>> -> memref<1000000x80xf32, #tpu.memory_space<hbm>>
    %dma_start3A_1132 = tpu.memref_slice %arg7[%dma_start3A_1121] : memref<5x!tpu.dma_semaphore, #tpu.memory_space<semaphore_mem>> -> memref<1x!tpu.dma_semaphore, #tpu.memory_space<semaphore_mem>>
    %dma_start3A_1133 = tpu.memref_squeeze %dma_start3A_1132 : memref<1x!tpu.dma_semaphore, #tpu.memory_space<semaphore_mem>> -> memref<!tpu.dma_semaphore, #tpu.memory_space<semaphore_mem>>
    tpu.enqueue_indirect_dma source(%dma_start3A_1131 : memref<1000000x80xf32, #tpu.memory_space<hbm>>) target(%dma_start3A_1128 : memref<16x80xf32, #tpu.memory_space<vmem>>) offsets(%get3A_1119 : vector<16xi32>) semaphore(%dma_start3A_1133 : memref<!tpu.dma_semaphore, #tpu.memory_space<semaphore_mem>>)
    %get3A_1134 = arith.constant 864 : index
    %get3A_1135 = tpu.vector_load %arg5[%get3A_1134] {strides = array<i32>} : memref<6400xi32, #tpu.memory_space<vmem>>, vector<16xi32>,
    %get3A_1136 = vector.shape_cast %get3A_1135 : vector<16xi32> to vector<16xi32>
    %dma_start3A_1137 = arith.constant 1 : i32
    %dma_start3A_1138 = arith.constant 1 : i32
    %dma_start3A_1139 = arith.constant 0 : i32
    %dma_start3A_1140 = arith.constant 0 : i32
    %dma_start3A_1141 = tpu.memref_slice %arg6[%dma_start3A_1137, %dma_start3A_1139, %dma_start3A_1140] : memref<5x128x80xf32, #tpu.memory_space<vmem>> -> memref<1x128x80xf32, #tpu.memory_space<vmem>>
    %dma_start3A_1142 = tpu.memref_squeeze %dma_start3A_1141 : memref<1x128x80xf32, #tpu.memory_space<vmem>> -> memref<128x80xf32, #tpu.memory_space<vmem>>
    %dma_start3A_1143 = arith.constant 96 : i32
    %dma_start3A_1144 = arith.constant 0 : i32
    %dma_start3A_1145 = tpu.memref_slice %dma_start3A_1142[%dma_start3A_1143, %dma_start3A_1144] : memref<128x80xf32, #tpu.memory_space<vmem>> -> memref<16x80xf32, #tpu.memory_space<vmem>>
    %dma_start3A_1146 = arith.constant 0 : i32
    %dma_start3A_1147 = arith.constant 0 : i32
    %dma_start3A_1148 = tpu.memref_slice %arg3[%dma_start3A_1146, %dma_start3A_1147] : memref<1000000x80xf32, #tpu.memory_space<hbm>> -> memref<1000000x80xf32, #tpu.memory_space<hbm>>
    %dma_start3A_1149 = tpu.memref_slice %arg7[%dma_start3A_1138] : memref<5x!tpu.dma_semaphore, #tpu.memory_space<semaphore_mem>> -> memref<1x!tpu.dma_semaphore, #tpu.memory_space<semaphore_mem>>
    %dma_start3A_1150 = tpu.memref_squeeze %dma_start3A_1149 : memref<1x!tpu.dma_semaphore, #tpu.memory_space<semaphore_mem>> -> memref<!tpu.dma_semaphore, #tpu.memory_space<semaphore_mem>>
    tpu.enqueue_indirect_dma source(%dma_start3A_1148 : memref<1000000x80xf32, #tpu.memory_space<hbm>>) target(%dma_start3A_1145 : memref<16x80xf32, #tpu.memory_space<vmem>>) offsets(%get3A_1136 : vector<16xi32>) semaphore(%dma_start3A_1150 : memref<!tpu.dma_semaphore, #tpu.memory_space<semaphore_mem>>)
    %get3A_1151 = arith.constant 880 : index
    %get3A_1152 = tpu.vector_load %arg5[%get3A_1151] {strides = array<i32>} : memref<6400xi32, #tpu.memory_space<vmem>>, vector<16xi32>,
    %get3A_1153 = vector.shape_cast %get3A_1152 : vector<16xi32> to vector<16xi32>
    %dma_start3A_1154 = arith.constant 1 : i32
    %dma_start3A_1155 = arith.constant 1 : i32
    %dma_start3A_1156 = arith.constant 0 : i32
    %dma_start3A_1157 = arith.constant 0 : i32
    %dma_start3A_1158 = tpu.memref_slice %arg6[%dma_start3A_1154, %dma_start3A_1156, %dma_start3A_1157] : memref<5x128x80xf32, #tpu.memory_space<vmem>> -> memref<1x128x80xf32, #tpu.memory_space<vmem>>
    %dma_start3A_1159 = tpu.memref_squeeze %dma_start3A_1158 : memref<1x128x80xf32, #tpu.memory_space<vmem>> -> memref<128x80xf32, #tpu.memory_space<vmem>>
    %dma_start3A_1160 = arith.constant 112 : i32
    %dma_start3A_1161 = arith.constant 0 : i32
    %dma_start3A_1162 = tpu.memref_slice %dma_start3A_1159[%dma_start3A_1160, %dma_start3A_1161] : memref<128x80xf32, #tpu.memory_space<vmem>> -> memref<16x80xf32, #tpu.memory_space<vmem>>
    %dma_start3A_1163 = arith.constant 0 : i32
    %dma_start3A_1164 = arith.constant 0 : i32
    %dma_start3A_1165 = tpu.memref_slice %arg3[%dma_start3A_1163, %dma_start3A_1164] : memref<1000000x80xf32, #tpu.memory_space<hbm>> -> memref<1000000x80xf32, #tpu.memory_space<hbm>>
    %dma_start3A_1166 = tpu.memref_slice %arg7[%dma_start3A_1155] : memref<5x!tpu.dma_semaphore, #tpu.memory_space<semaphore_mem>> -> memref<1x!tpu.dma_semaphore, #tpu.memory_space<semaphore_mem>>
    %dma_start3A_1167 = tpu.memref_squeeze %dma_start3A_1166 : memref<1x!tpu.dma_semaphore, #tpu.memory_space<semaphore_mem>> -> memref<!tpu.dma_semaphore, #tpu.memory_space<semaphore_mem>>
    tpu.enqueue_indirect_dma source(%dma_start3A_1165 : memref<1000000x80xf32, #tpu.memory_space<hbm>>) target(%dma_start3A_1162 : memref<16x80xf32, #tpu.memory_space<vmem>>) offsets(%get3A_1153 : vector<16xi32>) semaphore(%dma_start3A_1167 : memref<!tpu.dma_semaphore, #tpu.memory_space<semaphore_mem>>)
    %dma_wait3A_1168 = arith.constant 4 : i32
    %dma_wait3A_1169 = arith.constant 4 : i32
    %dma_wait3A_1170 = arith.constant 0 : i32
    %dma_wait3A_1171 = arith.constant 0 : i32
    %dma_wait3A_1172 = tpu.memref_slice %arg6[%dma_wait3A_1168, %dma_wait3A_1170, %dma_wait3A_1171] : memref<5x128x80xf32, #tpu.memory_space<vmem>> -> memref<1x128x80xf32, #tpu.memory_space<vmem>>
    %dma_wait3A_1173 = tpu.memref_squeeze %dma_wait3A_1172 : memref<1x128x80xf32, #tpu.memory_space<vmem>> -> memref<128x80xf32, #tpu.memory_space<vmem>>
    %dma_wait3A_1174 = arith.constant 0 : i32
    %dma_wait3A_1175 = arith.constant 0 : i32
    %dma_wait3A_1176 = tpu.memref_slice %arg3[%dma_wait3A_1174, %dma_wait3A_1175] : memref<1000000x80xf32, #tpu.memory_space<hbm>> -> memref<128x80xf32, #tpu.memory_space<hbm>>
    %dma_wait3A_1177 = tpu.memref_slice %arg7[%dma_wait3A_1169] : memref<5x!tpu.dma_semaphore, #tpu.memory_space<semaphore_mem>> -> memref<1x!tpu.dma_semaphore, #tpu.memory_space<semaphore_mem>>
    %dma_wait3A_1178 = tpu.memref_squeeze %dma_wait3A_1177 : memref<1x!tpu.dma_semaphore, #tpu.memory_space<semaphore_mem>> -> memref<!tpu.dma_semaphore, #tpu.memory_space<semaphore_mem>>
    %dma_wait3A_1179 = arith.constant 0 : i32
    %dma_wait3A_1180 = arith.constant 0 : i32
    %dma_wait3A_1181 = tpu.memref_slice %arg6[%dma_wait3A_1168, %dma_wait3A_1179, %dma_wait3A_1180] : memref<5x128x80xf32, #tpu.memory_space<vmem>> -> memref<1x128x80xf32, #tpu.memory_space<vmem>>
    %dma_wait3A_1182 = tpu.memref_squeeze %dma_wait3A_1181 : memref<1x128x80xf32, #tpu.memory_space<vmem>> -> memref<128x80xf32, #tpu.memory_space<vmem>>
    %dma_wait3A_1183 = arith.constant 0 : i32
    %dma_wait3A_1184 = arith.constant 0 : i32
    %dma_wait3A_1185 = tpu.memref_slice %arg3[%dma_wait3A_1183, %dma_wait3A_1184] : memref<1000000x80xf32, #tpu.memory_space<hbm>> -> memref<128x80xf32, #tpu.memory_space<hbm>>
    tpu.wait_dma2 semaphore(%dma_wait3A_1178 : memref<!tpu.dma_semaphore, #tpu.memory_space<semaphore_mem>>) src(%dma_wait3A_1185 : memref<128x80xf32, #tpu.memory_space<hbm>>) dst(%dma_wait3A_1182 : memref<128x80xf32, #tpu.memory_space<vmem>>)
    %add3A_1186 = arith.constant 512 : i32
    %add3A_1187 = arith.addi %mul3A_2, %add3A_1186 : i32
    %dma_start3A_1188 = arith.constant 4 : i32
    %dma_start3A_1189 = arith.constant 4 : i32
    %dma_start3A_1190 = arith.constant 0 : i32
    %dma_start3A_1191 = arith.constant 0 : i32
    %dma_start3A_1192 = tpu.memref_slice %arg6[%dma_start3A_1188, %dma_start3A_1190, %dma_start3A_1191] : memref<5x128x80xf32, #tpu.memory_space<vmem>> -> memref<1x128x80xf32, #tpu.memory_space<vmem>>
    %dma_start3A_1193 = tpu.memref_squeeze %dma_start3A_1192 : memref<1x128x80xf32, #tpu.memory_space<vmem>> -> memref<128x80xf32, #tpu.memory_space<vmem>>
    %dma_start3A_1194 = arith.constant 0 : i32
    %dma_start3A_1195 = arith.constant 0 : i32
    %dma_start3A_1196 = tpu.memref_slice %dma_start3A_1193[%dma_start3A_1194, %dma_start3A_1195] : memref<128x80xf32, #tpu.memory_space<vmem>> -> memref<128x64xf32, #tpu.memory_space<vmem>>
    %dma_start3A_1197 = arith.constant 0 : i32
    %dma_start3A_1198 = tpu.memref_slice %arg4[%add3A_1187, %dma_start3A_1197] : memref<204800x64xf32, #tpu.memory_space<hbm>> -> memref<128x64xf32, #tpu.memory_space<hbm>>
    %dma_start3A_1199 = tpu.memref_slice %arg8[%dma_start3A_1189] : memref<5x!tpu.dma_semaphore, #tpu.memory_space<semaphore_mem>> -> memref<1x!tpu.dma_semaphore, #tpu.memory_space<semaphore_mem>>
    %dma_start3A_1200 = tpu.memref_squeeze %dma_start3A_1199 : memref<1x!tpu.dma_semaphore, #tpu.memory_space<semaphore_mem>> -> memref<!tpu.dma_semaphore, #tpu.memory_space<semaphore_mem>>
    %dma_start3A_1201 = arith.constant 0 : i32
    %dma_start3A_1202 = tpu.memref_slice %arg4[%add3A_1187, %dma_start3A_1201] : memref<204800x64xf32, #tpu.memory_space<hbm>> -> memref<128x64xf32, #tpu.memory_space<hbm>>
    %dma_start3A_1203 = arith.constant 0 : i32
    %dma_start3A_1204 = arith.constant 0 : i32
    %dma_start3A_1205 = tpu.memref_slice %arg6[%dma_start3A_1188, %dma_start3A_1203, %dma_start3A_1204] : memref<5x128x80xf32, #tpu.memory_space<vmem>> -> memref<1x128x80xf32, #tpu.memory_space<vmem>>
    %dma_start3A_1206 = tpu.memref_squeeze %dma_start3A_1205 : memref<1x128x80xf32, #tpu.memory_space<vmem>> -> memref<128x80xf32, #tpu.memory_space<vmem>>
    %dma_start3A_1207 = arith.constant 0 : i32
    %dma_start3A_1208 = arith.constant 0 : i32
    %dma_start3A_1209 = tpu.memref_slice %dma_start3A_1206[%dma_start3A_1207, %dma_start3A_1208] : memref<128x80xf32, #tpu.memory_space<vmem>> -> memref<128x64xf32, #tpu.memory_space<vmem>>
    tpu.enqueue_dma source(%dma_start3A_1209 : memref<128x64xf32, #tpu.memory_space<vmem>>) target(%dma_start3A_1202 : memref<128x64xf32, #tpu.memory_space<hbm>>) target_semaphore(%dma_start3A_1200 : memref<!tpu.dma_semaphore, #tpu.memory_space<semaphore_mem>>)
    %add3A_1210 = arith.constant 256 : i32
    %add3A_1211 = arith.addi %mul3A_2, %add3A_1210 : i32
    %dma_wait3A_1212 = arith.constant 2 : i32
    %dma_wait3A_1213 = arith.constant 2 : i32
    %dma_wait3A_1214 = arith.constant 0 : i32
    %dma_wait3A_1215 = arith.constant 0 : i32
    %dma_wait3A_1216 = tpu.memref_slice %arg6[%dma_wait3A_1212, %dma_wait3A_1214, %dma_wait3A_1215] : memref<5x128x80xf32, #tpu.memory_space<vmem>> -> memref<1x128x80xf32, #tpu.memory_space<vmem>>
    %dma_wait3A_1217 = tpu.memref_squeeze %dma_wait3A_1216 : memref<1x128x80xf32, #tpu.memory_space<vmem>> -> memref<128x80xf32, #tpu.memory_space<vmem>>
    %dma_wait3A_1218 = arith.constant 0 : i32
    %dma_wait3A_1219 = arith.constant 0 : i32
    %dma_wait3A_1220 = tpu.memref_slice %dma_wait3A_1217[%dma_wait3A_1218, %dma_wait3A_1219] : memref<128x80xf32, #tpu.memory_space<vmem>> -> memref<128x64xf32, #tpu.memory_space<vmem>>
    %dma_wait3A_1221 = arith.constant 0 : i32
    %dma_wait3A_1222 = tpu.memref_slice %arg4[%add3A_1211, %dma_wait3A_1221] : memref<204800x64xf32, #tpu.memory_space<hbm>> -> memref<128x64xf32, #tpu.memory_space<hbm>>
    %dma_wait3A_1223 = tpu.memref_slice %arg8[%dma_wait3A_1213] : memref<5x!tpu.dma_semaphore, #tpu.memory_space<semaphore_mem>> -> memref<1x!tpu.dma_semaphore, #tpu.memory_space<semaphore_mem>>
    %dma_wait3A_1224 = tpu.memref_squeeze %dma_wait3A_1223 : memref<1x!tpu.dma_semaphore, #tpu.memory_space<semaphore_mem>> -> memref<!tpu.dma_semaphore, #tpu.memory_space<semaphore_mem>>
    %dma_wait3A_1225 = arith.constant 0 : i32
    %dma_wait3A_1226 = tpu.memref_slice %arg4[%add3A_1211, %dma_wait3A_1225] : memref<204800x64xf32, #tpu.memory_space<hbm>> -> memref<128x64xf32, #tpu.memory_space<hbm>>
    %dma_wait3A_1227 = arith.constant 0 : i32
    %dma_wait3A_1228 = arith.constant 0 : i32
    %dma_wait3A_1229 = tpu.memref_slice %arg6[%dma_wait3A_1212, %dma_wait3A_1227, %dma_wait3A_1228] : memref<5x128x80xf32, #tpu.memory_space<vmem>> -> memref<1x128x80xf32, #tpu.memory_space<vmem>>
    %dma_wait3A_1230 = tpu.memref_squeeze %dma_wait3A_1229 : memref<1x128x80xf32, #tpu.memory_space<vmem>> -> memref<128x80xf32, #tpu.memory_space<vmem>>
    %dma_wait3A_1231 = arith.constant 0 : i32
    %dma_wait3A_1232 = arith.constant 0 : i32
    %dma_wait3A_1233 = tpu.memref_slice %dma_wait3A_1230[%dma_wait3A_1231, %dma_wait3A_1232] : memref<128x80xf32, #tpu.memory_space<vmem>> -> memref<128x64xf32, #tpu.memory_space<vmem>>
    tpu.wait_dma2 semaphore(%dma_wait3A_1224 : memref<!tpu.dma_semaphore, #tpu.memory_space<semaphore_mem>>) src(%dma_wait3A_1233 : memref<128x64xf32, #tpu.memory_space<vmem>>) dst(%dma_wait3A_1226 : memref<128x64xf32, #tpu.memory_space<hbm>>)
    %get3A_1234 = arith.constant 896 : index
    %get3A_1235 = tpu.vector_load %arg5[%get3A_1234] {strides = array<i32>} : memref<6400xi32, #tpu.memory_space<vmem>>, vector<16xi32>,
    %get3A_1236 = vector.shape_cast %get3A_1235 : vector<16xi32> to vector<16xi32>
    %dma_start3A_1237 = arith.constant 2 : i32
    %dma_start3A_1238 = arith.constant 2 : i32
    %dma_start3A_1239 = arith.constant 0 : i32
    %dma_start3A_1240 = arith.constant 0 : i32
    %dma_start3A_1241 = tpu.memref_slice %arg6[%dma_start3A_1237, %dma_start3A_1239, %dma_start3A_1240] : memref<5x128x80xf32, #tpu.memory_space<vmem>> -> memref<1x128x80xf32, #tpu.memory_space<vmem>>
    %dma_start3A_1242 = tpu.memref_squeeze %dma_start3A_1241 : memref<1x128x80xf32, #tpu.memory_space<vmem>> -> memref<128x80xf32, #tpu.memory_space<vmem>>
    %dma_start3A_1243 = arith.constant 0 : i32
    %dma_start3A_1244 = arith.constant 0 : i32
    %dma_start3A_1245 = tpu.memref_slice %dma_start3A_1242[%dma_start3A_1243, %dma_start3A_1244] : memref<128x80xf32, #tpu.memory_space<vmem>> -> memref<16x80xf32, #tpu.memory_space<vmem>>
    %dma_start3A_1246 = arith.constant 0 : i32
    %dma_start3A_1247 = arith.constant 0 : i32
    %dma_start3A_1248 = tpu.memref_slice %arg3[%dma_start3A_1246, %dma_start3A_1247] : memref<1000000x80xf32, #tpu.memory_space<hbm>> -> memref<1000000x80xf32, #tpu.memory_space<hbm>>
    %dma_start3A_1249 = tpu.memref_slice %arg7[%dma_start3A_1238] : memref<5x!tpu.dma_semaphore, #tpu.memory_space<semaphore_mem>> -> memref<1x!tpu.dma_semaphore, #tpu.memory_space<semaphore_mem>>
    %dma_start3A_1250 = tpu.memref_squeeze %dma_start3A_1249 : memref<1x!tpu.dma_semaphore, #tpu.memory_space<semaphore_mem>> -> memref<!tpu.dma_semaphore, #tpu.memory_space<semaphore_mem>>
    tpu.enqueue_indirect_dma source(%dma_start3A_1248 : memref<1000000x80xf32, #tpu.memory_space<hbm>>) target(%dma_start3A_1245 : memref<16x80xf32, #tpu.memory_space<vmem>>) offsets(%get3A_1236 : vector<16xi32>) semaphore(%dma_start3A_1250 : memref<!tpu.dma_semaphore, #tpu.memory_space<semaphore_mem>>)
    %get3A_1251 = arith.constant 912 : index
    %get3A_1252 = tpu.vector_load %arg5[%get3A_1251] {strides = array<i32>} : memref<6400xi32, #tpu.memory_space<vmem>>, vector<16xi32>,
    %get3A_1253 = vector.shape_cast %get3A_1252 : vector<16xi32> to vector<16xi32>
    %dma_start3A_1254 = arith.constant 2 : i32
    %dma_start3A_1255 = arith.constant 2 : i32
    %dma_start3A_1256 = arith.constant 0 : i32
    %dma_start3A_1257 = arith.constant 0 : i32
    %dma_start3A_1258 = tpu.memref_slice %arg6[%dma_start3A_1254, %dma_start3A_1256, %dma_start3A_1257] : memref<5x128x80xf32, #tpu.memory_space<vmem>> -> memref<1x128x80xf32, #tpu.memory_space<vmem>>
    %dma_start3A_1259 = tpu.memref_squeeze %dma_start3A_1258 : memref<1x128x80xf32, #tpu.memory_space<vmem>> -> memref<128x80xf32, #tpu.memory_space<vmem>>
    %dma_start3A_1260 = arith.constant 16 : i32
    %dma_start3A_1261 = arith.constant 0 : i32
    %dma_start3A_1262 = tpu.memref_slice %dma_start3A_1259[%dma_start3A_1260, %dma_start3A_1261] : memref<128x80xf32, #tpu.memory_space<vmem>> -> memref<16x80xf32, #tpu.memory_space<vmem>>
    %dma_start3A_1263 = arith.constant 0 : i32
    %dma_start3A_1264 = arith.constant 0 : i32
    %dma_start3A_1265 = tpu.memref_slice %arg3[%dma_start3A_1263, %dma_start3A_1264] : memref<1000000x80xf32, #tpu.memory_space<hbm>> -> memref<1000000x80xf32, #tpu.memory_space<hbm>>
    %dma_start3A_1266 = tpu.memref_slice %arg7[%dma_start3A_1255] : memref<5x!tpu.dma_semaphore, #tpu.memory_space<semaphore_mem>> -> memref<1x!tpu.dma_semaphore, #tpu.memory_space<semaphore_mem>>
    %dma_start3A_1267 = tpu.memref_squeeze %dma_start3A_1266 : memref<1x!tpu.dma_semaphore, #tpu.memory_space<semaphore_mem>> -> memref<!tpu.dma_semaphore, #tpu.memory_space<semaphore_mem>>
    tpu.enqueue_indirect_dma source(%dma_start3A_1265 : memref<1000000x80xf32, #tpu.memory_space<hbm>>) target(%dma_start3A_1262 : memref<16x80xf32, #tpu.memory_space<vmem>>) offsets(%get3A_1253 : vector<16xi32>) semaphore(%dma_start3A_1267 : memref<!tpu.dma_semaphore, #tpu.memory_space<semaphore_mem>>)
    %get3A_1268 = arith.constant 928 : index
    %get3A_1269 = tpu.vector_load %arg5[%get3A_1268] {strides = array<i32>} : memref<6400xi32, #tpu.memory_space<vmem>>, vector<16xi32>,
    %get3A_1270 = vector.shape_cast %get3A_1269 : vector<16xi32> to vector<16xi32>
    %dma_start3A_1271 = arith.constant 2 : i32
    %dma_start3A_1272 = arith.constant 2 : i32
    %dma_start3A_1273 = arith.constant 0 : i32
    %dma_start3A_1274 = arith.constant 0 : i32
    %dma_start3A_1275 = tpu.memref_slice %arg6[%dma_start3A_1271, %dma_start3A_1273, %dma_start3A_1274] : memref<5x128x80xf32, #tpu.memory_space<vmem>> -> memref<1x128x80xf32, #tpu.memory_space<vmem>>
    %dma_start3A_1276 = tpu.memref_squeeze %dma_start3A_1275 : memref<1x128x80xf32, #tpu.memory_space<vmem>> -> memref<128x80xf32, #tpu.memory_space<vmem>>
    %dma_start3A_1277 = arith.constant 32 : i32
    %dma_start3A_1278 = arith.constant 0 : i32
    %dma_start3A_1279 = tpu.memref_slice %dma_start3A_1276[%dma_start3A_1277, %dma_start3A_1278] : memref<128x80xf32, #tpu.memory_space<vmem>> -> memref<16x80xf32, #tpu.memory_space<vmem>>
    %dma_start3A_1280 = arith.constant 0 : i32
    %dma_start3A_1281 = arith.constant 0 : i32
    %dma_start3A_1282 = tpu.memref_slice %arg3[%dma_start3A_1280, %dma_start3A_1281] : memref<1000000x80xf32, #tpu.memory_space<hbm>> -> memref<1000000x80xf32, #tpu.memory_space<hbm>>
    %dma_start3A_1283 = tpu.memref_slice %arg7[%dma_start3A_1272] : memref<5x!tpu.dma_semaphore, #tpu.memory_space<semaphore_mem>> -> memref<1x!tpu.dma_semaphore, #tpu.memory_space<semaphore_mem>>
    %dma_start3A_1284 = tpu.memref_squeeze %dma_start3A_1283 : memref<1x!tpu.dma_semaphore, #tpu.memory_space<semaphore_mem>> -> memref<!tpu.dma_semaphore, #tpu.memory_space<semaphore_mem>>
    tpu.enqueue_indirect_dma source(%dma_start3A_1282 : memref<1000000x80xf32, #tpu.memory_space<hbm>>) target(%dma_start3A_1279 : memref<16x80xf32, #tpu.memory_space<vmem>>) offsets(%get3A_1270 : vector<16xi32>) semaphore(%dma_start3A_1284 : memref<!tpu.dma_semaphore, #tpu.memory_space<semaphore_mem>>)
    %get3A_1285 = arith.constant 944 : index
    %get3A_1286 = tpu.vector_load %arg5[%get3A_1285] {strides = array<i32>} : memref<6400xi32, #tpu.memory_space<vmem>>, vector<16xi32>,
    %get3A_1287 = vector.shape_cast %get3A_1286 : vector<16xi32> to vector<16xi32>
    %dma_start3A_1288 = arith.constant 2 : i32
    %dma_start3A_1289 = arith.constant 2 : i32
    %dma_start3A_1290 = arith.constant 0 : i32
    %dma_start3A_1291 = arith.constant 0 : i32
    %dma_start3A_1292 = tpu.memref_slice %arg6[%dma_start3A_1288, %dma_start3A_1290, %dma_start3A_1291] : memref<5x128x80xf32, #tpu.memory_space<vmem>> -> memref<1x128x80xf32, #tpu.memory_space<vmem>>
    %dma_start3A_1293 = tpu.memref_squeeze %dma_start3A_1292 : memref<1x128x80xf32, #tpu.memory_space<vmem>> -> memref<128x80xf32, #tpu.memory_space<vmem>>
    %dma_start3A_1294 = arith.constant 48 : i32
    %dma_start3A_1295 = arith.constant 0 : i32
    %dma_start3A_1296 = tpu.memref_slice %dma_start3A_1293[%dma_start3A_1294, %dma_start3A_1295] : memref<128x80xf32, #tpu.memory_space<vmem>> -> memref<16x80xf32, #tpu.memory_space<vmem>>
    %dma_start3A_1297 = arith.constant 0 : i32
    %dma_start3A_1298 = arith.constant 0 : i32
    %dma_start3A_1299 = tpu.memref_slice %arg3[%dma_start3A_1297, %dma_start3A_1298] : memref<1000000x80xf32, #tpu.memory_space<hbm>> -> memref<1000000x80xf32, #tpu.memory_space<hbm>>
    %dma_start3A_1300 = tpu.memref_slice %arg7[%dma_start3A_1289] : memref<5x!tpu.dma_semaphore, #tpu.memory_space<semaphore_mem>> -> memref<1x!tpu.dma_semaphore, #tpu.memory_space<semaphore_mem>>
    %dma_start3A_1301 = tpu.memref_squeeze %dma_start3A_1300 : memref<1x!tpu.dma_semaphore, #tpu.memory_space<semaphore_mem>> -> memref<!tpu.dma_semaphore, #tpu.memory_space<semaphore_mem>>
    tpu.enqueue_indirect_dma source(%dma_start3A_1299 : memref<1000000x80xf32, #tpu.memory_space<hbm>>) target(%dma_start3A_1296 : memref<16x80xf32, #tpu.memory_space<vmem>>) offsets(%get3A_1287 : vector<16xi32>) semaphore(%dma_start3A_1301 : memref<!tpu.dma_semaphore, #tpu.memory_space<semaphore_mem>>)
    %get3A_1302 = arith.constant 960 : index
    %get3A_1303 = tpu.vector_load %arg5[%get3A_1302] {strides = array<i32>} : memref<6400xi32, #tpu.memory_space<vmem>>, vector<16xi32>,
    %get3A_1304 = vector.shape_cast %get3A_1303 : vector<16xi32> to vector<16xi32>
    %dma_start3A_1305 = arith.constant 2 : i32
    %dma_start3A_1306 = arith.constant 2 : i32
    %dma_start3A_1307 = arith.constant 0 : i32
    %dma_start3A_1308 = arith.constant 0 : i32
    %dma_start3A_1309 = tpu.memref_slice %arg6[%dma_start3A_1305, %dma_start3A_1307, %dma_start3A_1308] : memref<5x128x80xf32, #tpu.memory_space<vmem>> -> memref<1x128x80xf32, #tpu.memory_space<vmem>>
    %dma_start3A_1310 = tpu.memref_squeeze %dma_start3A_1309 : memref<1x128x80xf32, #tpu.memory_space<vmem>> -> memref<128x80xf32, #tpu.memory_space<vmem>>
    %dma_start3A_1311 = arith.constant 64 : i32
    %dma_start3A_1312 = arith.constant 0 : i32
    %dma_start3A_1313 = tpu.memref_slice %dma_start3A_1310[%dma_start3A_1311, %dma_start3A_1312] : memref<128x80xf32, #tpu.memory_space<vmem>> -> memref<16x80xf32, #tpu.memory_space<vmem>>
    %dma_start3A_1314 = arith.constant 0 : i32
    %dma_start3A_1315 = arith.constant 0 : i32
    %dma_start3A_1316 = tpu.memref_slice %arg3[%dma_start3A_1314, %dma_start3A_1315] : memref<1000000x80xf32, #tpu.memory_space<hbm>> -> memref<1000000x80xf32, #tpu.memory_space<hbm>>
    %dma_start3A_1317 = tpu.memref_slice %arg7[%dma_start3A_1306] : memref<5x!tpu.dma_semaphore, #tpu.memory_space<semaphore_mem>> -> memref<1x!tpu.dma_semaphore, #tpu.memory_space<semaphore_mem>>
    %dma_start3A_1318 = tpu.memref_squeeze %dma_start3A_1317 : memref<1x!tpu.dma_semaphore, #tpu.memory_space<semaphore_mem>> -> memref<!tpu.dma_semaphore, #tpu.memory_space<semaphore_mem>>
    tpu.enqueue_indirect_dma source(%dma_start3A_1316 : memref<1000000x80xf32, #tpu.memory_space<hbm>>) target(%dma_start3A_1313 : memref<16x80xf32, #tpu.memory_space<vmem>>) offsets(%get3A_1304 : vector<16xi32>) semaphore(%dma_start3A_1318 : memref<!tpu.dma_semaphore, #tpu.memory_space<semaphore_mem>>)
    %get3A_1319 = arith.constant 976 : index
    %get3A_1320 = tpu.vector_load %arg5[%get3A_1319] {strides = array<i32>} : memref<6400xi32, #tpu.memory_space<vmem>>, vector<16xi32>,
    %get3A_1321 = vector.shape_cast %get3A_1320 : vector<16xi32> to vector<16xi32>
    %dma_start3A_1322 = arith.constant 2 : i32
    %dma_start3A_1323 = arith.constant 2 : i32
    %dma_start3A_1324 = arith.constant 0 : i32
    %dma_start3A_1325 = arith.constant 0 : i32
    %dma_start3A_1326 = tpu.memref_slice %arg6[%dma_start3A_1322, %dma_start3A_1324, %dma_start3A_1325] : memref<5x128x80xf32, #tpu.memory_space<vmem>> -> memref<1x128x80xf32, #tpu.memory_space<vmem>>
    %dma_start3A_1327 = tpu.memref_squeeze %dma_start3A_1326 : memref<1x128x80xf32, #tpu.memory_space<vmem>> -> memref<128x80xf32, #tpu.memory_space<vmem>>
    %dma_start3A_1328 = arith.constant 80 : i32
    %dma_start3A_1329 = arith.constant 0 : i32
    %dma_start3A_1330 = tpu.memref_slice %dma_start3A_1327[%dma_start3A_1328, %dma_start3A_1329] : memref<128x80xf32, #tpu.memory_space<vmem>> -> memref<16x80xf32, #tpu.memory_space<vmem>>
    %dma_start3A_1331 = arith.constant 0 : i32
    %dma_start3A_1332 = arith.constant 0 : i32
    %dma_start3A_1333 = tpu.memref_slice %arg3[%dma_start3A_1331, %dma_start3A_1332] : memref<1000000x80xf32, #tpu.memory_space<hbm>> -> memref<1000000x80xf32, #tpu.memory_space<hbm>>
    %dma_start3A_1334 = tpu.memref_slice %arg7[%dma_start3A_1323] : memref<5x!tpu.dma_semaphore, #tpu.memory_space<semaphore_mem>> -> memref<1x!tpu.dma_semaphore, #tpu.memory_space<semaphore_mem>>
    %dma_start3A_1335 = tpu.memref_squeeze %dma_start3A_1334 : memref<1x!tpu.dma_semaphore, #tpu.memory_space<semaphore_mem>> -> memref<!tpu.dma_semaphore, #tpu.memory_space<semaphore_mem>>
    tpu.enqueue_indirect_dma source(%dma_start3A_1333 : memref<1000000x80xf32, #tpu.memory_space<hbm>>) target(%dma_start3A_1330 : memref<16x80xf32, #tpu.memory_space<vmem>>) offsets(%get3A_1321 : vector<16xi32>) semaphore(%dma_start3A_1335 : memref<!tpu.dma_semaphore, #tpu.memory_space<semaphore_mem>>)
    %get3A_1336 = arith.constant 992 : index
    %get3A_1337 = tpu.vector_load %arg5[%get3A_1336] {strides = array<i32>} : memref<6400xi32, #tpu.memory_space<vmem>>, vector<16xi32>,
    %get3A_1338 = vector.shape_cast %get3A_1337 : vector<16xi32> to vector<16xi32>
    %dma_start3A_1339 = arith.constant 2 : i32
    %dma_start3A_1340 = arith.constant 2 : i32
    %dma_start3A_1341 = arith.constant 0 : i32
    %dma_start3A_1342 = arith.constant 0 : i32
    %dma_start3A_1343 = tpu.memref_slice %arg6[%dma_start3A_1339, %dma_start3A_1341, %dma_start3A_1342] : memref<5x128x80xf32, #tpu.memory_space<vmem>> -> memref<1x128x80xf32, #tpu.memory_space<vmem>>
    %dma_start3A_1344 = tpu.memref_squeeze %dma_start3A_1343 : memref<1x128x80xf32, #tpu.memory_space<vmem>> -> memref<128x80xf32, #tpu.memory_space<vmem>>
    %dma_start3A_1345 = arith.constant 96 : i32
    %dma_start3A_1346 = arith.constant 0 : i32
    %dma_start3A_1347 = tpu.memref_slice %dma_start3A_1344[%dma_start3A_1345, %dma_start3A_1346] : memref<128x80xf32, #tpu.memory_space<vmem>> -> memref<16x80xf32, #tpu.memory_space<vmem>>
    %dma_start3A_1348 = arith.constant 0 : i32
    %dma_start3A_1349 = arith.constant 0 : i32
    %dma_start3A_1350 = tpu.memref_slice %arg3[%dma_start3A_1348, %dma_start3A_1349] : memref<1000000x80xf32, #tpu.memory_space<hbm>> -> memref<1000000x80xf32, #tpu.memory_space<hbm>>
    %dma_start3A_1351 = tpu.memref_slice %arg7[%dma_start3A_1340] : memref<5x!tpu.dma_semaphore, #tpu.memory_space<semaphore_mem>> -> memref<1x!tpu.dma_semaphore, #tpu.memory_space<semaphore_mem>>
    %dma_start3A_1352 = tpu.memref_squeeze %dma_start3A_1351 : memref<1x!tpu.dma_semaphore, #tpu.memory_space<semaphore_mem>> -> memref<!tpu.dma_semaphore, #tpu.memory_space<semaphore_mem>>
    tpu.enqueue_indirect_dma source(%dma_start3A_1350 : memref<1000000x80xf32, #tpu.memory_space<hbm>>) target(%dma_start3A_1347 : memref<16x80xf32, #tpu.memory_space<vmem>>) offsets(%get3A_1338 : vector<16xi32>) semaphore(%dma_start3A_1352 : memref<!tpu.dma_semaphore, #tpu.memory_space<semaphore_mem>>)
    %get3A_1353 = arith.constant 1008 : index
    %get3A_1354 = tpu.vector_load %arg5[%get3A_1353] {strides = array<i32>} : memref<6400xi32, #tpu.memory_space<vmem>>, vector<16xi32>,
    %get3A_1355 = vector.shape_cast %get3A_1354 : vector<16xi32> to vector<16xi32>
    %dma_start3A_1356 = arith.constant 2 : i32
    %dma_start3A_1357 = arith.constant 2 : i32
    %dma_start3A_1358 = arith.constant 0 : i32
    %dma_start3A_1359 = arith.constant 0 : i32
    %dma_start3A_1360 = tpu.memref_slice %arg6[%dma_start3A_1356, %dma_start3A_1358, %dma_start3A_1359] : memref<5x128x80xf32, #tpu.memory_space<vmem>> -> memref<1x128x80xf32, #tpu.memory_space<vmem>>
    %dma_start3A_1361 = tpu.memref_squeeze %dma_start3A_1360 : memref<1x128x80xf32, #tpu.memory_space<vmem>> -> memref<128x80xf32, #tpu.memory_space<vmem>>
    %dma_start3A_1362 = arith.constant 112 : i32
    %dma_start3A_1363 = arith.constant 0 : i32
    %dma_start3A_1364 = tpu.memref_slice %dma_start3A_1361[%dma_start3A_1362, %dma_start3A_1363] : memref<128x80xf32, #tpu.memory_space<vmem>> -> memref<16x80xf32, #tpu.memory_space<vmem>>
    %dma_start3A_1365 = arith.constant 0 : i32
    %dma_start3A_1366 = arith.constant 0 : i32
    %dma_start3A_1367 = tpu.memref_slice %arg3[%dma_start3A_1365, %dma_start3A_1366] : memref<1000000x80xf32, #tpu.memory_space<hbm>> -> memref<1000000x80xf32, #tpu.memory_space<hbm>>
    %dma_start3A_1368 = tpu.memref_slice %arg7[%dma_start3A_1357] : memref<5x!tpu.dma_semaphore, #tpu.memory_space<semaphore_mem>> -> memref<1x!tpu.dma_semaphore, #tpu.memory_space<semaphore_mem>>
    %dma_start3A_1369 = tpu.memref_squeeze %dma_start3A_1368 : memref<1x!tpu.dma_semaphore, #tpu.memory_space<semaphore_mem>> -> memref<!tpu.dma_semaphore, #tpu.memory_space<semaphore_mem>>
    tpu.enqueue_indirect_dma source(%dma_start3A_1367 : memref<1000000x80xf32, #tpu.memory_space<hbm>>) target(%dma_start3A_1364 : memref<16x80xf32, #tpu.memory_space<vmem>>) offsets(%get3A_1355 : vector<16xi32>) semaphore(%dma_start3A_1369 : memref<!tpu.dma_semaphore, #tpu.memory_space<semaphore_mem>>)
    %scan3A = arith.constant 0 : i32
    %scan3A_1370 = arith.constant 1 : i32
    %scan3A_1371 = arith.constant 8 : i32
    %scan3A_1372 = arith.addi %scan3A_1370, %scan3A_1371 : i32
    %scan3A_1373 = arith.constant 1 : i32
    scf.for %scan3A_2025 = %scan3A_1370 to %scan3A_1372 step %scan3A_1373  : i32 {
      %mul3A_2026 = arith.constant 5 : i32
      %mul3A_2027 = arith.muli %scan3A_2025, %mul3A_2026 : i32
      %add3A_2028 = arith.constant 0 : i32
      %add3A_2029 = arith.addi %mul3A_2027, %add3A_2028 : i32
      %dma_wait3A_2030 = arith.constant 0 : i32
      %dma_wait3A_2031 = arith.constant 0 : i32
      %dma_wait3A_2032 = arith.constant 0 : i32
      %dma_wait3A_2033 = arith.constant 0 : i32
      %dma_wait3A_2034 = tpu.memref_slice %arg6[%dma_wait3A_2030, %dma_wait3A_2032, %dma_wait3A_2033] : memref<5x128x80xf32, #tpu.memory_space<vmem>> -> memref<1x128x80xf32, #tpu.memory_space<vmem>>
      %dma_wait3A_2035 = tpu.memref_squeeze %dma_wait3A_2034 : memref<1x128x80xf32, #tpu.memory_space<vmem>> -> memref<128x80xf32, #tpu.memory_space<vmem>>
      %dma_wait3A_2036 = arith.constant 0 : i32
      %dma_wait3A_2037 = arith.constant 0 : i32
      %dma_wait3A_2038 = tpu.memref_slice %arg3[%dma_wait3A_2036, %dma_wait3A_2037] : memref<1000000x80xf32, #tpu.memory_space<hbm>> -> memref<128x80xf32, #tpu.memory_space<hbm>>
      %dma_wait3A_2039 = tpu.memref_slice %arg7[%dma_wait3A_2031] : memref<5x!tpu.dma_semaphore, #tpu.memory_space<semaphore_mem>> -> memref<1x!tpu.dma_semaphore, #tpu.memory_space<semaphore_mem>>
      %dma_wait3A_2040 = tpu.memref_squeeze %dma_wait3A_2039 : memref<1x!tpu.dma_semaphore, #tpu.memory_space<semaphore_mem>> -> memref<!tpu.dma_semaphore, #tpu.memory_space<semaphore_mem>>
      %dma_wait3A_2041 = arith.constant 0 : i32
      %dma_wait3A_2042 = arith.constant 0 : i32
      %dma_wait3A_2043 = tpu.memref_slice %arg6[%dma_wait3A_2030, %dma_wait3A_2041, %dma_wait3A_2042] : memref<5x128x80xf32, #tpu.memory_space<vmem>> -> memref<1x128x80xf32, #tpu.memory_space<vmem>>
      %dma_wait3A_2044 = tpu.memref_squeeze %dma_wait3A_2043 : memref<1x128x80xf32, #tpu.memory_space<vmem>> -> memref<128x80xf32, #tpu.memory_space<vmem>>
      %dma_wait3A_2045 = arith.constant 0 : i32
      %dma_wait3A_2046 = arith.constant 0 : i32
      %dma_wait3A_2047 = tpu.memref_slice %arg3[%dma_wait3A_2045, %dma_wait3A_2046] : memref<1000000x80xf32, #tpu.memory_space<hbm>> -> memref<128x80xf32, #tpu.memory_space<hbm>>
      tpu.wait_dma2 semaphore(%dma_wait3A_2040 : memref<!tpu.dma_semaphore, #tpu.memory_space<semaphore_mem>>) src(%dma_wait3A_2047 : memref<128x80xf32, #tpu.memory_space<hbm>>) dst(%dma_wait3A_2044 : memref<128x80xf32, #tpu.memory_space<vmem>>)
      %mul3A_2048 = arith.constant 128 : i32
      %mul3A_2049 = arith.muli %add3A_2029, %mul3A_2048 : i32
      %add3A_2050 = arith.addi %mul3A_2, %mul3A_2049 : i32
      %dma_start3A_2051 = arith.constant 0 : i32
      %dma_start3A_2052 = arith.constant 0 : i32
      %dma_start3A_2053 = arith.constant 0 : i32
      %dma_start3A_2054 = arith.constant 0 : i32
      %dma_start3A_2055 = tpu.memref_slice %arg6[%dma_start3A_2051, %dma_start3A_2053, %dma_start3A_2054] : memref<5x128x80xf32, #tpu.memory_space<vmem>> -> memref<1x128x80xf32, #tpu.memory_space<vmem>>
      %dma_start3A_2056 = tpu.memref_squeeze %dma_start3A_2055 : memref<1x128x80xf32, #tpu.memory_space<vmem>> -> memref<128x80xf32, #tpu.memory_space<vmem>>
      %dma_start3A_2057 = arith.constant 0 : i32
      %dma_start3A_2058 = arith.constant 0 : i32
      %dma_start3A_2059 = tpu.memref_slice %dma_start3A_2056[%dma_start3A_2057, %dma_start3A_2058] : memref<128x80xf32, #tpu.memory_space<vmem>> -> memref<128x64xf32, #tpu.memory_space<vmem>>
      %dma_start3A_2060 = arith.constant 0 : i32
      %dma_start3A_2061 = tpu.memref_slice %arg4[%add3A_2050, %dma_start3A_2060] : memref<204800x64xf32, #tpu.memory_space<hbm>> -> memref<128x64xf32, #tpu.memory_space<hbm>>
      %dma_start3A_2062 = tpu.memref_slice %arg8[%dma_start3A_2052] : memref<5x!tpu.dma_semaphore, #tpu.memory_space<semaphore_mem>> -> memref<1x!tpu.dma_semaphore, #tpu.memory_space<semaphore_mem>>
      %dma_start3A_2063 = tpu.memref_squeeze %dma_start3A_2062 : memref<1x!tpu.dma_semaphore, #tpu.memory_space<semaphore_mem>> -> memref<!tpu.dma_semaphore, #tpu.memory_space<semaphore_mem>>
      %dma_start3A_2064 = arith.constant 0 : i32
      %dma_start3A_2065 = tpu.memref_slice %arg4[%add3A_2050, %dma_start3A_2064] : memref<204800x64xf32, #tpu.memory_space<hbm>> -> memref<128x64xf32, #tpu.memory_space<hbm>>
      %dma_start3A_2066 = arith.constant 0 : i32
      %dma_start3A_2067 = arith.constant 0 : i32
      %dma_start3A_2068 = tpu.memref_slice %arg6[%dma_start3A_2051, %dma_start3A_2066, %dma_start3A_2067] : memref<5x128x80xf32, #tpu.memory_space<vmem>> -> memref<1x128x80xf32, #tpu.memory_space<vmem>>
      %dma_start3A_2069 = tpu.memref_squeeze %dma_start3A_2068 : memref<1x128x80xf32, #tpu.memory_space<vmem>> -> memref<128x80xf32, #tpu.memory_space<vmem>>
      %dma_start3A_2070 = arith.constant 0 : i32
      %dma_start3A_2071 = arith.constant 0 : i32
      %dma_start3A_2072 = tpu.memref_slice %dma_start3A_2069[%dma_start3A_2070, %dma_start3A_2071] : memref<128x80xf32, #tpu.memory_space<vmem>> -> memref<128x64xf32, #tpu.memory_space<vmem>>
      tpu.enqueue_dma source(%dma_start3A_2072 : memref<128x64xf32, #tpu.memory_space<vmem>>) target(%dma_start3A_2065 : memref<128x64xf32, #tpu.memory_space<hbm>>) target_semaphore(%dma_start3A_2063 : memref<!tpu.dma_semaphore, #tpu.memory_space<semaphore_mem>>)
      %sub3A = arith.constant 2 : i32
      %sub3A_2073 = arith.subi %add3A_2029, %sub3A : i32
      %mul3A_2074 = arith.constant 128 : i32
      %mul3A_2075 = arith.muli %sub3A_2073, %mul3A_2074 : i32
      %add3A_2076 = arith.addi %mul3A_2, %mul3A_2075 : i32
      %dma_wait3A_2077 = arith.constant 3 : i32
      %dma_wait3A_2078 = arith.constant 3 : i32
      %dma_wait3A_2079 = arith.constant 0 : i32
      %dma_wait3A_2080 = arith.constant 0 : i32
      %dma_wait3A_2081 = tpu.memref_slice %arg6[%dma_wait3A_2077, %dma_wait3A_2079, %dma_wait3A_2080] : memref<5x128x80xf32, #tpu.memory_space<vmem>> -> memref<1x128x80xf32, #tpu.memory_space<vmem>>
      %dma_wait3A_2082 = tpu.memref_squeeze %dma_wait3A_2081 : memref<1x128x80xf32, #tpu.memory_space<vmem>> -> memref<128x80xf32, #tpu.memory_space<vmem>>
      %dma_wait3A_2083 = arith.constant 0 : i32
      %dma_wait3A_2084 = arith.constant 0 : i32
      %dma_wait3A_2085 = tpu.memref_slice %dma_wait3A_2082[%dma_wait3A_2083, %dma_wait3A_2084] : memref<128x80xf32, #tpu.memory_space<vmem>> -> memref<128x64xf32, #tpu.memory_space<vmem>>
      %dma_wait3A_2086 = arith.constant 0 : i32
      %dma_wait3A_2087 = tpu.memref_slice %arg4[%add3A_2076, %dma_wait3A_2086] : memref<204800x64xf32, #tpu.memory_space<hbm>> -> memref<128x64xf32, #tpu.memory_space<hbm>>
      %dma_wait3A_2088 = tpu.memref_slice %arg8[%dma_wait3A_2078] : memref<5x!tpu.dma_semaphore, #tpu.memory_space<semaphore_mem>> -> memref<1x!tpu.dma_semaphore, #tpu.memory_space<semaphore_mem>>
      %dma_wait3A_2089 = tpu.memref_squeeze %dma_wait3A_2088 : memref<1x!tpu.dma_semaphore, #tpu.memory_space<semaphore_mem>> -> memref<!tpu.dma_semaphore, #tpu.memory_space<semaphore_mem>>
      %dma_wait3A_2090 = arith.constant 0 : i32
      %dma_wait3A_2091 = tpu.memref_slice %arg4[%add3A_2076, %dma_wait3A_2090] : memref<204800x64xf32, #tpu.memory_space<hbm>> -> memref<128x64xf32, #tpu.memory_space<hbm>>
      %dma_wait3A_2092 = arith.constant 0 : i32
      %dma_wait3A_2093 = arith.constant 0 : i32
      %dma_wait3A_2094 = tpu.memref_slice %arg6[%dma_wait3A_2077, %dma_wait3A_2092, %dma_wait3A_2093] : memref<5x128x80xf32, #tpu.memory_space<vmem>> -> memref<1x128x80xf32, #tpu.memory_space<vmem>>
      %dma_wait3A_2095 = tpu.memref_squeeze %dma_wait3A_2094 : memref<1x128x80xf32, #tpu.memory_space<vmem>> -> memref<128x80xf32, #tpu.memory_space<vmem>>
      %dma_wait3A_2096 = arith.constant 0 : i32
      %dma_wait3A_2097 = arith.constant 0 : i32
      %dma_wait3A_2098 = tpu.memref_slice %dma_wait3A_2095[%dma_wait3A_2096, %dma_wait3A_2097] : memref<128x80xf32, #tpu.memory_space<vmem>> -> memref<128x64xf32, #tpu.memory_space<vmem>>
      tpu.wait_dma2 semaphore(%dma_wait3A_2089 : memref<!tpu.dma_semaphore, #tpu.memory_space<semaphore_mem>>) src(%dma_wait3A_2098 : memref<128x64xf32, #tpu.memory_space<vmem>>) dst(%dma_wait3A_2091 : memref<128x64xf32, #tpu.memory_space<hbm>>)
      %add3A_2099 = arith.constant 3 : i32
      %add3A_2100 = arith.addi %add3A_2029, %add3A_2099 : i32
      %mul3A_2101 = arith.constant 128 : i32
      %mul3A_2102 = arith.muli %add3A_2100, %mul3A_2101 : i32
      %add3A_2103 = arith.constant 0 : i32
      %add3A_2104 = arith.addi %mul3A_2102, %add3A_2103 : i32
      %get3A_2105 = arith.index_cast %add3A_2104 : i32 to index
      %get3A_2106 = tpu.vector_load %arg5[%get3A_2105] {strides = array<i32>} : memref<6400xi32, #tpu.memory_space<vmem>>, vector<16xi32>,
      %get3A_2107 = vector.shape_cast %get3A_2106 : vector<16xi32> to vector<16xi32>
      %dma_start3A_2108 = arith.constant 3 : i32
      %dma_start3A_2109 = arith.constant 3 : i32
      %dma_start3A_2110 = arith.constant 0 : i32
      %dma_start3A_2111 = arith.constant 0 : i32
      %dma_start3A_2112 = tpu.memref_slice %arg6[%dma_start3A_2108, %dma_start3A_2110, %dma_start3A_2111] : memref<5x128x80xf32, #tpu.memory_space<vmem>> -> memref<1x128x80xf32, #tpu.memory_space<vmem>>
      %dma_start3A_2113 = tpu.memref_squeeze %dma_start3A_2112 : memref<1x128x80xf32, #tpu.memory_space<vmem>> -> memref<128x80xf32, #tpu.memory_space<vmem>>
      %dma_start3A_2114 = arith.constant 0 : i32
      %dma_start3A_2115 = arith.constant 0 : i32
      %dma_start3A_2116 = tpu.memref_slice %dma_start3A_2113[%dma_start3A_2114, %dma_start3A_2115] : memref<128x80xf32, #tpu.memory_space<vmem>> -> memref<16x80xf32, #tpu.memory_space<vmem>>
      %dma_start3A_2117 = arith.constant 0 : i32
      %dma_start3A_2118 = arith.constant 0 : i32
      %dma_start3A_2119 = tpu.memref_slice %arg3[%dma_start3A_2117, %dma_start3A_2118] : memref<1000000x80xf32, #tpu.memory_space<hbm>> -> memref<1000000x80xf32, #tpu.memory_space<hbm>>
      %dma_start3A_2120 = tpu.memref_slice %arg7[%dma_start3A_2109] : memref<5x!tpu.dma_semaphore, #tpu.memory_space<semaphore_mem>> -> memref<1x!tpu.dma_semaphore, #tpu.memory_space<semaphore_mem>>
      %dma_start3A_2121 = tpu.memref_squeeze %dma_start3A_2120 : memref<1x!tpu.dma_semaphore, #tpu.memory_space<semaphore_mem>> -> memref<!tpu.dma_semaphore, #tpu.memory_space<semaphore_mem>>
      tpu.enqueue_indirect_dma source(%dma_start3A_2119 : memref<1000000x80xf32, #tpu.memory_space<hbm>>) target(%dma_start3A_2116 : memref<16x80xf32, #tpu.memory_space<vmem>>) offsets(%get3A_2107 : vector<16xi32>) semaphore(%dma_start3A_2121 : memref<!tpu.dma_semaphore, #tpu.memory_space<semaphore_mem>>)
      %mul3A_2122 = arith.constant 128 : i32
      %mul3A_2123 = arith.muli %add3A_2100, %mul3A_2122 : i32
      %add3A_2124 = arith.constant 16 : i32
      %add3A_2125 = arith.addi %mul3A_2123, %add3A_2124 : i32
      %get3A_2126 = arith.index_cast %add3A_2125 : i32 to index
      %get3A_2127 = tpu.vector_load %arg5[%get3A_2126] {strides = array<i32>} : memref<6400xi32, #tpu.memory_space<vmem>>, vector<16xi32>,
      %get3A_2128 = vector.shape_cast %get3A_2127 : vector<16xi32> to vector<16xi32>
      %dma_start3A_2129 = arith.constant 3 : i32
      %dma_start3A_2130 = arith.constant 3 : i32
      %dma_start3A_2131 = arith.constant 0 : i32
      %dma_start3A_2132 = arith.constant 0 : i32
      %dma_start3A_2133 = tpu.memref_slice %arg6[%dma_start3A_2129, %dma_start3A_2131, %dma_start3A_2132] : memref<5x128x80xf32, #tpu.memory_space<vmem>> -> memref<1x128x80xf32, #tpu.memory_space<vmem>>
      %dma_start3A_2134 = tpu.memref_squeeze %dma_start3A_2133 : memref<1x128x80xf32, #tpu.memory_space<vmem>> -> memref<128x80xf32, #tpu.memory_space<vmem>>
      %dma_start3A_2135 = arith.constant 16 : i32
      %dma_start3A_2136 = arith.constant 0 : i32
      %dma_start3A_2137 = tpu.memref_slice %dma_start3A_2134[%dma_start3A_2135, %dma_start3A_2136] : memref<128x80xf32, #tpu.memory_space<vmem>> -> memref<16x80xf32, #tpu.memory_space<vmem>>
      %dma_start3A_2138 = arith.constant 0 : i32
      %dma_start3A_2139 = arith.constant 0 : i32
      %dma_start3A_2140 = tpu.memref_slice %arg3[%dma_start3A_2138, %dma_start3A_2139] : memref<1000000x80xf32, #tpu.memory_space<hbm>> -> memref<1000000x80xf32, #tpu.memory_space<hbm>>
      %dma_start3A_2141 = tpu.memref_slice %arg7[%dma_start3A_2130] : memref<5x!tpu.dma_semaphore, #tpu.memory_space<semaphore_mem>> -> memref<1x!tpu.dma_semaphore, #tpu.memory_space<semaphore_mem>>
      %dma_start3A_2142 = tpu.memref_squeeze %dma_start3A_2141 : memref<1x!tpu.dma_semaphore, #tpu.memory_space<semaphore_mem>> -> memref<!tpu.dma_semaphore, #tpu.memory_space<semaphore_mem>>
      tpu.enqueue_indirect_dma source(%dma_start3A_2140 : memref<1000000x80xf32, #tpu.memory_space<hbm>>) target(%dma_start3A_2137 : memref<16x80xf32, #tpu.memory_space<vmem>>) offsets(%get3A_2128 : vector<16xi32>) semaphore(%dma_start3A_2142 : memref<!tpu.dma_semaphore, #tpu.memory_space<semaphore_mem>>)
      %mul3A_2143 = arith.constant 128 : i32
      %mul3A_2144 = arith.muli %add3A_2100, %mul3A_2143 : i32
      %add3A_2145 = arith.constant 32 : i32
      %add3A_2146 = arith.addi %mul3A_2144, %add3A_2145 : i32
      %get3A_2147 = arith.index_cast %add3A_2146 : i32 to index
      %get3A_2148 = tpu.vector_load %arg5[%get3A_2147] {strides = array<i32>} : memref<6400xi32, #tpu.memory_space<vmem>>, vector<16xi32>,
      %get3A_2149 = vector.shape_cast %get3A_2148 : vector<16xi32> to vector<16xi32>
      %dma_start3A_2150 = arith.constant 3 : i32
      %dma_start3A_2151 = arith.constant 3 : i32
      %dma_start3A_2152 = arith.constant 0 : i32
      %dma_start3A_2153 = arith.constant 0 : i32
      %dma_start3A_2154 = tpu.memref_slice %arg6[%dma_start3A_2150, %dma_start3A_2152, %dma_start3A_2153] : memref<5x128x80xf32, #tpu.memory_space<vmem>> -> memref<1x128x80xf32, #tpu.memory_space<vmem>>
      %dma_start3A_2155 = tpu.memref_squeeze %dma_start3A_2154 : memref<1x128x80xf32, #tpu.memory_space<vmem>> -> memref<128x80xf32, #tpu.memory_space<vmem>>
      %dma_start3A_2156 = arith.constant 32 : i32
      %dma_start3A_2157 = arith.constant 0 : i32
      %dma_start3A_2158 = tpu.memref_slice %dma_start3A_2155[%dma_start3A_2156, %dma_start3A_2157] : memref<128x80xf32, #tpu.memory_space<vmem>> -> memref<16x80xf32, #tpu.memory_space<vmem>>
      %dma_start3A_2159 = arith.constant 0 : i32
      %dma_start3A_2160 = arith.constant 0 : i32
      %dma_start3A_2161 = tpu.memref_slice %arg3[%dma_start3A_2159, %dma_start3A_2160] : memref<1000000x80xf32, #tpu.memory_space<hbm>> -> memref<1000000x80xf32, #tpu.memory_space<hbm>>
      %dma_start3A_2162 = tpu.memref_slice %arg7[%dma_start3A_2151] : memref<5x!tpu.dma_semaphore, #tpu.memory_space<semaphore_mem>> -> memref<1x!tpu.dma_semaphore, #tpu.memory_space<semaphore_mem>>
      %dma_start3A_2163 = tpu.memref_squeeze %dma_start3A_2162 : memref<1x!tpu.dma_semaphore, #tpu.memory_space<semaphore_mem>> -> memref<!tpu.dma_semaphore, #tpu.memory_space<semaphore_mem>>
      tpu.enqueue_indirect_dma source(%dma_start3A_2161 : memref<1000000x80xf32, #tpu.memory_space<hbm>>) target(%dma_start3A_2158 : memref<16x80xf32, #tpu.memory_space<vmem>>) offsets(%get3A_2149 : vector<16xi32>) semaphore(%dma_start3A_2163 : memref<!tpu.dma_semaphore, #tpu.memory_space<semaphore_mem>>)
      %mul3A_2164 = arith.constant 128 : i32
      %mul3A_2165 = arith.muli %add3A_2100, %mul3A_2164 : i32
      %add3A_2166 = arith.constant 48 : i32
      %add3A_2167 = arith.addi %mul3A_2165, %add3A_2166 : i32
      %get3A_2168 = arith.index_cast %add3A_2167 : i32 to index
      %get3A_2169 = tpu.vector_load %arg5[%get3A_2168] {strides = array<i32>} : memref<6400xi32, #tpu.memory_space<vmem>>, vector<16xi32>,
      %get3A_2170 = vector.shape_cast %get3A_2169 : vector<16xi32> to vector<16xi32>
      %dma_start3A_2171 = arith.constant 3 : i32
      %dma_start3A_2172 = arith.constant 3 : i32
      %dma_start3A_2173 = arith.constant 0 : i32
      %dma_start3A_2174 = arith.constant 0 : i32
      %dma_start3A_2175 = tpu.memref_slice %arg6[%dma_start3A_2171, %dma_start3A_2173, %dma_start3A_2174] : memref<5x128x80xf32, #tpu.memory_space<vmem>> -> memref<1x128x80xf32, #tpu.memory_space<vmem>>
      %dma_start3A_2176 = tpu.memref_squeeze %dma_start3A_2175 : memref<1x128x80xf32, #tpu.memory_space<vmem>> -> memref<128x80xf32, #tpu.memory_space<vmem>>
      %dma_start3A_2177 = arith.constant 48 : i32
      %dma_start3A_2178 = arith.constant 0 : i32
      %dma_start3A_2179 = tpu.memref_slice %dma_start3A_2176[%dma_start3A_2177, %dma_start3A_2178] : memref<128x80xf32, #tpu.memory_space<vmem>> -> memref<16x80xf32, #tpu.memory_space<vmem>>
      %dma_start3A_2180 = arith.constant 0 : i32
      %dma_start3A_2181 = arith.constant 0 : i32
      %dma_start3A_2182 = tpu.memref_slice %arg3[%dma_start3A_2180, %dma_start3A_2181] : memref<1000000x80xf32, #tpu.memory_space<hbm>> -> memref<1000000x80xf32, #tpu.memory_space<hbm>>
      %dma_start3A_2183 = tpu.memref_slice %arg7[%dma_start3A_2172] : memref<5x!tpu.dma_semaphore, #tpu.memory_space<semaphore_mem>> -> memref<1x!tpu.dma_semaphore, #tpu.memory_space<semaphore_mem>>
      %dma_start3A_2184 = tpu.memref_squeeze %dma_start3A_2183 : memref<1x!tpu.dma_semaphore, #tpu.memory_space<semaphore_mem>> -> memref<!tpu.dma_semaphore, #tpu.memory_space<semaphore_mem>>
      tpu.enqueue_indirect_dma source(%dma_start3A_2182 : memref<1000000x80xf32, #tpu.memory_space<hbm>>) target(%dma_start3A_2179 : memref<16x80xf32, #tpu.memory_space<vmem>>) offsets(%get3A_2170 : vector<16xi32>) semaphore(%dma_start3A_2184 : memref<!tpu.dma_semaphore, #tpu.memory_space<semaphore_mem>>)
      %mul3A_2185 = arith.constant 128 : i32
      %mul3A_2186 = arith.muli %add3A_2100, %mul3A_2185 : i32
      %add3A_2187 = arith.constant 64 : i32
      %add3A_2188 = arith.addi %mul3A_2186, %add3A_2187 : i32
      %get3A_2189 = arith.index_cast %add3A_2188 : i32 to index
      %get3A_2190 = tpu.vector_load %arg5[%get3A_2189] {strides = array<i32>} : memref<6400xi32, #tpu.memory_space<vmem>>, vector<16xi32>,
      %get3A_2191 = vector.shape_cast %get3A_2190 : vector<16xi32> to vector<16xi32>
      %dma_start3A_2192 = arith.constant 3 : i32
      %dma_start3A_2193 = arith.constant 3 : i32
      %dma_start3A_2194 = arith.constant 0 : i32
      %dma_start3A_2195 = arith.constant 0 : i32
      %dma_start3A_2196 = tpu.memref_slice %arg6[%dma_start3A_2192, %dma_start3A_2194, %dma_start3A_2195] : memref<5x128x80xf32, #tpu.memory_space<vmem>> -> memref<1x128x80xf32, #tpu.memory_space<vmem>>
      %dma_start3A_2197 = tpu.memref_squeeze %dma_start3A_2196 : memref<1x128x80xf32, #tpu.memory_space<vmem>> -> memref<128x80xf32, #tpu.memory_space<vmem>>
      %dma_start3A_2198 = arith.constant 64 : i32
      %dma_start3A_2199 = arith.constant 0 : i32
      %dma_start3A_2200 = tpu.memref_slice %dma_start3A_2197[%dma_start3A_2198, %dma_start3A_2199] : memref<128x80xf32, #tpu.memory_space<vmem>> -> memref<16x80xf32, #tpu.memory_space<vmem>>
      %dma_start3A_2201 = arith.constant 0 : i32
      %dma_start3A_2202 = arith.constant 0 : i32
      %dma_start3A_2203 = tpu.memref_slice %arg3[%dma_start3A_2201, %dma_start3A_2202] : memref<1000000x80xf32, #tpu.memory_space<hbm>> -> memref<1000000x80xf32, #tpu.memory_space<hbm>>
      %dma_start3A_2204 = tpu.memref_slice %arg7[%dma_start3A_2193] : memref<5x!tpu.dma_semaphore, #tpu.memory_space<semaphore_mem>> -> memref<1x!tpu.dma_semaphore, #tpu.memory_space<semaphore_mem>>
      %dma_start3A_2205 = tpu.memref_squeeze %dma_start3A_2204 : memref<1x!tpu.dma_semaphore, #tpu.memory_space<semaphore_mem>> -> memref<!tpu.dma_semaphore, #tpu.memory_space<semaphore_mem>>
      tpu.enqueue_indirect_dma source(%dma_start3A_2203 : memref<1000000x80xf32, #tpu.memory_space<hbm>>) target(%dma_start3A_2200 : memref<16x80xf32, #tpu.memory_space<vmem>>) offsets(%get3A_2191 : vector<16xi32>) semaphore(%dma_start3A_2205 : memref<!tpu.dma_semaphore, #tpu.memory_space<semaphore_mem>>)
      %mul3A_2206 = arith.constant 128 : i32
      %mul3A_2207 = arith.muli %add3A_2100, %mul3A_2206 : i32
      %add3A_2208 = arith.constant 80 : i32
      %add3A_2209 = arith.addi %mul3A_2207, %add3A_2208 : i32
      %get3A_2210 = arith.index_cast %add3A_2209 : i32 to index
      %get3A_2211 = tpu.vector_load %arg5[%get3A_2210] {strides = array<i32>} : memref<6400xi32, #tpu.memory_space<vmem>>, vector<16xi32>,
      %get3A_2212 = vector.shape_cast %get3A_2211 : vector<16xi32> to vector<16xi32>
      %dma_start3A_2213 = arith.constant 3 : i32
      %dma_start3A_2214 = arith.constant 3 : i32
      %dma_start3A_2215 = arith.constant 0 : i32
      %dma_start3A_2216 = arith.constant 0 : i32
      %dma_start3A_2217 = tpu.memref_slice %arg6[%dma_start3A_2213, %dma_start3A_2215, %dma_start3A_2216] : memref<5x128x80xf32, #tpu.memory_space<vmem>> -> memref<1x128x80xf32, #tpu.memory_space<vmem>>
      %dma_start3A_2218 = tpu.memref_squeeze %dma_start3A_2217 : memref<1x128x80xf32, #tpu.memory_space<vmem>> -> memref<128x80xf32, #tpu.memory_space<vmem>>
      %dma_start3A_2219 = arith.constant 80 : i32
      %dma_start3A_2220 = arith.constant 0 : i32
      %dma_start3A_2221 = tpu.memref_slice %dma_start3A_2218[%dma_start3A_2219, %dma_start3A_2220] : memref<128x80xf32, #tpu.memory_space<vmem>> -> memref<16x80xf32, #tpu.memory_space<vmem>>
      %dma_start3A_2222 = arith.constant 0 : i32
      %dma_start3A_2223 = arith.constant 0 : i32
      %dma_start3A_2224 = tpu.memref_slice %arg3[%dma_start3A_2222, %dma_start3A_2223] : memref<1000000x80xf32, #tpu.memory_space<hbm>> -> memref<1000000x80xf32, #tpu.memory_space<hbm>>
      %dma_start3A_2225 = tpu.memref_slice %arg7[%dma_start3A_2214] : memref<5x!tpu.dma_semaphore, #tpu.memory_space<semaphore_mem>> -> memref<1x!tpu.dma_semaphore, #tpu.memory_space<semaphore_mem>>
      %dma_start3A_2226 = tpu.memref_squeeze %dma_start3A_2225 : memref<1x!tpu.dma_semaphore, #tpu.memory_space<semaphore_mem>> -> memref<!tpu.dma_semaphore, #tpu.memory_space<semaphore_mem>>
      tpu.enqueue_indirect_dma source(%dma_start3A_2224 : memref<1000000x80xf32, #tpu.memory_space<hbm>>) target(%dma_start3A_2221 : memref<16x80xf32, #tpu.memory_space<vmem>>) offsets(%get3A_2212 : vector<16xi32>) semaphore(%dma_start3A_2226 : memref<!tpu.dma_semaphore, #tpu.memory_space<semaphore_mem>>)
      %mul3A_2227 = arith.constant 128 : i32
      %mul3A_2228 = arith.muli %add3A_2100, %mul3A_2227 : i32
      %add3A_2229 = arith.constant 96 : i32
      %add3A_2230 = arith.addi %mul3A_2228, %add3A_2229 : i32
      %get3A_2231 = arith.index_cast %add3A_2230 : i32 to index
      %get3A_2232 = tpu.vector_load %arg5[%get3A_2231] {strides = array<i32>} : memref<6400xi32, #tpu.memory_space<vmem>>, vector<16xi32>,
      %get3A_2233 = vector.shape_cast %get3A_2232 : vector<16xi32> to vector<16xi32>
      %dma_start3A_2234 = arith.constant 3 : i32
      %dma_start3A_2235 = arith.constant 3 : i32
      %dma_start3A_2236 = arith.constant 0 : i32
      %dma_start3A_2237 = arith.constant 0 : i32
      %dma_start3A_2238 = tpu.memref_slice %arg6[%dma_start3A_2234, %dma_start3A_2236, %dma_start3A_2237] : memref<5x128x80xf32, #tpu.memory_space<vmem>> -> memref<1x128x80xf32, #tpu.memory_space<vmem>>
      %dma_start3A_2239 = tpu.memref_squeeze %dma_start3A_2238 : memref<1x128x80xf32, #tpu.memory_space<vmem>> -> memref<128x80xf32, #tpu.memory_space<vmem>>
      %dma_start3A_2240 = arith.constant 96 : i32
      %dma_start3A_2241 = arith.constant 0 : i32
      %dma_start3A_2242 = tpu.memref_slice %dma_start3A_2239[%dma_start3A_2240, %dma_start3A_2241] : memref<128x80xf32, #tpu.memory_space<vmem>> -> memref<16x80xf32, #tpu.memory_space<vmem>>
      %dma_start3A_2243 = arith.constant 0 : i32
      %dma_start3A_2244 = arith.constant 0 : i32
      %dma_start3A_2245 = tpu.memref_slice %arg3[%dma_start3A_2243, %dma_start3A_2244] : memref<1000000x80xf32, #tpu.memory_space<hbm>> -> memref<1000000x80xf32, #tpu.memory_space<hbm>>
      %dma_start3A_2246 = tpu.memref_slice %arg7[%dma_start3A_2235] : memref<5x!tpu.dma_semaphore, #tpu.memory_space<semaphore_mem>> -> memref<1x!tpu.dma_semaphore, #tpu.memory_space<semaphore_mem>>
      %dma_start3A_2247 = tpu.memref_squeeze %dma_start3A_2246 : memref<1x!tpu.dma_semaphore, #tpu.memory_space<semaphore_mem>> -> memref<!tpu.dma_semaphore, #tpu.memory_space<semaphore_mem>>
      tpu.enqueue_indirect_dma source(%dma_start3A_2245 : memref<1000000x80xf32, #tpu.memory_space<hbm>>) target(%dma_start3A_2242 : memref<16x80xf32, #tpu.memory_space<vmem>>) offsets(%get3A_2233 : vector<16xi32>) semaphore(%dma_start3A_2247 : memref<!tpu.dma_semaphore, #tpu.memory_space<semaphore_mem>>)
      %mul3A_2248 = arith.constant 128 : i32
      %mul3A_2249 = arith.muli %add3A_2100, %mul3A_2248 : i32
      %add3A_2250 = arith.constant 112 : i32
      %add3A_2251 = arith.addi %mul3A_2249, %add3A_2250 : i32
      %get3A_2252 = arith.index_cast %add3A_2251 : i32 to index
      %get3A_2253 = tpu.vector_load %arg5[%get3A_2252] {strides = array<i32>} : memref<6400xi32, #tpu.memory_space<vmem>>, vector<16xi32>,
      %get3A_2254 = vector.shape_cast %get3A_2253 : vector<16xi32> to vector<16xi32>
      %dma_start3A_2255 = arith.constant 3 : i32
      %dma_start3A_2256 = arith.constant 3 : i32
      %dma_start3A_2257 = arith.constant 0 : i32
      %dma_start3A_2258 = arith.constant 0 : i32
      %dma_start3A_2259 = tpu.memref_slice %arg6[%dma_start3A_2255, %dma_start3A_2257, %dma_start3A_2258] : memref<5x128x80xf32, #tpu.memory_space<vmem>> -> memref<1x128x80xf32, #tpu.memory_space<vmem>>
      %dma_start3A_2260 = tpu.memref_squeeze %dma_start3A_2259 : memref<1x128x80xf32, #tpu.memory_space<vmem>> -> memref<128x80xf32, #tpu.memory_space<vmem>>
      %dma_start3A_2261 = arith.constant 112 : i32
      %dma_start3A_2262 = arith.constant 0 : i32
      %dma_start3A_2263 = tpu.memref_slice %dma_start3A_2260[%dma_start3A_2261, %dma_start3A_2262] : memref<128x80xf32, #tpu.memory_space<vmem>> -> memref<16x80xf32, #tpu.memory_space<vmem>>
      %dma_start3A_2264 = arith.constant 0 : i32
      %dma_start3A_2265 = arith.constant 0 : i32
      %dma_start3A_2266 = tpu.memref_slice %arg3[%dma_start3A_2264, %dma_start3A_2265] : memref<1000000x80xf32, #tpu.memory_space<hbm>> -> memref<1000000x80xf32, #tpu.memory_space<hbm>>
      %dma_start3A_2267 = tpu.memref_slice %arg7[%dma_start3A_2256] : memref<5x!tpu.dma_semaphore, #tpu.memory_space<semaphore_mem>> -> memref<1x!tpu.dma_semaphore, #tpu.memory_space<semaphore_mem>>
      %dma_start3A_2268 = tpu.memref_squeeze %dma_start3A_2267 : memref<1x!tpu.dma_semaphore, #tpu.memory_space<semaphore_mem>> -> memref<!tpu.dma_semaphore, #tpu.memory_space<semaphore_mem>>
      tpu.enqueue_indirect_dma source(%dma_start3A_2266 : memref<1000000x80xf32, #tpu.memory_space<hbm>>) target(%dma_start3A_2263 : memref<16x80xf32, #tpu.memory_space<vmem>>) offsets(%get3A_2254 : vector<16xi32>) semaphore(%dma_start3A_2268 : memref<!tpu.dma_semaphore, #tpu.memory_space<semaphore_mem>>)
      %mul3A_2269 = arith.constant 5 : i32
      %mul3A_2270 = arith.muli %scan3A_2025, %mul3A_2269 : i32
      %add3A_2271 = arith.constant 1 : i32
      %add3A_2272 = arith.addi %mul3A_2270, %add3A_2271 : i32
      %dma_wait3A_2273 = arith.constant 1 : i32
      %dma_wait3A_2274 = arith.constant 1 : i32
      %dma_wait3A_2275 = arith.constant 0 : i32
      %dma_wait3A_2276 = arith.constant 0 : i32
      %dma_wait3A_2277 = tpu.memref_slice %arg6[%dma_wait3A_2273, %dma_wait3A_2275, %dma_wait3A_2276] : memref<5x128x80xf32, #tpu.memory_space<vmem>> -> memref<1x128x80xf32, #tpu.memory_space<vmem>>
      %dma_wait3A_2278 = tpu.memref_squeeze %dma_wait3A_2277 : memref<1x128x80xf32, #tpu.memory_space<vmem>> -> memref<128x80xf32, #tpu.memory_space<vmem>>
      %dma_wait3A_2279 = arith.constant 0 : i32
      %dma_wait3A_2280 = arith.constant 0 : i32
      %dma_wait3A_2281 = tpu.memref_slice %arg3[%dma_wait3A_2279, %dma_wait3A_2280] : memref<1000000x80xf32, #tpu.memory_space<hbm>> -> memref<128x80xf32, #tpu.memory_space<hbm>>
      %dma_wait3A_2282 = tpu.memref_slice %arg7[%dma_wait3A_2274] : memref<5x!tpu.dma_semaphore, #tpu.memory_space<semaphore_mem>> -> memref<1x!tpu.dma_semaphore, #tpu.memory_space<semaphore_mem>>
      %dma_wait3A_2283 = tpu.memref_squeeze %dma_wait3A_2282 : memref<1x!tpu.dma_semaphore, #tpu.memory_space<semaphore_mem>> -> memref<!tpu.dma_semaphore, #tpu.memory_space<semaphore_mem>>
      %dma_wait3A_2284 = arith.constant 0 : i32
      %dma_wait3A_2285 = arith.constant 0 : i32
      %dma_wait3A_2286 = tpu.memref_slice %arg6[%dma_wait3A_2273, %dma_wait3A_2284, %dma_wait3A_2285] : memref<5x128x80xf32, #tpu.memory_space<vmem>> -> memref<1x128x80xf32, #tpu.memory_space<vmem>>
      %dma_wait3A_2287 = tpu.memref_squeeze %dma_wait3A_2286 : memref<1x128x80xf32, #tpu.memory_space<vmem>> -> memref<128x80xf32, #tpu.memory_space<vmem>>
      %dma_wait3A_2288 = arith.constant 0 : i32
      %dma_wait3A_2289 = arith.constant 0 : i32
      %dma_wait3A_2290 = tpu.memref_slice %arg3[%dma_wait3A_2288, %dma_wait3A_2289] : memref<1000000x80xf32, #tpu.memory_space<hbm>> -> memref<128x80xf32, #tpu.memory_space<hbm>>
      tpu.wait_dma2 semaphore(%dma_wait3A_2283 : memref<!tpu.dma_semaphore, #tpu.memory_space<semaphore_mem>>) src(%dma_wait3A_2290 : memref<128x80xf32, #tpu.memory_space<hbm>>) dst(%dma_wait3A_2287 : memref<128x80xf32, #tpu.memory_space<vmem>>)
      %mul3A_2291 = arith.constant 128 : i32
      %mul3A_2292 = arith.muli %add3A_2272, %mul3A_2291 : i32
      %add3A_2293 = arith.addi %mul3A_2, %mul3A_2292 : i32
      %dma_start3A_2294 = arith.constant 1 : i32
      %dma_start3A_2295 = arith.constant 1 : i32
      %dma_start3A_2296 = arith.constant 0 : i32
      %dma_start3A_2297 = arith.constant 0 : i32
      %dma_start3A_2298 = tpu.memref_slice %arg6[%dma_start3A_2294, %dma_start3A_2296, %dma_start3A_2297] : memref<5x128x80xf32, #tpu.memory_space<vmem>> -> memref<1x128x80xf32, #tpu.memory_space<vmem>>
      %dma_start3A_2299 = tpu.memref_squeeze %dma_start3A_2298 : memref<1x128x80xf32, #tpu.memory_space<vmem>> -> memref<128x80xf32, #tpu.memory_space<vmem>>
      %dma_start3A_2300 = arith.constant 0 : i32
      %dma_start3A_2301 = arith.constant 0 : i32
      %dma_start3A_2302 = tpu.memref_slice %dma_start3A_2299[%dma_start3A_2300, %dma_start3A_2301] : memref<128x80xf32, #tpu.memory_space<vmem>> -> memref<128x64xf32, #tpu.memory_space<vmem>>
      %dma_start3A_2303 = arith.constant 0 : i32
      %dma_start3A_2304 = tpu.memref_slice %arg4[%add3A_2293, %dma_start3A_2303] : memref<204800x64xf32, #tpu.memory_space<hbm>> -> memref<128x64xf32, #tpu.memory_space<hbm>>
      %dma_start3A_2305 = tpu.memref_slice %arg8[%dma_start3A_2295] : memref<5x!tpu.dma_semaphore, #tpu.memory_space<semaphore_mem>> -> memref<1x!tpu.dma_semaphore, #tpu.memory_space<semaphore_mem>>
      %dma_start3A_2306 = tpu.memref_squeeze %dma_start3A_2305 : memref<1x!tpu.dma_semaphore, #tpu.memory_space<semaphore_mem>> -> memref<!tpu.dma_semaphore, #tpu.memory_space<semaphore_mem>>
      %dma_start3A_2307 = arith.constant 0 : i32
      %dma_start3A_2308 = tpu.memref_slice %arg4[%add3A_2293, %dma_start3A_2307] : memref<204800x64xf32, #tpu.memory_space<hbm>> -> memref<128x64xf32, #tpu.memory_space<hbm>>
      %dma_start3A_2309 = arith.constant 0 : i32
      %dma_start3A_2310 = arith.constant 0 : i32
      %dma_start3A_2311 = tpu.memref_slice %arg6[%dma_start3A_2294, %dma_start3A_2309, %dma_start3A_2310] : memref<5x128x80xf32, #tpu.memory_space<vmem>> -> memref<1x128x80xf32, #tpu.memory_space<vmem>>
      %dma_start3A_2312 = tpu.memref_squeeze %dma_start3A_2311 : memref<1x128x80xf32, #tpu.memory_space<vmem>> -> memref<128x80xf32, #tpu.memory_space<vmem>>
      %dma_start3A_2313 = arith.constant 0 : i32
      %dma_start3A_2314 = arith.constant 0 : i32
      %dma_start3A_2315 = tpu.memref_slice %dma_start3A_2312[%dma_start3A_2313, %dma_start3A_2314] : memref<128x80xf32, #tpu.memory_space<vmem>> -> memref<128x64xf32, #tpu.memory_space<vmem>>
      tpu.enqueue_dma source(%dma_start3A_2315 : memref<128x64xf32, #tpu.memory_space<vmem>>) target(%dma_start3A_2308 : memref<128x64xf32, #tpu.memory_space<hbm>>) target_semaphore(%dma_start3A_2306 : memref<!tpu.dma_semaphore, #tpu.memory_space<semaphore_mem>>)
      %sub3A_2316 = arith.constant 2 : i32
      %sub3A_2317 = arith.subi %add3A_2272, %sub3A_2316 : i32
      %mul3A_2318 = arith.constant 128 : i32
      %mul3A_2319 = arith.muli %sub3A_2317, %mul3A_2318 : i32
      %add3A_2320 = arith.addi %mul3A_2, %mul3A_2319 : i32
      %dma_wait3A_2321 = arith.constant 4 : i32
      %dma_wait3A_2322 = arith.constant 4 : i32
      %dma_wait3A_2323 = arith.constant 0 : i32
      %dma_wait3A_2324 = arith.constant 0 : i32
      %dma_wait3A_2325 = tpu.memref_slice %arg6[%dma_wait3A_2321, %dma_wait3A_2323, %dma_wait3A_2324] : memref<5x128x80xf32, #tpu.memory_space<vmem>> -> memref<1x128x80xf32, #tpu.memory_space<vmem>>
      %dma_wait3A_2326 = tpu.memref_squeeze %dma_wait3A_2325 : memref<1x128x80xf32, #tpu.memory_space<vmem>> -> memref<128x80xf32, #tpu.memory_space<vmem>>
      %dma_wait3A_2327 = arith.constant 0 : i32
      %dma_wait3A_2328 = arith.constant 0 : i32
      %dma_wait3A_2329 = tpu.memref_slice %dma_wait3A_2326[%dma_wait3A_2327, %dma_wait3A_2328] : memref<128x80xf32, #tpu.memory_space<vmem>> -> memref<128x64xf32, #tpu.memory_space<vmem>>
      %dma_wait3A_2330 = arith.constant 0 : i32
      %dma_wait3A_2331 = tpu.memref_slice %arg4[%add3A_2320, %dma_wait3A_2330] : memref<204800x64xf32, #tpu.memory_space<hbm>> -> memref<128x64xf32, #tpu.memory_space<hbm>>
      %dma_wait3A_2332 = tpu.memref_slice %arg8[%dma_wait3A_2322] : memref<5x!tpu.dma_semaphore, #tpu.memory_space<semaphore_mem>> -> memref<1x!tpu.dma_semaphore, #tpu.memory_space<semaphore_mem>>
      %dma_wait3A_2333 = tpu.memref_squeeze %dma_wait3A_2332 : memref<1x!tpu.dma_semaphore, #tpu.memory_space<semaphore_mem>> -> memref<!tpu.dma_semaphore, #tpu.memory_space<semaphore_mem>>
      %dma_wait3A_2334 = arith.constant 0 : i32
      %dma_wait3A_2335 = tpu.memref_slice %arg4[%add3A_2320, %dma_wait3A_2334] : memref<204800x64xf32, #tpu.memory_space<hbm>> -> memref<128x64xf32, #tpu.memory_space<hbm>>
      %dma_wait3A_2336 = arith.constant 0 : i32
      %dma_wait3A_2337 = arith.constant 0 : i32
      %dma_wait3A_2338 = tpu.memref_slice %arg6[%dma_wait3A_2321, %dma_wait3A_2336, %dma_wait3A_2337] : memref<5x128x80xf32, #tpu.memory_space<vmem>> -> memref<1x128x80xf32, #tpu.memory_space<vmem>>
      %dma_wait3A_2339 = tpu.memref_squeeze %dma_wait3A_2338 : memref<1x128x80xf32, #tpu.memory_space<vmem>> -> memref<128x80xf32, #tpu.memory_space<vmem>>
      %dma_wait3A_2340 = arith.constant 0 : i32
      %dma_wait3A_2341 = arith.constant 0 : i32
      %dma_wait3A_2342 = tpu.memref_slice %dma_wait3A_2339[%dma_wait3A_2340, %dma_wait3A_2341] : memref<128x80xf32, #tpu.memory_space<vmem>> -> memref<128x64xf32, #tpu.memory_space<vmem>>
      tpu.wait_dma2 semaphore(%dma_wait3A_2333 : memref<!tpu.dma_semaphore, #tpu.memory_space<semaphore_mem>>) src(%dma_wait3A_2342 : memref<128x64xf32, #tpu.memory_space<vmem>>) dst(%dma_wait3A_2335 : memref<128x64xf32, #tpu.memory_space<hbm>>)
      %add3A_2343 = arith.constant 3 : i32
      %add3A_2344 = arith.addi %add3A_2272, %add3A_2343 : i32
      %mul3A_2345 = arith.constant 128 : i32
      %mul3A_2346 = arith.muli %add3A_2344, %mul3A_2345 : i32
      %add3A_2347 = arith.constant 0 : i32
      %add3A_2348 = arith.addi %mul3A_2346, %add3A_2347 : i32
      %get3A_2349 = arith.index_cast %add3A_2348 : i32 to index
      %get3A_2350 = tpu.vector_load %arg5[%get3A_2349] {strides = array<i32>} : memref<6400xi32, #tpu.memory_space<vmem>>, vector<16xi32>,
      %get3A_2351 = vector.shape_cast %get3A_2350 : vector<16xi32> to vector<16xi32>
      %dma_start3A_2352 = arith.constant 4 : i32
      %dma_start3A_2353 = arith.constant 4 : i32
      %dma_start3A_2354 = arith.constant 0 : i32
      %dma_start3A_2355 = arith.constant 0 : i32
      %dma_start3A_2356 = tpu.memref_slice %arg6[%dma_start3A_2352, %dma_start3A_2354, %dma_start3A_2355] : memref<5x128x80xf32, #tpu.memory_space<vmem>> -> memref<1x128x80xf32, #tpu.memory_space<vmem>>
      %dma_start3A_2357 = tpu.memref_squeeze %dma_start3A_2356 : memref<1x128x80xf32, #tpu.memory_space<vmem>> -> memref<128x80xf32, #tpu.memory_space<vmem>>
      %dma_start3A_2358 = arith.constant 0 : i32
      %dma_start3A_2359 = arith.constant 0 : i32
      %dma_start3A_2360 = tpu.memref_slice %dma_start3A_2357[%dma_start3A_2358, %dma_start3A_2359] : memref<128x80xf32, #tpu.memory_space<vmem>> -> memref<16x80xf32, #tpu.memory_space<vmem>>
      %dma_start3A_2361 = arith.constant 0 : i32
      %dma_start3A_2362 = arith.constant 0 : i32
      %dma_start3A_2363 = tpu.memref_slice %arg3[%dma_start3A_2361, %dma_start3A_2362] : memref<1000000x80xf32, #tpu.memory_space<hbm>> -> memref<1000000x80xf32, #tpu.memory_space<hbm>>
      %dma_start3A_2364 = tpu.memref_slice %arg7[%dma_start3A_2353] : memref<5x!tpu.dma_semaphore, #tpu.memory_space<semaphore_mem>> -> memref<1x!tpu.dma_semaphore, #tpu.memory_space<semaphore_mem>>
      %dma_start3A_2365 = tpu.memref_squeeze %dma_start3A_2364 : memref<1x!tpu.dma_semaphore, #tpu.memory_space<semaphore_mem>> -> memref<!tpu.dma_semaphore, #tpu.memory_space<semaphore_mem>>
      tpu.enqueue_indirect_dma source(%dma_start3A_2363 : memref<1000000x80xf32, #tpu.memory_space<hbm>>) target(%dma_start3A_2360 : memref<16x80xf32, #tpu.memory_space<vmem>>) offsets(%get3A_2351 : vector<16xi32>) semaphore(%dma_start3A_2365 : memref<!tpu.dma_semaphore, #tpu.memory_space<semaphore_mem>>)
      %mul3A_2366 = arith.constant 128 : i32
      %mul3A_2367 = arith.muli %add3A_2344, %mul3A_2366 : i32
      %add3A_2368 = arith.constant 16 : i32
      %add3A_2369 = arith.addi %mul3A_2367, %add3A_2368 : i32
      %get3A_2370 = arith.index_cast %add3A_2369 : i32 to index
      %get3A_2371 = tpu.vector_load %arg5[%get3A_2370] {strides = array<i32>} : memref<6400xi32, #tpu.memory_space<vmem>>, vector<16xi32>,
      %get3A_2372 = vector.shape_cast %get3A_2371 : vector<16xi32> to vector<16xi32>
      %dma_start3A_2373 = arith.constant 4 : i32
      %dma_start3A_2374 = arith.constant 4 : i32
      %dma_start3A_2375 = arith.constant 0 : i32
      %dma_start3A_2376 = arith.constant 0 : i32
      %dma_start3A_2377 = tpu.memref_slice %arg6[%dma_start3A_2373, %dma_start3A_2375, %dma_start3A_2376] : memref<5x128x80xf32, #tpu.memory_space<vmem>> -> memref<1x128x80xf32, #tpu.memory_space<vmem>>
      %dma_start3A_2378 = tpu.memref_squeeze %dma_start3A_2377 : memref<1x128x80xf32, #tpu.memory_space<vmem>> -> memref<128x80xf32, #tpu.memory_space<vmem>>
      %dma_start3A_2379 = arith.constant 16 : i32
      %dma_start3A_2380 = arith.constant 0 : i32
      %dma_start3A_2381 = tpu.memref_slice %dma_start3A_2378[%dma_start3A_2379, %dma_start3A_2380] : memref<128x80xf32, #tpu.memory_space<vmem>> -> memref<16x80xf32, #tpu.memory_space<vmem>>
      %dma_start3A_2382 = arith.constant 0 : i32
      %dma_start3A_2383 = arith.constant 0 : i32
      %dma_start3A_2384 = tpu.memref_slice %arg3[%dma_start3A_2382, %dma_start3A_2383] : memref<1000000x80xf32, #tpu.memory_space<hbm>> -> memref<1000000x80xf32, #tpu.memory_space<hbm>>
      %dma_start3A_2385 = tpu.memref_slice %arg7[%dma_start3A_2374] : memref<5x!tpu.dma_semaphore, #tpu.memory_space<semaphore_mem>> -> memref<1x!tpu.dma_semaphore, #tpu.memory_space<semaphore_mem>>
      %dma_start3A_2386 = tpu.memref_squeeze %dma_start3A_2385 : memref<1x!tpu.dma_semaphore, #tpu.memory_space<semaphore_mem>> -> memref<!tpu.dma_semaphore, #tpu.memory_space<semaphore_mem>>
      tpu.enqueue_indirect_dma source(%dma_start3A_2384 : memref<1000000x80xf32, #tpu.memory_space<hbm>>) target(%dma_start3A_2381 : memref<16x80xf32, #tpu.memory_space<vmem>>) offsets(%get3A_2372 : vector<16xi32>) semaphore(%dma_start3A_2386 : memref<!tpu.dma_semaphore, #tpu.memory_space<semaphore_mem>>)
      %mul3A_2387 = arith.constant 128 : i32
      %mul3A_2388 = arith.muli %add3A_2344, %mul3A_2387 : i32
      %add3A_2389 = arith.constant 32 : i32
      %add3A_2390 = arith.addi %mul3A_2388, %add3A_2389 : i32
      %get3A_2391 = arith.index_cast %add3A_2390 : i32 to index
      %get3A_2392 = tpu.vector_load %arg5[%get3A_2391] {strides = array<i32>} : memref<6400xi32, #tpu.memory_space<vmem>>, vector<16xi32>,
      %get3A_2393 = vector.shape_cast %get3A_2392 : vector<16xi32> to vector<16xi32>
      %dma_start3A_2394 = arith.constant 4 : i32
      %dma_start3A_2395 = arith.constant 4 : i32
      %dma_start3A_2396 = arith.constant 0 : i32
      %dma_start3A_2397 = arith.constant 0 : i32
      %dma_start3A_2398 = tpu.memref_slice %arg6[%dma_start3A_2394, %dma_start3A_2396, %dma_start3A_2397] : memref<5x128x80xf32, #tpu.memory_space<vmem>> -> memref<1x128x80xf32, #tpu.memory_space<vmem>>
      %dma_start3A_2399 = tpu.memref_squeeze %dma_start3A_2398 : memref<1x128x80xf32, #tpu.memory_space<vmem>> -> memref<128x80xf32, #tpu.memory_space<vmem>>
      %dma_start3A_2400 = arith.constant 32 : i32
      %dma_start3A_2401 = arith.constant 0 : i32
      %dma_start3A_2402 = tpu.memref_slice %dma_start3A_2399[%dma_start3A_2400, %dma_start3A_2401] : memref<128x80xf32, #tpu.memory_space<vmem>> -> memref<16x80xf32, #tpu.memory_space<vmem>>
      %dma_start3A_2403 = arith.constant 0 : i32
      %dma_start3A_2404 = arith.constant 0 : i32
      %dma_start3A_2405 = tpu.memref_slice %arg3[%dma_start3A_2403, %dma_start3A_2404] : memref<1000000x80xf32, #tpu.memory_space<hbm>> -> memref<1000000x80xf32, #tpu.memory_space<hbm>>
      %dma_start3A_2406 = tpu.memref_slice %arg7[%dma_start3A_2395] : memref<5x!tpu.dma_semaphore, #tpu.memory_space<semaphore_mem>> -> memref<1x!tpu.dma_semaphore, #tpu.memory_space<semaphore_mem>>
      %dma_start3A_2407 = tpu.memref_squeeze %dma_start3A_2406 : memref<1x!tpu.dma_semaphore, #tpu.memory_space<semaphore_mem>> -> memref<!tpu.dma_semaphore, #tpu.memory_space<semaphore_mem>>
      tpu.enqueue_indirect_dma source(%dma_start3A_2405 : memref<1000000x80xf32, #tpu.memory_space<hbm>>) target(%dma_start3A_2402 : memref<16x80xf32, #tpu.memory_space<vmem>>) offsets(%get3A_2393 : vector<16xi32>) semaphore(%dma_start3A_2407 : memref<!tpu.dma_semaphore, #tpu.memory_space<semaphore_mem>>)
      %mul3A_2408 = arith.constant 128 : i32
      %mul3A_2409 = arith.muli %add3A_2344, %mul3A_2408 : i32
      %add3A_2410 = arith.constant 48 : i32
      %add3A_2411 = arith.addi %mul3A_2409, %add3A_2410 : i32
      %get3A_2412 = arith.index_cast %add3A_2411 : i32 to index
      %get3A_2413 = tpu.vector_load %arg5[%get3A_2412] {strides = array<i32>} : memref<6400xi32, #tpu.memory_space<vmem>>, vector<16xi32>,
      %get3A_2414 = vector.shape_cast %get3A_2413 : vector<16xi32> to vector<16xi32>
      %dma_start3A_2415 = arith.constant 4 : i32
      %dma_start3A_2416 = arith.constant 4 : i32
      %dma_start3A_2417 = arith.constant 0 : i32
      %dma_start3A_2418 = arith.constant 0 : i32
      %dma_start3A_2419 = tpu.memref_slice %arg6[%dma_start3A_2415, %dma_start3A_2417, %dma_start3A_2418] : memref<5x128x80xf32, #tpu.memory_space<vmem>> -> memref<1x128x80xf32, #tpu.memory_space<vmem>>
      %dma_start3A_2420 = tpu.memref_squeeze %dma_start3A_2419 : memref<1x128x80xf32, #tpu.memory_space<vmem>> -> memref<128x80xf32, #tpu.memory_space<vmem>>
      %dma_start3A_2421 = arith.constant 48 : i32
      %dma_start3A_2422 = arith.constant 0 : i32
      %dma_start3A_2423 = tpu.memref_slice %dma_start3A_2420[%dma_start3A_2421, %dma_start3A_2422] : memref<128x80xf32, #tpu.memory_space<vmem>> -> memref<16x80xf32, #tpu.memory_space<vmem>>
      %dma_start3A_2424 = arith.constant 0 : i32
      %dma_start3A_2425 = arith.constant 0 : i32
      %dma_start3A_2426 = tpu.memref_slice %arg3[%dma_start3A_2424, %dma_start3A_2425] : memref<1000000x80xf32, #tpu.memory_space<hbm>> -> memref<1000000x80xf32, #tpu.memory_space<hbm>>
      %dma_start3A_2427 = tpu.memref_slice %arg7[%dma_start3A_2416] : memref<5x!tpu.dma_semaphore, #tpu.memory_space<semaphore_mem>> -> memref<1x!tpu.dma_semaphore, #tpu.memory_space<semaphore_mem>>
      %dma_start3A_2428 = tpu.memref_squeeze %dma_start3A_2427 : memref<1x!tpu.dma_semaphore, #tpu.memory_space<semaphore_mem>> -> memref<!tpu.dma_semaphore, #tpu.memory_space<semaphore_mem>>
      tpu.enqueue_indirect_dma source(%dma_start3A_2426 : memref<1000000x80xf32, #tpu.memory_space<hbm>>) target(%dma_start3A_2423 : memref<16x80xf32, #tpu.memory_space<vmem>>) offsets(%get3A_2414 : vector<16xi32>) semaphore(%dma_start3A_2428 : memref<!tpu.dma_semaphore, #tpu.memory_space<semaphore_mem>>)
      %mul3A_2429 = arith.constant 128 : i32
      %mul3A_2430 = arith.muli %add3A_2344, %mul3A_2429 : i32
      %add3A_2431 = arith.constant 64 : i32
      %add3A_2432 = arith.addi %mul3A_2430, %add3A_2431 : i32
      %get3A_2433 = arith.index_cast %add3A_2432 : i32 to index
      %get3A_2434 = tpu.vector_load %arg5[%get3A_2433] {strides = array<i32>} : memref<6400xi32, #tpu.memory_space<vmem>>, vector<16xi32>,
      %get3A_2435 = vector.shape_cast %get3A_2434 : vector<16xi32> to vector<16xi32>
      %dma_start3A_2436 = arith.constant 4 : i32
      %dma_start3A_2437 = arith.constant 4 : i32
      %dma_start3A_2438 = arith.constant 0 : i32
      %dma_start3A_2439 = arith.constant 0 : i32
      %dma_start3A_2440 = tpu.memref_slice %arg6[%dma_start3A_2436, %dma_start3A_2438, %dma_start3A_2439] : memref<5x128x80xf32, #tpu.memory_space<vmem>> -> memref<1x128x80xf32, #tpu.memory_space<vmem>>
      %dma_start3A_2441 = tpu.memref_squeeze %dma_start3A_2440 : memref<1x128x80xf32, #tpu.memory_space<vmem>> -> memref<128x80xf32, #tpu.memory_space<vmem>>
      %dma_start3A_2442 = arith.constant 64 : i32
      %dma_start3A_2443 = arith.constant 0 : i32
      %dma_start3A_2444 = tpu.memref_slice %dma_start3A_2441[%dma_start3A_2442, %dma_start3A_2443] : memref<128x80xf32, #tpu.memory_space<vmem>> -> memref<16x80xf32, #tpu.memory_space<vmem>>
      %dma_start3A_2445 = arith.constant 0 : i32
      %dma_start3A_2446 = arith.constant 0 : i32
      %dma_start3A_2447 = tpu.memref_slice %arg3[%dma_start3A_2445, %dma_start3A_2446] : memref<1000000x80xf32, #tpu.memory_space<hbm>> -> memref<1000000x80xf32, #tpu.memory_space<hbm>>
      %dma_start3A_2448 = tpu.memref_slice %arg7[%dma_start3A_2437] : memref<5x!tpu.dma_semaphore, #tpu.memory_space<semaphore_mem>> -> memref<1x!tpu.dma_semaphore, #tpu.memory_space<semaphore_mem>>
      %dma_start3A_2449 = tpu.memref_squeeze %dma_start3A_2448 : memref<1x!tpu.dma_semaphore, #tpu.memory_space<semaphore_mem>> -> memref<!tpu.dma_semaphore, #tpu.memory_space<semaphore_mem>>
      tpu.enqueue_indirect_dma source(%dma_start3A_2447 : memref<1000000x80xf32, #tpu.memory_space<hbm>>) target(%dma_start3A_2444 : memref<16x80xf32, #tpu.memory_space<vmem>>) offsets(%get3A_2435 : vector<16xi32>) semaphore(%dma_start3A_2449 : memref<!tpu.dma_semaphore, #tpu.memory_space<semaphore_mem>>)
      %mul3A_2450 = arith.constant 128 : i32
      %mul3A_2451 = arith.muli %add3A_2344, %mul3A_2450 : i32
      %add3A_2452 = arith.constant 80 : i32
      %add3A_2453 = arith.addi %mul3A_2451, %add3A_2452 : i32
      %get3A_2454 = arith.index_cast %add3A_2453 : i32 to index
      %get3A_2455 = tpu.vector_load %arg5[%get3A_2454] {strides = array<i32>} : memref<6400xi32, #tpu.memory_space<vmem>>, vector<16xi32>,
      %get3A_2456 = vector.shape_cast %get3A_2455 : vector<16xi32> to vector<16xi32>
      %dma_start3A_2457 = arith.constant 4 : i32
      %dma_start3A_2458 = arith.constant 4 : i32
      %dma_start3A_2459 = arith.constant 0 : i32
      %dma_start3A_2460 = arith.constant 0 : i32
      %dma_start3A_2461 = tpu.memref_slice %arg6[%dma_start3A_2457, %dma_start3A_2459, %dma_start3A_2460] : memref<5x128x80xf32, #tpu.memory_space<vmem>> -> memref<1x128x80xf32, #tpu.memory_space<vmem>>
      %dma_start3A_2462 = tpu.memref_squeeze %dma_start3A_2461 : memref<1x128x80xf32, #tpu.memory_space<vmem>> -> memref<128x80xf32, #tpu.memory_space<vmem>>
      %dma_start3A_2463 = arith.constant 80 : i32
      %dma_start3A_2464 = arith.constant 0 : i32
      %dma_start3A_2465 = tpu.memref_slice %dma_start3A_2462[%dma_start3A_2463, %dma_start3A_2464] : memref<128x80xf32, #tpu.memory_space<vmem>> -> memref<16x80xf32, #tpu.memory_space<vmem>>
      %dma_start3A_2466 = arith.constant 0 : i32
      %dma_start3A_2467 = arith.constant 0 : i32
      %dma_start3A_2468 = tpu.memref_slice %arg3[%dma_start3A_2466, %dma_start3A_2467] : memref<1000000x80xf32, #tpu.memory_space<hbm>> -> memref<1000000x80xf32, #tpu.memory_space<hbm>>
      %dma_start3A_2469 = tpu.memref_slice %arg7[%dma_start3A_2458] : memref<5x!tpu.dma_semaphore, #tpu.memory_space<semaphore_mem>> -> memref<1x!tpu.dma_semaphore, #tpu.memory_space<semaphore_mem>>
      %dma_start3A_2470 = tpu.memref_squeeze %dma_start3A_2469 : memref<1x!tpu.dma_semaphore, #tpu.memory_space<semaphore_mem>> -> memref<!tpu.dma_semaphore, #tpu.memory_space<semaphore_mem>>
      tpu.enqueue_indirect_dma source(%dma_start3A_2468 : memref<1000000x80xf32, #tpu.memory_space<hbm>>) target(%dma_start3A_2465 : memref<16x80xf32, #tpu.memory_space<vmem>>) offsets(%get3A_2456 : vector<16xi32>) semaphore(%dma_start3A_2470 : memref<!tpu.dma_semaphore, #tpu.memory_space<semaphore_mem>>)
      %mul3A_2471 = arith.constant 128 : i32
      %mul3A_2472 = arith.muli %add3A_2344, %mul3A_2471 : i32
      %add3A_2473 = arith.constant 96 : i32
      %add3A_2474 = arith.addi %mul3A_2472, %add3A_2473 : i32
      %get3A_2475 = arith.index_cast %add3A_2474 : i32 to index
      %get3A_2476 = tpu.vector_load %arg5[%get3A_2475] {strides = array<i32>} : memref<6400xi32, #tpu.memory_space<vmem>>, vector<16xi32>,
      %get3A_2477 = vector.shape_cast %get3A_2476 : vector<16xi32> to vector<16xi32>
      %dma_start3A_2478 = arith.constant 4 : i32
      %dma_start3A_2479 = arith.constant 4 : i32
      %dma_start3A_2480 = arith.constant 0 : i32
      %dma_start3A_2481 = arith.constant 0 : i32
      %dma_start3A_2482 = tpu.memref_slice %arg6[%dma_start3A_2478, %dma_start3A_2480, %dma_start3A_2481] : memref<5x128x80xf32, #tpu.memory_space<vmem>> -> memref<1x128x80xf32, #tpu.memory_space<vmem>>
      %dma_start3A_2483 = tpu.memref_squeeze %dma_start3A_2482 : memref<1x128x80xf32, #tpu.memory_space<vmem>> -> memref<128x80xf32, #tpu.memory_space<vmem>>
      %dma_start3A_2484 = arith.constant 96 : i32
      %dma_start3A_2485 = arith.constant 0 : i32
      %dma_start3A_2486 = tpu.memref_slice %dma_start3A_2483[%dma_start3A_2484, %dma_start3A_2485] : memref<128x80xf32, #tpu.memory_space<vmem>> -> memref<16x80xf32, #tpu.memory_space<vmem>>
      %dma_start3A_2487 = arith.constant 0 : i32
      %dma_start3A_2488 = arith.constant 0 : i32
      %dma_start3A_2489 = tpu.memref_slice %arg3[%dma_start3A_2487, %dma_start3A_2488] : memref<1000000x80xf32, #tpu.memory_space<hbm>> -> memref<1000000x80xf32, #tpu.memory_space<hbm>>
      %dma_start3A_2490 = tpu.memref_slice %arg7[%dma_start3A_2479] : memref<5x!tpu.dma_semaphore, #tpu.memory_space<semaphore_mem>> -> memref<1x!tpu.dma_semaphore, #tpu.memory_space<semaphore_mem>>
      %dma_start3A_2491 = tpu.memref_squeeze %dma_start3A_2490 : memref<1x!tpu.dma_semaphore, #tpu.memory_space<semaphore_mem>> -> memref<!tpu.dma_semaphore, #tpu.memory_space<semaphore_mem>>
      tpu.enqueue_indirect_dma source(%dma_start3A_2489 : memref<1000000x80xf32, #tpu.memory_space<hbm>>) target(%dma_start3A_2486 : memref<16x80xf32, #tpu.memory_space<vmem>>) offsets(%get3A_2477 : vector<16xi32>) semaphore(%dma_start3A_2491 : memref<!tpu.dma_semaphore, #tpu.memory_space<semaphore_mem>>)
      %mul3A_2492 = arith.constant 128 : i32
      %mul3A_2493 = arith.muli %add3A_2344, %mul3A_2492 : i32
      %add3A_2494 = arith.constant 112 : i32
      %add3A_2495 = arith.addi %mul3A_2493, %add3A_2494 : i32
      %get3A_2496 = arith.index_cast %add3A_2495 : i32 to index
      %get3A_2497 = tpu.vector_load %arg5[%get3A_2496] {strides = array<i32>} : memref<6400xi32, #tpu.memory_space<vmem>>, vector<16xi32>,
      %get3A_2498 = vector.shape_cast %get3A_2497 : vector<16xi32> to vector<16xi32>
      %dma_start3A_2499 = arith.constant 4 : i32
      %dma_start3A_2500 = arith.constant 4 : i32
      %dma_start3A_2501 = arith.constant 0 : i32
      %dma_start3A_2502 = arith.constant 0 : i32
      %dma_start3A_2503 = tpu.memref_slice %arg6[%dma_start3A_2499, %dma_start3A_2501, %dma_start3A_2502] : memref<5x128x80xf32, #tpu.memory_space<vmem>> -> memref<1x128x80xf32, #tpu.memory_space<vmem>>
      %dma_start3A_2504 = tpu.memref_squeeze %dma_start3A_2503 : memref<1x128x80xf32, #tpu.memory_space<vmem>> -> memref<128x80xf32, #tpu.memory_space<vmem>>
      %dma_start3A_2505 = arith.constant 112 : i32
      %dma_start3A_2506 = arith.constant 0 : i32
      %dma_start3A_2507 = tpu.memref_slice %dma_start3A_2504[%dma_start3A_2505, %dma_start3A_2506] : memref<128x80xf32, #tpu.memory_space<vmem>> -> memref<16x80xf32, #tpu.memory_space<vmem>>
      %dma_start3A_2508 = arith.constant 0 : i32
      %dma_start3A_2509 = arith.constant 0 : i32
      %dma_start3A_2510 = tpu.memref_slice %arg3[%dma_start3A_2508, %dma_start3A_2509] : memref<1000000x80xf32, #tpu.memory_space<hbm>> -> memref<1000000x80xf32, #tpu.memory_space<hbm>>
      %dma_start3A_2511 = tpu.memref_slice %arg7[%dma_start3A_2500] : memref<5x!tpu.dma_semaphore, #tpu.memory_space<semaphore_mem>> -> memref<1x!tpu.dma_semaphore, #tpu.memory_space<semaphore_mem>>
      %dma_start3A_2512 = tpu.memref_squeeze %dma_start3A_2511 : memref<1x!tpu.dma_semaphore, #tpu.memory_space<semaphore_mem>> -> memref<!tpu.dma_semaphore, #tpu.memory_space<semaphore_mem>>
      tpu.enqueue_indirect_dma source(%dma_start3A_2510 : memref<1000000x80xf32, #tpu.memory_space<hbm>>) target(%dma_start3A_2507 : memref<16x80xf32, #tpu.memory_space<vmem>>) offsets(%get3A_2498 : vector<16xi32>) semaphore(%dma_start3A_2512 : memref<!tpu.dma_semaphore, #tpu.memory_space<semaphore_mem>>)
      %mul3A_2513 = arith.constant 5 : i32
      %mul3A_2514 = arith.muli %scan3A_2025, %mul3A_2513 : i32
      %add3A_2515 = arith.constant 2 : i32
      %add3A_2516 = arith.addi %mul3A_2514, %add3A_2515 : i32
      %dma_wait3A_2517 = arith.constant 2 : i32
      %dma_wait3A_2518 = arith.constant 2 : i32
      %dma_wait3A_2519 = arith.constant 0 : i32
      %dma_wait3A_2520 = arith.constant 0 : i32
      %dma_wait3A_2521 = tpu.memref_slice %arg6[%dma_wait3A_2517, %dma_wait3A_2519, %dma_wait3A_2520] : memref<5x128x80xf32, #tpu.memory_space<vmem>> -> memref<1x128x80xf32, #tpu.memory_space<vmem>>
      %dma_wait3A_2522 = tpu.memref_squeeze %dma_wait3A_2521 : memref<1x128x80xf32, #tpu.memory_space<vmem>> -> memref<128x80xf32, #tpu.memory_space<vmem>>
      %dma_wait3A_2523 = arith.constant 0 : i32
      %dma_wait3A_2524 = arith.constant 0 : i32
      %dma_wait3A_2525 = tpu.memref_slice %arg3[%dma_wait3A_2523, %dma_wait3A_2524] : memref<1000000x80xf32, #tpu.memory_space<hbm>> -> memref<128x80xf32, #tpu.memory_space<hbm>>
      %dma_wait3A_2526 = tpu.memref_slice %arg7[%dma_wait3A_2518] : memref<5x!tpu.dma_semaphore, #tpu.memory_space<semaphore_mem>> -> memref<1x!tpu.dma_semaphore, #tpu.memory_space<semaphore_mem>>
      %dma_wait3A_2527 = tpu.memref_squeeze %dma_wait3A_2526 : memref<1x!tpu.dma_semaphore, #tpu.memory_space<semaphore_mem>> -> memref<!tpu.dma_semaphore, #tpu.memory_space<semaphore_mem>>
      %dma_wait3A_2528 = arith.constant 0 : i32
      %dma_wait3A_2529 = arith.constant 0 : i32
      %dma_wait3A_2530 = tpu.memref_slice %arg6[%dma_wait3A_2517, %dma_wait3A_2528, %dma_wait3A_2529] : memref<5x128x80xf32, #tpu.memory_space<vmem>> -> memref<1x128x80xf32, #tpu.memory_space<vmem>>
      %dma_wait3A_2531 = tpu.memref_squeeze %dma_wait3A_2530 : memref<1x128x80xf32, #tpu.memory_space<vmem>> -> memref<128x80xf32, #tpu.memory_space<vmem>>
      %dma_wait3A_2532 = arith.constant 0 : i32
      %dma_wait3A_2533 = arith.constant 0 : i32
      %dma_wait3A_2534 = tpu.memref_slice %arg3[%dma_wait3A_2532, %dma_wait3A_2533] : memref<1000000x80xf32, #tpu.memory_space<hbm>> -> memref<128x80xf32, #tpu.memory_space<hbm>>
      tpu.wait_dma2 semaphore(%dma_wait3A_2527 : memref<!tpu.dma_semaphore, #tpu.memory_space<semaphore_mem>>) src(%dma_wait3A_2534 : memref<128x80xf32, #tpu.memory_space<hbm>>) dst(%dma_wait3A_2531 : memref<128x80xf32, #tpu.memory_space<vmem>>)
      %mul3A_2535 = arith.constant 128 : i32
      %mul3A_2536 = arith.muli %add3A_2516, %mul3A_2535 : i32
      %add3A_2537 = arith.addi %mul3A_2, %mul3A_2536 : i32
      %dma_start3A_2538 = arith.constant 2 : i32
      %dma_start3A_2539 = arith.constant 2 : i32
      %dma_start3A_2540 = arith.constant 0 : i32
      %dma_start3A_2541 = arith.constant 0 : i32
      %dma_start3A_2542 = tpu.memref_slice %arg6[%dma_start3A_2538, %dma_start3A_2540, %dma_start3A_2541] : memref<5x128x80xf32, #tpu.memory_space<vmem>> -> memref<1x128x80xf32, #tpu.memory_space<vmem>>
      %dma_start3A_2543 = tpu.memref_squeeze %dma_start3A_2542 : memref<1x128x80xf32, #tpu.memory_space<vmem>> -> memref<128x80xf32, #tpu.memory_space<vmem>>
      %dma_start3A_2544 = arith.constant 0 : i32
      %dma_start3A_2545 = arith.constant 0 : i32
      %dma_start3A_2546 = tpu.memref_slice %dma_start3A_2543[%dma_start3A_2544, %dma_start3A_2545] : memref<128x80xf32, #tpu.memory_space<vmem>> -> memref<128x64xf32, #tpu.memory_space<vmem>>
      %dma_start3A_2547 = arith.constant 0 : i32
      %dma_start3A_2548 = tpu.memref_slice %arg4[%add3A_2537, %dma_start3A_2547] : memref<204800x64xf32, #tpu.memory_space<hbm>> -> memref<128x64xf32, #tpu.memory_space<hbm>>
      %dma_start3A_2549 = tpu.memref_slice %arg8[%dma_start3A_2539] : memref<5x!tpu.dma_semaphore, #tpu.memory_space<semaphore_mem>> -> memref<1x!tpu.dma_semaphore, #tpu.memory_space<semaphore_mem>>
      %dma_start3A_2550 = tpu.memref_squeeze %dma_start3A_2549 : memref<1x!tpu.dma_semaphore, #tpu.memory_space<semaphore_mem>> -> memref<!tpu.dma_semaphore, #tpu.memory_space<semaphore_mem>>
      %dma_start3A_2551 = arith.constant 0 : i32
      %dma_start3A_2552 = tpu.memref_slice %arg4[%add3A_2537, %dma_start3A_2551] : memref<204800x64xf32, #tpu.memory_space<hbm>> -> memref<128x64xf32, #tpu.memory_space<hbm>>
      %dma_start3A_2553 = arith.constant 0 : i32
      %dma_start3A_2554 = arith.constant 0 : i32
      %dma_start3A_2555 = tpu.memref_slice %arg6[%dma_start3A_2538, %dma_start3A_2553, %dma_start3A_2554] : memref<5x128x80xf32, #tpu.memory_space<vmem>> -> memref<1x128x80xf32, #tpu.memory_space<vmem>>
      %dma_start3A_2556 = tpu.memref_squeeze %dma_start3A_2555 : memref<1x128x80xf32, #tpu.memory_space<vmem>> -> memref<128x80xf32, #tpu.memory_space<vmem>>
      %dma_start3A_2557 = arith.constant 0 : i32
      %dma_start3A_2558 = arith.constant 0 : i32
      %dma_start3A_2559 = tpu.memref_slice %dma_start3A_2556[%dma_start3A_2557, %dma_start3A_2558] : memref<128x80xf32, #tpu.memory_space<vmem>> -> memref<128x64xf32, #tpu.memory_space<vmem>>
      tpu.enqueue_dma source(%dma_start3A_2559 : memref<128x64xf32, #tpu.memory_space<vmem>>) target(%dma_start3A_2552 : memref<128x64xf32, #tpu.memory_space<hbm>>) target_semaphore(%dma_start3A_2550 : memref<!tpu.dma_semaphore, #tpu.memory_space<semaphore_mem>>)
      %sub3A_2560 = arith.constant 2 : i32
      %sub3A_2561 = arith.subi %add3A_2516, %sub3A_2560 : i32
      %mul3A_2562 = arith.constant 128 : i32
      %mul3A_2563 = arith.muli %sub3A_2561, %mul3A_2562 : i32
      %add3A_2564 = arith.addi %mul3A_2, %mul3A_2563 : i32
      %dma_wait3A_2565 = arith.constant 0 : i32
      %dma_wait3A_2566 = arith.constant 0 : i32
      %dma_wait3A_2567 = arith.constant 0 : i32
      %dma_wait3A_2568 = arith.constant 0 : i32
      %dma_wait3A_2569 = tpu.memref_slice %arg6[%dma_wait3A_2565, %dma_wait3A_2567, %dma_wait3A_2568] : memref<5x128x80xf32, #tpu.memory_space<vmem>> -> memref<1x128x80xf32, #tpu.memory_space<vmem>>
      %dma_wait3A_2570 = tpu.memref_squeeze %dma_wait3A_2569 : memref<1x128x80xf32, #tpu.memory_space<vmem>> -> memref<128x80xf32, #tpu.memory_space<vmem>>
      %dma_wait3A_2571 = arith.constant 0 : i32
      %dma_wait3A_2572 = arith.constant 0 : i32
      %dma_wait3A_2573 = tpu.memref_slice %dma_wait3A_2570[%dma_wait3A_2571, %dma_wait3A_2572] : memref<128x80xf32, #tpu.memory_space<vmem>> -> memref<128x64xf32, #tpu.memory_space<vmem>>
      %dma_wait3A_2574 = arith.constant 0 : i32
      %dma_wait3A_2575 = tpu.memref_slice %arg4[%add3A_2564, %dma_wait3A_2574] : memref<204800x64xf32, #tpu.memory_space<hbm>> -> memref<128x64xf32, #tpu.memory_space<hbm>>
      %dma_wait3A_2576 = tpu.memref_slice %arg8[%dma_wait3A_2566] : memref<5x!tpu.dma_semaphore, #tpu.memory_space<semaphore_mem>> -> memref<1x!tpu.dma_semaphore, #tpu.memory_space<semaphore_mem>>
      %dma_wait3A_2577 = tpu.memref_squeeze %dma_wait3A_2576 : memref<1x!tpu.dma_semaphore, #tpu.memory_space<semaphore_mem>> -> memref<!tpu.dma_semaphore, #tpu.memory_space<semaphore_mem>>
      %dma_wait3A_2578 = arith.constant 0 : i32
      %dma_wait3A_2579 = tpu.memref_slice %arg4[%add3A_2564, %dma_wait3A_2578] : memref<204800x64xf32, #tpu.memory_space<hbm>> -> memref<128x64xf32, #tpu.memory_space<hbm>>
      %dma_wait3A_2580 = arith.constant 0 : i32
      %dma_wait3A_2581 = arith.constant 0 : i32
      %dma_wait3A_2582 = tpu.memref_slice %arg6[%dma_wait3A_2565, %dma_wait3A_2580, %dma_wait3A_2581] : memref<5x128x80xf32, #tpu.memory_space<vmem>> -> memref<1x128x80xf32, #tpu.memory_space<vmem>>
      %dma_wait3A_2583 = tpu.memref_squeeze %dma_wait3A_2582 : memref<1x128x80xf32, #tpu.memory_space<vmem>> -> memref<128x80xf32, #tpu.memory_space<vmem>>
      %dma_wait3A_2584 = arith.constant 0 : i32
      %dma_wait3A_2585 = arith.constant 0 : i32
      %dma_wait3A_2586 = tpu.memref_slice %dma_wait3A_2583[%dma_wait3A_2584, %dma_wait3A_2585] : memref<128x80xf32, #tpu.memory_space<vmem>> -> memref<128x64xf32, #tpu.memory_space<vmem>>
      tpu.wait_dma2 semaphore(%dma_wait3A_2577 : memref<!tpu.dma_semaphore, #tpu.memory_space<semaphore_mem>>) src(%dma_wait3A_2586 : memref<128x64xf32, #tpu.memory_space<vmem>>) dst(%dma_wait3A_2579 : memref<128x64xf32, #tpu.memory_space<hbm>>)
      %add3A_2587 = arith.constant 3 : i32
      %add3A_2588 = arith.addi %add3A_2516, %add3A_2587 : i32
      %mul3A_2589 = arith.constant 128 : i32
      %mul3A_2590 = arith.muli %add3A_2588, %mul3A_2589 : i32
      %add3A_2591 = arith.constant 0 : i32
      %add3A_2592 = arith.addi %mul3A_2590, %add3A_2591 : i32
      %get3A_2593 = arith.index_cast %add3A_2592 : i32 to index
      %get3A_2594 = tpu.vector_load %arg5[%get3A_2593] {strides = array<i32>} : memref<6400xi32, #tpu.memory_space<vmem>>, vector<16xi32>,
      %get3A_2595 = vector.shape_cast %get3A_2594 : vector<16xi32> to vector<16xi32>
      %dma_start3A_2596 = arith.constant 0 : i32
      %dma_start3A_2597 = arith.constant 0 : i32
      %dma_start3A_2598 = arith.constant 0 : i32
      %dma_start3A_2599 = arith.constant 0 : i32
      %dma_start3A_2600 = tpu.memref_slice %arg6[%dma_start3A_2596, %dma_start3A_2598, %dma_start3A_2599] : memref<5x128x80xf32, #tpu.memory_space<vmem>> -> memref<1x128x80xf32, #tpu.memory_space<vmem>>
      %dma_start3A_2601 = tpu.memref_squeeze %dma_start3A_2600 : memref<1x128x80xf32, #tpu.memory_space<vmem>> -> memref<128x80xf32, #tpu.memory_space<vmem>>
      %dma_start3A_2602 = arith.constant 0 : i32
      %dma_start3A_2603 = arith.constant 0 : i32
      %dma_start3A_2604 = tpu.memref_slice %dma_start3A_2601[%dma_start3A_2602, %dma_start3A_2603] : memref<128x80xf32, #tpu.memory_space<vmem>> -> memref<16x80xf32, #tpu.memory_space<vmem>>
      %dma_start3A_2605 = arith.constant 0 : i32
      %dma_start3A_2606 = arith.constant 0 : i32
      %dma_start3A_2607 = tpu.memref_slice %arg3[%dma_start3A_2605, %dma_start3A_2606] : memref<1000000x80xf32, #tpu.memory_space<hbm>> -> memref<1000000x80xf32, #tpu.memory_space<hbm>>
      %dma_start3A_2608 = tpu.memref_slice %arg7[%dma_start3A_2597] : memref<5x!tpu.dma_semaphore, #tpu.memory_space<semaphore_mem>> -> memref<1x!tpu.dma_semaphore, #tpu.memory_space<semaphore_mem>>
      %dma_start3A_2609 = tpu.memref_squeeze %dma_start3A_2608 : memref<1x!tpu.dma_semaphore, #tpu.memory_space<semaphore_mem>> -> memref<!tpu.dma_semaphore, #tpu.memory_space<semaphore_mem>>
      tpu.enqueue_indirect_dma source(%dma_start3A_2607 : memref<1000000x80xf32, #tpu.memory_space<hbm>>) target(%dma_start3A_2604 : memref<16x80xf32, #tpu.memory_space<vmem>>) offsets(%get3A_2595 : vector<16xi32>) semaphore(%dma_start3A_2609 : memref<!tpu.dma_semaphore, #tpu.memory_space<semaphore_mem>>)
      %mul3A_2610 = arith.constant 128 : i32
      %mul3A_2611 = arith.muli %add3A_2588, %mul3A_2610 : i32
      %add3A_2612 = arith.constant 16 : i32
      %add3A_2613 = arith.addi %mul3A_2611, %add3A_2612 : i32
      %get3A_2614 = arith.index_cast %add3A_2613 : i32 to index
      %get3A_2615 = tpu.vector_load %arg5[%get3A_2614] {strides = array<i32>} : memref<6400xi32, #tpu.memory_space<vmem>>, vector<16xi32>,
      %get3A_2616 = vector.shape_cast %get3A_2615 : vector<16xi32> to vector<16xi32>
      %dma_start3A_2617 = arith.constant 0 : i32
      %dma_start3A_2618 = arith.constant 0 : i32
      %dma_start3A_2619 = arith.constant 0 : i32
      %dma_start3A_2620 = arith.constant 0 : i32
      %dma_start3A_2621 = tpu.memref_slice %arg6[%dma_start3A_2617, %dma_start3A_2619, %dma_start3A_2620] : memref<5x128x80xf32, #tpu.memory_space<vmem>> -> memref<1x128x80xf32, #tpu.memory_space<vmem>>
      %dma_start3A_2622 = tpu.memref_squeeze %dma_start3A_2621 : memref<1x128x80xf32, #tpu.memory_space<vmem>> -> memref<128x80xf32, #tpu.memory_space<vmem>>
      %dma_start3A_2623 = arith.constant 16 : i32
      %dma_start3A_2624 = arith.constant 0 : i32
      %dma_start3A_2625 = tpu.memref_slice %dma_start3A_2622[%dma_start3A_2623, %dma_start3A_2624] : memref<128x80xf32, #tpu.memory_space<vmem>> -> memref<16x80xf32, #tpu.memory_space<vmem>>
      %dma_start3A_2626 = arith.constant 0 : i32
      %dma_start3A_2627 = arith.constant 0 : i32
      %dma_start3A_2628 = tpu.memref_slice %arg3[%dma_start3A_2626, %dma_start3A_2627] : memref<1000000x80xf32, #tpu.memory_space<hbm>> -> memref<1000000x80xf32, #tpu.memory_space<hbm>>
      %dma_start3A_2629 = tpu.memref_slice %arg7[%dma_start3A_2618] : memref<5x!tpu.dma_semaphore, #tpu.memory_space<semaphore_mem>> -> memref<1x!tpu.dma_semaphore, #tpu.memory_space<semaphore_mem>>
      %dma_start3A_2630 = tpu.memref_squeeze %dma_start3A_2629 : memref<1x!tpu.dma_semaphore, #tpu.memory_space<semaphore_mem>> -> memref<!tpu.dma_semaphore, #tpu.memory_space<semaphore_mem>>
      tpu.enqueue_indirect_dma source(%dma_start3A_2628 : memref<1000000x80xf32, #tpu.memory_space<hbm>>) target(%dma_start3A_2625 : memref<16x80xf32, #tpu.memory_space<vmem>>) offsets(%get3A_2616 : vector<16xi32>) semaphore(%dma_start3A_2630 : memref<!tpu.dma_semaphore, #tpu.memory_space<semaphore_mem>>)
      %mul3A_2631 = arith.constant 128 : i32
      %mul3A_2632 = arith.muli %add3A_2588, %mul3A_2631 : i32
      %add3A_2633 = arith.constant 32 : i32
      %add3A_2634 = arith.addi %mul3A_2632, %add3A_2633 : i32
      %get3A_2635 = arith.index_cast %add3A_2634 : i32 to index
      %get3A_2636 = tpu.vector_load %arg5[%get3A_2635] {strides = array<i32>} : memref<6400xi32, #tpu.memory_space<vmem>>, vector<16xi32>,
      %get3A_2637 = vector.shape_cast %get3A_2636 : vector<16xi32> to vector<16xi32>
      %dma_start3A_2638 = arith.constant 0 : i32
      %dma_start3A_2639 = arith.constant 0 : i32
      %dma_start3A_2640 = arith.constant 0 : i32
      %dma_start3A_2641 = arith.constant 0 : i32
      %dma_start3A_2642 = tpu.memref_slice %arg6[%dma_start3A_2638, %dma_start3A_2640, %dma_start3A_2641] : memref<5x128x80xf32, #tpu.memory_space<vmem>> -> memref<1x128x80xf32, #tpu.memory_space<vmem>>
      %dma_start3A_2643 = tpu.memref_squeeze %dma_start3A_2642 : memref<1x128x80xf32, #tpu.memory_space<vmem>> -> memref<128x80xf32, #tpu.memory_space<vmem>>
      %dma_start3A_2644 = arith.constant 32 : i32
      %dma_start3A_2645 = arith.constant 0 : i32
      %dma_start3A_2646 = tpu.memref_slice %dma_start3A_2643[%dma_start3A_2644, %dma_start3A_2645] : memref<128x80xf32, #tpu.memory_space<vmem>> -> memref<16x80xf32, #tpu.memory_space<vmem>>
      %dma_start3A_2647 = arith.constant 0 : i32
      %dma_start3A_2648 = arith.constant 0 : i32
      %dma_start3A_2649 = tpu.memref_slice %arg3[%dma_start3A_2647, %dma_start3A_2648] : memref<1000000x80xf32, #tpu.memory_space<hbm>> -> memref<1000000x80xf32, #tpu.memory_space<hbm>>
      %dma_start3A_2650 = tpu.memref_slice %arg7[%dma_start3A_2639] : memref<5x!tpu.dma_semaphore, #tpu.memory_space<semaphore_mem>> -> memref<1x!tpu.dma_semaphore, #tpu.memory_space<semaphore_mem>>
      %dma_start3A_2651 = tpu.memref_squeeze %dma_start3A_2650 : memref<1x!tpu.dma_semaphore, #tpu.memory_space<semaphore_mem>> -> memref<!tpu.dma_semaphore, #tpu.memory_space<semaphore_mem>>
      tpu.enqueue_indirect_dma source(%dma_start3A_2649 : memref<1000000x80xf32, #tpu.memory_space<hbm>>) target(%dma_start3A_2646 : memref<16x80xf32, #tpu.memory_space<vmem>>) offsets(%get3A_2637 : vector<16xi32>) semaphore(%dma_start3A_2651 : memref<!tpu.dma_semaphore, #tpu.memory_space<semaphore_mem>>)
      %mul3A_2652 = arith.constant 128 : i32
      %mul3A_2653 = arith.muli %add3A_2588, %mul3A_2652 : i32
      %add3A_2654 = arith.constant 48 : i32
      %add3A_2655 = arith.addi %mul3A_2653, %add3A_2654 : i32
      %get3A_2656 = arith.index_cast %add3A_2655 : i32 to index
      %get3A_2657 = tpu.vector_load %arg5[%get3A_2656] {strides = array<i32>} : memref<6400xi32, #tpu.memory_space<vmem>>, vector<16xi32>,
      %get3A_2658 = vector.shape_cast %get3A_2657 : vector<16xi32> to vector<16xi32>
      %dma_start3A_2659 = arith.constant 0 : i32
      %dma_start3A_2660 = arith.constant 0 : i32
      %dma_start3A_2661 = arith.constant 0 : i32
      %dma_start3A_2662 = arith.constant 0 : i32
      %dma_start3A_2663 = tpu.memref_slice %arg6[%dma_start3A_2659, %dma_start3A_2661, %dma_start3A_2662] : memref<5x128x80xf32, #tpu.memory_space<vmem>> -> memref<1x128x80xf32, #tpu.memory_space<vmem>>
      %dma_start3A_2664 = tpu.memref_squeeze %dma_start3A_2663 : memref<1x128x80xf32, #tpu.memory_space<vmem>> -> memref<128x80xf32, #tpu.memory_space<vmem>>
      %dma_start3A_2665 = arith.constant 48 : i32
      %dma_start3A_2666 = arith.constant 0 : i32
      %dma_start3A_2667 = tpu.memref_slice %dma_start3A_2664[%dma_start3A_2665, %dma_start3A_2666] : memref<128x80xf32, #tpu.memory_space<vmem>> -> memref<16x80xf32, #tpu.memory_space<vmem>>
      %dma_start3A_2668 = arith.constant 0 : i32
      %dma_start3A_2669 = arith.constant 0 : i32
      %dma_start3A_2670 = tpu.memref_slice %arg3[%dma_start3A_2668, %dma_start3A_2669] : memref<1000000x80xf32, #tpu.memory_space<hbm>> -> memref<1000000x80xf32, #tpu.memory_space<hbm>>
      %dma_start3A_2671 = tpu.memref_slice %arg7[%dma_start3A_2660] : memref<5x!tpu.dma_semaphore, #tpu.memory_space<semaphore_mem>> -> memref<1x!tpu.dma_semaphore, #tpu.memory_space<semaphore_mem>>
      %dma_start3A_2672 = tpu.memref_squeeze %dma_start3A_2671 : memref<1x!tpu.dma_semaphore, #tpu.memory_space<semaphore_mem>> -> memref<!tpu.dma_semaphore, #tpu.memory_space<semaphore_mem>>
      tpu.enqueue_indirect_dma source(%dma_start3A_2670 : memref<1000000x80xf32, #tpu.memory_space<hbm>>) target(%dma_start3A_2667 : memref<16x80xf32, #tpu.memory_space<vmem>>) offsets(%get3A_2658 : vector<16xi32>) semaphore(%dma_start3A_2672 : memref<!tpu.dma_semaphore, #tpu.memory_space<semaphore_mem>>)
      %mul3A_2673 = arith.constant 128 : i32
      %mul3A_2674 = arith.muli %add3A_2588, %mul3A_2673 : i32
      %add3A_2675 = arith.constant 64 : i32
      %add3A_2676 = arith.addi %mul3A_2674, %add3A_2675 : i32
      %get3A_2677 = arith.index_cast %add3A_2676 : i32 to index
      %get3A_2678 = tpu.vector_load %arg5[%get3A_2677] {strides = array<i32>} : memref<6400xi32, #tpu.memory_space<vmem>>, vector<16xi32>,
      %get3A_2679 = vector.shape_cast %get3A_2678 : vector<16xi32> to vector<16xi32>
      %dma_start3A_2680 = arith.constant 0 : i32
      %dma_start3A_2681 = arith.constant 0 : i32
      %dma_start3A_2682 = arith.constant 0 : i32
      %dma_start3A_2683 = arith.constant 0 : i32
      %dma_start3A_2684 = tpu.memref_slice %arg6[%dma_start3A_2680, %dma_start3A_2682, %dma_start3A_2683] : memref<5x128x80xf32, #tpu.memory_space<vmem>> -> memref<1x128x80xf32, #tpu.memory_space<vmem>>
      %dma_start3A_2685 = tpu.memref_squeeze %dma_start3A_2684 : memref<1x128x80xf32, #tpu.memory_space<vmem>> -> memref<128x80xf32, #tpu.memory_space<vmem>>
      %dma_start3A_2686 = arith.constant 64 : i32
      %dma_start3A_2687 = arith.constant 0 : i32
      %dma_start3A_2688 = tpu.memref_slice %dma_start3A_2685[%dma_start3A_2686, %dma_start3A_2687] : memref<128x80xf32, #tpu.memory_space<vmem>> -> memref<16x80xf32, #tpu.memory_space<vmem>>
      %dma_start3A_2689 = arith.constant 0 : i32
      %dma_start3A_2690 = arith.constant 0 : i32
      %dma_start3A_2691 = tpu.memref_slice %arg3[%dma_start3A_2689, %dma_start3A_2690] : memref<1000000x80xf32, #tpu.memory_space<hbm>> -> memref<1000000x80xf32, #tpu.memory_space<hbm>>
      %dma_start3A_2692 = tpu.memref_slice %arg7[%dma_start3A_2681] : memref<5x!tpu.dma_semaphore, #tpu.memory_space<semaphore_mem>> -> memref<1x!tpu.dma_semaphore, #tpu.memory_space<semaphore_mem>>
      %dma_start3A_2693 = tpu.memref_squeeze %dma_start3A_2692 : memref<1x!tpu.dma_semaphore, #tpu.memory_space<semaphore_mem>> -> memref<!tpu.dma_semaphore, #tpu.memory_space<semaphore_mem>>
      tpu.enqueue_indirect_dma source(%dma_start3A_2691 : memref<1000000x80xf32, #tpu.memory_space<hbm>>) target(%dma_start3A_2688 : memref<16x80xf32, #tpu.memory_space<vmem>>) offsets(%get3A_2679 : vector<16xi32>) semaphore(%dma_start3A_2693 : memref<!tpu.dma_semaphore, #tpu.memory_space<semaphore_mem>>)
      %mul3A_2694 = arith.constant 128 : i32
      %mul3A_2695 = arith.muli %add3A_2588, %mul3A_2694 : i32
      %add3A_2696 = arith.constant 80 : i32
      %add3A_2697 = arith.addi %mul3A_2695, %add3A_2696 : i32
      %get3A_2698 = arith.index_cast %add3A_2697 : i32 to index
      %get3A_2699 = tpu.vector_load %arg5[%get3A_2698] {strides = array<i32>} : memref<6400xi32, #tpu.memory_space<vmem>>, vector<16xi32>,
      %get3A_2700 = vector.shape_cast %get3A_2699 : vector<16xi32> to vector<16xi32>
      %dma_start3A_2701 = arith.constant 0 : i32
      %dma_start3A_2702 = arith.constant 0 : i32
      %dma_start3A_2703 = arith.constant 0 : i32
      %dma_start3A_2704 = arith.constant 0 : i32
      %dma_start3A_2705 = tpu.memref_slice %arg6[%dma_start3A_2701, %dma_start3A_2703, %dma_start3A_2704] : memref<5x128x80xf32, #tpu.memory_space<vmem>> -> memref<1x128x80xf32, #tpu.memory_space<vmem>>
      %dma_start3A_2706 = tpu.memref_squeeze %dma_start3A_2705 : memref<1x128x80xf32, #tpu.memory_space<vmem>> -> memref<128x80xf32, #tpu.memory_space<vmem>>
      %dma_start3A_2707 = arith.constant 80 : i32
      %dma_start3A_2708 = arith.constant 0 : i32
      %dma_start3A_2709 = tpu.memref_slice %dma_start3A_2706[%dma_start3A_2707, %dma_start3A_2708] : memref<128x80xf32, #tpu.memory_space<vmem>> -> memref<16x80xf32, #tpu.memory_space<vmem>>
      %dma_start3A_2710 = arith.constant 0 : i32
      %dma_start3A_2711 = arith.constant 0 : i32
      %dma_start3A_2712 = tpu.memref_slice %arg3[%dma_start3A_2710, %dma_start3A_2711] : memref<1000000x80xf32, #tpu.memory_space<hbm>> -> memref<1000000x80xf32, #tpu.memory_space<hbm>>
      %dma_start3A_2713 = tpu.memref_slice %arg7[%dma_start3A_2702] : memref<5x!tpu.dma_semaphore, #tpu.memory_space<semaphore_mem>> -> memref<1x!tpu.dma_semaphore, #tpu.memory_space<semaphore_mem>>
      %dma_start3A_2714 = tpu.memref_squeeze %dma_start3A_2713 : memref<1x!tpu.dma_semaphore, #tpu.memory_space<semaphore_mem>> -> memref<!tpu.dma_semaphore, #tpu.memory_space<semaphore_mem>>
      tpu.enqueue_indirect_dma source(%dma_start3A_2712 : memref<1000000x80xf32, #tpu.memory_space<hbm>>) target(%dma_start3A_2709 : memref<16x80xf32, #tpu.memory_space<vmem>>) offsets(%get3A_2700 : vector<16xi32>) semaphore(%dma_start3A_2714 : memref<!tpu.dma_semaphore, #tpu.memory_space<semaphore_mem>>)
      %mul3A_2715 = arith.constant 128 : i32
      %mul3A_2716 = arith.muli %add3A_2588, %mul3A_2715 : i32
      %add3A_2717 = arith.constant 96 : i32
      %add3A_2718 = arith.addi %mul3A_2716, %add3A_2717 : i32
      %get3A_2719 = arith.index_cast %add3A_2718 : i32 to index
      %get3A_2720 = tpu.vector_load %arg5[%get3A_2719] {strides = array<i32>} : memref<6400xi32, #tpu.memory_space<vmem>>, vector<16xi32>,
      %get3A_2721 = vector.shape_cast %get3A_2720 : vector<16xi32> to vector<16xi32>
      %dma_start3A_2722 = arith.constant 0 : i32
      %dma_start3A_2723 = arith.constant 0 : i32
      %dma_start3A_2724 = arith.constant 0 : i32
      %dma_start3A_2725 = arith.constant 0 : i32
      %dma_start3A_2726 = tpu.memref_slice %arg6[%dma_start3A_2722, %dma_start3A_2724, %dma_start3A_2725] : memref<5x128x80xf32, #tpu.memory_space<vmem>> -> memref<1x128x80xf32, #tpu.memory_space<vmem>>
      %dma_start3A_2727 = tpu.memref_squeeze %dma_start3A_2726 : memref<1x128x80xf32, #tpu.memory_space<vmem>> -> memref<128x80xf32, #tpu.memory_space<vmem>>
      %dma_start3A_2728 = arith.constant 96 : i32
      %dma_start3A_2729 = arith.constant 0 : i32
      %dma_start3A_2730 = tpu.memref_slice %dma_start3A_2727[%dma_start3A_2728, %dma_start3A_2729] : memref<128x80xf32, #tpu.memory_space<vmem>> -> memref<16x80xf32, #tpu.memory_space<vmem>>
      %dma_start3A_2731 = arith.constant 0 : i32
      %dma_start3A_2732 = arith.constant 0 : i32
      %dma_start3A_2733 = tpu.memref_slice %arg3[%dma_start3A_2731, %dma_start3A_2732] : memref<1000000x80xf32, #tpu.memory_space<hbm>> -> memref<1000000x80xf32, #tpu.memory_space<hbm>>
      %dma_start3A_2734 = tpu.memref_slice %arg7[%dma_start3A_2723] : memref<5x!tpu.dma_semaphore, #tpu.memory_space<semaphore_mem>> -> memref<1x!tpu.dma_semaphore, #tpu.memory_space<semaphore_mem>>
      %dma_start3A_2735 = tpu.memref_squeeze %dma_start3A_2734 : memref<1x!tpu.dma_semaphore, #tpu.memory_space<semaphore_mem>> -> memref<!tpu.dma_semaphore, #tpu.memory_space<semaphore_mem>>
      tpu.enqueue_indirect_dma source(%dma_start3A_2733 : memref<1000000x80xf32, #tpu.memory_space<hbm>>) target(%dma_start3A_2730 : memref<16x80xf32, #tpu.memory_space<vmem>>) offsets(%get3A_2721 : vector<16xi32>) semaphore(%dma_start3A_2735 : memref<!tpu.dma_semaphore, #tpu.memory_space<semaphore_mem>>)
      %mul3A_2736 = arith.constant 128 : i32
      %mul3A_2737 = arith.muli %add3A_2588, %mul3A_2736 : i32
      %add3A_2738 = arith.constant 112 : i32
      %add3A_2739 = arith.addi %mul3A_2737, %add3A_2738 : i32
      %get3A_2740 = arith.index_cast %add3A_2739 : i32 to index
      %get3A_2741 = tpu.vector_load %arg5[%get3A_2740] {strides = array<i32>} : memref<6400xi32, #tpu.memory_space<vmem>>, vector<16xi32>,
      %get3A_2742 = vector.shape_cast %get3A_2741 : vector<16xi32> to vector<16xi32>
      %dma_start3A_2743 = arith.constant 0 : i32
      %dma_start3A_2744 = arith.constant 0 : i32
      %dma_start3A_2745 = arith.constant 0 : i32
      %dma_start3A_2746 = arith.constant 0 : i32
      %dma_start3A_2747 = tpu.memref_slice %arg6[%dma_start3A_2743, %dma_start3A_2745, %dma_start3A_2746] : memref<5x128x80xf32, #tpu.memory_space<vmem>> -> memref<1x128x80xf32, #tpu.memory_space<vmem>>
      %dma_start3A_2748 = tpu.memref_squeeze %dma_start3A_2747 : memref<1x128x80xf32, #tpu.memory_space<vmem>> -> memref<128x80xf32, #tpu.memory_space<vmem>>
      %dma_start3A_2749 = arith.constant 112 : i32
      %dma_start3A_2750 = arith.constant 0 : i32
      %dma_start3A_2751 = tpu.memref_slice %dma_start3A_2748[%dma_start3A_2749, %dma_start3A_2750] : memref<128x80xf32, #tpu.memory_space<vmem>> -> memref<16x80xf32, #tpu.memory_space<vmem>>
      %dma_start3A_2752 = arith.constant 0 : i32
      %dma_start3A_2753 = arith.constant 0 : i32
      %dma_start3A_2754 = tpu.memref_slice %arg3[%dma_start3A_2752, %dma_start3A_2753] : memref<1000000x80xf32, #tpu.memory_space<hbm>> -> memref<1000000x80xf32, #tpu.memory_space<hbm>>
      %dma_start3A_2755 = tpu.memref_slice %arg7[%dma_start3A_2744] : memref<5x!tpu.dma_semaphore, #tpu.memory_space<semaphore_mem>> -> memref<1x!tpu.dma_semaphore, #tpu.memory_space<semaphore_mem>>
      %dma_start3A_2756 = tpu.memref_squeeze %dma_start3A_2755 : memref<1x!tpu.dma_semaphore, #tpu.memory_space<semaphore_mem>> -> memref<!tpu.dma_semaphore, #tpu.memory_space<semaphore_mem>>
      tpu.enqueue_indirect_dma source(%dma_start3A_2754 : memref<1000000x80xf32, #tpu.memory_space<hbm>>) target(%dma_start3A_2751 : memref<16x80xf32, #tpu.memory_space<vmem>>) offsets(%get3A_2742 : vector<16xi32>) semaphore(%dma_start3A_2756 : memref<!tpu.dma_semaphore, #tpu.memory_space<semaphore_mem>>)
      %mul3A_2757 = arith.constant 5 : i32
      %mul3A_2758 = arith.muli %scan3A_2025, %mul3A_2757 : i32
      %add3A_2759 = arith.constant 3 : i32
      %add3A_2760 = arith.addi %mul3A_2758, %add3A_2759 : i32
      %dma_wait3A_2761 = arith.constant 3 : i32
      %dma_wait3A_2762 = arith.constant 3 : i32
      %dma_wait3A_2763 = arith.constant 0 : i32
      %dma_wait3A_2764 = arith.constant 0 : i32
      %dma_wait3A_2765 = tpu.memref_slice %arg6[%dma_wait3A_2761, %dma_wait3A_2763, %dma_wait3A_2764] : memref<5x128x80xf32, #tpu.memory_space<vmem>> -> memref<1x128x80xf32, #tpu.memory_space<vmem>>
      %dma_wait3A_2766 = tpu.memref_squeeze %dma_wait3A_2765 : memref<1x128x80xf32, #tpu.memory_space<vmem>> -> memref<128x80xf32, #tpu.memory_space<vmem>>
      %dma_wait3A_2767 = arith.constant 0 : i32
      %dma_wait3A_2768 = arith.constant 0 : i32
      %dma_wait3A_2769 = tpu.memref_slice %arg3[%dma_wait3A_2767, %dma_wait3A_2768] : memref<1000000x80xf32, #tpu.memory_space<hbm>> -> memref<128x80xf32, #tpu.memory_space<hbm>>
      %dma_wait3A_2770 = tpu.memref_slice %arg7[%dma_wait3A_2762] : memref<5x!tpu.dma_semaphore, #tpu.memory_space<semaphore_mem>> -> memref<1x!tpu.dma_semaphore, #tpu.memory_space<semaphore_mem>>
      %dma_wait3A_2771 = tpu.memref_squeeze %dma_wait3A_2770 : memref<1x!tpu.dma_semaphore, #tpu.memory_space<semaphore_mem>> -> memref<!tpu.dma_semaphore, #tpu.memory_space<semaphore_mem>>
      %dma_wait3A_2772 = arith.constant 0 : i32
      %dma_wait3A_2773 = arith.constant 0 : i32
      %dma_wait3A_2774 = tpu.memref_slice %arg6[%dma_wait3A_2761, %dma_wait3A_2772, %dma_wait3A_2773] : memref<5x128x80xf32, #tpu.memory_space<vmem>> -> memref<1x128x80xf32, #tpu.memory_space<vmem>>
      %dma_wait3A_2775 = tpu.memref_squeeze %dma_wait3A_2774 : memref<1x128x80xf32, #tpu.memory_space<vmem>> -> memref<128x80xf32, #tpu.memory_space<vmem>>
      %dma_wait3A_2776 = arith.constant 0 : i32
      %dma_wait3A_2777 = arith.constant 0 : i32
      %dma_wait3A_2778 = tpu.memref_slice %arg3[%dma_wait3A_2776, %dma_wait3A_2777] : memref<1000000x80xf32, #tpu.memory_space<hbm>> -> memref<128x80xf32, #tpu.memory_space<hbm>>
      tpu.wait_dma2 semaphore(%dma_wait3A_2771 : memref<!tpu.dma_semaphore, #tpu.memory_space<semaphore_mem>>) src(%dma_wait3A_2778 : memref<128x80xf32, #tpu.memory_space<hbm>>) dst(%dma_wait3A_2775 : memref<128x80xf32, #tpu.memory_space<vmem>>)
      %mul3A_2779 = arith.constant 128 : i32
      %mul3A_2780 = arith.muli %add3A_2760, %mul3A_2779 : i32
      %add3A_2781 = arith.addi %mul3A_2, %mul3A_2780 : i32
      %dma_start3A_2782 = arith.constant 3 : i32
      %dma_start3A_2783 = arith.constant 3 : i32
      %dma_start3A_2784 = arith.constant 0 : i32
      %dma_start3A_2785 = arith.constant 0 : i32
      %dma_start3A_2786 = tpu.memref_slice %arg6[%dma_start3A_2782, %dma_start3A_2784, %dma_start3A_2785] : memref<5x128x80xf32, #tpu.memory_space<vmem>> -> memref<1x128x80xf32, #tpu.memory_space<vmem>>
      %dma_start3A_2787 = tpu.memref_squeeze %dma_start3A_2786 : memref<1x128x80xf32, #tpu.memory_space<vmem>> -> memref<128x80xf32, #tpu.memory_space<vmem>>
      %dma_start3A_2788 = arith.constant 0 : i32
      %dma_start3A_2789 = arith.constant 0 : i32
      %dma_start3A_2790 = tpu.memref_slice %dma_start3A_2787[%dma_start3A_2788, %dma_start3A_2789] : memref<128x80xf32, #tpu.memory_space<vmem>> -> memref<128x64xf32, #tpu.memory_space<vmem>>
      %dma_start3A_2791 = arith.constant 0 : i32
      %dma_start3A_2792 = tpu.memref_slice %arg4[%add3A_2781, %dma_start3A_2791] : memref<204800x64xf32, #tpu.memory_space<hbm>> -> memref<128x64xf32, #tpu.memory_space<hbm>>
      %dma_start3A_2793 = tpu.memref_slice %arg8[%dma_start3A_2783] : memref<5x!tpu.dma_semaphore, #tpu.memory_space<semaphore_mem>> -> memref<1x!tpu.dma_semaphore, #tpu.memory_space<semaphore_mem>>
      %dma_start3A_2794 = tpu.memref_squeeze %dma_start3A_2793 : memref<1x!tpu.dma_semaphore, #tpu.memory_space<semaphore_mem>> -> memref<!tpu.dma_semaphore, #tpu.memory_space<semaphore_mem>>
      %dma_start3A_2795 = arith.constant 0 : i32
      %dma_start3A_2796 = tpu.memref_slice %arg4[%add3A_2781, %dma_start3A_2795] : memref<204800x64xf32, #tpu.memory_space<hbm>> -> memref<128x64xf32, #tpu.memory_space<hbm>>
      %dma_start3A_2797 = arith.constant 0 : i32
      %dma_start3A_2798 = arith.constant 0 : i32
      %dma_start3A_2799 = tpu.memref_slice %arg6[%dma_start3A_2782, %dma_start3A_2797, %dma_start3A_2798] : memref<5x128x80xf32, #tpu.memory_space<vmem>> -> memref<1x128x80xf32, #tpu.memory_space<vmem>>
      %dma_start3A_2800 = tpu.memref_squeeze %dma_start3A_2799 : memref<1x128x80xf32, #tpu.memory_space<vmem>> -> memref<128x80xf32, #tpu.memory_space<vmem>>
      %dma_start3A_2801 = arith.constant 0 : i32
      %dma_start3A_2802 = arith.constant 0 : i32
      %dma_start3A_2803 = tpu.memref_slice %dma_start3A_2800[%dma_start3A_2801, %dma_start3A_2802] : memref<128x80xf32, #tpu.memory_space<vmem>> -> memref<128x64xf32, #tpu.memory_space<vmem>>
      tpu.enqueue_dma source(%dma_start3A_2803 : memref<128x64xf32, #tpu.memory_space<vmem>>) target(%dma_start3A_2796 : memref<128x64xf32, #tpu.memory_space<hbm>>) target_semaphore(%dma_start3A_2794 : memref<!tpu.dma_semaphore, #tpu.memory_space<semaphore_mem>>)
      %sub3A_2804 = arith.constant 2 : i32
      %sub3A_2805 = arith.subi %add3A_2760, %sub3A_2804 : i32
      %mul3A_2806 = arith.constant 128 : i32
      %mul3A_2807 = arith.muli %sub3A_2805, %mul3A_2806 : i32
      %add3A_2808 = arith.addi %mul3A_2, %mul3A_2807 : i32
      %dma_wait3A_2809 = arith.constant 1 : i32
      %dma_wait3A_2810 = arith.constant 1 : i32
      %dma_wait3A_2811 = arith.constant 0 : i32
      %dma_wait3A_2812 = arith.constant 0 : i32
      %dma_wait3A_2813 = tpu.memref_slice %arg6[%dma_wait3A_2809, %dma_wait3A_2811, %dma_wait3A_2812] : memref<5x128x80xf32, #tpu.memory_space<vmem>> -> memref<1x128x80xf32, #tpu.memory_space<vmem>>
      %dma_wait3A_2814 = tpu.memref_squeeze %dma_wait3A_2813 : memref<1x128x80xf32, #tpu.memory_space<vmem>> -> memref<128x80xf32, #tpu.memory_space<vmem>>
      %dma_wait3A_2815 = arith.constant 0 : i32
      %dma_wait3A_2816 = arith.constant 0 : i32
      %dma_wait3A_2817 = tpu.memref_slice %dma_wait3A_2814[%dma_wait3A_2815, %dma_wait3A_2816] : memref<128x80xf32, #tpu.memory_space<vmem>> -> memref<128x64xf32, #tpu.memory_space<vmem>>
      %dma_wait3A_2818 = arith.constant 0 : i32
      %dma_wait3A_2819 = tpu.memref_slice %arg4[%add3A_2808, %dma_wait3A_2818] : memref<204800x64xf32, #tpu.memory_space<hbm>> -> memref<128x64xf32, #tpu.memory_space<hbm>>
      %dma_wait3A_2820 = tpu.memref_slice %arg8[%dma_wait3A_2810] : memref<5x!tpu.dma_semaphore, #tpu.memory_space<semaphore_mem>> -> memref<1x!tpu.dma_semaphore, #tpu.memory_space<semaphore_mem>>
      %dma_wait3A_2821 = tpu.memref_squeeze %dma_wait3A_2820 : memref<1x!tpu.dma_semaphore, #tpu.memory_space<semaphore_mem>> -> memref<!tpu.dma_semaphore, #tpu.memory_space<semaphore_mem>>
      %dma_wait3A_2822 = arith.constant 0 : i32
      %dma_wait3A_2823 = tpu.memref_slice %arg4[%add3A_2808, %dma_wait3A_2822] : memref<204800x64xf32, #tpu.memory_space<hbm>> -> memref<128x64xf32, #tpu.memory_space<hbm>>
      %dma_wait3A_2824 = arith.constant 0 : i32
      %dma_wait3A_2825 = arith.constant 0 : i32
      %dma_wait3A_2826 = tpu.memref_slice %arg6[%dma_wait3A_2809, %dma_wait3A_2824, %dma_wait3A_2825] : memref<5x128x80xf32, #tpu.memory_space<vmem>> -> memref<1x128x80xf32, #tpu.memory_space<vmem>>
      %dma_wait3A_2827 = tpu.memref_squeeze %dma_wait3A_2826 : memref<1x128x80xf32, #tpu.memory_space<vmem>> -> memref<128x80xf32, #tpu.memory_space<vmem>>
      %dma_wait3A_2828 = arith.constant 0 : i32
      %dma_wait3A_2829 = arith.constant 0 : i32
      %dma_wait3A_2830 = tpu.memref_slice %dma_wait3A_2827[%dma_wait3A_2828, %dma_wait3A_2829] : memref<128x80xf32, #tpu.memory_space<vmem>> -> memref<128x64xf32, #tpu.memory_space<vmem>>
      tpu.wait_dma2 semaphore(%dma_wait3A_2821 : memref<!tpu.dma_semaphore, #tpu.memory_space<semaphore_mem>>) src(%dma_wait3A_2830 : memref<128x64xf32, #tpu.memory_space<vmem>>) dst(%dma_wait3A_2823 : memref<128x64xf32, #tpu.memory_space<hbm>>)
      %add3A_2831 = arith.constant 3 : i32
      %add3A_2832 = arith.addi %add3A_2760, %add3A_2831 : i32
      %mul3A_2833 = arith.constant 128 : i32
      %mul3A_2834 = arith.muli %add3A_2832, %mul3A_2833 : i32
      %add3A_2835 = arith.constant 0 : i32
      %add3A_2836 = arith.addi %mul3A_2834, %add3A_2835 : i32
      %get3A_2837 = arith.index_cast %add3A_2836 : i32 to index
      %get3A_2838 = tpu.vector_load %arg5[%get3A_2837] {strides = array<i32>} : memref<6400xi32, #tpu.memory_space<vmem>>, vector<16xi32>,
      %get3A_2839 = vector.shape_cast %get3A_2838 : vector<16xi32> to vector<16xi32>
      %dma_start3A_2840 = arith.constant 1 : i32
      %dma_start3A_2841 = arith.constant 1 : i32
      %dma_start3A_2842 = arith.constant 0 : i32
      %dma_start3A_2843 = arith.constant 0 : i32
      %dma_start3A_2844 = tpu.memref_slice %arg6[%dma_start3A_2840, %dma_start3A_2842, %dma_start3A_2843] : memref<5x128x80xf32, #tpu.memory_space<vmem>> -> memref<1x128x80xf32, #tpu.memory_space<vmem>>
      %dma_start3A_2845 = tpu.memref_squeeze %dma_start3A_2844 : memref<1x128x80xf32, #tpu.memory_space<vmem>> -> memref<128x80xf32, #tpu.memory_space<vmem>>
      %dma_start3A_2846 = arith.constant 0 : i32
      %dma_start3A_2847 = arith.constant 0 : i32
      %dma_start3A_2848 = tpu.memref_slice %dma_start3A_2845[%dma_start3A_2846, %dma_start3A_2847] : memref<128x80xf32, #tpu.memory_space<vmem>> -> memref<16x80xf32, #tpu.memory_space<vmem>>
      %dma_start3A_2849 = arith.constant 0 : i32
      %dma_start3A_2850 = arith.constant 0 : i32
      %dma_start3A_2851 = tpu.memref_slice %arg3[%dma_start3A_2849, %dma_start3A_2850] : memref<1000000x80xf32, #tpu.memory_space<hbm>> -> memref<1000000x80xf32, #tpu.memory_space<hbm>>
      %dma_start3A_2852 = tpu.memref_slice %arg7[%dma_start3A_2841] : memref<5x!tpu.dma_semaphore, #tpu.memory_space<semaphore_mem>> -> memref<1x!tpu.dma_semaphore, #tpu.memory_space<semaphore_mem>>
      %dma_start3A_2853 = tpu.memref_squeeze %dma_start3A_2852 : memref<1x!tpu.dma_semaphore, #tpu.memory_space<semaphore_mem>> -> memref<!tpu.dma_semaphore, #tpu.memory_space<semaphore_mem>>
      tpu.enqueue_indirect_dma source(%dma_start3A_2851 : memref<1000000x80xf32, #tpu.memory_space<hbm>>) target(%dma_start3A_2848 : memref<16x80xf32, #tpu.memory_space<vmem>>) offsets(%get3A_2839 : vector<16xi32>) semaphore(%dma_start3A_2853 : memref<!tpu.dma_semaphore, #tpu.memory_space<semaphore_mem>>)
      %mul3A_2854 = arith.constant 128 : i32
      %mul3A_2855 = arith.muli %add3A_2832, %mul3A_2854 : i32
      %add3A_2856 = arith.constant 16 : i32
      %add3A_2857 = arith.addi %mul3A_2855, %add3A_2856 : i32
      %get3A_2858 = arith.index_cast %add3A_2857 : i32 to index
      %get3A_2859 = tpu.vector_load %arg5[%get3A_2858] {strides = array<i32>} : memref<6400xi32, #tpu.memory_space<vmem>>, vector<16xi32>,
      %get3A_2860 = vector.shape_cast %get3A_2859 : vector<16xi32> to vector<16xi32>
      %dma_start3A_2861 = arith.constant 1 : i32
      %dma_start3A_2862 = arith.constant 1 : i32
      %dma_start3A_2863 = arith.constant 0 : i32
      %dma_start3A_2864 = arith.constant 0 : i32
      %dma_start3A_2865 = tpu.memref_slice %arg6[%dma_start3A_2861, %dma_start3A_2863, %dma_start3A_2864] : memref<5x128x80xf32, #tpu.memory_space<vmem>> -> memref<1x128x80xf32, #tpu.memory_space<vmem>>
      %dma_start3A_2866 = tpu.memref_squeeze %dma_start3A_2865 : memref<1x128x80xf32, #tpu.memory_space<vmem>> -> memref<128x80xf32, #tpu.memory_space<vmem>>
      %dma_start3A_2867 = arith.constant 16 : i32
      %dma_start3A_2868 = arith.constant 0 : i32
      %dma_start3A_2869 = tpu.memref_slice %dma_start3A_2866[%dma_start3A_2867, %dma_start3A_2868] : memref<128x80xf32, #tpu.memory_space<vmem>> -> memref<16x80xf32, #tpu.memory_space<vmem>>
      %dma_start3A_2870 = arith.constant 0 : i32
      %dma_start3A_2871 = arith.constant 0 : i32
      %dma_start3A_2872 = tpu.memref_slice %arg3[%dma_start3A_2870, %dma_start3A_2871] : memref<1000000x80xf32, #tpu.memory_space<hbm>> -> memref<1000000x80xf32, #tpu.memory_space<hbm>>
      %dma_start3A_2873 = tpu.memref_slice %arg7[%dma_start3A_2862] : memref<5x!tpu.dma_semaphore, #tpu.memory_space<semaphore_mem>> -> memref<1x!tpu.dma_semaphore, #tpu.memory_space<semaphore_mem>>
      %dma_start3A_2874 = tpu.memref_squeeze %dma_start3A_2873 : memref<1x!tpu.dma_semaphore, #tpu.memory_space<semaphore_mem>> -> memref<!tpu.dma_semaphore, #tpu.memory_space<semaphore_mem>>
      tpu.enqueue_indirect_dma source(%dma_start3A_2872 : memref<1000000x80xf32, #tpu.memory_space<hbm>>) target(%dma_start3A_2869 : memref<16x80xf32, #tpu.memory_space<vmem>>) offsets(%get3A_2860 : vector<16xi32>) semaphore(%dma_start3A_2874 : memref<!tpu.dma_semaphore, #tpu.memory_space<semaphore_mem>>)
      %mul3A_2875 = arith.constant 128 : i32
      %mul3A_2876 = arith.muli %add3A_2832, %mul3A_2875 : i32
      %add3A_2877 = arith.constant 32 : i32
      %add3A_2878 = arith.addi %mul3A_2876, %add3A_2877 : i32
      %get3A_2879 = arith.index_cast %add3A_2878 : i32 to index
      %get3A_2880 = tpu.vector_load %arg5[%get3A_2879] {strides = array<i32>} : memref<6400xi32, #tpu.memory_space<vmem>>, vector<16xi32>,
      %get3A_2881 = vector.shape_cast %get3A_2880 : vector<16xi32> to vector<16xi32>
      %dma_start3A_2882 = arith.constant 1 : i32
      %dma_start3A_2883 = arith.constant 1 : i32
      %dma_start3A_2884 = arith.constant 0 : i32
      %dma_start3A_2885 = arith.constant 0 : i32
      %dma_start3A_2886 = tpu.memref_slice %arg6[%dma_start3A_2882, %dma_start3A_2884, %dma_start3A_2885] : memref<5x128x80xf32, #tpu.memory_space<vmem>> -> memref<1x128x80xf32, #tpu.memory_space<vmem>>
      %dma_start3A_2887 = tpu.memref_squeeze %dma_start3A_2886 : memref<1x128x80xf32, #tpu.memory_space<vmem>> -> memref<128x80xf32, #tpu.memory_space<vmem>>
      %dma_start3A_2888 = arith.constant 32 : i32
      %dma_start3A_2889 = arith.constant 0 : i32
      %dma_start3A_2890 = tpu.memref_slice %dma_start3A_2887[%dma_start3A_2888, %dma_start3A_2889] : memref<128x80xf32, #tpu.memory_space<vmem>> -> memref<16x80xf32, #tpu.memory_space<vmem>>
      %dma_start3A_2891 = arith.constant 0 : i32
      %dma_start3A_2892 = arith.constant 0 : i32
      %dma_start3A_2893 = tpu.memref_slice %arg3[%dma_start3A_2891, %dma_start3A_2892] : memref<1000000x80xf32, #tpu.memory_space<hbm>> -> memref<1000000x80xf32, #tpu.memory_space<hbm>>
      %dma_start3A_2894 = tpu.memref_slice %arg7[%dma_start3A_2883] : memref<5x!tpu.dma_semaphore, #tpu.memory_space<semaphore_mem>> -> memref<1x!tpu.dma_semaphore, #tpu.memory_space<semaphore_mem>>
      %dma_start3A_2895 = tpu.memref_squeeze %dma_start3A_2894 : memref<1x!tpu.dma_semaphore, #tpu.memory_space<semaphore_mem>> -> memref<!tpu.dma_semaphore, #tpu.memory_space<semaphore_mem>>
      tpu.enqueue_indirect_dma source(%dma_start3A_2893 : memref<1000000x80xf32, #tpu.memory_space<hbm>>) target(%dma_start3A_2890 : memref<16x80xf32, #tpu.memory_space<vmem>>) offsets(%get3A_2881 : vector<16xi32>) semaphore(%dma_start3A_2895 : memref<!tpu.dma_semaphore, #tpu.memory_space<semaphore_mem>>)
      %mul3A_2896 = arith.constant 128 : i32
      %mul3A_2897 = arith.muli %add3A_2832, %mul3A_2896 : i32
      %add3A_2898 = arith.constant 48 : i32
      %add3A_2899 = arith.addi %mul3A_2897, %add3A_2898 : i32
      %get3A_2900 = arith.index_cast %add3A_2899 : i32 to index
      %get3A_2901 = tpu.vector_load %arg5[%get3A_2900] {strides = array<i32>} : memref<6400xi32, #tpu.memory_space<vmem>>, vector<16xi32>,
      %get3A_2902 = vector.shape_cast %get3A_2901 : vector<16xi32> to vector<16xi32>
      %dma_start3A_2903 = arith.constant 1 : i32
      %dma_start3A_2904 = arith.constant 1 : i32
      %dma_start3A_2905 = arith.constant 0 : i32
      %dma_start3A_2906 = arith.constant 0 : i32
      %dma_start3A_2907 = tpu.memref_slice %arg6[%dma_start3A_2903, %dma_start3A_2905, %dma_start3A_2906] : memref<5x128x80xf32, #tpu.memory_space<vmem>> -> memref<1x128x80xf32, #tpu.memory_space<vmem>>
      %dma_start3A_2908 = tpu.memref_squeeze %dma_start3A_2907 : memref<1x128x80xf32, #tpu.memory_space<vmem>> -> memref<128x80xf32, #tpu.memory_space<vmem>>
      %dma_start3A_2909 = arith.constant 48 : i32
      %dma_start3A_2910 = arith.constant 0 : i32
      %dma_start3A_2911 = tpu.memref_slice %dma_start3A_2908[%dma_start3A_2909, %dma_start3A_2910] : memref<128x80xf32, #tpu.memory_space<vmem>> -> memref<16x80xf32, #tpu.memory_space<vmem>>
      %dma_start3A_2912 = arith.constant 0 : i32
      %dma_start3A_2913 = arith.constant 0 : i32
      %dma_start3A_2914 = tpu.memref_slice %arg3[%dma_start3A_2912, %dma_start3A_2913] : memref<1000000x80xf32, #tpu.memory_space<hbm>> -> memref<1000000x80xf32, #tpu.memory_space<hbm>>
      %dma_start3A_2915 = tpu.memref_slice %arg7[%dma_start3A_2904] : memref<5x!tpu.dma_semaphore, #tpu.memory_space<semaphore_mem>> -> memref<1x!tpu.dma_semaphore, #tpu.memory_space<semaphore_mem>>
      %dma_start3A_2916 = tpu.memref_squeeze %dma_start3A_2915 : memref<1x!tpu.dma_semaphore, #tpu.memory_space<semaphore_mem>> -> memref<!tpu.dma_semaphore, #tpu.memory_space<semaphore_mem>>
      tpu.enqueue_indirect_dma source(%dma_start3A_2914 : memref<1000000x80xf32, #tpu.memory_space<hbm>>) target(%dma_start3A_2911 : memref<16x80xf32, #tpu.memory_space<vmem>>) offsets(%get3A_2902 : vector<16xi32>) semaphore(%dma_start3A_2916 : memref<!tpu.dma_semaphore, #tpu.memory_space<semaphore_mem>>)
      %mul3A_2917 = arith.constant 128 : i32
      %mul3A_2918 = arith.muli %add3A_2832, %mul3A_2917 : i32
      %add3A_2919 = arith.constant 64 : i32
      %add3A_2920 = arith.addi %mul3A_2918, %add3A_2919 : i32
      %get3A_2921 = arith.index_cast %add3A_2920 : i32 to index
      %get3A_2922 = tpu.vector_load %arg5[%get3A_2921] {strides = array<i32>} : memref<6400xi32, #tpu.memory_space<vmem>>, vector<16xi32>,
      %get3A_2923 = vector.shape_cast %get3A_2922 : vector<16xi32> to vector<16xi32>
      %dma_start3A_2924 = arith.constant 1 : i32
      %dma_start3A_2925 = arith.constant 1 : i32
      %dma_start3A_2926 = arith.constant 0 : i32
      %dma_start3A_2927 = arith.constant 0 : i32
      %dma_start3A_2928 = tpu.memref_slice %arg6[%dma_start3A_2924, %dma_start3A_2926, %dma_start3A_2927] : memref<5x128x80xf32, #tpu.memory_space<vmem>> -> memref<1x128x80xf32, #tpu.memory_space<vmem>>
      %dma_start3A_2929 = tpu.memref_squeeze %dma_start3A_2928 : memref<1x128x80xf32, #tpu.memory_space<vmem>> -> memref<128x80xf32, #tpu.memory_space<vmem>>
      %dma_start3A_2930 = arith.constant 64 : i32
      %dma_start3A_2931 = arith.constant 0 : i32
      %dma_start3A_2932 = tpu.memref_slice %dma_start3A_2929[%dma_start3A_2930, %dma_start3A_2931] : memref<128x80xf32, #tpu.memory_space<vmem>> -> memref<16x80xf32, #tpu.memory_space<vmem>>
      %dma_start3A_2933 = arith.constant 0 : i32
      %dma_start3A_2934 = arith.constant 0 : i32
      %dma_start3A_2935 = tpu.memref_slice %arg3[%dma_start3A_2933, %dma_start3A_2934] : memref<1000000x80xf32, #tpu.memory_space<hbm>> -> memref<1000000x80xf32, #tpu.memory_space<hbm>>
      %dma_start3A_2936 = tpu.memref_slice %arg7[%dma_start3A_2925] : memref<5x!tpu.dma_semaphore, #tpu.memory_space<semaphore_mem>> -> memref<1x!tpu.dma_semaphore, #tpu.memory_space<semaphore_mem>>
      %dma_start3A_2937 = tpu.memref_squeeze %dma_start3A_2936 : memref<1x!tpu.dma_semaphore, #tpu.memory_space<semaphore_mem>> -> memref<!tpu.dma_semaphore, #tpu.memory_space<semaphore_mem>>
      tpu.enqueue_indirect_dma source(%dma_start3A_2935 : memref<1000000x80xf32, #tpu.memory_space<hbm>>) target(%dma_start3A_2932 : memref<16x80xf32, #tpu.memory_space<vmem>>) offsets(%get3A_2923 : vector<16xi32>) semaphore(%dma_start3A_2937 : memref<!tpu.dma_semaphore, #tpu.memory_space<semaphore_mem>>)
      %mul3A_2938 = arith.constant 128 : i32
      %mul3A_2939 = arith.muli %add3A_2832, %mul3A_2938 : i32
      %add3A_2940 = arith.constant 80 : i32
      %add3A_2941 = arith.addi %mul3A_2939, %add3A_2940 : i32
      %get3A_2942 = arith.index_cast %add3A_2941 : i32 to index
      %get3A_2943 = tpu.vector_load %arg5[%get3A_2942] {strides = array<i32>} : memref<6400xi32, #tpu.memory_space<vmem>>, vector<16xi32>,
      %get3A_2944 = vector.shape_cast %get3A_2943 : vector<16xi32> to vector<16xi32>
      %dma_start3A_2945 = arith.constant 1 : i32
      %dma_start3A_2946 = arith.constant 1 : i32
      %dma_start3A_2947 = arith.constant 0 : i32
      %dma_start3A_2948 = arith.constant 0 : i32
      %dma_start3A_2949 = tpu.memref_slice %arg6[%dma_start3A_2945, %dma_start3A_2947, %dma_start3A_2948] : memref<5x128x80xf32, #tpu.memory_space<vmem>> -> memref<1x128x80xf32, #tpu.memory_space<vmem>>
      %dma_start3A_2950 = tpu.memref_squeeze %dma_start3A_2949 : memref<1x128x80xf32, #tpu.memory_space<vmem>> -> memref<128x80xf32, #tpu.memory_space<vmem>>
      %dma_start3A_2951 = arith.constant 80 : i32
      %dma_start3A_2952 = arith.constant 0 : i32
      %dma_start3A_2953 = tpu.memref_slice %dma_start3A_2950[%dma_start3A_2951, %dma_start3A_2952] : memref<128x80xf32, #tpu.memory_space<vmem>> -> memref<16x80xf32, #tpu.memory_space<vmem>>
      %dma_start3A_2954 = arith.constant 0 : i32
      %dma_start3A_2955 = arith.constant 0 : i32
      %dma_start3A_2956 = tpu.memref_slice %arg3[%dma_start3A_2954, %dma_start3A_2955] : memref<1000000x80xf32, #tpu.memory_space<hbm>> -> memref<1000000x80xf32, #tpu.memory_space<hbm>>
      %dma_start3A_2957 = tpu.memref_slice %arg7[%dma_start3A_2946] : memref<5x!tpu.dma_semaphore, #tpu.memory_space<semaphore_mem>> -> memref<1x!tpu.dma_semaphore, #tpu.memory_space<semaphore_mem>>
      %dma_start3A_2958 = tpu.memref_squeeze %dma_start3A_2957 : memref<1x!tpu.dma_semaphore, #tpu.memory_space<semaphore_mem>> -> memref<!tpu.dma_semaphore, #tpu.memory_space<semaphore_mem>>
      tpu.enqueue_indirect_dma source(%dma_start3A_2956 : memref<1000000x80xf32, #tpu.memory_space<hbm>>) target(%dma_start3A_2953 : memref<16x80xf32, #tpu.memory_space<vmem>>) offsets(%get3A_2944 : vector<16xi32>) semaphore(%dma_start3A_2958 : memref<!tpu.dma_semaphore, #tpu.memory_space<semaphore_mem>>)
      %mul3A_2959 = arith.constant 128 : i32
      %mul3A_2960 = arith.muli %add3A_2832, %mul3A_2959 : i32
      %add3A_2961 = arith.constant 96 : i32
      %add3A_2962 = arith.addi %mul3A_2960, %add3A_2961 : i32
      %get3A_2963 = arith.index_cast %add3A_2962 : i32 to index
      %get3A_2964 = tpu.vector_load %arg5[%get3A_2963] {strides = array<i32>} : memref<6400xi32, #tpu.memory_space<vmem>>, vector<16xi32>,
      %get3A_2965 = vector.shape_cast %get3A_2964 : vector<16xi32> to vector<16xi32>
      %dma_start3A_2966 = arith.constant 1 : i32
      %dma_start3A_2967 = arith.constant 1 : i32
      %dma_start3A_2968 = arith.constant 0 : i32
      %dma_start3A_2969 = arith.constant 0 : i32
      %dma_start3A_2970 = tpu.memref_slice %arg6[%dma_start3A_2966, %dma_start3A_2968, %dma_start3A_2969] : memref<5x128x80xf32, #tpu.memory_space<vmem>> -> memref<1x128x80xf32, #tpu.memory_space<vmem>>
      %dma_start3A_2971 = tpu.memref_squeeze %dma_start3A_2970 : memref<1x128x80xf32, #tpu.memory_space<vmem>> -> memref<128x80xf32, #tpu.memory_space<vmem>>
      %dma_start3A_2972 = arith.constant 96 : i32
      %dma_start3A_2973 = arith.constant 0 : i32
      %dma_start3A_2974 = tpu.memref_slice %dma_start3A_2971[%dma_start3A_2972, %dma_start3A_2973] : memref<128x80xf32, #tpu.memory_space<vmem>> -> memref<16x80xf32, #tpu.memory_space<vmem>>
      %dma_start3A_2975 = arith.constant 0 : i32
      %dma_start3A_2976 = arith.constant 0 : i32
      %dma_start3A_2977 = tpu.memref_slice %arg3[%dma_start3A_2975, %dma_start3A_2976] : memref<1000000x80xf32, #tpu.memory_space<hbm>> -> memref<1000000x80xf32, #tpu.memory_space<hbm>>
      %dma_start3A_2978 = tpu.memref_slice %arg7[%dma_start3A_2967] : memref<5x!tpu.dma_semaphore, #tpu.memory_space<semaphore_mem>> -> memref<1x!tpu.dma_semaphore, #tpu.memory_space<semaphore_mem>>
      %dma_start3A_2979 = tpu.memref_squeeze %dma_start3A_2978 : memref<1x!tpu.dma_semaphore, #tpu.memory_space<semaphore_mem>> -> memref<!tpu.dma_semaphore, #tpu.memory_space<semaphore_mem>>
      tpu.enqueue_indirect_dma source(%dma_start3A_2977 : memref<1000000x80xf32, #tpu.memory_space<hbm>>) target(%dma_start3A_2974 : memref<16x80xf32, #tpu.memory_space<vmem>>) offsets(%get3A_2965 : vector<16xi32>) semaphore(%dma_start3A_2979 : memref<!tpu.dma_semaphore, #tpu.memory_space<semaphore_mem>>)
      %mul3A_2980 = arith.constant 128 : i32
      %mul3A_2981 = arith.muli %add3A_2832, %mul3A_2980 : i32
      %add3A_2982 = arith.constant 112 : i32
      %add3A_2983 = arith.addi %mul3A_2981, %add3A_2982 : i32
      %get3A_2984 = arith.index_cast %add3A_2983 : i32 to index
      %get3A_2985 = tpu.vector_load %arg5[%get3A_2984] {strides = array<i32>} : memref<6400xi32, #tpu.memory_space<vmem>>, vector<16xi32>,
      %get3A_2986 = vector.shape_cast %get3A_2985 : vector<16xi32> to vector<16xi32>
      %dma_start3A_2987 = arith.constant 1 : i32
      %dma_start3A_2988 = arith.constant 1 : i32
      %dma_start3A_2989 = arith.constant 0 : i32
      %dma_start3A_2990 = arith.constant 0 : i32
      %dma_start3A_2991 = tpu.memref_slice %arg6[%dma_start3A_2987, %dma_start3A_2989, %dma_start3A_2990] : memref<5x128x80xf32, #tpu.memory_space<vmem>> -> memref<1x128x80xf32, #tpu.memory_space<vmem>>
      %dma_start3A_2992 = tpu.memref_squeeze %dma_start3A_2991 : memref<1x128x80xf32, #tpu.memory_space<vmem>> -> memref<128x80xf32, #tpu.memory_space<vmem>>
      %dma_start3A_2993 = arith.constant 112 : i32
      %dma_start3A_2994 = arith.constant 0 : i32
      %dma_start3A_2995 = tpu.memref_slice %dma_start3A_2992[%dma_start3A_2993, %dma_start3A_2994] : memref<128x80xf32, #tpu.memory_space<vmem>> -> memref<16x80xf32, #tpu.memory_space<vmem>>
      %dma_start3A_2996 = arith.constant 0 : i32
      %dma_start3A_2997 = arith.constant 0 : i32
      %dma_start3A_2998 = tpu.memref_slice %arg3[%dma_start3A_2996, %dma_start3A_2997] : memref<1000000x80xf32, #tpu.memory_space<hbm>> -> memref<1000000x80xf32, #tpu.memory_space<hbm>>
      %dma_start3A_2999 = tpu.memref_slice %arg7[%dma_start3A_2988] : memref<5x!tpu.dma_semaphore, #tpu.memory_space<semaphore_mem>> -> memref<1x!tpu.dma_semaphore, #tpu.memory_space<semaphore_mem>>
      %dma_start3A_3000 = tpu.memref_squeeze %dma_start3A_2999 : memref<1x!tpu.dma_semaphore, #tpu.memory_space<semaphore_mem>> -> memref<!tpu.dma_semaphore, #tpu.memory_space<semaphore_mem>>
      tpu.enqueue_indirect_dma source(%dma_start3A_2998 : memref<1000000x80xf32, #tpu.memory_space<hbm>>) target(%dma_start3A_2995 : memref<16x80xf32, #tpu.memory_space<vmem>>) offsets(%get3A_2986 : vector<16xi32>) semaphore(%dma_start3A_3000 : memref<!tpu.dma_semaphore, #tpu.memory_space<semaphore_mem>>)
      %mul3A_3001 = arith.constant 5 : i32
      %mul3A_3002 = arith.muli %scan3A_2025, %mul3A_3001 : i32
      %add3A_3003 = arith.constant 4 : i32
      %add3A_3004 = arith.addi %mul3A_3002, %add3A_3003 : i32
      %dma_wait3A_3005 = arith.constant 4 : i32
      %dma_wait3A_3006 = arith.constant 4 : i32
      %dma_wait3A_3007 = arith.constant 0 : i32
      %dma_wait3A_3008 = arith.constant 0 : i32
      %dma_wait3A_3009 = tpu.memref_slice %arg6[%dma_wait3A_3005, %dma_wait3A_3007, %dma_wait3A_3008] : memref<5x128x80xf32, #tpu.memory_space<vmem>> -> memref<1x128x80xf32, #tpu.memory_space<vmem>>
      %dma_wait3A_3010 = tpu.memref_squeeze %dma_wait3A_3009 : memref<1x128x80xf32, #tpu.memory_space<vmem>> -> memref<128x80xf32, #tpu.memory_space<vmem>>
      %dma_wait3A_3011 = arith.constant 0 : i32
      %dma_wait3A_3012 = arith.constant 0 : i32
      %dma_wait3A_3013 = tpu.memref_slice %arg3[%dma_wait3A_3011, %dma_wait3A_3012] : memref<1000000x80xf32, #tpu.memory_space<hbm>> -> memref<128x80xf32, #tpu.memory_space<hbm>>
      %dma_wait3A_3014 = tpu.memref_slice %arg7[%dma_wait3A_3006] : memref<5x!tpu.dma_semaphore, #tpu.memory_space<semaphore_mem>> -> memref<1x!tpu.dma_semaphore, #tpu.memory_space<semaphore_mem>>
      %dma_wait3A_3015 = tpu.memref_squeeze %dma_wait3A_3014 : memref<1x!tpu.dma_semaphore, #tpu.memory_space<semaphore_mem>> -> memref<!tpu.dma_semaphore, #tpu.memory_space<semaphore_mem>>
      %dma_wait3A_3016 = arith.constant 0 : i32
      %dma_wait3A_3017 = arith.constant 0 : i32
      %dma_wait3A_3018 = tpu.memref_slice %arg6[%dma_wait3A_3005, %dma_wait3A_3016, %dma_wait3A_3017] : memref<5x128x80xf32, #tpu.memory_space<vmem>> -> memref<1x128x80xf32, #tpu.memory_space<vmem>>
      %dma_wait3A_3019 = tpu.memref_squeeze %dma_wait3A_3018 : memref<1x128x80xf32, #tpu.memory_space<vmem>> -> memref<128x80xf32, #tpu.memory_space<vmem>>
      %dma_wait3A_3020 = arith.constant 0 : i32
      %dma_wait3A_3021 = arith.constant 0 : i32
      %dma_wait3A_3022 = tpu.memref_slice %arg3[%dma_wait3A_3020, %dma_wait3A_3021] : memref<1000000x80xf32, #tpu.memory_space<hbm>> -> memref<128x80xf32, #tpu.memory_space<hbm>>
      tpu.wait_dma2 semaphore(%dma_wait3A_3015 : memref<!tpu.dma_semaphore, #tpu.memory_space<semaphore_mem>>) src(%dma_wait3A_3022 : memref<128x80xf32, #tpu.memory_space<hbm>>) dst(%dma_wait3A_3019 : memref<128x80xf32, #tpu.memory_space<vmem>>)
      %mul3A_3023 = arith.constant 128 : i32
      %mul3A_3024 = arith.muli %add3A_3004, %mul3A_3023 : i32
      %add3A_3025 = arith.addi %mul3A_2, %mul3A_3024 : i32
      %dma_start3A_3026 = arith.constant 4 : i32
      %dma_start3A_3027 = arith.constant 4 : i32
      %dma_start3A_3028 = arith.constant 0 : i32
      %dma_start3A_3029 = arith.constant 0 : i32
      %dma_start3A_3030 = tpu.memref_slice %arg6[%dma_start3A_3026, %dma_start3A_3028, %dma_start3A_3029] : memref<5x128x80xf32, #tpu.memory_space<vmem>> -> memref<1x128x80xf32, #tpu.memory_space<vmem>>
      %dma_start3A_3031 = tpu.memref_squeeze %dma_start3A_3030 : memref<1x128x80xf32, #tpu.memory_space<vmem>> -> memref<128x80xf32, #tpu.memory_space<vmem>>
      %dma_start3A_3032 = arith.constant 0 : i32
      %dma_start3A_3033 = arith.constant 0 : i32
      %dma_start3A_3034 = tpu.memref_slice %dma_start3A_3031[%dma_start3A_3032, %dma_start3A_3033] : memref<128x80xf32, #tpu.memory_space<vmem>> -> memref<128x64xf32, #tpu.memory_space<vmem>>
      %dma_start3A_3035 = arith.constant 0 : i32
      %dma_start3A_3036 = tpu.memref_slice %arg4[%add3A_3025, %dma_start3A_3035] : memref<204800x64xf32, #tpu.memory_space<hbm>> -> memref<128x64xf32, #tpu.memory_space<hbm>>
      %dma_start3A_3037 = tpu.memref_slice %arg8[%dma_start3A_3027] : memref<5x!tpu.dma_semaphore, #tpu.memory_space<semaphore_mem>> -> memref<1x!tpu.dma_semaphore, #tpu.memory_space<semaphore_mem>>
      %dma_start3A_3038 = tpu.memref_squeeze %dma_start3A_3037 : memref<1x!tpu.dma_semaphore, #tpu.memory_space<semaphore_mem>> -> memref<!tpu.dma_semaphore, #tpu.memory_space<semaphore_mem>>
      %dma_start3A_3039 = arith.constant 0 : i32
      %dma_start3A_3040 = tpu.memref_slice %arg4[%add3A_3025, %dma_start3A_3039] : memref<204800x64xf32, #tpu.memory_space<hbm>> -> memref<128x64xf32, #tpu.memory_space<hbm>>
      %dma_start3A_3041 = arith.constant 0 : i32
      %dma_start3A_3042 = arith.constant 0 : i32
      %dma_start3A_3043 = tpu.memref_slice %arg6[%dma_start3A_3026, %dma_start3A_3041, %dma_start3A_3042] : memref<5x128x80xf32, #tpu.memory_space<vmem>> -> memref<1x128x80xf32, #tpu.memory_space<vmem>>
      %dma_start3A_3044 = tpu.memref_squeeze %dma_start3A_3043 : memref<1x128x80xf32, #tpu.memory_space<vmem>> -> memref<128x80xf32, #tpu.memory_space<vmem>>
      %dma_start3A_3045 = arith.constant 0 : i32
      %dma_start3A_3046 = arith.constant 0 : i32
      %dma_start3A_3047 = tpu.memref_slice %dma_start3A_3044[%dma_start3A_3045, %dma_start3A_3046] : memref<128x80xf32, #tpu.memory_space<vmem>> -> memref<128x64xf32, #tpu.memory_space<vmem>>
      tpu.enqueue_dma source(%dma_start3A_3047 : memref<128x64xf32, #tpu.memory_space<vmem>>) target(%dma_start3A_3040 : memref<128x64xf32, #tpu.memory_space<hbm>>) target_semaphore(%dma_start3A_3038 : memref<!tpu.dma_semaphore, #tpu.memory_space<semaphore_mem>>)
      %sub3A_3048 = arith.constant 2 : i32
      %sub3A_3049 = arith.subi %add3A_3004, %sub3A_3048 : i32
      %mul3A_3050 = arith.constant 128 : i32
      %mul3A_3051 = arith.muli %sub3A_3049, %mul3A_3050 : i32
      %add3A_3052 = arith.addi %mul3A_2, %mul3A_3051 : i32
      %dma_wait3A_3053 = arith.constant 2 : i32
      %dma_wait3A_3054 = arith.constant 2 : i32
      %dma_wait3A_3055 = arith.constant 0 : i32
      %dma_wait3A_3056 = arith.constant 0 : i32
      %dma_wait3A_3057 = tpu.memref_slice %arg6[%dma_wait3A_3053, %dma_wait3A_3055, %dma_wait3A_3056] : memref<5x128x80xf32, #tpu.memory_space<vmem>> -> memref<1x128x80xf32, #tpu.memory_space<vmem>>
      %dma_wait3A_3058 = tpu.memref_squeeze %dma_wait3A_3057 : memref<1x128x80xf32, #tpu.memory_space<vmem>> -> memref<128x80xf32, #tpu.memory_space<vmem>>
      %dma_wait3A_3059 = arith.constant 0 : i32
      %dma_wait3A_3060 = arith.constant 0 : i32
      %dma_wait3A_3061 = tpu.memref_slice %dma_wait3A_3058[%dma_wait3A_3059, %dma_wait3A_3060] : memref<128x80xf32, #tpu.memory_space<vmem>> -> memref<128x64xf32, #tpu.memory_space<vmem>>
      %dma_wait3A_3062 = arith.constant 0 : i32
      %dma_wait3A_3063 = tpu.memref_slice %arg4[%add3A_3052, %dma_wait3A_3062] : memref<204800x64xf32, #tpu.memory_space<hbm>> -> memref<128x64xf32, #tpu.memory_space<hbm>>
      %dma_wait3A_3064 = tpu.memref_slice %arg8[%dma_wait3A_3054] : memref<5x!tpu.dma_semaphore, #tpu.memory_space<semaphore_mem>> -> memref<1x!tpu.dma_semaphore, #tpu.memory_space<semaphore_mem>>
      %dma_wait3A_3065 = tpu.memref_squeeze %dma_wait3A_3064 : memref<1x!tpu.dma_semaphore, #tpu.memory_space<semaphore_mem>> -> memref<!tpu.dma_semaphore, #tpu.memory_space<semaphore_mem>>
      %dma_wait3A_3066 = arith.constant 0 : i32
      %dma_wait3A_3067 = tpu.memref_slice %arg4[%add3A_3052, %dma_wait3A_3066] : memref<204800x64xf32, #tpu.memory_space<hbm>> -> memref<128x64xf32, #tpu.memory_space<hbm>>
      %dma_wait3A_3068 = arith.constant 0 : i32
      %dma_wait3A_3069 = arith.constant 0 : i32
      %dma_wait3A_3070 = tpu.memref_slice %arg6[%dma_wait3A_3053, %dma_wait3A_3068, %dma_wait3A_3069] : memref<5x128x80xf32, #tpu.memory_space<vmem>> -> memref<1x128x80xf32, #tpu.memory_space<vmem>>
      %dma_wait3A_3071 = tpu.memref_squeeze %dma_wait3A_3070 : memref<1x128x80xf32, #tpu.memory_space<vmem>> -> memref<128x80xf32, #tpu.memory_space<vmem>>
      %dma_wait3A_3072 = arith.constant 0 : i32
      %dma_wait3A_3073 = arith.constant 0 : i32
      %dma_wait3A_3074 = tpu.memref_slice %dma_wait3A_3071[%dma_wait3A_3072, %dma_wait3A_3073] : memref<128x80xf32, #tpu.memory_space<vmem>> -> memref<128x64xf32, #tpu.memory_space<vmem>>
      tpu.wait_dma2 semaphore(%dma_wait3A_3065 : memref<!tpu.dma_semaphore, #tpu.memory_space<semaphore_mem>>) src(%dma_wait3A_3074 : memref<128x64xf32, #tpu.memory_space<vmem>>) dst(%dma_wait3A_3067 : memref<128x64xf32, #tpu.memory_space<hbm>>)
      %add3A_3075 = arith.constant 3 : i32
      %add3A_3076 = arith.addi %add3A_3004, %add3A_3075 : i32
      %mul3A_3077 = arith.constant 128 : i32
      %mul3A_3078 = arith.muli %add3A_3076, %mul3A_3077 : i32
      %add3A_3079 = arith.constant 0 : i32
      %add3A_3080 = arith.addi %mul3A_3078, %add3A_3079 : i32
      %get3A_3081 = arith.index_cast %add3A_3080 : i32 to index
      %get3A_3082 = tpu.vector_load %arg5[%get3A_3081] {strides = array<i32>} : memref<6400xi32, #tpu.memory_space<vmem>>, vector<16xi32>,
      %get3A_3083 = vector.shape_cast %get3A_3082 : vector<16xi32> to vector<16xi32>
      %dma_start3A_3084 = arith.constant 2 : i32
      %dma_start3A_3085 = arith.constant 2 : i32
      %dma_start3A_3086 = arith.constant 0 : i32
      %dma_start3A_3087 = arith.constant 0 : i32
      %dma_start3A_3088 = tpu.memref_slice %arg6[%dma_start3A_3084, %dma_start3A_3086, %dma_start3A_3087] : memref<5x128x80xf32, #tpu.memory_space<vmem>> -> memref<1x128x80xf32, #tpu.memory_space<vmem>>
      %dma_start3A_3089 = tpu.memref_squeeze %dma_start3A_3088 : memref<1x128x80xf32, #tpu.memory_space<vmem>> -> memref<128x80xf32, #tpu.memory_space<vmem>>
      %dma_start3A_3090 = arith.constant 0 : i32
      %dma_start3A_3091 = arith.constant 0 : i32
      %dma_start3A_3092 = tpu.memref_slice %dma_start3A_3089[%dma_start3A_3090, %dma_start3A_3091] : memref<128x80xf32, #tpu.memory_space<vmem>> -> memref<16x80xf32, #tpu.memory_space<vmem>>
      %dma_start3A_3093 = arith.constant 0 : i32
      %dma_start3A_3094 = arith.constant 0 : i32
      %dma_start3A_3095 = tpu.memref_slice %arg3[%dma_start3A_3093, %dma_start3A_3094] : memref<1000000x80xf32, #tpu.memory_space<hbm>> -> memref<1000000x80xf32, #tpu.memory_space<hbm>>
      %dma_start3A_3096 = tpu.memref_slice %arg7[%dma_start3A_3085] : memref<5x!tpu.dma_semaphore, #tpu.memory_space<semaphore_mem>> -> memref<1x!tpu.dma_semaphore, #tpu.memory_space<semaphore_mem>>
      %dma_start3A_3097 = tpu.memref_squeeze %dma_start3A_3096 : memref<1x!tpu.dma_semaphore, #tpu.memory_space<semaphore_mem>> -> memref<!tpu.dma_semaphore, #tpu.memory_space<semaphore_mem>>
      tpu.enqueue_indirect_dma source(%dma_start3A_3095 : memref<1000000x80xf32, #tpu.memory_space<hbm>>) target(%dma_start3A_3092 : memref<16x80xf32, #tpu.memory_space<vmem>>) offsets(%get3A_3083 : vector<16xi32>) semaphore(%dma_start3A_3097 : memref<!tpu.dma_semaphore, #tpu.memory_space<semaphore_mem>>)
      %mul3A_3098 = arith.constant 128 : i32
      %mul3A_3099 = arith.muli %add3A_3076, %mul3A_3098 : i32
      %add3A_3100 = arith.constant 16 : i32
      %add3A_3101 = arith.addi %mul3A_3099, %add3A_3100 : i32
      %get3A_3102 = arith.index_cast %add3A_3101 : i32 to index
      %get3A_3103 = tpu.vector_load %arg5[%get3A_3102] {strides = array<i32>} : memref<6400xi32, #tpu.memory_space<vmem>>, vector<16xi32>,
      %get3A_3104 = vector.shape_cast %get3A_3103 : vector<16xi32> to vector<16xi32>
      %dma_start3A_3105 = arith.constant 2 : i32
      %dma_start3A_3106 = arith.constant 2 : i32
      %dma_start3A_3107 = arith.constant 0 : i32
      %dma_start3A_3108 = arith.constant 0 : i32
      %dma_start3A_3109 = tpu.memref_slice %arg6[%dma_start3A_3105, %dma_start3A_3107, %dma_start3A_3108] : memref<5x128x80xf32, #tpu.memory_space<vmem>> -> memref<1x128x80xf32, #tpu.memory_space<vmem>>
      %dma_start3A_3110 = tpu.memref_squeeze %dma_start3A_3109 : memref<1x128x80xf32, #tpu.memory_space<vmem>> -> memref<128x80xf32, #tpu.memory_space<vmem>>
      %dma_start3A_3111 = arith.constant 16 : i32
      %dma_start3A_3112 = arith.constant 0 : i32
      %dma_start3A_3113 = tpu.memref_slice %dma_start3A_3110[%dma_start3A_3111, %dma_start3A_3112] : memref<128x80xf32, #tpu.memory_space<vmem>> -> memref<16x80xf32, #tpu.memory_space<vmem>>
      %dma_start3A_3114 = arith.constant 0 : i32
      %dma_start3A_3115 = arith.constant 0 : i32
      %dma_start3A_3116 = tpu.memref_slice %arg3[%dma_start3A_3114, %dma_start3A_3115] : memref<1000000x80xf32, #tpu.memory_space<hbm>> -> memref<1000000x80xf32, #tpu.memory_space<hbm>>
      %dma_start3A_3117 = tpu.memref_slice %arg7[%dma_start3A_3106] : memref<5x!tpu.dma_semaphore, #tpu.memory_space<semaphore_mem>> -> memref<1x!tpu.dma_semaphore, #tpu.memory_space<semaphore_mem>>
      %dma_start3A_3118 = tpu.memref_squeeze %dma_start3A_3117 : memref<1x!tpu.dma_semaphore, #tpu.memory_space<semaphore_mem>> -> memref<!tpu.dma_semaphore, #tpu.memory_space<semaphore_mem>>
      tpu.enqueue_indirect_dma source(%dma_start3A_3116 : memref<1000000x80xf32, #tpu.memory_space<hbm>>) target(%dma_start3A_3113 : memref<16x80xf32, #tpu.memory_space<vmem>>) offsets(%get3A_3104 : vector<16xi32>) semaphore(%dma_start3A_3118 : memref<!tpu.dma_semaphore, #tpu.memory_space<semaphore_mem>>)
      %mul3A_3119 = arith.constant 128 : i32
      %mul3A_3120 = arith.muli %add3A_3076, %mul3A_3119 : i32
      %add3A_3121 = arith.constant 32 : i32
      %add3A_3122 = arith.addi %mul3A_3120, %add3A_3121 : i32
      %get3A_3123 = arith.index_cast %add3A_3122 : i32 to index
      %get3A_3124 = tpu.vector_load %arg5[%get3A_3123] {strides = array<i32>} : memref<6400xi32, #tpu.memory_space<vmem>>, vector<16xi32>,
      %get3A_3125 = vector.shape_cast %get3A_3124 : vector<16xi32> to vector<16xi32>
      %dma_start3A_3126 = arith.constant 2 : i32
      %dma_start3A_3127 = arith.constant 2 : i32
      %dma_start3A_3128 = arith.constant 0 : i32
      %dma_start3A_3129 = arith.constant 0 : i32
      %dma_start3A_3130 = tpu.memref_slice %arg6[%dma_start3A_3126, %dma_start3A_3128, %dma_start3A_3129] : memref<5x128x80xf32, #tpu.memory_space<vmem>> -> memref<1x128x80xf32, #tpu.memory_space<vmem>>
      %dma_start3A_3131 = tpu.memref_squeeze %dma_start3A_3130 : memref<1x128x80xf32, #tpu.memory_space<vmem>> -> memref<128x80xf32, #tpu.memory_space<vmem>>
      %dma_start3A_3132 = arith.constant 32 : i32
      %dma_start3A_3133 = arith.constant 0 : i32
      %dma_start3A_3134 = tpu.memref_slice %dma_start3A_3131[%dma_start3A_3132, %dma_start3A_3133] : memref<128x80xf32, #tpu.memory_space<vmem>> -> memref<16x80xf32, #tpu.memory_space<vmem>>
      %dma_start3A_3135 = arith.constant 0 : i32
      %dma_start3A_3136 = arith.constant 0 : i32
      %dma_start3A_3137 = tpu.memref_slice %arg3[%dma_start3A_3135, %dma_start3A_3136] : memref<1000000x80xf32, #tpu.memory_space<hbm>> -> memref<1000000x80xf32, #tpu.memory_space<hbm>>
      %dma_start3A_3138 = tpu.memref_slice %arg7[%dma_start3A_3127] : memref<5x!tpu.dma_semaphore, #tpu.memory_space<semaphore_mem>> -> memref<1x!tpu.dma_semaphore, #tpu.memory_space<semaphore_mem>>
      %dma_start3A_3139 = tpu.memref_squeeze %dma_start3A_3138 : memref<1x!tpu.dma_semaphore, #tpu.memory_space<semaphore_mem>> -> memref<!tpu.dma_semaphore, #tpu.memory_space<semaphore_mem>>
      tpu.enqueue_indirect_dma source(%dma_start3A_3137 : memref<1000000x80xf32, #tpu.memory_space<hbm>>) target(%dma_start3A_3134 : memref<16x80xf32, #tpu.memory_space<vmem>>) offsets(%get3A_3125 : vector<16xi32>) semaphore(%dma_start3A_3139 : memref<!tpu.dma_semaphore, #tpu.memory_space<semaphore_mem>>)
      %mul3A_3140 = arith.constant 128 : i32
      %mul3A_3141 = arith.muli %add3A_3076, %mul3A_3140 : i32
      %add3A_3142 = arith.constant 48 : i32
      %add3A_3143 = arith.addi %mul3A_3141, %add3A_3142 : i32
      %get3A_3144 = arith.index_cast %add3A_3143 : i32 to index
      %get3A_3145 = tpu.vector_load %arg5[%get3A_3144] {strides = array<i32>} : memref<6400xi32, #tpu.memory_space<vmem>>, vector<16xi32>,
      %get3A_3146 = vector.shape_cast %get3A_3145 : vector<16xi32> to vector<16xi32>
      %dma_start3A_3147 = arith.constant 2 : i32
      %dma_start3A_3148 = arith.constant 2 : i32
      %dma_start3A_3149 = arith.constant 0 : i32
      %dma_start3A_3150 = arith.constant 0 : i32
      %dma_start3A_3151 = tpu.memref_slice %arg6[%dma_start3A_3147, %dma_start3A_3149, %dma_start3A_3150] : memref<5x128x80xf32, #tpu.memory_space<vmem>> -> memref<1x128x80xf32, #tpu.memory_space<vmem>>
      %dma_start3A_3152 = tpu.memref_squeeze %dma_start3A_3151 : memref<1x128x80xf32, #tpu.memory_space<vmem>> -> memref<128x80xf32, #tpu.memory_space<vmem>>
      %dma_start3A_3153 = arith.constant 48 : i32
      %dma_start3A_3154 = arith.constant 0 : i32
      %dma_start3A_3155 = tpu.memref_slice %dma_start3A_3152[%dma_start3A_3153, %dma_start3A_3154] : memref<128x80xf32, #tpu.memory_space<vmem>> -> memref<16x80xf32, #tpu.memory_space<vmem>>
      %dma_start3A_3156 = arith.constant 0 : i32
      %dma_start3A_3157 = arith.constant 0 : i32
      %dma_start3A_3158 = tpu.memref_slice %arg3[%dma_start3A_3156, %dma_start3A_3157] : memref<1000000x80xf32, #tpu.memory_space<hbm>> -> memref<1000000x80xf32, #tpu.memory_space<hbm>>
      %dma_start3A_3159 = tpu.memref_slice %arg7[%dma_start3A_3148] : memref<5x!tpu.dma_semaphore, #tpu.memory_space<semaphore_mem>> -> memref<1x!tpu.dma_semaphore, #tpu.memory_space<semaphore_mem>>
      %dma_start3A_3160 = tpu.memref_squeeze %dma_start3A_3159 : memref<1x!tpu.dma_semaphore, #tpu.memory_space<semaphore_mem>> -> memref<!tpu.dma_semaphore, #tpu.memory_space<semaphore_mem>>
      tpu.enqueue_indirect_dma source(%dma_start3A_3158 : memref<1000000x80xf32, #tpu.memory_space<hbm>>) target(%dma_start3A_3155 : memref<16x80xf32, #tpu.memory_space<vmem>>) offsets(%get3A_3146 : vector<16xi32>) semaphore(%dma_start3A_3160 : memref<!tpu.dma_semaphore, #tpu.memory_space<semaphore_mem>>)
      %mul3A_3161 = arith.constant 128 : i32
      %mul3A_3162 = arith.muli %add3A_3076, %mul3A_3161 : i32
      %add3A_3163 = arith.constant 64 : i32
      %add3A_3164 = arith.addi %mul3A_3162, %add3A_3163 : i32
      %get3A_3165 = arith.index_cast %add3A_3164 : i32 to index
      %get3A_3166 = tpu.vector_load %arg5[%get3A_3165] {strides = array<i32>} : memref<6400xi32, #tpu.memory_space<vmem>>, vector<16xi32>,
      %get3A_3167 = vector.shape_cast %get3A_3166 : vector<16xi32> to vector<16xi32>
      %dma_start3A_3168 = arith.constant 2 : i32
      %dma_start3A_3169 = arith.constant 2 : i32
      %dma_start3A_3170 = arith.constant 0 : i32
      %dma_start3A_3171 = arith.constant 0 : i32
      %dma_start3A_3172 = tpu.memref_slice %arg6[%dma_start3A_3168, %dma_start3A_3170, %dma_start3A_3171] : memref<5x128x80xf32, #tpu.memory_space<vmem>> -> memref<1x128x80xf32, #tpu.memory_space<vmem>>
      %dma_start3A_3173 = tpu.memref_squeeze %dma_start3A_3172 : memref<1x128x80xf32, #tpu.memory_space<vmem>> -> memref<128x80xf32, #tpu.memory_space<vmem>>
      %dma_start3A_3174 = arith.constant 64 : i32
      %dma_start3A_3175 = arith.constant 0 : i32
      %dma_start3A_3176 = tpu.memref_slice %dma_start3A_3173[%dma_start3A_3174, %dma_start3A_3175] : memref<128x80xf32, #tpu.memory_space<vmem>> -> memref<16x80xf32, #tpu.memory_space<vmem>>
      %dma_start3A_3177 = arith.constant 0 : i32
      %dma_start3A_3178 = arith.constant 0 : i32
      %dma_start3A_3179 = tpu.memref_slice %arg3[%dma_start3A_3177, %dma_start3A_3178] : memref<1000000x80xf32, #tpu.memory_space<hbm>> -> memref<1000000x80xf32, #tpu.memory_space<hbm>>
      %dma_start3A_3180 = tpu.memref_slice %arg7[%dma_start3A_3169] : memref<5x!tpu.dma_semaphore, #tpu.memory_space<semaphore_mem>> -> memref<1x!tpu.dma_semaphore, #tpu.memory_space<semaphore_mem>>
      %dma_start3A_3181 = tpu.memref_squeeze %dma_start3A_3180 : memref<1x!tpu.dma_semaphore, #tpu.memory_space<semaphore_mem>> -> memref<!tpu.dma_semaphore, #tpu.memory_space<semaphore_mem>>
      tpu.enqueue_indirect_dma source(%dma_start3A_3179 : memref<1000000x80xf32, #tpu.memory_space<hbm>>) target(%dma_start3A_3176 : memref<16x80xf32, #tpu.memory_space<vmem>>) offsets(%get3A_3167 : vector<16xi32>) semaphore(%dma_start3A_3181 : memref<!tpu.dma_semaphore, #tpu.memory_space<semaphore_mem>>)
      %mul3A_3182 = arith.constant 128 : i32
      %mul3A_3183 = arith.muli %add3A_3076, %mul3A_3182 : i32
      %add3A_3184 = arith.constant 80 : i32
      %add3A_3185 = arith.addi %mul3A_3183, %add3A_3184 : i32
      %get3A_3186 = arith.index_cast %add3A_3185 : i32 to index
      %get3A_3187 = tpu.vector_load %arg5[%get3A_3186] {strides = array<i32>} : memref<6400xi32, #tpu.memory_space<vmem>>, vector<16xi32>,
      %get3A_3188 = vector.shape_cast %get3A_3187 : vector<16xi32> to vector<16xi32>
      %dma_start3A_3189 = arith.constant 2 : i32
      %dma_start3A_3190 = arith.constant 2 : i32
      %dma_start3A_3191 = arith.constant 0 : i32
      %dma_start3A_3192 = arith.constant 0 : i32
      %dma_start3A_3193 = tpu.memref_slice %arg6[%dma_start3A_3189, %dma_start3A_3191, %dma_start3A_3192] : memref<5x128x80xf32, #tpu.memory_space<vmem>> -> memref<1x128x80xf32, #tpu.memory_space<vmem>>
      %dma_start3A_3194 = tpu.memref_squeeze %dma_start3A_3193 : memref<1x128x80xf32, #tpu.memory_space<vmem>> -> memref<128x80xf32, #tpu.memory_space<vmem>>
      %dma_start3A_3195 = arith.constant 80 : i32
      %dma_start3A_3196 = arith.constant 0 : i32
      %dma_start3A_3197 = tpu.memref_slice %dma_start3A_3194[%dma_start3A_3195, %dma_start3A_3196] : memref<128x80xf32, #tpu.memory_space<vmem>> -> memref<16x80xf32, #tpu.memory_space<vmem>>
      %dma_start3A_3198 = arith.constant 0 : i32
      %dma_start3A_3199 = arith.constant 0 : i32
      %dma_start3A_3200 = tpu.memref_slice %arg3[%dma_start3A_3198, %dma_start3A_3199] : memref<1000000x80xf32, #tpu.memory_space<hbm>> -> memref<1000000x80xf32, #tpu.memory_space<hbm>>
      %dma_start3A_3201 = tpu.memref_slice %arg7[%dma_start3A_3190] : memref<5x!tpu.dma_semaphore, #tpu.memory_space<semaphore_mem>> -> memref<1x!tpu.dma_semaphore, #tpu.memory_space<semaphore_mem>>
      %dma_start3A_3202 = tpu.memref_squeeze %dma_start3A_3201 : memref<1x!tpu.dma_semaphore, #tpu.memory_space<semaphore_mem>> -> memref<!tpu.dma_semaphore, #tpu.memory_space<semaphore_mem>>
      tpu.enqueue_indirect_dma source(%dma_start3A_3200 : memref<1000000x80xf32, #tpu.memory_space<hbm>>) target(%dma_start3A_3197 : memref<16x80xf32, #tpu.memory_space<vmem>>) offsets(%get3A_3188 : vector<16xi32>) semaphore(%dma_start3A_3202 : memref<!tpu.dma_semaphore, #tpu.memory_space<semaphore_mem>>)
      %mul3A_3203 = arith.constant 128 : i32
      %mul3A_3204 = arith.muli %add3A_3076, %mul3A_3203 : i32
      %add3A_3205 = arith.constant 96 : i32
      %add3A_3206 = arith.addi %mul3A_3204, %add3A_3205 : i32
      %get3A_3207 = arith.index_cast %add3A_3206 : i32 to index
      %get3A_3208 = tpu.vector_load %arg5[%get3A_3207] {strides = array<i32>} : memref<6400xi32, #tpu.memory_space<vmem>>, vector<16xi32>,
      %get3A_3209 = vector.shape_cast %get3A_3208 : vector<16xi32> to vector<16xi32>
      %dma_start3A_3210 = arith.constant 2 : i32
      %dma_start3A_3211 = arith.constant 2 : i32
      %dma_start3A_3212 = arith.constant 0 : i32
      %dma_start3A_3213 = arith.constant 0 : i32
      %dma_start3A_3214 = tpu.memref_slice %arg6[%dma_start3A_3210, %dma_start3A_3212, %dma_start3A_3213] : memref<5x128x80xf32, #tpu.memory_space<vmem>> -> memref<1x128x80xf32, #tpu.memory_space<vmem>>
      %dma_start3A_3215 = tpu.memref_squeeze %dma_start3A_3214 : memref<1x128x80xf32, #tpu.memory_space<vmem>> -> memref<128x80xf32, #tpu.memory_space<vmem>>
      %dma_start3A_3216 = arith.constant 96 : i32
      %dma_start3A_3217 = arith.constant 0 : i32
      %dma_start3A_3218 = tpu.memref_slice %dma_start3A_3215[%dma_start3A_3216, %dma_start3A_3217] : memref<128x80xf32, #tpu.memory_space<vmem>> -> memref<16x80xf32, #tpu.memory_space<vmem>>
      %dma_start3A_3219 = arith.constant 0 : i32
      %dma_start3A_3220 = arith.constant 0 : i32
      %dma_start3A_3221 = tpu.memref_slice %arg3[%dma_start3A_3219, %dma_start3A_3220] : memref<1000000x80xf32, #tpu.memory_space<hbm>> -> memref<1000000x80xf32, #tpu.memory_space<hbm>>
      %dma_start3A_3222 = tpu.memref_slice %arg7[%dma_start3A_3211] : memref<5x!tpu.dma_semaphore, #tpu.memory_space<semaphore_mem>> -> memref<1x!tpu.dma_semaphore, #tpu.memory_space<semaphore_mem>>
      %dma_start3A_3223 = tpu.memref_squeeze %dma_start3A_3222 : memref<1x!tpu.dma_semaphore, #tpu.memory_space<semaphore_mem>> -> memref<!tpu.dma_semaphore, #tpu.memory_space<semaphore_mem>>
      tpu.enqueue_indirect_dma source(%dma_start3A_3221 : memref<1000000x80xf32, #tpu.memory_space<hbm>>) target(%dma_start3A_3218 : memref<16x80xf32, #tpu.memory_space<vmem>>) offsets(%get3A_3209 : vector<16xi32>) semaphore(%dma_start3A_3223 : memref<!tpu.dma_semaphore, #tpu.memory_space<semaphore_mem>>)
      %mul3A_3224 = arith.constant 128 : i32
      %mul3A_3225 = arith.muli %add3A_3076, %mul3A_3224 : i32
      %add3A_3226 = arith.constant 112 : i32
      %add3A_3227 = arith.addi %mul3A_3225, %add3A_3226 : i32
      %get3A_3228 = arith.index_cast %add3A_3227 : i32 to index
      %get3A_3229 = tpu.vector_load %arg5[%get3A_3228] {strides = array<i32>} : memref<6400xi32, #tpu.memory_space<vmem>>, vector<16xi32>,
      %get3A_3230 = vector.shape_cast %get3A_3229 : vector<16xi32> to vector<16xi32>
      %dma_start3A_3231 = arith.constant 2 : i32
      %dma_start3A_3232 = arith.constant 2 : i32
      %dma_start3A_3233 = arith.constant 0 : i32
      %dma_start3A_3234 = arith.constant 0 : i32
      %dma_start3A_3235 = tpu.memref_slice %arg6[%dma_start3A_3231, %dma_start3A_3233, %dma_start3A_3234] : memref<5x128x80xf32, #tpu.memory_space<vmem>> -> memref<1x128x80xf32, #tpu.memory_space<vmem>>
      %dma_start3A_3236 = tpu.memref_squeeze %dma_start3A_3235 : memref<1x128x80xf32, #tpu.memory_space<vmem>> -> memref<128x80xf32, #tpu.memory_space<vmem>>
      %dma_start3A_3237 = arith.constant 112 : i32
      %dma_start3A_3238 = arith.constant 0 : i32
      %dma_start3A_3239 = tpu.memref_slice %dma_start3A_3236[%dma_start3A_3237, %dma_start3A_3238] : memref<128x80xf32, #tpu.memory_space<vmem>> -> memref<16x80xf32, #tpu.memory_space<vmem>>
      %dma_start3A_3240 = arith.constant 0 : i32
      %dma_start3A_3241 = arith.constant 0 : i32
      %dma_start3A_3242 = tpu.memref_slice %arg3[%dma_start3A_3240, %dma_start3A_3241] : memref<1000000x80xf32, #tpu.memory_space<hbm>> -> memref<1000000x80xf32, #tpu.memory_space<hbm>>
      %dma_start3A_3243 = tpu.memref_slice %arg7[%dma_start3A_3232] : memref<5x!tpu.dma_semaphore, #tpu.memory_space<semaphore_mem>> -> memref<1x!tpu.dma_semaphore, #tpu.memory_space<semaphore_mem>>
      %dma_start3A_3244 = tpu.memref_squeeze %dma_start3A_3243 : memref<1x!tpu.dma_semaphore, #tpu.memory_space<semaphore_mem>> -> memref<!tpu.dma_semaphore, #tpu.memory_space<semaphore_mem>>
      tpu.enqueue_indirect_dma source(%dma_start3A_3242 : memref<1000000x80xf32, #tpu.memory_space<hbm>>) target(%dma_start3A_3239 : memref<16x80xf32, #tpu.memory_space<vmem>>) offsets(%get3A_3230 : vector<16xi32>) semaphore(%dma_start3A_3244 : memref<!tpu.dma_semaphore, #tpu.memory_space<semaphore_mem>>)
    }
    %scan3A_1374 = arith.constant 8 : i32
    %dma_wait3A_1375 = arith.constant 0 : i32
    %dma_wait3A_1376 = arith.constant 0 : i32
    %dma_wait3A_1377 = arith.constant 0 : i32
    %dma_wait3A_1378 = arith.constant 0 : i32
    %dma_wait3A_1379 = tpu.memref_slice %arg6[%dma_wait3A_1375, %dma_wait3A_1377, %dma_wait3A_1378] : memref<5x128x80xf32, #tpu.memory_space<vmem>> -> memref<1x128x80xf32, #tpu.memory_space<vmem>>
    %dma_wait3A_1380 = tpu.memref_squeeze %dma_wait3A_1379 : memref<1x128x80xf32, #tpu.memory_space<vmem>> -> memref<128x80xf32, #tpu.memory_space<vmem>>
    %dma_wait3A_1381 = arith.constant 0 : i32
    %dma_wait3A_1382 = arith.constant 0 : i32
    %dma_wait3A_1383 = tpu.memref_slice %arg3[%dma_wait3A_1381, %dma_wait3A_1382] : memref<1000000x80xf32, #tpu.memory_space<hbm>> -> memref<128x80xf32, #tpu.memory_space<hbm>>
    %dma_wait3A_1384 = tpu.memref_slice %arg7[%dma_wait3A_1376] : memref<5x!tpu.dma_semaphore, #tpu.memory_space<semaphore_mem>> -> memref<1x!tpu.dma_semaphore, #tpu.memory_space<semaphore_mem>>
    %dma_wait3A_1385 = tpu.memref_squeeze %dma_wait3A_1384 : memref<1x!tpu.dma_semaphore, #tpu.memory_space<semaphore_mem>> -> memref<!tpu.dma_semaphore, #tpu.memory_space<semaphore_mem>>
    %dma_wait3A_1386 = arith.constant 0 : i32
    %dma_wait3A_1387 = arith.constant 0 : i32
    %dma_wait3A_1388 = tpu.memref_slice %arg6[%dma_wait3A_1375, %dma_wait3A_1386, %dma_wait3A_1387] : memref<5x128x80xf32, #tpu.memory_space<vmem>> -> memref<1x128x80xf32, #tpu.memory_space<vmem>>
    %dma_wait3A_1389 = tpu.memref_squeeze %dma_wait3A_1388 : memref<1x128x80xf32, #tpu.memory_space<vmem>> -> memref<128x80xf32, #tpu.memory_space<vmem>>
    %dma_wait3A_1390 = arith.constant 0 : i32
    %dma_wait3A_1391 = arith.constant 0 : i32
    %dma_wait3A_1392 = tpu.memref_slice %arg3[%dma_wait3A_1390, %dma_wait3A_1391] : memref<1000000x80xf32, #tpu.memory_space<hbm>> -> memref<128x80xf32, #tpu.memory_space<hbm>>
    tpu.wait_dma2 semaphore(%dma_wait3A_1385 : memref<!tpu.dma_semaphore, #tpu.memory_space<semaphore_mem>>) src(%dma_wait3A_1392 : memref<128x80xf32, #tpu.memory_space<hbm>>) dst(%dma_wait3A_1389 : memref<128x80xf32, #tpu.memory_space<vmem>>)
    %add3A_1393 = arith.constant 5760 : i32
    %add3A_1394 = arith.addi %mul3A_2, %add3A_1393 : i32
    %dma_start3A_1395 = arith.constant 0 : i32
    %dma_start3A_1396 = arith.constant 0 : i32
    %dma_start3A_1397 = arith.constant 0 : i32
    %dma_start3A_1398 = arith.constant 0 : i32
    %dma_start3A_1399 = tpu.memref_slice %arg6[%dma_start3A_1395, %dma_start3A_1397, %dma_start3A_1398] : memref<5x128x80xf32, #tpu.memory_space<vmem>> -> memref<1x128x80xf32, #tpu.memory_space<vmem>>
    %dma_start3A_1400 = tpu.memref_squeeze %dma_start3A_1399 : memref<1x128x80xf32, #tpu.memory_space<vmem>> -> memref<128x80xf32, #tpu.memory_space<vmem>>
    %dma_start3A_1401 = arith.constant 0 : i32
    %dma_start3A_1402 = arith.constant 0 : i32
    %dma_start3A_1403 = tpu.memref_slice %dma_start3A_1400[%dma_start3A_1401, %dma_start3A_1402] : memref<128x80xf32, #tpu.memory_space<vmem>> -> memref<128x64xf32, #tpu.memory_space<vmem>>
    %dma_start3A_1404 = arith.constant 0 : i32
    %dma_start3A_1405 = tpu.memref_slice %arg4[%add3A_1394, %dma_start3A_1404] : memref<204800x64xf32, #tpu.memory_space<hbm>> -> memref<128x64xf32, #tpu.memory_space<hbm>>
    %dma_start3A_1406 = tpu.memref_slice %arg8[%dma_start3A_1396] : memref<5x!tpu.dma_semaphore, #tpu.memory_space<semaphore_mem>> -> memref<1x!tpu.dma_semaphore, #tpu.memory_space<semaphore_mem>>
    %dma_start3A_1407 = tpu.memref_squeeze %dma_start3A_1406 : memref<1x!tpu.dma_semaphore, #tpu.memory_space<semaphore_mem>> -> memref<!tpu.dma_semaphore, #tpu.memory_space<semaphore_mem>>
    %dma_start3A_1408 = arith.constant 0 : i32
    %dma_start3A_1409 = tpu.memref_slice %arg4[%add3A_1394, %dma_start3A_1408] : memref<204800x64xf32, #tpu.memory_space<hbm>> -> memref<128x64xf32, #tpu.memory_space<hbm>>
    %dma_start3A_1410 = arith.constant 0 : i32
    %dma_start3A_1411 = arith.constant 0 : i32
    %dma_start3A_1412 = tpu.memref_slice %arg6[%dma_start3A_1395, %dma_start3A_1410, %dma_start3A_1411] : memref<5x128x80xf32, #tpu.memory_space<vmem>> -> memref<1x128x80xf32, #tpu.memory_space<vmem>>
    %dma_start3A_1413 = tpu.memref_squeeze %dma_start3A_1412 : memref<1x128x80xf32, #tpu.memory_space<vmem>> -> memref<128x80xf32, #tpu.memory_space<vmem>>
    %dma_start3A_1414 = arith.constant 0 : i32
    %dma_start3A_1415 = arith.constant 0 : i32
    %dma_start3A_1416 = tpu.memref_slice %dma_start3A_1413[%dma_start3A_1414, %dma_start3A_1415] : memref<128x80xf32, #tpu.memory_space<vmem>> -> memref<128x64xf32, #tpu.memory_space<vmem>>
    tpu.enqueue_dma source(%dma_start3A_1416 : memref<128x64xf32, #tpu.memory_space<vmem>>) target(%dma_start3A_1409 : memref<128x64xf32, #tpu.memory_space<hbm>>) target_semaphore(%dma_start3A_1407 : memref<!tpu.dma_semaphore, #tpu.memory_space<semaphore_mem>>)
    %add3A_1417 = arith.constant 5504 : i32
    %add3A_1418 = arith.addi %mul3A_2, %add3A_1417 : i32
    %dma_wait3A_1419 = arith.constant 3 : i32
    %dma_wait3A_1420 = arith.constant 3 : i32
    %dma_wait3A_1421 = arith.constant 0 : i32
    %dma_wait3A_1422 = arith.constant 0 : i32
    %dma_wait3A_1423 = tpu.memref_slice %arg6[%dma_wait3A_1419, %dma_wait3A_1421, %dma_wait3A_1422] : memref<5x128x80xf32, #tpu.memory_space<vmem>> -> memref<1x128x80xf32, #tpu.memory_space<vmem>>
    %dma_wait3A_1424 = tpu.memref_squeeze %dma_wait3A_1423 : memref<1x128x80xf32, #tpu.memory_space<vmem>> -> memref<128x80xf32, #tpu.memory_space<vmem>>
    %dma_wait3A_1425 = arith.constant 0 : i32
    %dma_wait3A_1426 = arith.constant 0 : i32
    %dma_wait3A_1427 = tpu.memref_slice %dma_wait3A_1424[%dma_wait3A_1425, %dma_wait3A_1426] : memref<128x80xf32, #tpu.memory_space<vmem>> -> memref<128x64xf32, #tpu.memory_space<vmem>>
    %dma_wait3A_1428 = arith.constant 0 : i32
    %dma_wait3A_1429 = tpu.memref_slice %arg4[%add3A_1418, %dma_wait3A_1428] : memref<204800x64xf32, #tpu.memory_space<hbm>> -> memref<128x64xf32, #tpu.memory_space<hbm>>
    %dma_wait3A_1430 = tpu.memref_slice %arg8[%dma_wait3A_1420] : memref<5x!tpu.dma_semaphore, #tpu.memory_space<semaphore_mem>> -> memref<1x!tpu.dma_semaphore, #tpu.memory_space<semaphore_mem>>
    %dma_wait3A_1431 = tpu.memref_squeeze %dma_wait3A_1430 : memref<1x!tpu.dma_semaphore, #tpu.memory_space<semaphore_mem>> -> memref<!tpu.dma_semaphore, #tpu.memory_space<semaphore_mem>>
    %dma_wait3A_1432 = arith.constant 0 : i32
    %dma_wait3A_1433 = tpu.memref_slice %arg4[%add3A_1418, %dma_wait3A_1432] : memref<204800x64xf32, #tpu.memory_space<hbm>> -> memref<128x64xf32, #tpu.memory_space<hbm>>
    %dma_wait3A_1434 = arith.constant 0 : i32
    %dma_wait3A_1435 = arith.constant 0 : i32
    %dma_wait3A_1436 = tpu.memref_slice %arg6[%dma_wait3A_1419, %dma_wait3A_1434, %dma_wait3A_1435] : memref<5x128x80xf32, #tpu.memory_space<vmem>> -> memref<1x128x80xf32, #tpu.memory_space<vmem>>
    %dma_wait3A_1437 = tpu.memref_squeeze %dma_wait3A_1436 : memref<1x128x80xf32, #tpu.memory_space<vmem>> -> memref<128x80xf32, #tpu.memory_space<vmem>>
    %dma_wait3A_1438 = arith.constant 0 : i32
    %dma_wait3A_1439 = arith.constant 0 : i32
    %dma_wait3A_1440 = tpu.memref_slice %dma_wait3A_1437[%dma_wait3A_1438, %dma_wait3A_1439] : memref<128x80xf32, #tpu.memory_space<vmem>> -> memref<128x64xf32, #tpu.memory_space<vmem>>
    tpu.wait_dma2 semaphore(%dma_wait3A_1431 : memref<!tpu.dma_semaphore, #tpu.memory_space<semaphore_mem>>) src(%dma_wait3A_1440 : memref<128x64xf32, #tpu.memory_space<vmem>>) dst(%dma_wait3A_1433 : memref<128x64xf32, #tpu.memory_space<hbm>>)
    %get3A_1441 = arith.constant 6144 : index
    %get3A_1442 = tpu.vector_load %arg5[%get3A_1441] {strides = array<i32>} : memref<6400xi32, #tpu.memory_space<vmem>>, vector<16xi32>,
    %get3A_1443 = vector.shape_cast %get3A_1442 : vector<16xi32> to vector<16xi32>
    %dma_start3A_1444 = arith.constant 3 : i32
    %dma_start3A_1445 = arith.constant 3 : i32
    %dma_start3A_1446 = arith.constant 0 : i32
    %dma_start3A_1447 = arith.constant 0 : i32
    %dma_start3A_1448 = tpu.memref_slice %arg6[%dma_start3A_1444, %dma_start3A_1446, %dma_start3A_1447] : memref<5x128x80xf32, #tpu.memory_space<vmem>> -> memref<1x128x80xf32, #tpu.memory_space<vmem>>
    %dma_start3A_1449 = tpu.memref_squeeze %dma_start3A_1448 : memref<1x128x80xf32, #tpu.memory_space<vmem>> -> memref<128x80xf32, #tpu.memory_space<vmem>>
    %dma_start3A_1450 = arith.constant 0 : i32
    %dma_start3A_1451 = arith.constant 0 : i32
    %dma_start3A_1452 = tpu.memref_slice %dma_start3A_1449[%dma_start3A_1450, %dma_start3A_1451] : memref<128x80xf32, #tpu.memory_space<vmem>> -> memref<16x80xf32, #tpu.memory_space<vmem>>
    %dma_start3A_1453 = arith.constant 0 : i32
    %dma_start3A_1454 = arith.constant 0 : i32
    %dma_start3A_1455 = tpu.memref_slice %arg3[%dma_start3A_1453, %dma_start3A_1454] : memref<1000000x80xf32, #tpu.memory_space<hbm>> -> memref<1000000x80xf32, #tpu.memory_space<hbm>>
    %dma_start3A_1456 = tpu.memref_slice %arg7[%dma_start3A_1445] : memref<5x!tpu.dma_semaphore, #tpu.memory_space<semaphore_mem>> -> memref<1x!tpu.dma_semaphore, #tpu.memory_space<semaphore_mem>>
    %dma_start3A_1457 = tpu.memref_squeeze %dma_start3A_1456 : memref<1x!tpu.dma_semaphore, #tpu.memory_space<semaphore_mem>> -> memref<!tpu.dma_semaphore, #tpu.memory_space<semaphore_mem>>
    tpu.enqueue_indirect_dma source(%dma_start3A_1455 : memref<1000000x80xf32, #tpu.memory_space<hbm>>) target(%dma_start3A_1452 : memref<16x80xf32, #tpu.memory_space<vmem>>) offsets(%get3A_1443 : vector<16xi32>) semaphore(%dma_start3A_1457 : memref<!tpu.dma_semaphore, #tpu.memory_space<semaphore_mem>>)
    %get3A_1458 = arith.constant 6160 : index
    %get3A_1459 = tpu.vector_load %arg5[%get3A_1458] {strides = array<i32>} : memref<6400xi32, #tpu.memory_space<vmem>>, vector<16xi32>,
    %get3A_1460 = vector.shape_cast %get3A_1459 : vector<16xi32> to vector<16xi32>
    %dma_start3A_1461 = arith.constant 3 : i32
    %dma_start3A_1462 = arith.constant 3 : i32
    %dma_start3A_1463 = arith.constant 0 : i32
    %dma_start3A_1464 = arith.constant 0 : i32
    %dma_start3A_1465 = tpu.memref_slice %arg6[%dma_start3A_1461, %dma_start3A_1463, %dma_start3A_1464] : memref<5x128x80xf32, #tpu.memory_space<vmem>> -> memref<1x128x80xf32, #tpu.memory_space<vmem>>
    %dma_start3A_1466 = tpu.memref_squeeze %dma_start3A_1465 : memref<1x128x80xf32, #tpu.memory_space<vmem>> -> memref<128x80xf32, #tpu.memory_space<vmem>>
    %dma_start3A_1467 = arith.constant 16 : i32
    %dma_start3A_1468 = arith.constant 0 : i32
    %dma_start3A_1469 = tpu.memref_slice %dma_start3A_1466[%dma_start3A_1467, %dma_start3A_1468] : memref<128x80xf32, #tpu.memory_space<vmem>> -> memref<16x80xf32, #tpu.memory_space<vmem>>
    %dma_start3A_1470 = arith.constant 0 : i32
    %dma_start3A_1471 = arith.constant 0 : i32
    %dma_start3A_1472 = tpu.memref_slice %arg3[%dma_start3A_1470, %dma_start3A_1471] : memref<1000000x80xf32, #tpu.memory_space<hbm>> -> memref<1000000x80xf32, #tpu.memory_space<hbm>>
    %dma_start3A_1473 = tpu.memref_slice %arg7[%dma_start3A_1462] : memref<5x!tpu.dma_semaphore, #tpu.memory_space<semaphore_mem>> -> memref<1x!tpu.dma_semaphore, #tpu.memory_space<semaphore_mem>>
    %dma_start3A_1474 = tpu.memref_squeeze %dma_start3A_1473 : memref<1x!tpu.dma_semaphore, #tpu.memory_space<semaphore_mem>> -> memref<!tpu.dma_semaphore, #tpu.memory_space<semaphore_mem>>
    tpu.enqueue_indirect_dma source(%dma_start3A_1472 : memref<1000000x80xf32, #tpu.memory_space<hbm>>) target(%dma_start3A_1469 : memref<16x80xf32, #tpu.memory_space<vmem>>) offsets(%get3A_1460 : vector<16xi32>) semaphore(%dma_start3A_1474 : memref<!tpu.dma_semaphore, #tpu.memory_space<semaphore_mem>>)
    %get3A_1475 = arith.constant 6176 : index
    %get3A_1476 = tpu.vector_load %arg5[%get3A_1475] {strides = array<i32>} : memref<6400xi32, #tpu.memory_space<vmem>>, vector<16xi32>,
    %get3A_1477 = vector.shape_cast %get3A_1476 : vector<16xi32> to vector<16xi32>
    %dma_start3A_1478 = arith.constant 3 : i32
    %dma_start3A_1479 = arith.constant 3 : i32
    %dma_start3A_1480 = arith.constant 0 : i32
    %dma_start3A_1481 = arith.constant 0 : i32
    %dma_start3A_1482 = tpu.memref_slice %arg6[%dma_start3A_1478, %dma_start3A_1480, %dma_start3A_1481] : memref<5x128x80xf32, #tpu.memory_space<vmem>> -> memref<1x128x80xf32, #tpu.memory_space<vmem>>
    %dma_start3A_1483 = tpu.memref_squeeze %dma_start3A_1482 : memref<1x128x80xf32, #tpu.memory_space<vmem>> -> memref<128x80xf32, #tpu.memory_space<vmem>>
    %dma_start3A_1484 = arith.constant 32 : i32
    %dma_start3A_1485 = arith.constant 0 : i32
    %dma_start3A_1486 = tpu.memref_slice %dma_start3A_1483[%dma_start3A_1484, %dma_start3A_1485] : memref<128x80xf32, #tpu.memory_space<vmem>> -> memref<16x80xf32, #tpu.memory_space<vmem>>
    %dma_start3A_1487 = arith.constant 0 : i32
    %dma_start3A_1488 = arith.constant 0 : i32
    %dma_start3A_1489 = tpu.memref_slice %arg3[%dma_start3A_1487, %dma_start3A_1488] : memref<1000000x80xf32, #tpu.memory_space<hbm>> -> memref<1000000x80xf32, #tpu.memory_space<hbm>>
    %dma_start3A_1490 = tpu.memref_slice %arg7[%dma_start3A_1479] : memref<5x!tpu.dma_semaphore, #tpu.memory_space<semaphore_mem>> -> memref<1x!tpu.dma_semaphore, #tpu.memory_space<semaphore_mem>>
    %dma_start3A_1491 = tpu.memref_squeeze %dma_start3A_1490 : memref<1x!tpu.dma_semaphore, #tpu.memory_space<semaphore_mem>> -> memref<!tpu.dma_semaphore, #tpu.memory_space<semaphore_mem>>
    tpu.enqueue_indirect_dma source(%dma_start3A_1489 : memref<1000000x80xf32, #tpu.memory_space<hbm>>) target(%dma_start3A_1486 : memref<16x80xf32, #tpu.memory_space<vmem>>) offsets(%get3A_1477 : vector<16xi32>) semaphore(%dma_start3A_1491 : memref<!tpu.dma_semaphore, #tpu.memory_space<semaphore_mem>>)
    %get3A_1492 = arith.constant 6192 : index
    %get3A_1493 = tpu.vector_load %arg5[%get3A_1492] {strides = array<i32>} : memref<6400xi32, #tpu.memory_space<vmem>>, vector<16xi32>,
    %get3A_1494 = vector.shape_cast %get3A_1493 : vector<16xi32> to vector<16xi32>
    %dma_start3A_1495 = arith.constant 3 : i32
    %dma_start3A_1496 = arith.constant 3 : i32
    %dma_start3A_1497 = arith.constant 0 : i32
    %dma_start3A_1498 = arith.constant 0 : i32
    %dma_start3A_1499 = tpu.memref_slice %arg6[%dma_start3A_1495, %dma_start3A_1497, %dma_start3A_1498] : memref<5x128x80xf32, #tpu.memory_space<vmem>> -> memref<1x128x80xf32, #tpu.memory_space<vmem>>
    %dma_start3A_1500 = tpu.memref_squeeze %dma_start3A_1499 : memref<1x128x80xf32, #tpu.memory_space<vmem>> -> memref<128x80xf32, #tpu.memory_space<vmem>>
    %dma_start3A_1501 = arith.constant 48 : i32
    %dma_start3A_1502 = arith.constant 0 : i32
    %dma_start3A_1503 = tpu.memref_slice %dma_start3A_1500[%dma_start3A_1501, %dma_start3A_1502] : memref<128x80xf32, #tpu.memory_space<vmem>> -> memref<16x80xf32, #tpu.memory_space<vmem>>
    %dma_start3A_1504 = arith.constant 0 : i32
    %dma_start3A_1505 = arith.constant 0 : i32
    %dma_start3A_1506 = tpu.memref_slice %arg3[%dma_start3A_1504, %dma_start3A_1505] : memref<1000000x80xf32, #tpu.memory_space<hbm>> -> memref<1000000x80xf32, #tpu.memory_space<hbm>>
    %dma_start3A_1507 = tpu.memref_slice %arg7[%dma_start3A_1496] : memref<5x!tpu.dma_semaphore, #tpu.memory_space<semaphore_mem>> -> memref<1x!tpu.dma_semaphore, #tpu.memory_space<semaphore_mem>>
    %dma_start3A_1508 = tpu.memref_squeeze %dma_start3A_1507 : memref<1x!tpu.dma_semaphore, #tpu.memory_space<semaphore_mem>> -> memref<!tpu.dma_semaphore, #tpu.memory_space<semaphore_mem>>
    tpu.enqueue_indirect_dma source(%dma_start3A_1506 : memref<1000000x80xf32, #tpu.memory_space<hbm>>) target(%dma_start3A_1503 : memref<16x80xf32, #tpu.memory_space<vmem>>) offsets(%get3A_1494 : vector<16xi32>) semaphore(%dma_start3A_1508 : memref<!tpu.dma_semaphore, #tpu.memory_space<semaphore_mem>>)
    %get3A_1509 = arith.constant 6208 : index
    %get3A_1510 = tpu.vector_load %arg5[%get3A_1509] {strides = array<i32>} : memref<6400xi32, #tpu.memory_space<vmem>>, vector<16xi32>,
    %get3A_1511 = vector.shape_cast %get3A_1510 : vector<16xi32> to vector<16xi32>
    %dma_start3A_1512 = arith.constant 3 : i32
    %dma_start3A_1513 = arith.constant 3 : i32
    %dma_start3A_1514 = arith.constant 0 : i32
    %dma_start3A_1515 = arith.constant 0 : i32
    %dma_start3A_1516 = tpu.memref_slice %arg6[%dma_start3A_1512, %dma_start3A_1514, %dma_start3A_1515] : memref<5x128x80xf32, #tpu.memory_space<vmem>> -> memref<1x128x80xf32, #tpu.memory_space<vmem>>
    %dma_start3A_1517 = tpu.memref_squeeze %dma_start3A_1516 : memref<1x128x80xf32, #tpu.memory_space<vmem>> -> memref<128x80xf32, #tpu.memory_space<vmem>>
    %dma_start3A_1518 = arith.constant 64 : i32
    %dma_start3A_1519 = arith.constant 0 : i32
    %dma_start3A_1520 = tpu.memref_slice %dma_start3A_1517[%dma_start3A_1518, %dma_start3A_1519] : memref<128x80xf32, #tpu.memory_space<vmem>> -> memref<16x80xf32, #tpu.memory_space<vmem>>
    %dma_start3A_1521 = arith.constant 0 : i32
    %dma_start3A_1522 = arith.constant 0 : i32
    %dma_start3A_1523 = tpu.memref_slice %arg3[%dma_start3A_1521, %dma_start3A_1522] : memref<1000000x80xf32, #tpu.memory_space<hbm>> -> memref<1000000x80xf32, #tpu.memory_space<hbm>>
    %dma_start3A_1524 = tpu.memref_slice %arg7[%dma_start3A_1513] : memref<5x!tpu.dma_semaphore, #tpu.memory_space<semaphore_mem>> -> memref<1x!tpu.dma_semaphore, #tpu.memory_space<semaphore_mem>>
    %dma_start3A_1525 = tpu.memref_squeeze %dma_start3A_1524 : memref<1x!tpu.dma_semaphore, #tpu.memory_space<semaphore_mem>> -> memref<!tpu.dma_semaphore, #tpu.memory_space<semaphore_mem>>
    tpu.enqueue_indirect_dma source(%dma_start3A_1523 : memref<1000000x80xf32, #tpu.memory_space<hbm>>) target(%dma_start3A_1520 : memref<16x80xf32, #tpu.memory_space<vmem>>) offsets(%get3A_1511 : vector<16xi32>) semaphore(%dma_start3A_1525 : memref<!tpu.dma_semaphore, #tpu.memory_space<semaphore_mem>>)
    %get3A_1526 = arith.constant 6224 : index
    %get3A_1527 = tpu.vector_load %arg5[%get3A_1526] {strides = array<i32>} : memref<6400xi32, #tpu.memory_space<vmem>>, vector<16xi32>,
    %get3A_1528 = vector.shape_cast %get3A_1527 : vector<16xi32> to vector<16xi32>
    %dma_start3A_1529 = arith.constant 3 : i32
    %dma_start3A_1530 = arith.constant 3 : i32
    %dma_start3A_1531 = arith.constant 0 : i32
    %dma_start3A_1532 = arith.constant 0 : i32
    %dma_start3A_1533 = tpu.memref_slice %arg6[%dma_start3A_1529, %dma_start3A_1531, %dma_start3A_1532] : memref<5x128x80xf32, #tpu.memory_space<vmem>> -> memref<1x128x80xf32, #tpu.memory_space<vmem>>
    %dma_start3A_1534 = tpu.memref_squeeze %dma_start3A_1533 : memref<1x128x80xf32, #tpu.memory_space<vmem>> -> memref<128x80xf32, #tpu.memory_space<vmem>>
    %dma_start3A_1535 = arith.constant 80 : i32
    %dma_start3A_1536 = arith.constant 0 : i32
    %dma_start3A_1537 = tpu.memref_slice %dma_start3A_1534[%dma_start3A_1535, %dma_start3A_1536] : memref<128x80xf32, #tpu.memory_space<vmem>> -> memref<16x80xf32, #tpu.memory_space<vmem>>
    %dma_start3A_1538 = arith.constant 0 : i32
    %dma_start3A_1539 = arith.constant 0 : i32
    %dma_start3A_1540 = tpu.memref_slice %arg3[%dma_start3A_1538, %dma_start3A_1539] : memref<1000000x80xf32, #tpu.memory_space<hbm>> -> memref<1000000x80xf32, #tpu.memory_space<hbm>>
    %dma_start3A_1541 = tpu.memref_slice %arg7[%dma_start3A_1530] : memref<5x!tpu.dma_semaphore, #tpu.memory_space<semaphore_mem>> -> memref<1x!tpu.dma_semaphore, #tpu.memory_space<semaphore_mem>>
    %dma_start3A_1542 = tpu.memref_squeeze %dma_start3A_1541 : memref<1x!tpu.dma_semaphore, #tpu.memory_space<semaphore_mem>> -> memref<!tpu.dma_semaphore, #tpu.memory_space<semaphore_mem>>
    tpu.enqueue_indirect_dma source(%dma_start3A_1540 : memref<1000000x80xf32, #tpu.memory_space<hbm>>) target(%dma_start3A_1537 : memref<16x80xf32, #tpu.memory_space<vmem>>) offsets(%get3A_1528 : vector<16xi32>) semaphore(%dma_start3A_1542 : memref<!tpu.dma_semaphore, #tpu.memory_space<semaphore_mem>>)
    %get3A_1543 = arith.constant 6240 : index
    %get3A_1544 = tpu.vector_load %arg5[%get3A_1543] {strides = array<i32>} : memref<6400xi32, #tpu.memory_space<vmem>>, vector<16xi32>,
    %get3A_1545 = vector.shape_cast %get3A_1544 : vector<16xi32> to vector<16xi32>
    %dma_start3A_1546 = arith.constant 3 : i32
    %dma_start3A_1547 = arith.constant 3 : i32
    %dma_start3A_1548 = arith.constant 0 : i32
    %dma_start3A_1549 = arith.constant 0 : i32
    %dma_start3A_1550 = tpu.memref_slice %arg6[%dma_start3A_1546, %dma_start3A_1548, %dma_start3A_1549] : memref<5x128x80xf32, #tpu.memory_space<vmem>> -> memref<1x128x80xf32, #tpu.memory_space<vmem>>
    %dma_start3A_1551 = tpu.memref_squeeze %dma_start3A_1550 : memref<1x128x80xf32, #tpu.memory_space<vmem>> -> memref<128x80xf32, #tpu.memory_space<vmem>>
    %dma_start3A_1552 = arith.constant 96 : i32
    %dma_start3A_1553 = arith.constant 0 : i32
    %dma_start3A_1554 = tpu.memref_slice %dma_start3A_1551[%dma_start3A_1552, %dma_start3A_1553] : memref<128x80xf32, #tpu.memory_space<vmem>> -> memref<16x80xf32, #tpu.memory_space<vmem>>
    %dma_start3A_1555 = arith.constant 0 : i32
    %dma_start3A_1556 = arith.constant 0 : i32
    %dma_start3A_1557 = tpu.memref_slice %arg3[%dma_start3A_1555, %dma_start3A_1556] : memref<1000000x80xf32, #tpu.memory_space<hbm>> -> memref<1000000x80xf32, #tpu.memory_space<hbm>>
    %dma_start3A_1558 = tpu.memref_slice %arg7[%dma_start3A_1547] : memref<5x!tpu.dma_semaphore, #tpu.memory_space<semaphore_mem>> -> memref<1x!tpu.dma_semaphore, #tpu.memory_space<semaphore_mem>>
    %dma_start3A_1559 = tpu.memref_squeeze %dma_start3A_1558 : memref<1x!tpu.dma_semaphore, #tpu.memory_space<semaphore_mem>> -> memref<!tpu.dma_semaphore, #tpu.memory_space<semaphore_mem>>
    tpu.enqueue_indirect_dma source(%dma_start3A_1557 : memref<1000000x80xf32, #tpu.memory_space<hbm>>) target(%dma_start3A_1554 : memref<16x80xf32, #tpu.memory_space<vmem>>) offsets(%get3A_1545 : vector<16xi32>) semaphore(%dma_start3A_1559 : memref<!tpu.dma_semaphore, #tpu.memory_space<semaphore_mem>>)
    %get3A_1560 = arith.constant 6256 : index
    %get3A_1561 = tpu.vector_load %arg5[%get3A_1560] {strides = array<i32>} : memref<6400xi32, #tpu.memory_space<vmem>>, vector<16xi32>,
    %get3A_1562 = vector.shape_cast %get3A_1561 : vector<16xi32> to vector<16xi32>
    %dma_start3A_1563 = arith.constant 3 : i32
    %dma_start3A_1564 = arith.constant 3 : i32
    %dma_start3A_1565 = arith.constant 0 : i32
    %dma_start3A_1566 = arith.constant 0 : i32
    %dma_start3A_1567 = tpu.memref_slice %arg6[%dma_start3A_1563, %dma_start3A_1565, %dma_start3A_1566] : memref<5x128x80xf32, #tpu.memory_space<vmem>> -> memref<1x128x80xf32, #tpu.memory_space<vmem>>
    %dma_start3A_1568 = tpu.memref_squeeze %dma_start3A_1567 : memref<1x128x80xf32, #tpu.memory_space<vmem>> -> memref<128x80xf32, #tpu.memory_space<vmem>>
    %dma_start3A_1569 = arith.constant 112 : i32
    %dma_start3A_1570 = arith.constant 0 : i32
    %dma_start3A_1571 = tpu.memref_slice %dma_start3A_1568[%dma_start3A_1569, %dma_start3A_1570] : memref<128x80xf32, #tpu.memory_space<vmem>> -> memref<16x80xf32, #tpu.memory_space<vmem>>
    %dma_start3A_1572 = arith.constant 0 : i32
    %dma_start3A_1573 = arith.constant 0 : i32
    %dma_start3A_1574 = tpu.memref_slice %arg3[%dma_start3A_1572, %dma_start3A_1573] : memref<1000000x80xf32, #tpu.memory_space<hbm>> -> memref<1000000x80xf32, #tpu.memory_space<hbm>>
    %dma_start3A_1575 = tpu.memref_slice %arg7[%dma_start3A_1564] : memref<5x!tpu.dma_semaphore, #tpu.memory_space<semaphore_mem>> -> memref<1x!tpu.dma_semaphore, #tpu.memory_space<semaphore_mem>>
    %dma_start3A_1576 = tpu.memref_squeeze %dma_start3A_1575 : memref<1x!tpu.dma_semaphore, #tpu.memory_space<semaphore_mem>> -> memref<!tpu.dma_semaphore, #tpu.memory_space<semaphore_mem>>
    tpu.enqueue_indirect_dma source(%dma_start3A_1574 : memref<1000000x80xf32, #tpu.memory_space<hbm>>) target(%dma_start3A_1571 : memref<16x80xf32, #tpu.memory_space<vmem>>) offsets(%get3A_1562 : vector<16xi32>) semaphore(%dma_start3A_1576 : memref<!tpu.dma_semaphore, #tpu.memory_space<semaphore_mem>>)
    %dma_wait3A_1577 = arith.constant 1 : i32
    %dma_wait3A_1578 = arith.constant 1 : i32
    %dma_wait3A_1579 = arith.constant 0 : i32
    %dma_wait3A_1580 = arith.constant 0 : i32
    %dma_wait3A_1581 = tpu.memref_slice %arg6[%dma_wait3A_1577, %dma_wait3A_1579, %dma_wait3A_1580] : memref<5x128x80xf32, #tpu.memory_space<vmem>> -> memref<1x128x80xf32, #tpu.memory_space<vmem>>
    %dma_wait3A_1582 = tpu.memref_squeeze %dma_wait3A_1581 : memref<1x128x80xf32, #tpu.memory_space<vmem>> -> memref<128x80xf32, #tpu.memory_space<vmem>>
    %dma_wait3A_1583 = arith.constant 0 : i32
    %dma_wait3A_1584 = arith.constant 0 : i32
    %dma_wait3A_1585 = tpu.memref_slice %arg3[%dma_wait3A_1583, %dma_wait3A_1584] : memref<1000000x80xf32, #tpu.memory_space<hbm>> -> memref<128x80xf32, #tpu.memory_space<hbm>>
    %dma_wait3A_1586 = tpu.memref_slice %arg7[%dma_wait3A_1578] : memref<5x!tpu.dma_semaphore, #tpu.memory_space<semaphore_mem>> -> memref<1x!tpu.dma_semaphore, #tpu.memory_space<semaphore_mem>>
    %dma_wait3A_1587 = tpu.memref_squeeze %dma_wait3A_1586 : memref<1x!tpu.dma_semaphore, #tpu.memory_space<semaphore_mem>> -> memref<!tpu.dma_semaphore, #tpu.memory_space<semaphore_mem>>
    %dma_wait3A_1588 = arith.constant 0 : i32
    %dma_wait3A_1589 = arith.constant 0 : i32
    %dma_wait3A_1590 = tpu.memref_slice %arg6[%dma_wait3A_1577, %dma_wait3A_1588, %dma_wait3A_1589] : memref<5x128x80xf32, #tpu.memory_space<vmem>> -> memref<1x128x80xf32, #tpu.memory_space<vmem>>
    %dma_wait3A_1591 = tpu.memref_squeeze %dma_wait3A_1590 : memref<1x128x80xf32, #tpu.memory_space<vmem>> -> memref<128x80xf32, #tpu.memory_space<vmem>>
    %dma_wait3A_1592 = arith.constant 0 : i32
    %dma_wait3A_1593 = arith.constant 0 : i32
    %dma_wait3A_1594 = tpu.memref_slice %arg3[%dma_wait3A_1592, %dma_wait3A_1593] : memref<1000000x80xf32, #tpu.memory_space<hbm>> -> memref<128x80xf32, #tpu.memory_space<hbm>>
    tpu.wait_dma2 semaphore(%dma_wait3A_1587 : memref<!tpu.dma_semaphore, #tpu.memory_space<semaphore_mem>>) src(%dma_wait3A_1594 : memref<128x80xf32, #tpu.memory_space<hbm>>) dst(%dma_wait3A_1591 : memref<128x80xf32, #tpu.memory_space<vmem>>)
    %add3A_1595 = arith.constant 5888 : i32
    %add3A_1596 = arith.addi %mul3A_2, %add3A_1595 : i32
    %dma_start3A_1597 = arith.constant 1 : i32
    %dma_start3A_1598 = arith.constant 1 : i32
    %dma_start3A_1599 = arith.constant 0 : i32
    %dma_start3A_1600 = arith.constant 0 : i32
    %dma_start3A_1601 = tpu.memref_slice %arg6[%dma_start3A_1597, %dma_start3A_1599, %dma_start3A_1600] : memref<5x128x80xf32, #tpu.memory_space<vmem>> -> memref<1x128x80xf32, #tpu.memory_space<vmem>>
    %dma_start3A_1602 = tpu.memref_squeeze %dma_start3A_1601 : memref<1x128x80xf32, #tpu.memory_space<vmem>> -> memref<128x80xf32, #tpu.memory_space<vmem>>
    %dma_start3A_1603 = arith.constant 0 : i32
    %dma_start3A_1604 = arith.constant 0 : i32
    %dma_start3A_1605 = tpu.memref_slice %dma_start3A_1602[%dma_start3A_1603, %dma_start3A_1604] : memref<128x80xf32, #tpu.memory_space<vmem>> -> memref<128x64xf32, #tpu.memory_space<vmem>>
    %dma_start3A_1606 = arith.constant 0 : i32
    %dma_start3A_1607 = tpu.memref_slice %arg4[%add3A_1596, %dma_start3A_1606] : memref<204800x64xf32, #tpu.memory_space<hbm>> -> memref<128x64xf32, #tpu.memory_space<hbm>>
    %dma_start3A_1608 = tpu.memref_slice %arg8[%dma_start3A_1598] : memref<5x!tpu.dma_semaphore, #tpu.memory_space<semaphore_mem>> -> memref<1x!tpu.dma_semaphore, #tpu.memory_space<semaphore_mem>>
    %dma_start3A_1609 = tpu.memref_squeeze %dma_start3A_1608 : memref<1x!tpu.dma_semaphore, #tpu.memory_space<semaphore_mem>> -> memref<!tpu.dma_semaphore, #tpu.memory_space<semaphore_mem>>
    %dma_start3A_1610 = arith.constant 0 : i32
    %dma_start3A_1611 = tpu.memref_slice %arg4[%add3A_1596, %dma_start3A_1610] : memref<204800x64xf32, #tpu.memory_space<hbm>> -> memref<128x64xf32, #tpu.memory_space<hbm>>
    %dma_start3A_1612 = arith.constant 0 : i32
    %dma_start3A_1613 = arith.constant 0 : i32
    %dma_start3A_1614 = tpu.memref_slice %arg6[%dma_start3A_1597, %dma_start3A_1612, %dma_start3A_1613] : memref<5x128x80xf32, #tpu.memory_space<vmem>> -> memref<1x128x80xf32, #tpu.memory_space<vmem>>
    %dma_start3A_1615 = tpu.memref_squeeze %dma_start3A_1614 : memref<1x128x80xf32, #tpu.memory_space<vmem>> -> memref<128x80xf32, #tpu.memory_space<vmem>>
    %dma_start3A_1616 = arith.constant 0 : i32
    %dma_start3A_1617 = arith.constant 0 : i32
    %dma_start3A_1618 = tpu.memref_slice %dma_start3A_1615[%dma_start3A_1616, %dma_start3A_1617] : memref<128x80xf32, #tpu.memory_space<vmem>> -> memref<128x64xf32, #tpu.memory_space<vmem>>
    tpu.enqueue_dma source(%dma_start3A_1618 : memref<128x64xf32, #tpu.memory_space<vmem>>) target(%dma_start3A_1611 : memref<128x64xf32, #tpu.memory_space<hbm>>) target_semaphore(%dma_start3A_1609 : memref<!tpu.dma_semaphore, #tpu.memory_space<semaphore_mem>>)
    %add3A_1619 = arith.constant 5632 : i32
    %add3A_1620 = arith.addi %mul3A_2, %add3A_1619 : i32
    %dma_wait3A_1621 = arith.constant 4 : i32
    %dma_wait3A_1622 = arith.constant 4 : i32
    %dma_wait3A_1623 = arith.constant 0 : i32
    %dma_wait3A_1624 = arith.constant 0 : i32
    %dma_wait3A_1625 = tpu.memref_slice %arg6[%dma_wait3A_1621, %dma_wait3A_1623, %dma_wait3A_1624] : memref<5x128x80xf32, #tpu.memory_space<vmem>> -> memref<1x128x80xf32, #tpu.memory_space<vmem>>
    %dma_wait3A_1626 = tpu.memref_squeeze %dma_wait3A_1625 : memref<1x128x80xf32, #tpu.memory_space<vmem>> -> memref<128x80xf32, #tpu.memory_space<vmem>>
    %dma_wait3A_1627 = arith.constant 0 : i32
    %dma_wait3A_1628 = arith.constant 0 : i32
    %dma_wait3A_1629 = tpu.memref_slice %dma_wait3A_1626[%dma_wait3A_1627, %dma_wait3A_1628] : memref<128x80xf32, #tpu.memory_space<vmem>> -> memref<128x64xf32, #tpu.memory_space<vmem>>
    %dma_wait3A_1630 = arith.constant 0 : i32
    %dma_wait3A_1631 = tpu.memref_slice %arg4[%add3A_1620, %dma_wait3A_1630] : memref<204800x64xf32, #tpu.memory_space<hbm>> -> memref<128x64xf32, #tpu.memory_space<hbm>>
    %dma_wait3A_1632 = tpu.memref_slice %arg8[%dma_wait3A_1622] : memref<5x!tpu.dma_semaphore, #tpu.memory_space<semaphore_mem>> -> memref<1x!tpu.dma_semaphore, #tpu.memory_space<semaphore_mem>>
    %dma_wait3A_1633 = tpu.memref_squeeze %dma_wait3A_1632 : memref<1x!tpu.dma_semaphore, #tpu.memory_space<semaphore_mem>> -> memref<!tpu.dma_semaphore, #tpu.memory_space<semaphore_mem>>
    %dma_wait3A_1634 = arith.constant 0 : i32
    %dma_wait3A_1635 = tpu.memref_slice %arg4[%add3A_1620, %dma_wait3A_1634] : memref<204800x64xf32, #tpu.memory_space<hbm>> -> memref<128x64xf32, #tpu.memory_space<hbm>>
    %dma_wait3A_1636 = arith.constant 0 : i32
    %dma_wait3A_1637 = arith.constant 0 : i32
    %dma_wait3A_1638 = tpu.memref_slice %arg6[%dma_wait3A_1621, %dma_wait3A_1636, %dma_wait3A_1637] : memref<5x128x80xf32, #tpu.memory_space<vmem>> -> memref<1x128x80xf32, #tpu.memory_space<vmem>>
    %dma_wait3A_1639 = tpu.memref_squeeze %dma_wait3A_1638 : memref<1x128x80xf32, #tpu.memory_space<vmem>> -> memref<128x80xf32, #tpu.memory_space<vmem>>
    %dma_wait3A_1640 = arith.constant 0 : i32
    %dma_wait3A_1641 = arith.constant 0 : i32
    %dma_wait3A_1642 = tpu.memref_slice %dma_wait3A_1639[%dma_wait3A_1640, %dma_wait3A_1641] : memref<128x80xf32, #tpu.memory_space<vmem>> -> memref<128x64xf32, #tpu.memory_space<vmem>>
    tpu.wait_dma2 semaphore(%dma_wait3A_1633 : memref<!tpu.dma_semaphore, #tpu.memory_space<semaphore_mem>>) src(%dma_wait3A_1642 : memref<128x64xf32, #tpu.memory_space<vmem>>) dst(%dma_wait3A_1635 : memref<128x64xf32, #tpu.memory_space<hbm>>)
    %get3A_1643 = arith.constant 6272 : index
    %get3A_1644 = tpu.vector_load %arg5[%get3A_1643] {strides = array<i32>} : memref<6400xi32, #tpu.memory_space<vmem>>, vector<16xi32>,
    %get3A_1645 = vector.shape_cast %get3A_1644 : vector<16xi32> to vector<16xi32>
    %dma_start3A_1646 = arith.constant 4 : i32
    %dma_start3A_1647 = arith.constant 4 : i32
    %dma_start3A_1648 = arith.constant 0 : i32
    %dma_start3A_1649 = arith.constant 0 : i32
    %dma_start3A_1650 = tpu.memref_slice %arg6[%dma_start3A_1646, %dma_start3A_1648, %dma_start3A_1649] : memref<5x128x80xf32, #tpu.memory_space<vmem>> -> memref<1x128x80xf32, #tpu.memory_space<vmem>>
    %dma_start3A_1651 = tpu.memref_squeeze %dma_start3A_1650 : memref<1x128x80xf32, #tpu.memory_space<vmem>> -> memref<128x80xf32, #tpu.memory_space<vmem>>
    %dma_start3A_1652 = arith.constant 0 : i32
    %dma_start3A_1653 = arith.constant 0 : i32
    %dma_start3A_1654 = tpu.memref_slice %dma_start3A_1651[%dma_start3A_1652, %dma_start3A_1653] : memref<128x80xf32, #tpu.memory_space<vmem>> -> memref<16x80xf32, #tpu.memory_space<vmem>>
    %dma_start3A_1655 = arith.constant 0 : i32
    %dma_start3A_1656 = arith.constant 0 : i32
    %dma_start3A_1657 = tpu.memref_slice %arg3[%dma_start3A_1655, %dma_start3A_1656] : memref<1000000x80xf32, #tpu.memory_space<hbm>> -> memref<1000000x80xf32, #tpu.memory_space<hbm>>
    %dma_start3A_1658 = tpu.memref_slice %arg7[%dma_start3A_1647] : memref<5x!tpu.dma_semaphore, #tpu.memory_space<semaphore_mem>> -> memref<1x!tpu.dma_semaphore, #tpu.memory_space<semaphore_mem>>
    %dma_start3A_1659 = tpu.memref_squeeze %dma_start3A_1658 : memref<1x!tpu.dma_semaphore, #tpu.memory_space<semaphore_mem>> -> memref<!tpu.dma_semaphore, #tpu.memory_space<semaphore_mem>>
    tpu.enqueue_indirect_dma source(%dma_start3A_1657 : memref<1000000x80xf32, #tpu.memory_space<hbm>>) target(%dma_start3A_1654 : memref<16x80xf32, #tpu.memory_space<vmem>>) offsets(%get3A_1645 : vector<16xi32>) semaphore(%dma_start3A_1659 : memref<!tpu.dma_semaphore, #tpu.memory_space<semaphore_mem>>)
    %get3A_1660 = arith.constant 6288 : index
    %get3A_1661 = tpu.vector_load %arg5[%get3A_1660] {strides = array<i32>} : memref<6400xi32, #tpu.memory_space<vmem>>, vector<16xi32>,
    %get3A_1662 = vector.shape_cast %get3A_1661 : vector<16xi32> to vector<16xi32>
    %dma_start3A_1663 = arith.constant 4 : i32
    %dma_start3A_1664 = arith.constant 4 : i32
    %dma_start3A_1665 = arith.constant 0 : i32
    %dma_start3A_1666 = arith.constant 0 : i32
    %dma_start3A_1667 = tpu.memref_slice %arg6[%dma_start3A_1663, %dma_start3A_1665, %dma_start3A_1666] : memref<5x128x80xf32, #tpu.memory_space<vmem>> -> memref<1x128x80xf32, #tpu.memory_space<vmem>>
    %dma_start3A_1668 = tpu.memref_squeeze %dma_start3A_1667 : memref<1x128x80xf32, #tpu.memory_space<vmem>> -> memref<128x80xf32, #tpu.memory_space<vmem>>
    %dma_start3A_1669 = arith.constant 16 : i32
    %dma_start3A_1670 = arith.constant 0 : i32
    %dma_start3A_1671 = tpu.memref_slice %dma_start3A_1668[%dma_start3A_1669, %dma_start3A_1670] : memref<128x80xf32, #tpu.memory_space<vmem>> -> memref<16x80xf32, #tpu.memory_space<vmem>>
    %dma_start3A_1672 = arith.constant 0 : i32
    %dma_start3A_1673 = arith.constant 0 : i32
    %dma_start3A_1674 = tpu.memref_slice %arg3[%dma_start3A_1672, %dma_start3A_1673] : memref<1000000x80xf32, #tpu.memory_space<hbm>> -> memref<1000000x80xf32, #tpu.memory_space<hbm>>
    %dma_start3A_1675 = tpu.memref_slice %arg7[%dma_start3A_1664] : memref<5x!tpu.dma_semaphore, #tpu.memory_space<semaphore_mem>> -> memref<1x!tpu.dma_semaphore, #tpu.memory_space<semaphore_mem>>
    %dma_start3A_1676 = tpu.memref_squeeze %dma_start3A_1675 : memref<1x!tpu.dma_semaphore, #tpu.memory_space<semaphore_mem>> -> memref<!tpu.dma_semaphore, #tpu.memory_space<semaphore_mem>>
    tpu.enqueue_indirect_dma source(%dma_start3A_1674 : memref<1000000x80xf32, #tpu.memory_space<hbm>>) target(%dma_start3A_1671 : memref<16x80xf32, #tpu.memory_space<vmem>>) offsets(%get3A_1662 : vector<16xi32>) semaphore(%dma_start3A_1676 : memref<!tpu.dma_semaphore, #tpu.memory_space<semaphore_mem>>)
    %get3A_1677 = arith.constant 6304 : index
    %get3A_1678 = tpu.vector_load %arg5[%get3A_1677] {strides = array<i32>} : memref<6400xi32, #tpu.memory_space<vmem>>, vector<16xi32>,
    %get3A_1679 = vector.shape_cast %get3A_1678 : vector<16xi32> to vector<16xi32>
    %dma_start3A_1680 = arith.constant 4 : i32
    %dma_start3A_1681 = arith.constant 4 : i32
    %dma_start3A_1682 = arith.constant 0 : i32
    %dma_start3A_1683 = arith.constant 0 : i32
    %dma_start3A_1684 = tpu.memref_slice %arg6[%dma_start3A_1680, %dma_start3A_1682, %dma_start3A_1683] : memref<5x128x80xf32, #tpu.memory_space<vmem>> -> memref<1x128x80xf32, #tpu.memory_space<vmem>>
    %dma_start3A_1685 = tpu.memref_squeeze %dma_start3A_1684 : memref<1x128x80xf32, #tpu.memory_space<vmem>> -> memref<128x80xf32, #tpu.memory_space<vmem>>
    %dma_start3A_1686 = arith.constant 32 : i32
    %dma_start3A_1687 = arith.constant 0 : i32
    %dma_start3A_1688 = tpu.memref_slice %dma_start3A_1685[%dma_start3A_1686, %dma_start3A_1687] : memref<128x80xf32, #tpu.memory_space<vmem>> -> memref<16x80xf32, #tpu.memory_space<vmem>>
    %dma_start3A_1689 = arith.constant 0 : i32
    %dma_start3A_1690 = arith.constant 0 : i32
    %dma_start3A_1691 = tpu.memref_slice %arg3[%dma_start3A_1689, %dma_start3A_1690] : memref<1000000x80xf32, #tpu.memory_space<hbm>> -> memref<1000000x80xf32, #tpu.memory_space<hbm>>
    %dma_start3A_1692 = tpu.memref_slice %arg7[%dma_start3A_1681] : memref<5x!tpu.dma_semaphore, #tpu.memory_space<semaphore_mem>> -> memref<1x!tpu.dma_semaphore, #tpu.memory_space<semaphore_mem>>
    %dma_start3A_1693 = tpu.memref_squeeze %dma_start3A_1692 : memref<1x!tpu.dma_semaphore, #tpu.memory_space<semaphore_mem>> -> memref<!tpu.dma_semaphore, #tpu.memory_space<semaphore_mem>>
    tpu.enqueue_indirect_dma source(%dma_start3A_1691 : memref<1000000x80xf32, #tpu.memory_space<hbm>>) target(%dma_start3A_1688 : memref<16x80xf32, #tpu.memory_space<vmem>>) offsets(%get3A_1679 : vector<16xi32>) semaphore(%dma_start3A_1693 : memref<!tpu.dma_semaphore, #tpu.memory_space<semaphore_mem>>)
    %get3A_1694 = arith.constant 6320 : index
    %get3A_1695 = tpu.vector_load %arg5[%get3A_1694] {strides = array<i32>} : memref<6400xi32, #tpu.memory_space<vmem>>, vector<16xi32>,
    %get3A_1696 = vector.shape_cast %get3A_1695 : vector<16xi32> to vector<16xi32>
    %dma_start3A_1697 = arith.constant 4 : i32
    %dma_start3A_1698 = arith.constant 4 : i32
    %dma_start3A_1699 = arith.constant 0 : i32
    %dma_start3A_1700 = arith.constant 0 : i32
    %dma_start3A_1701 = tpu.memref_slice %arg6[%dma_start3A_1697, %dma_start3A_1699, %dma_start3A_1700] : memref<5x128x80xf32, #tpu.memory_space<vmem>> -> memref<1x128x80xf32, #tpu.memory_space<vmem>>
    %dma_start3A_1702 = tpu.memref_squeeze %dma_start3A_1701 : memref<1x128x80xf32, #tpu.memory_space<vmem>> -> memref<128x80xf32, #tpu.memory_space<vmem>>
    %dma_start3A_1703 = arith.constant 48 : i32
    %dma_start3A_1704 = arith.constant 0 : i32
    %dma_start3A_1705 = tpu.memref_slice %dma_start3A_1702[%dma_start3A_1703, %dma_start3A_1704] : memref<128x80xf32, #tpu.memory_space<vmem>> -> memref<16x80xf32, #tpu.memory_space<vmem>>
    %dma_start3A_1706 = arith.constant 0 : i32
    %dma_start3A_1707 = arith.constant 0 : i32
    %dma_start3A_1708 = tpu.memref_slice %arg3[%dma_start3A_1706, %dma_start3A_1707] : memref<1000000x80xf32, #tpu.memory_space<hbm>> -> memref<1000000x80xf32, #tpu.memory_space<hbm>>
    %dma_start3A_1709 = tpu.memref_slice %arg7[%dma_start3A_1698] : memref<5x!tpu.dma_semaphore, #tpu.memory_space<semaphore_mem>> -> memref<1x!tpu.dma_semaphore, #tpu.memory_space<semaphore_mem>>
    %dma_start3A_1710 = tpu.memref_squeeze %dma_start3A_1709 : memref<1x!tpu.dma_semaphore, #tpu.memory_space<semaphore_mem>> -> memref<!tpu.dma_semaphore, #tpu.memory_space<semaphore_mem>>
    tpu.enqueue_indirect_dma source(%dma_start3A_1708 : memref<1000000x80xf32, #tpu.memory_space<hbm>>) target(%dma_start3A_1705 : memref<16x80xf32, #tpu.memory_space<vmem>>) offsets(%get3A_1696 : vector<16xi32>) semaphore(%dma_start3A_1710 : memref<!tpu.dma_semaphore, #tpu.memory_space<semaphore_mem>>)
    %get3A_1711 = arith.constant 6336 : index
    %get3A_1712 = tpu.vector_load %arg5[%get3A_1711] {strides = array<i32>} : memref<6400xi32, #tpu.memory_space<vmem>>, vector<16xi32>,
    %get3A_1713 = vector.shape_cast %get3A_1712 : vector<16xi32> to vector<16xi32>
    %dma_start3A_1714 = arith.constant 4 : i32
    %dma_start3A_1715 = arith.constant 4 : i32
    %dma_start3A_1716 = arith.constant 0 : i32
    %dma_start3A_1717 = arith.constant 0 : i32
    %dma_start3A_1718 = tpu.memref_slice %arg6[%dma_start3A_1714, %dma_start3A_1716, %dma_start3A_1717] : memref<5x128x80xf32, #tpu.memory_space<vmem>> -> memref<1x128x80xf32, #tpu.memory_space<vmem>>
    %dma_start3A_1719 = tpu.memref_squeeze %dma_start3A_1718 : memref<1x128x80xf32, #tpu.memory_space<vmem>> -> memref<128x80xf32, #tpu.memory_space<vmem>>
    %dma_start3A_1720 = arith.constant 64 : i32
    %dma_start3A_1721 = arith.constant 0 : i32
    %dma_start3A_1722 = tpu.memref_slice %dma_start3A_1719[%dma_start3A_1720, %dma_start3A_1721] : memref<128x80xf32, #tpu.memory_space<vmem>> -> memref<16x80xf32, #tpu.memory_space<vmem>>
    %dma_start3A_1723 = arith.constant 0 : i32
    %dma_start3A_1724 = arith.constant 0 : i32
    %dma_start3A_1725 = tpu.memref_slice %arg3[%dma_start3A_1723, %dma_start3A_1724] : memref<1000000x80xf32, #tpu.memory_space<hbm>> -> memref<1000000x80xf32, #tpu.memory_space<hbm>>
    %dma_start3A_1726 = tpu.memref_slice %arg7[%dma_start3A_1715] : memref<5x!tpu.dma_semaphore, #tpu.memory_space<semaphore_mem>> -> memref<1x!tpu.dma_semaphore, #tpu.memory_space<semaphore_mem>>
    %dma_start3A_1727 = tpu.memref_squeeze %dma_start3A_1726 : memref<1x!tpu.dma_semaphore, #tpu.memory_space<semaphore_mem>> -> memref<!tpu.dma_semaphore, #tpu.memory_space<semaphore_mem>>
    tpu.enqueue_indirect_dma source(%dma_start3A_1725 : memref<1000000x80xf32, #tpu.memory_space<hbm>>) target(%dma_start3A_1722 : memref<16x80xf32, #tpu.memory_space<vmem>>) offsets(%get3A_1713 : vector<16xi32>) semaphore(%dma_start3A_1727 : memref<!tpu.dma_semaphore, #tpu.memory_space<semaphore_mem>>)
    %get3A_1728 = arith.constant 6352 : index
    %get3A_1729 = tpu.vector_load %arg5[%get3A_1728] {strides = array<i32>} : memref<6400xi32, #tpu.memory_space<vmem>>, vector<16xi32>,
    %get3A_1730 = vector.shape_cast %get3A_1729 : vector<16xi32> to vector<16xi32>
    %dma_start3A_1731 = arith.constant 4 : i32
    %dma_start3A_1732 = arith.constant 4 : i32
    %dma_start3A_1733 = arith.constant 0 : i32
    %dma_start3A_1734 = arith.constant 0 : i32
    %dma_start3A_1735 = tpu.memref_slice %arg6[%dma_start3A_1731, %dma_start3A_1733, %dma_start3A_1734] : memref<5x128x80xf32, #tpu.memory_space<vmem>> -> memref<1x128x80xf32, #tpu.memory_space<vmem>>
    %dma_start3A_1736 = tpu.memref_squeeze %dma_start3A_1735 : memref<1x128x80xf32, #tpu.memory_space<vmem>> -> memref<128x80xf32, #tpu.memory_space<vmem>>
    %dma_start3A_1737 = arith.constant 80 : i32
    %dma_start3A_1738 = arith.constant 0 : i32
    %dma_start3A_1739 = tpu.memref_slice %dma_start3A_1736[%dma_start3A_1737, %dma_start3A_1738] : memref<128x80xf32, #tpu.memory_space<vmem>> -> memref<16x80xf32, #tpu.memory_space<vmem>>
    %dma_start3A_1740 = arith.constant 0 : i32
    %dma_start3A_1741 = arith.constant 0 : i32
    %dma_start3A_1742 = tpu.memref_slice %arg3[%dma_start3A_1740, %dma_start3A_1741] : memref<1000000x80xf32, #tpu.memory_space<hbm>> -> memref<1000000x80xf32, #tpu.memory_space<hbm>>
    %dma_start3A_1743 = tpu.memref_slice %arg7[%dma_start3A_1732] : memref<5x!tpu.dma_semaphore, #tpu.memory_space<semaphore_mem>> -> memref<1x!tpu.dma_semaphore, #tpu.memory_space<semaphore_mem>>
    %dma_start3A_1744 = tpu.memref_squeeze %dma_start3A_1743 : memref<1x!tpu.dma_semaphore, #tpu.memory_space<semaphore_mem>> -> memref<!tpu.dma_semaphore, #tpu.memory_space<semaphore_mem>>
    tpu.enqueue_indirect_dma source(%dma_start3A_1742 : memref<1000000x80xf32, #tpu.memory_space<hbm>>) target(%dma_start3A_1739 : memref<16x80xf32, #tpu.memory_space<vmem>>) offsets(%get3A_1730 : vector<16xi32>) semaphore(%dma_start3A_1744 : memref<!tpu.dma_semaphore, #tpu.memory_space<semaphore_mem>>)
    %get3A_1745 = arith.constant 6368 : index
    %get3A_1746 = tpu.vector_load %arg5[%get3A_1745] {strides = array<i32>} : memref<6400xi32, #tpu.memory_space<vmem>>, vector<16xi32>,
    %get3A_1747 = vector.shape_cast %get3A_1746 : vector<16xi32> to vector<16xi32>
    %dma_start3A_1748 = arith.constant 4 : i32
    %dma_start3A_1749 = arith.constant 4 : i32
    %dma_start3A_1750 = arith.constant 0 : i32
    %dma_start3A_1751 = arith.constant 0 : i32
    %dma_start3A_1752 = tpu.memref_slice %arg6[%dma_start3A_1748, %dma_start3A_1750, %dma_start3A_1751] : memref<5x128x80xf32, #tpu.memory_space<vmem>> -> memref<1x128x80xf32, #tpu.memory_space<vmem>>
    %dma_start3A_1753 = tpu.memref_squeeze %dma_start3A_1752 : memref<1x128x80xf32, #tpu.memory_space<vmem>> -> memref<128x80xf32, #tpu.memory_space<vmem>>
    %dma_start3A_1754 = arith.constant 96 : i32
    %dma_start3A_1755 = arith.constant 0 : i32
    %dma_start3A_1756 = tpu.memref_slice %dma_start3A_1753[%dma_start3A_1754, %dma_start3A_1755] : memref<128x80xf32, #tpu.memory_space<vmem>> -> memref<16x80xf32, #tpu.memory_space<vmem>>
    %dma_start3A_1757 = arith.constant 0 : i32
    %dma_start3A_1758 = arith.constant 0 : i32
    %dma_start3A_1759 = tpu.memref_slice %arg3[%dma_start3A_1757, %dma_start3A_1758] : memref<1000000x80xf32, #tpu.memory_space<hbm>> -> memref<1000000x80xf32, #tpu.memory_space<hbm>>
    %dma_start3A_1760 = tpu.memref_slice %arg7[%dma_start3A_1749] : memref<5x!tpu.dma_semaphore, #tpu.memory_space<semaphore_mem>> -> memref<1x!tpu.dma_semaphore, #tpu.memory_space<semaphore_mem>>
    %dma_start3A_1761 = tpu.memref_squeeze %dma_start3A_1760 : memref<1x!tpu.dma_semaphore, #tpu.memory_space<semaphore_mem>> -> memref<!tpu.dma_semaphore, #tpu.memory_space<semaphore_mem>>
    tpu.enqueue_indirect_dma source(%dma_start3A_1759 : memref<1000000x80xf32, #tpu.memory_space<hbm>>) target(%dma_start3A_1756 : memref<16x80xf32, #tpu.memory_space<vmem>>) offsets(%get3A_1747 : vector<16xi32>) semaphore(%dma_start3A_1761 : memref<!tpu.dma_semaphore, #tpu.memory_space<semaphore_mem>>)
    %get3A_1762 = arith.constant 6384 : index
    %get3A_1763 = tpu.vector_load %arg5[%get3A_1762] {strides = array<i32>} : memref<6400xi32, #tpu.memory_space<vmem>>, vector<16xi32>,
    %get3A_1764 = vector.shape_cast %get3A_1763 : vector<16xi32> to vector<16xi32>
    %dma_start3A_1765 = arith.constant 4 : i32
    %dma_start3A_1766 = arith.constant 4 : i32
    %dma_start3A_1767 = arith.constant 0 : i32
    %dma_start3A_1768 = arith.constant 0 : i32
    %dma_start3A_1769 = tpu.memref_slice %arg6[%dma_start3A_1765, %dma_start3A_1767, %dma_start3A_1768] : memref<5x128x80xf32, #tpu.memory_space<vmem>> -> memref<1x128x80xf32, #tpu.memory_space<vmem>>
    %dma_start3A_1770 = tpu.memref_squeeze %dma_start3A_1769 : memref<1x128x80xf32, #tpu.memory_space<vmem>> -> memref<128x80xf32, #tpu.memory_space<vmem>>
    %dma_start3A_1771 = arith.constant 112 : i32
    %dma_start3A_1772 = arith.constant 0 : i32
    %dma_start3A_1773 = tpu.memref_slice %dma_start3A_1770[%dma_start3A_1771, %dma_start3A_1772] : memref<128x80xf32, #tpu.memory_space<vmem>> -> memref<16x80xf32, #tpu.memory_space<vmem>>
    %dma_start3A_1774 = arith.constant 0 : i32
    %dma_start3A_1775 = arith.constant 0 : i32
    %dma_start3A_1776 = tpu.memref_slice %arg3[%dma_start3A_1774, %dma_start3A_1775] : memref<1000000x80xf32, #tpu.memory_space<hbm>> -> memref<1000000x80xf32, #tpu.memory_space<hbm>>
    %dma_start3A_1777 = tpu.memref_slice %arg7[%dma_start3A_1766] : memref<5x!tpu.dma_semaphore, #tpu.memory_space<semaphore_mem>> -> memref<1x!tpu.dma_semaphore, #tpu.memory_space<semaphore_mem>>
    %dma_start3A_1778 = tpu.memref_squeeze %dma_start3A_1777 : memref<1x!tpu.dma_semaphore, #tpu.memory_space<semaphore_mem>> -> memref<!tpu.dma_semaphore, #tpu.memory_space<semaphore_mem>>
    tpu.enqueue_indirect_dma source(%dma_start3A_1776 : memref<1000000x80xf32, #tpu.memory_space<hbm>>) target(%dma_start3A_1773 : memref<16x80xf32, #tpu.memory_space<vmem>>) offsets(%get3A_1764 : vector<16xi32>) semaphore(%dma_start3A_1778 : memref<!tpu.dma_semaphore, #tpu.memory_space<semaphore_mem>>)
    %dma_wait3A_1779 = arith.constant 2 : i32
    %dma_wait3A_1780 = arith.constant 2 : i32
    %dma_wait3A_1781 = arith.constant 0 : i32
    %dma_wait3A_1782 = arith.constant 0 : i32
    %dma_wait3A_1783 = tpu.memref_slice %arg6[%dma_wait3A_1779, %dma_wait3A_1781, %dma_wait3A_1782] : memref<5x128x80xf32, #tpu.memory_space<vmem>> -> memref<1x128x80xf32, #tpu.memory_space<vmem>>
    %dma_wait3A_1784 = tpu.memref_squeeze %dma_wait3A_1783 : memref<1x128x80xf32, #tpu.memory_space<vmem>> -> memref<128x80xf32, #tpu.memory_space<vmem>>
    %dma_wait3A_1785 = arith.constant 0 : i32
    %dma_wait3A_1786 = arith.constant 0 : i32
    %dma_wait3A_1787 = tpu.memref_slice %arg3[%dma_wait3A_1785, %dma_wait3A_1786] : memref<1000000x80xf32, #tpu.memory_space<hbm>> -> memref<128x80xf32, #tpu.memory_space<hbm>>
    %dma_wait3A_1788 = tpu.memref_slice %arg7[%dma_wait3A_1780] : memref<5x!tpu.dma_semaphore, #tpu.memory_space<semaphore_mem>> -> memref<1x!tpu.dma_semaphore, #tpu.memory_space<semaphore_mem>>
    %dma_wait3A_1789 = tpu.memref_squeeze %dma_wait3A_1788 : memref<1x!tpu.dma_semaphore, #tpu.memory_space<semaphore_mem>> -> memref<!tpu.dma_semaphore, #tpu.memory_space<semaphore_mem>>
    %dma_wait3A_1790 = arith.constant 0 : i32
    %dma_wait3A_1791 = arith.constant 0 : i32
    %dma_wait3A_1792 = tpu.memref_slice %arg6[%dma_wait3A_1779, %dma_wait3A_1790, %dma_wait3A_1791] : memref<5x128x80xf32, #tpu.memory_space<vmem>> -> memref<1x128x80xf32, #tpu.memory_space<vmem>>
    %dma_wait3A_1793 = tpu.memref_squeeze %dma_wait3A_1792 : memref<1x128x80xf32, #tpu.memory_space<vmem>> -> memref<128x80xf32, #tpu.memory_space<vmem>>
    %dma_wait3A_1794 = arith.constant 0 : i32
    %dma_wait3A_1795 = arith.constant 0 : i32
    %dma_wait3A_1796 = tpu.memref_slice %arg3[%dma_wait3A_1794, %dma_wait3A_1795] : memref<1000000x80xf32, #tpu.memory_space<hbm>> -> memref<128x80xf32, #tpu.memory_space<hbm>>
    tpu.wait_dma2 semaphore(%dma_wait3A_1789 : memref<!tpu.dma_semaphore, #tpu.memory_space<semaphore_mem>>) src(%dma_wait3A_1796 : memref<128x80xf32, #tpu.memory_space<hbm>>) dst(%dma_wait3A_1793 : memref<128x80xf32, #tpu.memory_space<vmem>>)
    %add3A_1797 = arith.constant 6016 : i32
    %add3A_1798 = arith.addi %mul3A_2, %add3A_1797 : i32
    %dma_start3A_1799 = arith.constant 2 : i32
    %dma_start3A_1800 = arith.constant 2 : i32
    %dma_start3A_1801 = arith.constant 0 : i32
    %dma_start3A_1802 = arith.constant 0 : i32
    %dma_start3A_1803 = tpu.memref_slice %arg6[%dma_start3A_1799, %dma_start3A_1801, %dma_start3A_1802] : memref<5x128x80xf32, #tpu.memory_space<vmem>> -> memref<1x128x80xf32, #tpu.memory_space<vmem>>
    %dma_start3A_1804 = tpu.memref_squeeze %dma_start3A_1803 : memref<1x128x80xf32, #tpu.memory_space<vmem>> -> memref<128x80xf32, #tpu.memory_space<vmem>>
    %dma_start3A_1805 = arith.constant 0 : i32
    %dma_start3A_1806 = arith.constant 0 : i32
    %dma_start3A_1807 = tpu.memref_slice %dma_start3A_1804[%dma_start3A_1805, %dma_start3A_1806] : memref<128x80xf32, #tpu.memory_space<vmem>> -> memref<128x64xf32, #tpu.memory_space<vmem>>
    %dma_start3A_1808 = arith.constant 0 : i32
    %dma_start3A_1809 = tpu.memref_slice %arg4[%add3A_1798, %dma_start3A_1808] : memref<204800x64xf32, #tpu.memory_space<hbm>> -> memref<128x64xf32, #tpu.memory_space<hbm>>
    %dma_start3A_1810 = tpu.memref_slice %arg8[%dma_start3A_1800] : memref<5x!tpu.dma_semaphore, #tpu.memory_space<semaphore_mem>> -> memref<1x!tpu.dma_semaphore, #tpu.memory_space<semaphore_mem>>
    %dma_start3A_1811 = tpu.memref_squeeze %dma_start3A_1810 : memref<1x!tpu.dma_semaphore, #tpu.memory_space<semaphore_mem>> -> memref<!tpu.dma_semaphore, #tpu.memory_space<semaphore_mem>>
    %dma_start3A_1812 = arith.constant 0 : i32
    %dma_start3A_1813 = tpu.memref_slice %arg4[%add3A_1798, %dma_start3A_1812] : memref<204800x64xf32, #tpu.memory_space<hbm>> -> memref<128x64xf32, #tpu.memory_space<hbm>>
    %dma_start3A_1814 = arith.constant 0 : i32
    %dma_start3A_1815 = arith.constant 0 : i32
    %dma_start3A_1816 = tpu.memref_slice %arg6[%dma_start3A_1799, %dma_start3A_1814, %dma_start3A_1815] : memref<5x128x80xf32, #tpu.memory_space<vmem>> -> memref<1x128x80xf32, #tpu.memory_space<vmem>>
    %dma_start3A_1817 = tpu.memref_squeeze %dma_start3A_1816 : memref<1x128x80xf32, #tpu.memory_space<vmem>> -> memref<128x80xf32, #tpu.memory_space<vmem>>
    %dma_start3A_1818 = arith.constant 0 : i32
    %dma_start3A_1819 = arith.constant 0 : i32
    %dma_start3A_1820 = tpu.memref_slice %dma_start3A_1817[%dma_start3A_1818, %dma_start3A_1819] : memref<128x80xf32, #tpu.memory_space<vmem>> -> memref<128x64xf32, #tpu.memory_space<vmem>>
    tpu.enqueue_dma source(%dma_start3A_1820 : memref<128x64xf32, #tpu.memory_space<vmem>>) target(%dma_start3A_1813 : memref<128x64xf32, #tpu.memory_space<hbm>>) target_semaphore(%dma_start3A_1811 : memref<!tpu.dma_semaphore, #tpu.memory_space<semaphore_mem>>)
    %dma_wait3A_1821 = arith.constant 3 : i32
    %dma_wait3A_1822 = arith.constant 3 : i32
    %dma_wait3A_1823 = arith.constant 0 : i32
    %dma_wait3A_1824 = arith.constant 0 : i32
    %dma_wait3A_1825 = tpu.memref_slice %arg6[%dma_wait3A_1821, %dma_wait3A_1823, %dma_wait3A_1824] : memref<5x128x80xf32, #tpu.memory_space<vmem>> -> memref<1x128x80xf32, #tpu.memory_space<vmem>>
    %dma_wait3A_1826 = tpu.memref_squeeze %dma_wait3A_1825 : memref<1x128x80xf32, #tpu.memory_space<vmem>> -> memref<128x80xf32, #tpu.memory_space<vmem>>
    %dma_wait3A_1827 = arith.constant 0 : i32
    %dma_wait3A_1828 = arith.constant 0 : i32
    %dma_wait3A_1829 = tpu.memref_slice %arg3[%dma_wait3A_1827, %dma_wait3A_1828] : memref<1000000x80xf32, #tpu.memory_space<hbm>> -> memref<128x80xf32, #tpu.memory_space<hbm>>
    %dma_wait3A_1830 = tpu.memref_slice %arg7[%dma_wait3A_1822] : memref<5x!tpu.dma_semaphore, #tpu.memory_space<semaphore_mem>> -> memref<1x!tpu.dma_semaphore, #tpu.memory_space<semaphore_mem>>
    %dma_wait3A_1831 = tpu.memref_squeeze %dma_wait3A_1830 : memref<1x!tpu.dma_semaphore, #tpu.memory_space<semaphore_mem>> -> memref<!tpu.dma_semaphore, #tpu.memory_space<semaphore_mem>>
    %dma_wait3A_1832 = arith.constant 0 : i32
    %dma_wait3A_1833 = arith.constant 0 : i32
    %dma_wait3A_1834 = tpu.memref_slice %arg6[%dma_wait3A_1821, %dma_wait3A_1832, %dma_wait3A_1833] : memref<5x128x80xf32, #tpu.memory_space<vmem>> -> memref<1x128x80xf32, #tpu.memory_space<vmem>>
    %dma_wait3A_1835 = tpu.memref_squeeze %dma_wait3A_1834 : memref<1x128x80xf32, #tpu.memory_space<vmem>> -> memref<128x80xf32, #tpu.memory_space<vmem>>
    %dma_wait3A_1836 = arith.constant 0 : i32
    %dma_wait3A_1837 = arith.constant 0 : i32
    %dma_wait3A_1838 = tpu.memref_slice %arg3[%dma_wait3A_1836, %dma_wait3A_1837] : memref<1000000x80xf32, #tpu.memory_space<hbm>> -> memref<128x80xf32, #tpu.memory_space<hbm>>
    tpu.wait_dma2 semaphore(%dma_wait3A_1831 : memref<!tpu.dma_semaphore, #tpu.memory_space<semaphore_mem>>) src(%dma_wait3A_1838 : memref<128x80xf32, #tpu.memory_space<hbm>>) dst(%dma_wait3A_1835 : memref<128x80xf32, #tpu.memory_space<vmem>>)
    %add3A_1839 = arith.constant 6144 : i32
    %add3A_1840 = arith.addi %mul3A_2, %add3A_1839 : i32
    %dma_start3A_1841 = arith.constant 3 : i32
    %dma_start3A_1842 = arith.constant 3 : i32
    %dma_start3A_1843 = arith.constant 0 : i32
    %dma_start3A_1844 = arith.constant 0 : i32
    %dma_start3A_1845 = tpu.memref_slice %arg6[%dma_start3A_1841, %dma_start3A_1843, %dma_start3A_1844] : memref<5x128x80xf32, #tpu.memory_space<vmem>> -> memref<1x128x80xf32, #tpu.memory_space<vmem>>
    %dma_start3A_1846 = tpu.memref_squeeze %dma_start3A_1845 : memref<1x128x80xf32, #tpu.memory_space<vmem>> -> memref<128x80xf32, #tpu.memory_space<vmem>>
    %dma_start3A_1847 = arith.constant 0 : i32
    %dma_start3A_1848 = arith.constant 0 : i32
    %dma_start3A_1849 = tpu.memref_slice %dma_start3A_1846[%dma_start3A_1847, %dma_start3A_1848] : memref<128x80xf32, #tpu.memory_space<vmem>> -> memref<128x64xf32, #tpu.memory_space<vmem>>
    %dma_start3A_1850 = arith.constant 0 : i32
    %dma_start3A_1851 = tpu.memref_slice %arg4[%add3A_1840, %dma_start3A_1850] : memref<204800x64xf32, #tpu.memory_space<hbm>> -> memref<128x64xf32, #tpu.memory_space<hbm>>
    %dma_start3A_1852 = tpu.memref_slice %arg8[%dma_start3A_1842] : memref<5x!tpu.dma_semaphore, #tpu.memory_space<semaphore_mem>> -> memref<1x!tpu.dma_semaphore, #tpu.memory_space<semaphore_mem>>
    %dma_start3A_1853 = tpu.memref_squeeze %dma_start3A_1852 : memref<1x!tpu.dma_semaphore, #tpu.memory_space<semaphore_mem>> -> memref<!tpu.dma_semaphore, #tpu.memory_space<semaphore_mem>>
    %dma_start3A_1854 = arith.constant 0 : i32
    %dma_start3A_1855 = tpu.memref_slice %arg4[%add3A_1840, %dma_start3A_1854] : memref<204800x64xf32, #tpu.memory_space<hbm>> -> memref<128x64xf32, #tpu.memory_space<hbm>>
    %dma_start3A_1856 = arith.constant 0 : i32
    %dma_start3A_1857 = arith.constant 0 : i32
    %dma_start3A_1858 = tpu.memref_slice %arg6[%dma_start3A_1841, %dma_start3A_1856, %dma_start3A_1857] : memref<5x128x80xf32, #tpu.memory_space<vmem>> -> memref<1x128x80xf32, #tpu.memory_space<vmem>>
    %dma_start3A_1859 = tpu.memref_squeeze %dma_start3A_1858 : memref<1x128x80xf32, #tpu.memory_space<vmem>> -> memref<128x80xf32, #tpu.memory_space<vmem>>
    %dma_start3A_1860 = arith.constant 0 : i32
    %dma_start3A_1861 = arith.constant 0 : i32
    %dma_start3A_1862 = tpu.memref_slice %dma_start3A_1859[%dma_start3A_1860, %dma_start3A_1861] : memref<128x80xf32, #tpu.memory_space<vmem>> -> memref<128x64xf32, #tpu.memory_space<vmem>>
    tpu.enqueue_dma source(%dma_start3A_1862 : memref<128x64xf32, #tpu.memory_space<vmem>>) target(%dma_start3A_1855 : memref<128x64xf32, #tpu.memory_space<hbm>>) target_semaphore(%dma_start3A_1853 : memref<!tpu.dma_semaphore, #tpu.memory_space<semaphore_mem>>)
    %dma_wait3A_1863 = arith.constant 4 : i32
    %dma_wait3A_1864 = arith.constant 4 : i32
    %dma_wait3A_1865 = arith.constant 0 : i32
    %dma_wait3A_1866 = arith.constant 0 : i32
    %dma_wait3A_1867 = tpu.memref_slice %arg6[%dma_wait3A_1863, %dma_wait3A_1865, %dma_wait3A_1866] : memref<5x128x80xf32, #tpu.memory_space<vmem>> -> memref<1x128x80xf32, #tpu.memory_space<vmem>>
    %dma_wait3A_1868 = tpu.memref_squeeze %dma_wait3A_1867 : memref<1x128x80xf32, #tpu.memory_space<vmem>> -> memref<128x80xf32, #tpu.memory_space<vmem>>
    %dma_wait3A_1869 = arith.constant 0 : i32
    %dma_wait3A_1870 = arith.constant 0 : i32
    %dma_wait3A_1871 = tpu.memref_slice %arg3[%dma_wait3A_1869, %dma_wait3A_1870] : memref<1000000x80xf32, #tpu.memory_space<hbm>> -> memref<128x80xf32, #tpu.memory_space<hbm>>
    %dma_wait3A_1872 = tpu.memref_slice %arg7[%dma_wait3A_1864] : memref<5x!tpu.dma_semaphore, #tpu.memory_space<semaphore_mem>> -> memref<1x!tpu.dma_semaphore, #tpu.memory_space<semaphore_mem>>
    %dma_wait3A_1873 = tpu.memref_squeeze %dma_wait3A_1872 : memref<1x!tpu.dma_semaphore, #tpu.memory_space<semaphore_mem>> -> memref<!tpu.dma_semaphore, #tpu.memory_space<semaphore_mem>>
    %dma_wait3A_1874 = arith.constant 0 : i32
    %dma_wait3A_1875 = arith.constant 0 : i32
    %dma_wait3A_1876 = tpu.memref_slice %arg6[%dma_wait3A_1863, %dma_wait3A_1874, %dma_wait3A_1875] : memref<5x128x80xf32, #tpu.memory_space<vmem>> -> memref<1x128x80xf32, #tpu.memory_space<vmem>>
    %dma_wait3A_1877 = tpu.memref_squeeze %dma_wait3A_1876 : memref<1x128x80xf32, #tpu.memory_space<vmem>> -> memref<128x80xf32, #tpu.memory_space<vmem>>
    %dma_wait3A_1878 = arith.constant 0 : i32
    %dma_wait3A_1879 = arith.constant 0 : i32
    %dma_wait3A_1880 = tpu.memref_slice %arg3[%dma_wait3A_1878, %dma_wait3A_1879] : memref<1000000x80xf32, #tpu.memory_space<hbm>> -> memref<128x80xf32, #tpu.memory_space<hbm>>
    tpu.wait_dma2 semaphore(%dma_wait3A_1873 : memref<!tpu.dma_semaphore, #tpu.memory_space<semaphore_mem>>) src(%dma_wait3A_1880 : memref<128x80xf32, #tpu.memory_space<hbm>>) dst(%dma_wait3A_1877 : memref<128x80xf32, #tpu.memory_space<vmem>>)
    %add3A_1881 = arith.constant 6272 : i32
    %add3A_1882 = arith.addi %mul3A_2, %add3A_1881 : i32
    %dma_start3A_1883 = arith.constant 4 : i32
    %dma_start3A_1884 = arith.constant 4 : i32
    %dma_start3A_1885 = arith.constant 0 : i32
    %dma_start3A_1886 = arith.constant 0 : i32
    %dma_start3A_1887 = tpu.memref_slice %arg6[%dma_start3A_1883, %dma_start3A_1885, %dma_start3A_1886] : memref<5x128x80xf32, #tpu.memory_space<vmem>> -> memref<1x128x80xf32, #tpu.memory_space<vmem>>
    %dma_start3A_1888 = tpu.memref_squeeze %dma_start3A_1887 : memref<1x128x80xf32, #tpu.memory_space<vmem>> -> memref<128x80xf32, #tpu.memory_space<vmem>>
    %dma_start3A_1889 = arith.constant 0 : i32
    %dma_start3A_1890 = arith.constant 0 : i32
    %dma_start3A_1891 = tpu.memref_slice %dma_start3A_1888[%dma_start3A_1889, %dma_start3A_1890] : memref<128x80xf32, #tpu.memory_space<vmem>> -> memref<128x64xf32, #tpu.memory_space<vmem>>
    %dma_start3A_1892 = arith.constant 0 : i32
    %dma_start3A_1893 = tpu.memref_slice %arg4[%add3A_1882, %dma_start3A_1892] : memref<204800x64xf32, #tpu.memory_space<hbm>> -> memref<128x64xf32, #tpu.memory_space<hbm>>
    %dma_start3A_1894 = tpu.memref_slice %arg8[%dma_start3A_1884] : memref<5x!tpu.dma_semaphore, #tpu.memory_space<semaphore_mem>> -> memref<1x!tpu.dma_semaphore, #tpu.memory_space<semaphore_mem>>
    %dma_start3A_1895 = tpu.memref_squeeze %dma_start3A_1894 : memref<1x!tpu.dma_semaphore, #tpu.memory_space<semaphore_mem>> -> memref<!tpu.dma_semaphore, #tpu.memory_space<semaphore_mem>>
    %dma_start3A_1896 = arith.constant 0 : i32
    %dma_start3A_1897 = tpu.memref_slice %arg4[%add3A_1882, %dma_start3A_1896] : memref<204800x64xf32, #tpu.memory_space<hbm>> -> memref<128x64xf32, #tpu.memory_space<hbm>>
    %dma_start3A_1898 = arith.constant 0 : i32
    %dma_start3A_1899 = arith.constant 0 : i32
    %dma_start3A_1900 = tpu.memref_slice %arg6[%dma_start3A_1883, %dma_start3A_1898, %dma_start3A_1899] : memref<5x128x80xf32, #tpu.memory_space<vmem>> -> memref<1x128x80xf32, #tpu.memory_space<vmem>>
    %dma_start3A_1901 = tpu.memref_squeeze %dma_start3A_1900 : memref<1x128x80xf32, #tpu.memory_space<vmem>> -> memref<128x80xf32, #tpu.memory_space<vmem>>
    %dma_start3A_1902 = arith.constant 0 : i32
    %dma_start3A_1903 = arith.constant 0 : i32
    %dma_start3A_1904 = tpu.memref_slice %dma_start3A_1901[%dma_start3A_1902, %dma_start3A_1903] : memref<128x80xf32, #tpu.memory_space<vmem>> -> memref<128x64xf32, #tpu.memory_space<vmem>>
    tpu.enqueue_dma source(%dma_start3A_1904 : memref<128x64xf32, #tpu.memory_space<vmem>>) target(%dma_start3A_1897 : memref<128x64xf32, #tpu.memory_space<hbm>>) target_semaphore(%dma_start3A_1895 : memref<!tpu.dma_semaphore, #tpu.memory_space<semaphore_mem>>)
    %add3A_1905 = arith.constant 5760 : i32
    %add3A_1906 = arith.addi %mul3A_2, %add3A_1905 : i32
    %dma_wait3A_1907 = arith.constant 0 : i32
    %dma_wait3A_1908 = arith.constant 0 : i32
    %dma_wait3A_1909 = arith.constant 0 : i32
    %dma_wait3A_1910 = arith.constant 0 : i32
    %dma_wait3A_1911 = tpu.memref_slice %arg6[%dma_wait3A_1907, %dma_wait3A_1909, %dma_wait3A_1910] : memref<5x128x80xf32, #tpu.memory_space<vmem>> -> memref<1x128x80xf32, #tpu.memory_space<vmem>>
    %dma_wait3A_1912 = tpu.memref_squeeze %dma_wait3A_1911 : memref<1x128x80xf32, #tpu.memory_space<vmem>> -> memref<128x80xf32, #tpu.memory_space<vmem>>
    %dma_wait3A_1913 = arith.constant 0 : i32
    %dma_wait3A_1914 = arith.constant 0 : i32
    %dma_wait3A_1915 = tpu.memref_slice %dma_wait3A_1912[%dma_wait3A_1913, %dma_wait3A_1914] : memref<128x80xf32, #tpu.memory_space<vmem>> -> memref<128x64xf32, #tpu.memory_space<vmem>>
    %dma_wait3A_1916 = arith.constant 0 : i32
    %dma_wait3A_1917 = tpu.memref_slice %arg4[%add3A_1906, %dma_wait3A_1916] : memref<204800x64xf32, #tpu.memory_space<hbm>> -> memref<128x64xf32, #tpu.memory_space<hbm>>
    %dma_wait3A_1918 = tpu.memref_slice %arg8[%dma_wait3A_1908] : memref<5x!tpu.dma_semaphore, #tpu.memory_space<semaphore_mem>> -> memref<1x!tpu.dma_semaphore, #tpu.memory_space<semaphore_mem>>
    %dma_wait3A_1919 = tpu.memref_squeeze %dma_wait3A_1918 : memref<1x!tpu.dma_semaphore, #tpu.memory_space<semaphore_mem>> -> memref<!tpu.dma_semaphore, #tpu.memory_space<semaphore_mem>>
    %dma_wait3A_1920 = arith.constant 0 : i32
    %dma_wait3A_1921 = tpu.memref_slice %arg4[%add3A_1906, %dma_wait3A_1920] : memref<204800x64xf32, #tpu.memory_space<hbm>> -> memref<128x64xf32, #tpu.memory_space<hbm>>
    %dma_wait3A_1922 = arith.constant 0 : i32
    %dma_wait3A_1923 = arith.constant 0 : i32
    %dma_wait3A_1924 = tpu.memref_slice %arg6[%dma_wait3A_1907, %dma_wait3A_1922, %dma_wait3A_1923] : memref<5x128x80xf32, #tpu.memory_space<vmem>> -> memref<1x128x80xf32, #tpu.memory_space<vmem>>
    %dma_wait3A_1925 = tpu.memref_squeeze %dma_wait3A_1924 : memref<1x128x80xf32, #tpu.memory_space<vmem>> -> memref<128x80xf32, #tpu.memory_space<vmem>>
    %dma_wait3A_1926 = arith.constant 0 : i32
    %dma_wait3A_1927 = arith.constant 0 : i32
    %dma_wait3A_1928 = tpu.memref_slice %dma_wait3A_1925[%dma_wait3A_1926, %dma_wait3A_1927] : memref<128x80xf32, #tpu.memory_space<vmem>> -> memref<128x64xf32, #tpu.memory_space<vmem>>
    tpu.wait_dma2 semaphore(%dma_wait3A_1919 : memref<!tpu.dma_semaphore, #tpu.memory_space<semaphore_mem>>) src(%dma_wait3A_1928 : memref<128x64xf32, #tpu.memory_space<vmem>>) dst(%dma_wait3A_1921 : memref<128x64xf32, #tpu.memory_space<hbm>>)
    %add3A_1929 = arith.constant 5888 : i32
    %add3A_1930 = arith.addi %mul3A_2, %add3A_1929 : i32
    %dma_wait3A_1931 = arith.constant 1 : i32
    %dma_wait3A_1932 = arith.constant 1 : i32
    %dma_wait3A_1933 = arith.constant 0 : i32
    %dma_wait3A_1934 = arith.constant 0 : i32
    %dma_wait3A_1935 = tpu.memref_slice %arg6[%dma_wait3A_1931, %dma_wait3A_1933, %dma_wait3A_1934] : memref<5x128x80xf32, #tpu.memory_space<vmem>> -> memref<1x128x80xf32, #tpu.memory_space<vmem>>
    %dma_wait3A_1936 = tpu.memref_squeeze %dma_wait3A_1935 : memref<1x128x80xf32, #tpu.memory_space<vmem>> -> memref<128x80xf32, #tpu.memory_space<vmem>>
    %dma_wait3A_1937 = arith.constant 0 : i32
    %dma_wait3A_1938 = arith.constant 0 : i32
    %dma_wait3A_1939 = tpu.memref_slice %dma_wait3A_1936[%dma_wait3A_1937, %dma_wait3A_1938] : memref<128x80xf32, #tpu.memory_space<vmem>> -> memref<128x64xf32, #tpu.memory_space<vmem>>
    %dma_wait3A_1940 = arith.constant 0 : i32
    %dma_wait3A_1941 = tpu.memref_slice %arg4[%add3A_1930, %dma_wait3A_1940] : memref<204800x64xf32, #tpu.memory_space<hbm>> -> memref<128x64xf32, #tpu.memory_space<hbm>>
    %dma_wait3A_1942 = tpu.memref_slice %arg8[%dma_wait3A_1932] : memref<5x!tpu.dma_semaphore, #tpu.memory_space<semaphore_mem>> -> memref<1x!tpu.dma_semaphore, #tpu.memory_space<semaphore_mem>>
    %dma_wait3A_1943 = tpu.memref_squeeze %dma_wait3A_1942 : memref<1x!tpu.dma_semaphore, #tpu.memory_space<semaphore_mem>> -> memref<!tpu.dma_semaphore, #tpu.memory_space<semaphore_mem>>
    %dma_wait3A_1944 = arith.constant 0 : i32
    %dma_wait3A_1945 = tpu.memref_slice %arg4[%add3A_1930, %dma_wait3A_1944] : memref<204800x64xf32, #tpu.memory_space<hbm>> -> memref<128x64xf32, #tpu.memory_space<hbm>>
    %dma_wait3A_1946 = arith.constant 0 : i32
    %dma_wait3A_1947 = arith.constant 0 : i32
    %dma_wait3A_1948 = tpu.memref_slice %arg6[%dma_wait3A_1931, %dma_wait3A_1946, %dma_wait3A_1947] : memref<5x128x80xf32, #tpu.memory_space<vmem>> -> memref<1x128x80xf32, #tpu.memory_space<vmem>>
    %dma_wait3A_1949 = tpu.memref_squeeze %dma_wait3A_1948 : memref<1x128x80xf32, #tpu.memory_space<vmem>> -> memref<128x80xf32, #tpu.memory_space<vmem>>
    %dma_wait3A_1950 = arith.constant 0 : i32
    %dma_wait3A_1951 = arith.constant 0 : i32
    %dma_wait3A_1952 = tpu.memref_slice %dma_wait3A_1949[%dma_wait3A_1950, %dma_wait3A_1951] : memref<128x80xf32, #tpu.memory_space<vmem>> -> memref<128x64xf32, #tpu.memory_space<vmem>>
    tpu.wait_dma2 semaphore(%dma_wait3A_1943 : memref<!tpu.dma_semaphore, #tpu.memory_space<semaphore_mem>>) src(%dma_wait3A_1952 : memref<128x64xf32, #tpu.memory_space<vmem>>) dst(%dma_wait3A_1945 : memref<128x64xf32, #tpu.memory_space<hbm>>)
    %add3A_1953 = arith.constant 6016 : i32
    %add3A_1954 = arith.addi %mul3A_2, %add3A_1953 : i32
    %dma_wait3A_1955 = arith.constant 2 : i32
    %dma_wait3A_1956 = arith.constant 2 : i32
    %dma_wait3A_1957 = arith.constant 0 : i32
    %dma_wait3A_1958 = arith.constant 0 : i32
    %dma_wait3A_1959 = tpu.memref_slice %arg6[%dma_wait3A_1955, %dma_wait3A_1957, %dma_wait3A_1958] : memref<5x128x80xf32, #tpu.memory_space<vmem>> -> memref<1x128x80xf32, #tpu.memory_space<vmem>>
    %dma_wait3A_1960 = tpu.memref_squeeze %dma_wait3A_1959 : memref<1x128x80xf32, #tpu.memory_space<vmem>> -> memref<128x80xf32, #tpu.memory_space<vmem>>
    %dma_wait3A_1961 = arith.constant 0 : i32
    %dma_wait3A_1962 = arith.constant 0 : i32
    %dma_wait3A_1963 = tpu.memref_slice %dma_wait3A_1960[%dma_wait3A_1961, %dma_wait3A_1962] : memref<128x80xf32, #tpu.memory_space<vmem>> -> memref<128x64xf32, #tpu.memory_space<vmem>>
    %dma_wait3A_1964 = arith.constant 0 : i32
    %dma_wait3A_1965 = tpu.memref_slice %arg4[%add3A_1954, %dma_wait3A_1964] : memref<204800x64xf32, #tpu.memory_space<hbm>> -> memref<128x64xf32, #tpu.memory_space<hbm>>
    %dma_wait3A_1966 = tpu.memref_slice %arg8[%dma_wait3A_1956] : memref<5x!tpu.dma_semaphore, #tpu.memory_space<semaphore_mem>> -> memref<1x!tpu.dma_semaphore, #tpu.memory_space<semaphore_mem>>
    %dma_wait3A_1967 = tpu.memref_squeeze %dma_wait3A_1966 : memref<1x!tpu.dma_semaphore, #tpu.memory_space<semaphore_mem>> -> memref<!tpu.dma_semaphore, #tpu.memory_space<semaphore_mem>>
    %dma_wait3A_1968 = arith.constant 0 : i32
    %dma_wait3A_1969 = tpu.memref_slice %arg4[%add3A_1954, %dma_wait3A_1968] : memref<204800x64xf32, #tpu.memory_space<hbm>> -> memref<128x64xf32, #tpu.memory_space<hbm>>
    %dma_wait3A_1970 = arith.constant 0 : i32
    %dma_wait3A_1971 = arith.constant 0 : i32
    %dma_wait3A_1972 = tpu.memref_slice %arg6[%dma_wait3A_1955, %dma_wait3A_1970, %dma_wait3A_1971] : memref<5x128x80xf32, #tpu.memory_space<vmem>> -> memref<1x128x80xf32, #tpu.memory_space<vmem>>
    %dma_wait3A_1973 = tpu.memref_squeeze %dma_wait3A_1972 : memref<1x128x80xf32, #tpu.memory_space<vmem>> -> memref<128x80xf32, #tpu.memory_space<vmem>>
    %dma_wait3A_1974 = arith.constant 0 : i32
    %dma_wait3A_1975 = arith.constant 0 : i32
    %dma_wait3A_1976 = tpu.memref_slice %dma_wait3A_1973[%dma_wait3A_1974, %dma_wait3A_1975] : memref<128x80xf32, #tpu.memory_space<vmem>> -> memref<128x64xf32, #tpu.memory_space<vmem>>
    tpu.wait_dma2 semaphore(%dma_wait3A_1967 : memref<!tpu.dma_semaphore, #tpu.memory_space<semaphore_mem>>) src(%dma_wait3A_1976 : memref<128x64xf32, #tpu.memory_space<vmem>>) dst(%dma_wait3A_1969 : memref<128x64xf32, #tpu.memory_space<hbm>>)
    %add3A_1977 = arith.constant 6144 : i32
    %add3A_1978 = arith.addi %mul3A_2, %add3A_1977 : i32
    %dma_wait3A_1979 = arith.constant 3 : i32
    %dma_wait3A_1980 = arith.constant 3 : i32
    %dma_wait3A_1981 = arith.constant 0 : i32
    %dma_wait3A_1982 = arith.constant 0 : i32
    %dma_wait3A_1983 = tpu.memref_slice %arg6[%dma_wait3A_1979, %dma_wait3A_1981, %dma_wait3A_1982] : memref<5x128x80xf32, #tpu.memory_space<vmem>> -> memref<1x128x80xf32, #tpu.memory_space<vmem>>
    %dma_wait3A_1984 = tpu.memref_squeeze %dma_wait3A_1983 : memref<1x128x80xf32, #tpu.memory_space<vmem>> -> memref<128x80xf32, #tpu.memory_space<vmem>>
    %dma_wait3A_1985 = arith.constant 0 : i32
    %dma_wait3A_1986 = arith.constant 0 : i32
    %dma_wait3A_1987 = tpu.memref_slice %dma_wait3A_1984[%dma_wait3A_1985, %dma_wait3A_1986] : memref<128x80xf32, #tpu.memory_space<vmem>> -> memref<128x64xf32, #tpu.memory_space<vmem>>
    %dma_wait3A_1988 = arith.constant 0 : i32
    %dma_wait3A_1989 = tpu.memref_slice %arg4[%add3A_1978, %dma_wait3A_1988] : memref<204800x64xf32, #tpu.memory_space<hbm>> -> memref<128x64xf32, #tpu.memory_space<hbm>>
    %dma_wait3A_1990 = tpu.memref_slice %arg8[%dma_wait3A_1980] : memref<5x!tpu.dma_semaphore, #tpu.memory_space<semaphore_mem>> -> memref<1x!tpu.dma_semaphore, #tpu.memory_space<semaphore_mem>>
    %dma_wait3A_1991 = tpu.memref_squeeze %dma_wait3A_1990 : memref<1x!tpu.dma_semaphore, #tpu.memory_space<semaphore_mem>> -> memref<!tpu.dma_semaphore, #tpu.memory_space<semaphore_mem>>
    %dma_wait3A_1992 = arith.constant 0 : i32
    %dma_wait3A_1993 = tpu.memref_slice %arg4[%add3A_1978, %dma_wait3A_1992] : memref<204800x64xf32, #tpu.memory_space<hbm>> -> memref<128x64xf32, #tpu.memory_space<hbm>>
    %dma_wait3A_1994 = arith.constant 0 : i32
    %dma_wait3A_1995 = arith.constant 0 : i32
    %dma_wait3A_1996 = tpu.memref_slice %arg6[%dma_wait3A_1979, %dma_wait3A_1994, %dma_wait3A_1995] : memref<5x128x80xf32, #tpu.memory_space<vmem>> -> memref<1x128x80xf32, #tpu.memory_space<vmem>>
    %dma_wait3A_1997 = tpu.memref_squeeze %dma_wait3A_1996 : memref<1x128x80xf32, #tpu.memory_space<vmem>> -> memref<128x80xf32, #tpu.memory_space<vmem>>
    %dma_wait3A_1998 = arith.constant 0 : i32
    %dma_wait3A_1999 = arith.constant 0 : i32
    %dma_wait3A_2000 = tpu.memref_slice %dma_wait3A_1997[%dma_wait3A_1998, %dma_wait3A_1999] : memref<128x80xf32, #tpu.memory_space<vmem>> -> memref<128x64xf32, #tpu.memory_space<vmem>>
    tpu.wait_dma2 semaphore(%dma_wait3A_1991 : memref<!tpu.dma_semaphore, #tpu.memory_space<semaphore_mem>>) src(%dma_wait3A_2000 : memref<128x64xf32, #tpu.memory_space<vmem>>) dst(%dma_wait3A_1993 : memref<128x64xf32, #tpu.memory_space<hbm>>)
    %add3A_2001 = arith.constant 6272 : i32
    %add3A_2002 = arith.addi %mul3A_2, %add3A_2001 : i32
    %dma_wait3A_2003 = arith.constant 4 : i32
    %dma_wait3A_2004 = arith.constant 4 : i32
    %dma_wait3A_2005 = arith.constant 0 : i32
    %dma_wait3A_2006 = arith.constant 0 : i32
    %dma_wait3A_2007 = tpu.memref_slice %arg6[%dma_wait3A_2003, %dma_wait3A_2005, %dma_wait3A_2006] : memref<5x128x80xf32, #tpu.memory_space<vmem>> -> memref<1x128x80xf32, #tpu.memory_space<vmem>>
    %dma_wait3A_2008 = tpu.memref_squeeze %dma_wait3A_2007 : memref<1x128x80xf32, #tpu.memory_space<vmem>> -> memref<128x80xf32, #tpu.memory_space<vmem>>
    %dma_wait3A_2009 = arith.constant 0 : i32
    %dma_wait3A_2010 = arith.constant 0 : i32
    %dma_wait3A_2011 = tpu.memref_slice %dma_wait3A_2008[%dma_wait3A_2009, %dma_wait3A_2010] : memref<128x80xf32, #tpu.memory_space<vmem>> -> memref<128x64xf32, #tpu.memory_space<vmem>>
    %dma_wait3A_2012 = arith.constant 0 : i32
    %dma_wait3A_2013 = tpu.memref_slice %arg4[%add3A_2002, %dma_wait3A_2012] : memref<204800x64xf32, #tpu.memory_space<hbm>> -> memref<128x64xf32, #tpu.memory_space<hbm>>
    %dma_wait3A_2014 = tpu.memref_slice %arg8[%dma_wait3A_2004] : memref<5x!tpu.dma_semaphore, #tpu.memory_space<semaphore_mem>> -> memref<1x!tpu.dma_semaphore, #tpu.memory_space<semaphore_mem>>
    %dma_wait3A_2015 = tpu.memref_squeeze %dma_wait3A_2014 : memref<1x!tpu.dma_semaphore, #tpu.memory_space<semaphore_mem>> -> memref<!tpu.dma_semaphore, #tpu.memory_space<semaphore_mem>>
    %dma_wait3A_2016 = arith.constant 0 : i32
    %dma_wait3A_2017 = tpu.memref_slice %arg4[%add3A_2002, %dma_wait3A_2016] : memref<204800x64xf32, #tpu.memory_space<hbm>> -> memref<128x64xf32, #tpu.memory_space<hbm>>
    %dma_wait3A_2018 = arith.constant 0 : i32
    %dma_wait3A_2019 = arith.constant 0 : i32
    %dma_wait3A_2020 = tpu.memref_slice %arg6[%dma_wait3A_2003, %dma_wait3A_2018, %dma_wait3A_2019] : memref<5x128x80xf32, #tpu.memory_space<vmem>> -> memref<1x128x80xf32, #tpu.memory_space<vmem>>
    %dma_wait3A_2021 = tpu.memref_squeeze %dma_wait3A_2020 : memref<1x128x80xf32, #tpu.memory_space<vmem>> -> memref<128x80xf32, #tpu.memory_space<vmem>>
    %dma_wait3A_2022 = arith.constant 0 : i32
    %dma_wait3A_2023 = arith.constant 0 : i32
    %dma_wait3A_2024 = tpu.memref_slice %dma_wait3A_2021[%dma_wait3A_2022, %dma_wait3A_2023] : memref<128x80xf32, #tpu.memory_space<vmem>> -> memref<128x64xf32, #tpu.memory_space<vmem>>
    tpu.wait_dma2 semaphore(%dma_wait3A_2015 : memref<!tpu.dma_semaphore, #tpu.memory_space<semaphore_mem>>) src(%dma_wait3A_2024 : memref<128x64xf32, #tpu.memory_space<vmem>>) dst(%dma_wait3A_2017 : memref<128x64xf32, #tpu.memory_space<hbm>>)
    return
  }
}

</mosaic_0001>

<sc_bundles>
// kernel: kernel.3.cloned.1.call-start
scs
__scs_entry_jumppad:
0x0: {  	(pc) =	sbr.rel $0x88, $3  }
0x1: {  	(tag) =	ssettag $0x0;
	lr =	simm.s32 $0x1  }
0x2: {  	[smem:$0x3F9F] =	sst lr;
	_ =	strace $0xD0000000  }
0x3: {  	_ = 	snop  }
0x4: {  	_ = 	snop  }
0x5: {  	_ = 	snop  }
0x6: {  	_ = 	snop  }
0x7: {  	_ = 	snop  }
__scs_overlays_trampoline_lowered:
0x8: {  	[smem:$0x3FAE] =	sst s0  }
0x9: {  	[smem:$0x3FAF] =	sst s1  }
0xa: {  	[smem:$0x3FB0] =	sst s2  }
0xb: {  	[smem:$0x3FB1] =	sst s3  }
0xc: {  	[smem:$0x3FB2] =	sst s4  }
0xd: {  	[smem:$0x3FB3] =	sst s5  }
0xe: {  	[smem:$0x3FB4] =	sst s6  }
0xf: {  	[smem:$0x3FB5] =	sst s7  }
0x10: {  	[smem:$0x3FB6] =	sst s8  }
0x11: {  	[smem:$0x3FB7] =	sst s9;
	s0 =	simm.s32 @!p0 $0x0  }
0x12: {  	s1 =	sld [smem:$0x3F9D];
	s0 =	simm.s32 @p0 $0x1  }
0x13: {  	[smem:$0x3FB8] =	sst s0;
	s0 =	simm.s32 @!p1 $0x0  }
0x14: {  	s2 =	sld [smem:$0x3F9C];
	s0 =	simm.s32 @p1 $0x1  }
0x15: {  	[smem:$0x3FB9] =	sst s0;
	s0 =	simm.s32 @!p2 $0x0  }
0x16: {  	s3 =	sld [smem:$0x3FDB];
	s0 =	simm.s32 @p2 $0x1  }
0x17: {  	s4 =	simm.s32 $0x1BF5;
	[smem:$0x3FBB] =	sst s0  }
0x18: {  	s0 =	sld [smem:$0x3F9E];
	_ =	swait.ge [sflag:s4], $0x0  }
0x19: {  	s7 =	sld [smem:$0x3F9F]  }
0x1a: {  	s8 =	sadd.s32 $0xFFFFE003, lr  }
0x1b: {  	s9 =	sadd.s32 $0xFFFFFEF7, lr;
	s5 =	simm.s32 $0xFFFFFFFF;
	p2 =	slt.u32 s8, $0xFFFFF086  }
0x1c: {  	p1 =	slt.u32 s9, $0xF7A;
	s5 =	simm.s32 @!p2 $0x0  }
0x1d: {  	s5 =	simm.s32 @p1 $0x1;
	p0 =	seq.s32 s7, s2  }
0x1e: {  	s7 =	smul.u32 @!p0 $0xF7A, s2;
	p2 =	seq.s32 @!p0 s5, $0x0  }
0x1f: {  	s9 =	smul.u32 $0xF7A, s1;
	s8 =	simm.s32 @!p0 $0x1BF5;
	p2 =	por !p2, p0  }
0x20: {  	[sflag:s8] =	ssyncset.s32 @!p0 $0xFFFFF086;
	s6 =	sadd.s32 @!p0 s3, s7;
	s7 =	simm.s32 @!p0 $0x108  }
0x21: {  	s3 =	sadd.s32 s3, s9;
	s6 =	sadd.s32 @!p0 $0x88, s6;
	s7 =	simm.s32 @p2 $0x1082  }
0x22: {  	[simem:s7], [sflag:s8] =	dma.local @!p0 [hbm:s6], $0xF7A  }
0x23: {  	s9 =	sor.u32 $0xD0000000, s2;
	s6 =	simm.s32 $0x108;
	_ =	swait.ge @!p0 [sflag:s8], $0x0  }
0x24: {  	s3 =	sadd.s32 $0x88, s3;
	s6 =	simm.s32 @!p1 $0x1082;
	[sflag:s4] =	ssyncset.s32 $0xFFFFF086  }
0x25: {  	[simem:s6], [sflag:s4] =	dma.local [hbm:s3], $0xF7A  }
0x26: {  	[smem:$0x3F9F] =	sst s1;
	(tag) =	ssettag s2;
	_ =	strace s9  }
0x27: {  	s1 =	sld [smem:$0x3FAF]  }
0x28: {  	s2 =	sld [smem:$0x3FB0]  }
0x29: {  	s4 =	sld [smem:$0x3FB2]  }
0x2a: {  	p0 =	seq.s32 s5, $0x0;
	s5 =	sld [smem:$0x3FB3]  }
0x2b: {  	s6 =	sld [smem:$0x3FB4]  }
0x2c: {  	s7 =	sld [smem:$0x3FB5]  }
0x2d: {  	s3 =	simm.s32 $0x108;
	s8 =	sld [smem:$0x3FB6]  }
0x2e: {  	s3 =	simm.s32 @!p0 $0x1082;
	s9 =	sld [smem:$0x3FB7]  }
0x2f: {  	lr =	sadd.s32 s0, s3;
	s0 =	sld [smem:$0x3FAE]  }
0x30: {  	s3 =	sld [smem:$0x3FB1]  }
0x31: {  	[smem:$0x3FBA] =	sst s10  }
0x32: {  	s10 =	sld [smem:$0x3FB8];
	_ =	sdelay $0x3  }
0x33: {  	p0 =	seq.s32 s10, $0x1;
	s10 =	sld [smem:$0x3FBA];
	_ =	sdelay $0x3  }
0x34: {  	[smem:$0x3FBA] =	sst s10  }
0x35: {  	s10 =	sld [smem:$0x3FB9];
	_ =	sdelay $0x3  }
0x36: {  	p1 =	seq.s32 s10, $0x1;
	s10 =	sld [smem:$0x3FBA];
	_ =	sdelay $0x3  }
0x37: {  	[smem:$0x3FBA] =	sst s10  }
0x38: {  	s10 =	sld [smem:$0x3FBB]  }
0x39: {  	_ = 	snop;
	(pc) =	sbr.ind lr, $3  }
0x3a: {  	_ = 	snop  }
0x3b: {  	_ = 	snop  }
0x3c: {  	p2 =	seq.s32 s10, $0x1;
	s10 =	sld [smem:$0x3FBA]  }
0x3d: {  	_ =	shalt  }
0x3e: {  	_ =	shalt  }
0x3f: {  	_ =	shalt  }
0x40: {  	_ =	shalt  }
0x41: {  	_ =	shalt  }
0x42: {  	_ =	shalt  }
0x43: {  	_ =	shalt  }
0x44: {  	_ =	shalt  }
0x45: {  	_ =	shalt  }
0x46: {  	_ =	shalt  }
0x47: {  	_ =	shalt  }
0x48: {  	_ =	shalt  }
0x49: {  	_ =	shalt  }
0x4a: {  	_ =	shalt  }
0x4b: {  	_ =	shalt  }
0x4c: {  	_ =	shalt  }
0x4d: {  	_ =	shalt  }
0x4e: {  	_ =	shalt  }
0x4f: {  	_ =	shalt  }
0x50: {  	_ =	shalt  }
0x51: {  	_ =	shalt  }
0x52: {  	_ =	shalt  }
0x53: {  	_ =	shalt  }
0x54: {  	_ =	shalt  }
0x55: {  	_ =	shalt  }
0x56: {  	_ =	shalt  }
0x57: {  	_ =	shalt  }
0x58: {  	_ =	shalt  }
0x59: {  	_ =	shalt  }
0x5a: {  	_ =	shalt  }
0x5b: {  	_ =	shalt  }
0x5c: {  	_ =	shalt  }
0x5d: {  	_ =	shalt  }
0x5e: {  	_ =	shalt  }
0x5f: {  	_ =	shalt  }
0x60: {  	_ =	shalt  }
0x61: {  	_ =	shalt  }
0x62: {  	_ =	shalt  }
0x63: {  	_ =	shalt  }
0x64: {  	_ =	shalt  }
0x65: {  	_ =	shalt  }
0x66: {  	_ =	shalt  }
0x67: {  	_ =	shalt  }
0x68: {  	_ =	shalt  }
0x69: {  	_ =	shalt  }
0x6a: {  	_ =	shalt  }
0x6b: {  	_ =	shalt  }
0x6c: {  	_ =	shalt  }
0x6d: {  	_ =	shalt  }
0x6e: {  	_ =	shalt  }
0x6f: {  	_ =	shalt  }
0x70: {  	_ =	shalt  }
0x71: {  	_ =	shalt  }
0x72: {  	_ =	shalt  }
0x73: {  	_ =	shalt  }
0x74: {  	_ =	shalt  }
0x75: {  	_ =	shalt  }
0x76: {  	_ =	shalt  }
0x77: {  	_ =	shalt  }
0x78: {  	_ =	shalt  }
0x79: {  	_ =	shalt  }
0x7a: {  	_ =	shalt  }
0x7b: {  	_ =	shalt  }
0x7c: {  	_ =	shalt  }
0x7d: {  	_ =	shalt  }
0x7e: {  	_ =	shalt  }
0x7f: {  	_ =	shalt  }
0x80: {  	_ =	shalt  }
0x81: {  	_ =	shalt  }
0x82: {  	_ =	shalt  }
0x83: {  	_ =	shalt  }
0x84: {  	_ =	shalt  }
0x85: {  	_ =	shalt  }
0x86: {  	_ =	shalt  }
0x87: {  	_ =	shalt  }
.Lfunc_end0:
.L_simem_size_0:
called_computation.1_lowered:
.L_overlay_start_0:
0x88: {  	s2 =	sld [smem:$0x3FD9]  }
0x89: {  	s3 =	sld [smem:$0x3FFE];
	_ =	sdelay $0x1  }
0x8a: {  	s1 =	srdreg.scid  }
0x8b: {  	s0 =	sand.u32 $0x1, s1  }
0x8c: {  	s17 =	sshll.u32 s0, $0xA;
	s2 =	sadd.s32 s3, s2  }
0x8d: {  	s2 =	sadd.s32 s2, s17  }
0x8e: {  	[smem:$0x3FC6] =	sst s2  }
0x8f: {  	_ = 	snop  }
0x90: {  	s2 =	sld [smem:$0x3FD0];
	(tm) =	ssettm $0x1  }
0x91: {  	s18 =	sld [smem:$0x3FFB];
	_ =	sdelay $0x3  }
0x92: {  	_ =	strace s18  }
0x93: {  	s3 =	sld [smem:$0x3FFC];
	_ =	sdelay $0x3  }
0x94: {  	_ =	strace s3  }
0x95: {  	s3 =	sld [smem:$0x3FFD];
	_ =	sdelay $0x3  }
0x96: {  	_ =	strace s3  }
0x97: {  	_ =	strace $0x8FFFFFFF  }
0x98: {  	s19 =	sld [smem:$0x3FDB];
	_ =	sdelay $0x1  }
0x99: {  	s4 =	simm.s32 $_scs_section_size  }
0x9a: {  	s5 =	simm.s32 $_size__tile_overlayer_lowered;
	s6 =	simm.s32 $_tile_overlayer_lowered  }
0x9b: {  	s22 =	simm.s32 $0x1BFF;
	s21 =	sshll.u32 s6, $0x1;
	s3 =	sadd.s32 s4, s19  }
0x9c: {  	s7 =	simm.s32 $0x0;
	s20 =	sshll.u32 s5, $0x1;
	s5 =	sadd.s32 s21, s3  }
0x9d: {  	[timem:s7], [sflag:s22] =	dma.local [hbm:s5], s20  }
0x9e: {  	_ =	swait.ge [sflag:s22], s20  }
0x9f: {  	s4 =	ssub.s32 $0x0, s20;
	[sflag:s22] =	ssyncset.done $0x0  }
0xa0: {  	[sflag:s22] =	ssyncadd.s32 s4;
	_ =	sdelay $0x1  }
0xa1: {  	s23 =	simm.s32 $0x1B8B  }
0xa2: {  	_ =	swait.ge [sflag:s23], $0x1  }
0xa3: {  	[sflag:s23] =	ssyncset.done $0x0  }
0xa4: {  	s25 =	simm.s32 $0x1B8E;
	s24 =	sld [smem:$0x3FFE];
	[sflag:s23] =	ssyncadd.s32 $0xFFFFFFFF  }
0xa5: {  	s26 =	simm.s32 $execute0_lowered;
	[smem:$0x3FD2] =	sst s25  }
0xa6: {  	s5 =	sshll.u32 s26, $0x1;
	_ =	strace $0x80000046;
	[dreg:$0x1] =	wrdreg $0xFFFFFFFF  }
0xa7: {  	s28 =	simm.s32 $_size_execute0_lowered;
	s3 =	sadd.s32 s3, s5;
	[dreg:$0x0] =	wrdreg $0x0  }
0xa8: {  	s5 =	sshll.u32 s28, $0x1;
	[dreg:$0x2] =	wrdreg s3  }
0xa9: {  	[dreg:$0x3] =	wrdreg s5  }
0xaa: {  	[dreg:$0x4] =	wrdreg $0xC0  }
0xab: {  	_ =	task [dreg:s7], $0x5FFFF  }
0xac: {  	[dreg:$0x1] =	wrdreg $0xFFFFFFFF  }
0xad: {  	[dreg:$0x0] =	wrdreg $0x60  }
0xae: {  	[dreg:$0x2] =	wrdreg s24  }
0xaf: {  	[dreg:$0x3] =	wrdreg s2  }
0xb0: {  	[dreg:$0x4] =	wrdreg $0x9  }
0xb1: {  	_ =	task.clear_ibuf [dreg:s7], $0x5FFFF;
	_ =	strace $0x90000046  }
0xb2: {  	s29 =	simm.s32 $0x9;
	_ =	strace $0x80000048  }
0xb3: {  	_ =	swait.ge [sflag:s29], $0x1  }
0xb4: {  	[sflag:s29] =	ssyncadd.s32 $0xFFFFFFFF  }
0xb5: {  	_ =	strace $0x90000048  }
0xb6: {  	_ =	sfence  }
0xb7: {  	s30 =	sld [smem:$0x0];
	_ =	sdelay $0x2  }
0xb8: {  	s31 =	sshll.u32 s1, $0xD;
	s1 =	sshrl.u32 s1, $0x2  }
0xb9: {  	s3 =	sand.u32 $0x4000, s31;
	s1 =	sadd.s32 s1, s30  }
0xba: {  	s0 =	sor.u32 s3, s0;
	s1 =	sshll.u32 s1, $0x11  }
0xbb: {  	s0 =	sor.u32 s1, s0  }
0xbc: {  	s0 =	sadd.s32 $0x8F2B, s0  }
0xbd: {  	[sflag:s0] =	ssyncadd.remote.s32 $0x1  }
0xbe: {  	_ =	sfence.sel $0xFFFF  }
0xbf: {  	[dreg:$0x0] =	wrdreg $0xFFFFFFFF;
	(pc) =	sbr.abs _section_cstart, $3  }
0xc0: {  	[dreg:$0x1] =	wrdreg $0xFFFFFFFF  }
0xc1: {  	_ =	task.clear_ibuf [dreg:s7], $0x2FFFF;
	_ =	strace $0x9FFFFFFF  }
0xc2: {  	(tm) =	ssettm $0x7FFFFFFF  }
0xc3: {  	_ =	shalt  }
tec
execute0_lowered:
.L_overlay_start_1:
0x0: {  	(tag) =	ssettag $0x1  }
0x1: {  	s0 =	rddreg [dreg:$0x0]  }
0x2: {  	s1 =	srdreg.scid;
	s3 =	stileid.u32  }
0x3: {  	s2 =	rddreg [dreg:$0x1];
	s19 =	simm.s32 $0x6;
	s21 =	simm.s32 $0x4  }
0x4: {  	s22 =	simm.s32 $0x7;
	s1 =	sand.u32 $0x1, s1;
	s4 =	sshll.u32 s3, $0x1  }
0x5: {  	s24 =	simm.s32 $0x5;
	s25 =	simm.s32 $0x8;
	s5 =	sor.u32 s1, s4  }
0x6: {  	s28 =	simm.s32 $0xA;
	s3 =	simm.s32 $0x0;
	s4 =	smul.u32 $0x1900, s5  }
0x7: {  	[smem:$0x7FF] =	sst s3;
	s1 =	ssub.s32 $0x2, s1;
	s6 =	smul.u32 $0xC800, s5  }
0x8: {  	_ =	strace $0x80000047;
	s8 =	smul.u32 $0x64000, s5;
	s5 =	sadd.s32 $0xA00, s0  }
0x9: {  	s26 =	sshrl.u32 s1, $0x1;
	s7 =	sshrl.u32 s4, $0x3;
	s6 =	sadd.s32 s2, s6  }
0xa: {  	s29 =	sshrl.u32 s8, $0x3;
	s30 =	sor.u32 $0x80, s4;
	s31 =	sadd.s32 $0x100, s4  }
0xb: {  	s7 =	sadd.s32 s7, s0;
	s0 =	ssub.s32 s1, s26;
	[dreg:$0x4] =	wrdreg s30  }
0xc: {  	s8 =	sadd.s32 $0x400, s6;
	s1 =	sadd.s32 s2, s29;
	[dreg:$0x5] =	wrdreg s31  }
0xd: {  	s26 =	simm.s32 $0x9;
	s7 =	sadd.s32 $0x98A200, s7;
	s9 =	sadd.s32 $0x800, s1  }
0xe: {  	s10 =	sadd.s32 $0xC00, s1;
	s11 =	sadd.s32 $0x1000, s1;
	s14 =	sadd.s32 $0xB400, s1  }
0xf: {  	s15 =	sadd.s32 $0xB800, s1;
	s16 =	sadd.s32 $0xBC00, s1;
	s17 =	sadd.s32 $0xC000, s1  }
0x10: {  	s18 =	sadd.s32 $0xC400, s1;
	s0 =	smax.u32 s0, $0x1;
	[dreg:$0x3] =	wrdreg s7  }
0x11: {  	vm0 =	vmmov $0xffff;
	s1 =	simm.s32 $0x0;
	[dreg:$0x6] =	wrdreg s0;
	s7 =	simm.s32 $0x3  }
.LBB2_1:
0x12: {  	[dreg:$0x7] =	wrdreg s1  }
0x13: {  	s0 =	rddreg [dreg:$0x3];
	s30 =	simm.s32 $0xB  }
0x14: {  	[tilespmem:s3], [sflag:$0xB] =	stream.linear.gather [hbm4b:s0+s3], $0x1900, $0x38;
	[tilespmem:$0xE100] =	vst v63  }
0x15: {  	_ =	swait.ge [sflag:s30], $0x1900  }
0x16: {  	[sflag:s30] =	ssyncset.done $0x0  }
0x17: {  	[sflag:s30] =	ssyncadd.s32 $0xFFFFE700  }
0x18: {  	v0 =	vld [tilespmem:$0x0];
	_ =	sdelay $0x6  }
0x19: {  	s31 =	simm.s32 $0x1900  }
0x1a: {  	[tilespmem:s31], [sflag:$0x1] =	stream.indirect_vreg.gather [hbm4b:s5+s3], $0x50, v0, vm0, $0xb8;
	[tilespmem:$0xE100] =	vst v63  }
0x1b: {  	v0 =	vld [tilespmem:$0x10];
	_ =	sdelay $0x6  }
0x1c: {  	s1 =	simm.s32 $0x1E00  }
0x1d: {  	[tilespmem:s1], [sflag:$0x1] =	stream.indirect_vreg.gather [hbm4b:s5+s3], $0x50, v0, vm0, $0xb8;
	[tilespmem:$0xE100] =	vst v63  }
0x1e: {  	v0 =	vld [tilespmem:$0x20];
	_ =	sdelay $0x6  }
0x1f: {  	s12 =	simm.s32 $0x2300  }
0x20: {  	[tilespmem:s12], [sflag:$0x1] =	stream.indirect_vreg.gather [hbm4b:s5+s3], $0x50, v0, vm0, $0xb8;
	[tilespmem:$0xE100] =	vst v63  }
0x21: {  	v0 =	vld [tilespmem:$0x30];
	_ =	sdelay $0x6  }
0x22: {  	s13 =	simm.s32 $0x2800  }
0x23: {  	[tilespmem:s13], [sflag:$0x1] =	stream.indirect_vreg.gather [hbm4b:s5+s3], $0x50, v0, vm0, $0xb8;
	[tilespmem:$0xE100] =	vst v63  }
0x24: {  	v0 =	vld [tilespmem:$0x40];
	_ =	sdelay $0x6  }
0x25: {  	s20 =	simm.s32 $0x2D00  }
0x26: {  	[tilespmem:s20], [sflag:$0x1] =	stream.indirect_vreg.gather [hbm4b:s5+s3], $0x50, v0, vm0, $0xb8;
	[tilespmem:$0xE100] =	vst v63  }
0x27: {  	v0 =	vld [tilespmem:$0x50];
	_ =	sdelay $0x6  }
0x28: {  	s23 =	simm.s32 $0x3200  }
0x29: {  	[tilespmem:s23], [sflag:$0x1] =	stream.indirect_vreg.gather [hbm4b:s5+s3], $0x50, v0, vm0, $0xb8;
	[tilespmem:$0xE100] =	vst v63  }
0x2a: {  	v0 =	vld [tilespmem:$0x60];
	_ =	sdelay $0x6  }
0x2b: {  	s29 =	simm.s32 $0x3700  }
0x2c: {  	[tilespmem:s29], [sflag:$0x1] =	stream.indirect_vreg.gather [hbm4b:s5+s3], $0x50, v0, vm0, $0xb8;
	[tilespmem:$0xE100] =	vst v63  }
0x2d: {  	v0 =	vld [tilespmem:$0x70];
	_ =	sdelay $0x6  }
0x2e: {  	s30 =	simm.s32 $0x3C00  }
0x2f: {  	[tilespmem:s30], [sflag:$0x1] =	stream.indirect_vreg.gather [hbm4b:s5+s3], $0x50, v0, vm0, $0xb8;
	[tilespmem:$0xE100] =	vst v63  }
0x30: {  	v0 =	vld [tilespmem:$0x80];
	_ =	sdelay $0x6  }
0x31: {  	s31 =	simm.s32 $0x4100  }
0x32: {  	[tilespmem:s31], [sflag:$0x2] =	stream.indirect_vreg.gather [hbm4b:s5+s3], $0x50, v0, vm0, $0xb8;
	[tilespmem:$0xE100] =	vst v63  }
0x33: {  	v0 =	vld [tilespmem:$0x90];
	_ =	sdelay $0x6  }
0x34: {  	s1 =	simm.s32 $0x4600  }
0x35: {  	[tilespmem:s1], [sflag:$0x2] =	stream.indirect_vreg.gather [hbm4b:s5+s3], $0x50, v0, vm0, $0xb8;
	[tilespmem:$0xE100] =	vst v63  }
0x36: {  	v0 =	vld [tilespmem:$0xA0];
	_ =	sdelay $0x6  }
0x37: {  	s12 =	simm.s32 $0x4B00  }
0x38: {  	[tilespmem:s12], [sflag:$0x2] =	stream.indirect_vreg.gather [hbm4b:s5+s3], $0x50, v0, vm0, $0xb8;
	[tilespmem:$0xE100] =	vst v63  }
0x39: {  	v0 =	vld [tilespmem:$0xB0];
	_ =	sdelay $0x6  }
0x3a: {  	s13 =	simm.s32 $0x5000  }
0x3b: {  	[tilespmem:s13], [sflag:$0x2] =	stream.indirect_vreg.gather [hbm4b:s5+s3], $0x50, v0, vm0, $0xb8;
	[tilespmem:$0xE100] =	vst v63  }
0x3c: {  	v0 =	vld [tilespmem:$0xC0];
	_ =	sdelay $0x6  }
0x3d: {  	s20 =	simm.s32 $0x5500  }
0x3e: {  	[tilespmem:s20], [sflag:$0x2] =	stream.indirect_vreg.gather [hbm4b:s5+s3], $0x50, v0, vm0, $0xb8;
	[tilespmem:$0xE100] =	vst v63  }
0x3f: {  	v0 =	vld [tilespmem:$0xD0];
	_ =	sdelay $0x6  }
0x40: {  	s23 =	simm.s32 $0x5A00  }
0x41: {  	[tilespmem:s23], [sflag:$0x2] =	stream.indirect_vreg.gather [hbm4b:s5+s3], $0x50, v0, vm0, $0xb8;
	[tilespmem:$0xE100] =	vst v63  }
0x42: {  	v0 =	vld [tilespmem:$0xE0];
	_ =	sdelay $0x6  }
0x43: {  	s29 =	simm.s32 $0x5F00  }
0x44: {  	[tilespmem:s29], [sflag:$0x2] =	stream.indirect_vreg.gather [hbm4b:s5+s3], $0x50, v0, vm0, $0xb8;
	[tilespmem:$0xE100] =	vst v63  }
0x45: {  	v0 =	vld [tilespmem:$0xF0];
	_ =	sdelay $0x6  }
0x46: {  	s30 =	simm.s32 $0x6400  }
0x47: {  	[tilespmem:s30], [sflag:$0x2] =	stream.indirect_vreg.gather [hbm4b:s5+s3], $0x50, v0, vm0, $0xb8;
	[tilespmem:$0xE100] =	vst v63  }
0x48: {  	v0 =	vld [tilespmem:$0x100];
	_ =	sdelay $0x6  }
0x49: {  	s31 =	simm.s32 $0x6900  }
0x4a: {  	[tilespmem:s31], [sflag:$0x3] =	stream.indirect_vreg.gather [hbm4b:s5+s3], $0x50, v0, vm0, $0xb8;
	[tilespmem:$0xE100] =	vst v63  }
0x4b: {  	v0 =	vld [tilespmem:$0x110];
	_ =	sdelay $0x6  }
0x4c: {  	s1 =	simm.s32 $0x6E00  }
0x4d: {  	[tilespmem:s1], [sflag:$0x3] =	stream.indirect_vreg.gather [hbm4b:s5+s3], $0x50, v0, vm0, $0xb8;
	[tilespmem:$0xE100] =	vst v63  }
0x4e: {  	v0 =	vld [tilespmem:$0x120];
	_ =	sdelay $0x6  }
0x4f: {  	s12 =	simm.s32 $0x7300  }
0x50: {  	[tilespmem:s12], [sflag:$0x3] =	stream.indirect_vreg.gather [hbm4b:s5+s3], $0x50, v0, vm0, $0xb8;
	[tilespmem:$0xE100] =	vst v63  }
0x51: {  	v0 =	vld [tilespmem:$0x130];
	_ =	sdelay $0x6  }
0x52: {  	s13 =	simm.s32 $0x7800  }
0x53: {  	[tilespmem:s13], [sflag:$0x3] =	stream.indirect_vreg.gather [hbm4b:s5+s3], $0x50, v0, vm0, $0xb8;
	[tilespmem:$0xE100] =	vst v63  }
0x54: {  	v0 =	vld [tilespmem:$0x140];
	_ =	sdelay $0x6  }
0x55: {  	s20 =	simm.s32 $0x7D00  }
0x56: {  	[tilespmem:s20], [sflag:$0x3] =	stream.indirect_vreg.gather [hbm4b:s5+s3], $0x50, v0, vm0, $0xb8;
	[tilespmem:$0xE100] =	vst v63  }
0x57: {  	v0 =	vld [tilespmem:$0x150];
	_ =	sdelay $0x6  }
0x58: {  	s23 =	simm.s32 $0x8200  }
0x59: {  	[tilespmem:s23], [sflag:$0x3] =	stream.indirect_vreg.gather [hbm4b:s5+s3], $0x50, v0, vm0, $0xb8;
	[tilespmem:$0xE100] =	vst v63  }
0x5a: {  	v0 =	vld [tilespmem:$0x160];
	_ =	sdelay $0x6  }
0x5b: {  	s29 =	simm.s32 $0x8700  }
0x5c: {  	[tilespmem:s29], [sflag:$0x3] =	stream.indirect_vreg.gather [hbm4b:s5+s3], $0x50, v0, vm0, $0xb8;
	[tilespmem:$0xE100] =	vst v63  }
0x5d: {  	v0 =	vld [tilespmem:$0x170];
	_ =	sdelay $0x6  }
0x5e: {  	s30 =	simm.s32 $0x8C00;
	s31 =	simm.s32 $0x1  }
0x5f: {  	[tilespmem:s30], [sflag:$0x3] =	stream.indirect_vreg.gather [hbm4b:s5+s3], $0x50, v0, vm0, $0xb8;
	[tilespmem:$0xE100] =	vst v63  }
0x60: {  	_ =	swait.ge [sflag:s31], $0x2800  }
0x61: {  	s0 =	simm.s32 $0x8;
	s1 =	simm.s32 $0x1950;
	[sflag:s31] =	ssyncset.done $0x0  }
0x62: {  	s12 =	simm.s32 $0x1900;
	s13 =	sadd.s32 $0x0, s6;
	[sflag:s31] =	ssyncadd.s32 $0xFFFFD800  }
.LBB2_2:
0x63: {  	[hbm4b:s13+s3] =	stream.linear.scatter [tilespmem:s12], [sflag:$0x6], $0x40, $0x38;
	[tilespmem:$0xE100] =	vst v63  }
0x64: {  	s13 =	smov.u32 s0;
	s12 =	smov.u32 s1;
	p0 =	sne.s32 s0, $0x3F8  }
.Ltmp0:
0x65: {  	s0 =	sadd.s32 $0x8, s0;
	(pc) =	sbr.rel @p0 .LBB2_2-.Ltmp0, $2  }
0x66: {  	_ =	sdelay $0x2  }
0x67: {  	s1 =	sadd.s32 $0x50, s1;
	s13 =	sadd.s32 s13, s6  }
0x68: {  	[hbm4b:s13+s3] =	stream.linear.scatter [tilespmem:s12], [sflag:$0x6], $0x40, $0x38;
	[tilespmem:$0xE100] =	vst v63  }
0x69: {  	v0 =	vld [tilespmem:$0x180];
	_ =	sdelay $0x6  }
0x6a: {  	s0 =	simm.s32 $0x0;
	s1 =	simm.s32 $0x9100  }
0x6b: {  	[tilespmem:s1], [sflag:$0x4] =	stream.indirect_vreg.gather [hbm4b:s5+s0], $0x50, v0, vm0, $0xb8;
	[tilespmem:$0xE100] =	vst v63  }
0x6c: {  	v0 =	vld [tilespmem:$0x190];
	_ =	sdelay $0x6  }
0x6d: {  	s31 =	simm.s32 $0x9600  }
0x6e: {  	[tilespmem:s31], [sflag:$0x4] =	stream.indirect_vreg.gather [hbm4b:s5+s0], $0x50, v0, vm0, $0xb8;
	[tilespmem:$0xE100] =	vst v63  }
0x6f: {  	v0 =	vld [tilespmem:$0x1A0];
	_ =	sdelay $0x6  }
0x70: {  	s12 =	simm.s32 $0x9B00  }
0x71: {  	[tilespmem:s12], [sflag:$0x4] =	stream.indirect_vreg.gather [hbm4b:s5+s0], $0x50, v0, vm0, $0xb8;
	[tilespmem:$0xE100] =	vst v63  }
0x72: {  	v0 =	vld [tilespmem:$0x1B0];
	_ =	sdelay $0x6  }
0x73: {  	s13 =	simm.s32 $0xA000  }
0x74: {  	[tilespmem:s13], [sflag:$0x4] =	stream.indirect_vreg.gather [hbm4b:s5+s0], $0x50, v0, vm0, $0xb8;
	[tilespmem:$0xE100] =	vst v63  }
0x75: {  	v0 =	vld [tilespmem:$0x1C0];
	_ =	sdelay $0x6  }
0x76: {  	s20 =	simm.s32 $0xA500  }
0x77: {  	[tilespmem:s20], [sflag:$0x4] =	stream.indirect_vreg.gather [hbm4b:s5+s0], $0x50, v0, vm0, $0xb8;
	[tilespmem:$0xE100] =	vst v63  }
0x78: {  	v0 =	vld [tilespmem:$0x1D0];
	_ =	sdelay $0x6  }
0x79: {  	s23 =	simm.s32 $0xAA00  }
0x7a: {  	[tilespmem:s23], [sflag:$0x4] =	stream.indirect_vreg.gather [hbm4b:s5+s0], $0x50, v0, vm0, $0xb8;
	[tilespmem:$0xE100] =	vst v63  }
0x7b: {  	v0 =	vld [tilespmem:$0x1E0];
	_ =	sdelay $0x6  }
0x7c: {  	s29 =	simm.s32 $0xAF00  }
0x7d: {  	[tilespmem:s29], [sflag:$0x4] =	stream.indirect_vreg.gather [hbm4b:s5+s0], $0x50, v0, vm0, $0xb8;
	[tilespmem:$0xE100] =	vst v63  }
0x7e: {  	v0 =	vld [tilespmem:$0x1F0];
	_ =	sdelay $0x6  }
0x7f: {  	s30 =	simm.s32 $0xB400;
	s31 =	simm.s32 $0x2  }
0x80: {  	[tilespmem:s30], [sflag:$0x4] =	stream.indirect_vreg.gather [hbm4b:s5+s0], $0x50, v0, vm0, $0xb8;
	[tilespmem:$0xE100] =	vst v63  }
0x81: {  	_ =	swait.ge [sflag:s31], $0x2800  }
0x82: {  	s1 =	simm.s32 $0x8;
	s12 =	simm.s32 $0x4150;
	[sflag:s31] =	ssyncset.done $0x0  }
0x83: {  	s13 =	sadd.s32 $0x0, s8;
	s0 =	simm.s32 $0x4100;
	[sflag:s31] =	ssyncadd.s32 $0xFFFFD800  }
.LBB2_4:
0x84: {  	[hbm4b:s13+s3] =	stream.linear.scatter [tilespmem:s0], [sflag:$0x7], $0x40, $0x38;
	[tilespmem:$0xE100] =	vst v63  }
0x85: {  	s13 =	smov.u32 s1;
	s0 =	smov.u32 s12;
	p0 =	sne.s32 s1, $0x3F8  }
.Ltmp1:
0x86: {  	s1 =	sadd.s32 $0x8, s1;
	(pc) =	sbr.rel @p0 .LBB2_4-.Ltmp1, $2  }
0x87: {  	_ =	sdelay $0x2  }
0x88: {  	s12 =	sadd.s32 $0x50, s12;
	s13 =	sadd.s32 s13, s8  }
0x89: {  	[hbm4b:s13+s3] =	stream.linear.scatter [tilespmem:s0], [sflag:$0x7], $0x40, $0x38;
	[tilespmem:$0xE100] =	vst v63  }
0x8a: {  	v0 =	vld [tilespmem:$0x200];
	_ =	sdelay $0x6  }
0x8b: {  	s0 =	simm.s32 $0x0;
	s1 =	simm.s32 $0xB900  }
0x8c: {  	[tilespmem:s1], [sflag:$0x5] =	stream.indirect_vreg.gather [hbm4b:s5+s0], $0x50, v0, vm0, $0xb8;
	[tilespmem:$0xE100] =	vst v63  }
0x8d: {  	v0 =	vld [tilespmem:$0x210];
	_ =	sdelay $0x6  }
0x8e: {  	s12 =	simm.s32 $0xBE00  }
0x8f: {  	[tilespmem:s12], [sflag:$0x5] =	stream.indirect_vreg.gather [hbm4b:s5+s0], $0x50, v0, vm0, $0xb8;
	[tilespmem:$0xE100] =	vst v63  }
0x90: {  	v0 =	vld [tilespmem:$0x220];
	_ =	sdelay $0x6  }
0x91: {  	s13 =	simm.s32 $0xC300  }
0x92: {  	[tilespmem:s13], [sflag:$0x5] =	stream.indirect_vreg.gather [hbm4b:s5+s0], $0x50, v0, vm0, $0xb8;
	[tilespmem:$0xE100] =	vst v63  }
0x93: {  	v0 =	vld [tilespmem:$0x230];
	_ =	sdelay $0x6  }
0x94: {  	s20 =	simm.s32 $0xC800  }
0x95: {  	[tilespmem:s20], [sflag:$0x5] =	stream.indirect_vreg.gather [hbm4b:s5+s0], $0x50, v0, vm0, $0xb8;
	[tilespmem:$0xE100] =	vst v63  }
0x96: {  	v0 =	vld [tilespmem:$0x240];
	_ =	sdelay $0x6  }
0x97: {  	s23 =	simm.s32 $0xCD00  }
0x98: {  	[tilespmem:s23], [sflag:$0x5] =	stream.indirect_vreg.gather [hbm4b:s5+s0], $0x50, v0, vm0, $0xb8;
	[tilespmem:$0xE100] =	vst v63  }
0x99: {  	v0 =	vld [tilespmem:$0x250];
	_ =	sdelay $0x6  }
0x9a: {  	s29 =	simm.s32 $0xD200  }
0x9b: {  	[tilespmem:s29], [sflag:$0x5] =	stream.indirect_vreg.gather [hbm4b:s5+s0], $0x50, v0, vm0, $0xb8;
	[tilespmem:$0xE100] =	vst v63  }
0x9c: {  	v0 =	vld [tilespmem:$0x260];
	_ =	sdelay $0x6  }
0x9d: {  	s30 =	simm.s32 $0xD700  }
0x9e: {  	[tilespmem:s30], [sflag:$0x5] =	stream.indirect_vreg.gather [hbm4b:s5+s0], $0x50, v0, vm0, $0xb8;
	[tilespmem:$0xE100] =	vst v63  }
0x9f: {  	v0 =	vld [tilespmem:$0x270];
	_ =	sdelay $0x6  }
0xa0: {  	s31 =	simm.s32 $0xDC00  }
0xa1: {  	[tilespmem:s31], [sflag:$0x5] =	stream.indirect_vreg.gather [hbm4b:s5+s0], $0x50, v0, vm0, $0xb8;
	[tilespmem:$0xE100] =	vst v63  }
0xa2: {  	_ =	swait.ge [sflag:s7], $0x2800  }
0xa3: {  	s1 =	simm.s32 $0x8;
	s12 =	simm.s32 $0x6950;
	[sflag:s7] =	ssyncset.done $0x0  }
0xa4: {  	s13 =	sadd.s32 $0x0, s9;
	s0 =	simm.s32 $0x6900;
	[sflag:s7] =	ssyncadd.s32 $0xFFFFD800  }
.LBB2_6:
0xa5: {  	[hbm4b:s13+s3] =	stream.linear.scatter [tilespmem:s0], [sflag:$0x8], $0x40, $0x38;
	[tilespmem:$0xE100] =	vst v63  }
0xa6: {  	s13 =	smov.u32 s1;
	s0 =	smov.u32 s12;
	p0 =	sne.s32 s1, $0x3F8  }
.Ltmp2:
0xa7: {  	s1 =	sadd.s32 $0x8, s1;
	(pc) =	sbr.rel @p0 .LBB2_6-.Ltmp2, $2  }
0xa8: {  	_ =	sdelay $0x2  }
0xa9: {  	s12 =	sadd.s32 $0x50, s12;
	s13 =	sadd.s32 s13, s9  }
0xaa: {  	[hbm4b:s13+s3] =	stream.linear.scatter [tilespmem:s0], [sflag:$0x8], $0x40, $0x38;
	[tilespmem:$0xE100] =	vst v63  }
0xab: {  	_ =	swait.ge [sflag:s19], $0x2000  }
0xac: {  	[sflag:s19] =	ssyncset.done $0x0  }
0xad: {  	[sflag:s19] =	ssyncadd.s32 $0xFFFFE000  }
0xae: {  	v0 =	vld [tilespmem:$0x280];
	_ =	sdelay $0x6  }
0xaf: {  	s0 =	simm.s32 $0x0;
	s1 =	simm.s32 $0x1900  }
0xb0: {  	[tilespmem:s1], [sflag:$0x1] =	stream.indirect_vreg.gather [hbm4b:s5+s0], $0x50, v0, vm0, $0xb8;
	[tilespmem:$0xE100] =	vst v63  }
0xb1: {  	v0 =	vld [tilespmem:$0x290];
	_ =	sdelay $0x6  }
0xb2: {  	s12 =	simm.s32 $0x1E00  }
0xb3: {  	[tilespmem:s12], [sflag:$0x1] =	stream.indirect_vreg.gather [hbm4b:s5+s0], $0x50, v0, vm0, $0xb8;
	[tilespmem:$0xE100] =	vst v63  }
0xb4: {  	v0 =	vld [tilespmem:$0x2A0];
	_ =	sdelay $0x6  }
0xb5: {  	s13 =	simm.s32 $0x2300  }
0xb6: {  	[tilespmem:s13], [sflag:$0x1] =	stream.indirect_vreg.gather [hbm4b:s5+s0], $0x50, v0, vm0, $0xb8;
	[tilespmem:$0xE100] =	vst v63  }
0xb7: {  	v0 =	vld [tilespmem:$0x2B0];
	_ =	sdelay $0x6  }
0xb8: {  	s20 =	simm.s32 $0x2800  }
0xb9: {  	[tilespmem:s20], [sflag:$0x1] =	stream.indirect_vreg.gather [hbm4b:s5+s0], $0x50, v0, vm0, $0xb8;
	[tilespmem:$0xE100] =	vst v63  }
0xba: {  	v0 =	vld [tilespmem:$0x2C0];
	_ =	sdelay $0x6  }
0xbb: {  	s23 =	simm.s32 $0x2D00  }
0xbc: {  	[tilespmem:s23], [sflag:$0x1] =	stream.indirect_vreg.gather [hbm4b:s5+s0], $0x50, v0, vm0, $0xb8;
	[tilespmem:$0xE100] =	vst v63  }
0xbd: {  	v0 =	vld [tilespmem:$0x2D0];
	_ =	sdelay $0x6  }
0xbe: {  	s29 =	simm.s32 $0x3200  }
0xbf: {  	[tilespmem:s29], [sflag:$0x1] =	stream.indirect_vreg.gather [hbm4b:s5+s0], $0x50, v0, vm0, $0xb8;
	[tilespmem:$0xE100] =	vst v63  }
0xc0: {  	v0 =	vld [tilespmem:$0x2E0];
	_ =	sdelay $0x6  }
0xc1: {  	s30 =	simm.s32 $0x3700  }
0xc2: {  	[tilespmem:s30], [sflag:$0x1] =	stream.indirect_vreg.gather [hbm4b:s5+s0], $0x50, v0, vm0, $0xb8;
	[tilespmem:$0xE100] =	vst v63  }
0xc3: {  	v0 =	vld [tilespmem:$0x2F0];
	_ =	sdelay $0x6  }
0xc4: {  	s31 =	simm.s32 $0x3C00  }
0xc5: {  	[tilespmem:s31], [sflag:$0x1] =	stream.indirect_vreg.gather [hbm4b:s5+s0], $0x50, v0, vm0, $0xb8;
	[tilespmem:$0xE100] =	vst v63  }
0xc6: {  	_ =	swait.ge [sflag:s21], $0x2800  }
0xc7: {  	s1 =	simm.s32 $0x8;
	s12 =	simm.s32 $0x9150;
	[sflag:s21] =	ssyncset.done $0x0  }
0xc8: {  	s13 =	sadd.s32 $0x0, s10;
	s0 =	simm.s32 $0x9100;
	[sflag:s21] =	ssyncadd.s32 $0xFFFFD800  }
.LBB2_8:
0xc9: {  	[hbm4b:s13+s3] =	stream.linear.scatter [tilespmem:s0], [sflag:$0x9], $0x40, $0x38;
	[tilespmem:$0xE100] =	vst v63  }
0xca: {  	s13 =	smov.u32 s1;
	s0 =	smov.u32 s12;
	p0 =	sne.s32 s1, $0x3F8  }
.Ltmp3:
0xcb: {  	s1 =	sadd.s32 $0x8, s1;
	(pc) =	sbr.rel @p0 .LBB2_8-.Ltmp3, $2  }
0xcc: {  	_ =	sdelay $0x2  }
0xcd: {  	s12 =	sadd.s32 $0x50, s12;
	s13 =	sadd.s32 s13, s10  }
0xce: {  	[hbm4b:s13+s3] =	stream.linear.scatter [tilespmem:s0], [sflag:$0x9], $0x40, $0x38;
	[tilespmem:$0xE100] =	vst v63  }
0xcf: {  	_ =	swait.ge [sflag:s22], $0x2000  }
0xd0: {  	[sflag:s22] =	ssyncset.done $0x0  }
0xd1: {  	[sflag:s22] =	ssyncadd.s32 $0xFFFFE000  }
0xd2: {  	v0 =	vld [tilespmem:$0x300];
	_ =	sdelay $0x6  }
0xd3: {  	s0 =	simm.s32 $0x0;
	s1 =	simm.s32 $0x4100  }
0xd4: {  	[tilespmem:s1], [sflag:$0x2] =	stream.indirect_vreg.gather [hbm4b:s5+s0], $0x50, v0, vm0, $0xb8;
	[tilespmem:$0xE100] =	vst v63  }
0xd5: {  	v0 =	vld [tilespmem:$0x310];
	_ =	sdelay $0x6  }
0xd6: {  	s12 =	simm.s32 $0x4600  }
0xd7: {  	[tilespmem:s12], [sflag:$0x2] =	stream.indirect_vreg.gather [hbm4b:s5+s0], $0x50, v0, vm0, $0xb8;
	[tilespmem:$0xE100] =	vst v63  }
0xd8: {  	v0 =	vld [tilespmem:$0x320];
	_ =	sdelay $0x6  }
0xd9: {  	s13 =	simm.s32 $0x4B00  }
0xda: {  	[tilespmem:s13], [sflag:$0x2] =	stream.indirect_vreg.gather [hbm4b:s5+s0], $0x50, v0, vm0, $0xb8;
	[tilespmem:$0xE100] =	vst v63  }
0xdb: {  	v0 =	vld [tilespmem:$0x330];
	_ =	sdelay $0x6  }
0xdc: {  	s20 =	simm.s32 $0x5000  }
0xdd: {  	[tilespmem:s20], [sflag:$0x2] =	stream.indirect_vreg.gather [hbm4b:s5+s0], $0x50, v0, vm0, $0xb8;
	[tilespmem:$0xE100] =	vst v63  }
0xde: {  	v0 =	vld [tilespmem:$0x340];
	_ =	sdelay $0x6  }
0xdf: {  	s23 =	simm.s32 $0x5500  }
0xe0: {  	[tilespmem:s23], [sflag:$0x2] =	stream.indirect_vreg.gather [hbm4b:s5+s0], $0x50, v0, vm0, $0xb8;
	[tilespmem:$0xE100] =	vst v63  }
0xe1: {  	v0 =	vld [tilespmem:$0x350];
	_ =	sdelay $0x6  }
0xe2: {  	s29 =	simm.s32 $0x5A00  }
0xe3: {  	[tilespmem:s29], [sflag:$0x2] =	stream.indirect_vreg.gather [hbm4b:s5+s0], $0x50, v0, vm0, $0xb8;
	[tilespmem:$0xE100] =	vst v63  }
0xe4: {  	v0 =	vld [tilespmem:$0x360];
	_ =	sdelay $0x6  }
0xe5: {  	s30 =	simm.s32 $0x5F00  }
0xe6: {  	[tilespmem:s30], [sflag:$0x2] =	stream.indirect_vreg.gather [hbm4b:s5+s0], $0x50, v0, vm0, $0xb8;
	[tilespmem:$0xE100] =	vst v63  }
0xe7: {  	v0 =	vld [tilespmem:$0x370];
	_ =	sdelay $0x6  }
0xe8: {  	s31 =	simm.s32 $0x6400  }
0xe9: {  	[tilespmem:s31], [sflag:$0x2] =	stream.indirect_vreg.gather [hbm4b:s5+s0], $0x50, v0, vm0, $0xb8;
	[tilespmem:$0xE100] =	vst v63  }
0xea: {  	_ =	swait.ge [sflag:s24], $0x2800  }
0xeb: {  	s1 =	simm.s32 $0x8;
	s12 =	simm.s32 $0xB950;
	[sflag:s24] =	ssyncset.done $0x0  }
0xec: {  	s13 =	sadd.s32 $0x0, s11;
	s0 =	simm.s32 $0xB900;
	[sflag:s24] =	ssyncadd.s32 $0xFFFFD800  }
.LBB2_10:
0xed: {  	[hbm4b:s13+s3] =	stream.linear.scatter [tilespmem:s0], [sflag:$0xA], $0x40, $0x38;
	[tilespmem:$0xE100] =	vst v63  }
0xee: {  	s13 =	smov.u32 s1;
	s0 =	smov.u32 s12;
	p0 =	sne.s32 s1, $0x3F8  }
.Ltmp4:
0xef: {  	s1 =	sadd.s32 $0x8, s1;
	(pc) =	sbr.rel @p0 .LBB2_10-.Ltmp4, $2  }
0xf0: {  	_ =	sdelay $0x2  }
0xf1: {  	s12 =	sadd.s32 $0x50, s12;
	s13 =	sadd.s32 s13, s11  }
0xf2: {  	[hbm4b:s13+s3] =	stream.linear.scatter [tilespmem:s0], [sflag:$0xA], $0x40, $0x38;
	[tilespmem:$0xE100] =	vst v63  }
0xf3: {  	_ =	swait.ge [sflag:s25], $0x2000  }
0xf4: {  	[sflag:s25] =	ssyncset.done $0x0  }
0xf5: {  	[sflag:s25] =	ssyncadd.s32 $0xFFFFE000  }
0xf6: {  	v0 =	vld [tilespmem:$0x380];
	_ =	sdelay $0x6  }
0xf7: {  	s31 =	simm.s32 $0x6900  }
0xf8: {  	[tilespmem:s31], [sflag:$0x3] =	stream.indirect_vreg.gather [hbm4b:s5+s3], $0x50, v0, vm0, $0xb8;
	[tilespmem:$0xE100] =	vst v63  }
0xf9: {  	v0 =	vld [tilespmem:$0x390];
	_ =	sdelay $0x6  }
0xfa: {  	s1 =	simm.s32 $0x6E00  }
0xfb: {  	[tilespmem:s1], [sflag:$0x3] =	stream.indirect_vreg.gather [hbm4b:s5+s3], $0x50, v0, vm0, $0xb8;
	[tilespmem:$0xE100] =	vst v63  }
0xfc: {  	v0 =	vld [tilespmem:$0x3A0];
	_ =	sdelay $0x6  }
0xfd: {  	s12 =	simm.s32 $0x7300  }
0xfe: {  	[tilespmem:s12], [sflag:$0x3] =	stream.indirect_vreg.gather [hbm4b:s5+s3], $0x50, v0, vm0, $0xb8;
	[tilespmem:$0xE100] =	vst v63  }
0xff: {  	v0 =	vld [tilespmem:$0x3B0];
	_ =	sdelay $0x6  }
0x100: {  	s13 =	simm.s32 $0x7800  }
0x101: {  	[tilespmem:s13], [sflag:$0x3] =	stream.indirect_vreg.gather [hbm4b:s5+s3], $0x50, v0, vm0, $0xb8;
	[tilespmem:$0xE100] =	vst v63  }
0x102: {  	v0 =	vld [tilespmem:$0x3C0];
	_ =	sdelay $0x6  }
0x103: {  	s20 =	simm.s32 $0x7D00  }
0x104: {  	[tilespmem:s20], [sflag:$0x3] =	stream.indirect_vreg.gather [hbm4b:s5+s3], $0x50, v0, vm0, $0xb8;
	[tilespmem:$0xE100] =	vst v63  }
0x105: {  	v0 =	vld [tilespmem:$0x3D0];
	_ =	sdelay $0x6  }
0x106: {  	s23 =	simm.s32 $0x8200  }
0x107: {  	[tilespmem:s23], [sflag:$0x3] =	stream.indirect_vreg.gather [hbm4b:s5+s3], $0x50, v0, vm0, $0xb8;
	[tilespmem:$0xE100] =	vst v63  }
0x108: {  	v0 =	vld [tilespmem:$0x3E0];
	_ =	sdelay $0x6  }
0x109: {  	s30 =	simm.s32 $0x8700  }
0x10a: {  	[tilespmem:s30], [sflag:$0x3] =	stream.indirect_vreg.gather [hbm4b:s5+s3], $0x50, v0, vm0, $0xb8;
	[tilespmem:$0xE100] =	vst v63  }
0x10b: {  	v0 =	vld [tilespmem:$0x3F0];
	_ =	sdelay $0x6  }
0x10c: {  	s29 =	simm.s32 $0x1;
	s31 =	simm.s32 $0x8C00  }
0x10d: {  	[tilespmem:s31], [sflag:$0x3] =	stream.indirect_vreg.gather [hbm4b:s5+s3], $0x50, v0, vm0, $0xb8;
	[tilespmem:$0xE100] =	vst v63  }
.LBB2_12:
0x10e: {  	s31 =	smul.u32 $0x280, s29;
	_ =	sdelay $0x1  }
0x10f: {  	s0 =	sadd.s32 s4, s31  }
0x110: {  	s1 =	simm.s32 $0x1;
	s0 =	sshll.u32 s0, $0x3  }
0x111: {  	s12 =	simm.s32 $0x8;
	_ =	swait.ge [sflag:s1], $0x2800;
	s0 =	sand.u32 $0x1FFFFC00, s0  }
0x112: {  	s13 =	simm.s32 $0x1950;
	[sflag:s1] =	ssyncset.done $0x0;
	s0 =	sadd.s32 s2, s0  }
0x113: {  	[sflag:s1] =	ssyncadd.s32 $0xFFFFD800;
	s1 =	simm.s32 $0x1900;
	s20 =	sadd.s32 $0x0, s0  }
.LBB2_13:
0x114: {  	[hbm4b:s20+s3] =	stream.linear.scatter [tilespmem:s1], [sflag:$0x6], $0x40, $0x38;
	[tilespmem:$0xE100] =	vst v63  }
0x115: {  	s20 =	smov.u32 s12;
	s1 =	smov.u32 s13;
	p0 =	sne.s32 s12, $0x3F8  }
.Ltmp5:
0x116: {  	s12 =	sadd.s32 $0x8, s12;
	(pc) =	sbr.rel @p0 .LBB2_13-.Ltmp5, $2  }
0x117: {  	_ =	sdelay $0x2  }
0x118: {  	s13 =	sadd.s32 $0x50, s13;
	s20 =	sadd.s32 s20, s0  }
0x119: {  	[hbm4b:s20+s3] =	stream.linear.scatter [tilespmem:s1], [sflag:$0x6], $0x40, $0x38;
	[tilespmem:$0xE100] =	vst v63  }
0x11a: {  	_ =	swait.ge [sflag:s26], $0x2000  }
0x11b: {  	[sflag:s26] =	ssyncset.done $0x0  }
0x11c: {  	[sflag:s26] =	ssyncadd.s32 $0xFFFFE000  }
0x11d: {  	v0 =	vld [tilespmem:s31+$0x180];
	_ =	sdelay $0x6  }
0x11e: {  	s0 =	simm.s32 $0x0;
	s23 =	simm.s32 $0x9100  }
0x11f: {  	[tilespmem:s23], [sflag:$0x4] =	stream.indirect_vreg.gather [hbm4b:s5+s0], $0x50, v0, vm0, $0xb8;
	[tilespmem:$0xE100] =	vst v63  }
0x120: {  	v0 =	vld [tilespmem:s31+$0x190];
	_ =	sdelay $0x6  }
0x121: {  	s12 =	simm.s32 $0x9600  }
0x122: {  	[tilespmem:s12], [sflag:$0x4] =	stream.indirect_vreg.gather [hbm4b:s5+s0], $0x50, v0, vm0, $0xb8;
	[tilespmem:$0xE100] =	vst v63  }
0x123: {  	v0 =	vld [tilespmem:s31+$0x1A0];
	_ =	sdelay $0x6  }
0x124: {  	s13 =	simm.s32 $0x9B00  }
0x125: {  	[tilespmem:s13], [sflag:$0x4] =	stream.indirect_vreg.gather [hbm4b:s5+s0], $0x50, v0, vm0, $0xb8;
	[tilespmem:$0xE100] =	vst v63  }
0x126: {  	v0 =	vld [tilespmem:s31+$0x1B0];
	_ =	sdelay $0x6  }
0x127: {  	s20 =	simm.s32 $0xA000  }
0x128: {  	[tilespmem:s20], [sflag:$0x4] =	stream.indirect_vreg.gather [hbm4b:s5+s0], $0x50, v0, vm0, $0xb8;
	[tilespmem:$0xE100] =	vst v63  }
0x129: {  	v0 =	vld [tilespmem:s31+$0x1C0];
	_ =	sdelay $0x6  }
0x12a: {  	s23 =	simm.s32 $0xA500  }
0x12b: {  	[tilespmem:s23], [sflag:$0x4] =	stream.indirect_vreg.gather [hbm4b:s5+s0], $0x50, v0, vm0, $0xb8;
	[tilespmem:$0xE100] =	vst v63  }
0x12c: {  	v0 =	vld [tilespmem:s31+$0x1D0];
	_ =	sdelay $0x6  }
0x12d: {  	s12 =	simm.s32 $0xAA00  }
0x12e: {  	[tilespmem:s12], [sflag:$0x4] =	stream.indirect_vreg.gather [hbm4b:s5+s0], $0x50, v0, vm0, $0xb8;
	[tilespmem:$0xE100] =	vst v63  }
0x12f: {  	v0 =	vld [tilespmem:s31+$0x1E0];
	_ =	sdelay $0x6  }
0x130: {  	s13 =	simm.s32 $0xAF00  }
0x131: {  	[tilespmem:s13], [sflag:$0x4] =	stream.indirect_vreg.gather [hbm4b:s5+s0], $0x50, v0, vm0, $0xb8;
	[tilespmem:$0xE100] =	vst v63  }
0x132: {  	v0 =	vld [tilespmem:s31+$0x1F0];
	_ =	sdelay $0x6  }
0x133: {  	s20 =	simm.s32 $0xB400;
	s23 =	rddreg [dreg:$0x4]  }
0x134: {  	[tilespmem:s20], [sflag:$0x4] =	stream.indirect_vreg.gather [hbm4b:s5+s0], $0x50, v0, vm0, $0xb8;
	[tilespmem:$0xE100] =	vst v63  }
0x135: {  	s0 =	sadd.s32 s31, s23  }
0x136: {  	s1 =	sadd.s32 $0x180, s31;
	s12 =	simm.s32 $0x2;
	s0 =	sshll.u32 s0, $0x3  }
0x137: {  	s13 =	simm.s32 $0x4150;
	_ =	swait.ge [sflag:s12], $0x2800;
	s0 =	sand.u32 $0x1FFFFC00, s0  }
0x138: {  	s20 =	simm.s32 $0x4100;
	[sflag:s12] =	ssyncset.done $0x0;
	s0 =	sadd.s32 s2, s0  }
0x139: {  	[sflag:s12] =	ssyncadd.s32 $0xFFFFD800;
	s12 =	simm.s32 $0x8;
	s30 =	sadd.s32 $0x0, s0  }
.LBB2_15:
0x13a: {  	[hbm4b:s30+s3] =	stream.linear.scatter [tilespmem:s20], [sflag:$0x7], $0x40, $0x38;
	[tilespmem:$0xE100] =	vst v63  }
0x13b: {  	s23 =	smov.u32 s12;
	s20 =	smov.u32 s13;
	p0 =	sne.s32 s12, $0x3F8  }
.Ltmp6:
0x13c: {  	s12 =	sadd.s32 $0x8, s12;
	(pc) =	sbr.rel @p0 .LBB2_15-.Ltmp6, $2  }
0x13d: {  	_ =	sdelay $0x2  }
0x13e: {  	s13 =	sadd.s32 $0x50, s13;
	s30 =	sadd.s32 s23, s0  }
0x13f: {  	[hbm4b:s30+s3] =	stream.linear.scatter [tilespmem:s20], [sflag:$0x7], $0x40, $0x38;
	[tilespmem:$0xE100] =	vst v63  }
0x140: {  	_ =	swait.ge [sflag:s28], $0x2000  }
0x141: {  	[sflag:s28] =	ssyncset.done $0x0  }
0x142: {  	[sflag:s28] =	ssyncadd.s32 $0xFFFFE000  }
0x143: {  	v0 =	vld [tilespmem:s31+$0x200];
	_ =	sdelay $0x6  }
0x144: {  	s0 =	simm.s32 $0x0;
	s12 =	simm.s32 $0xB900  }
0x145: {  	[tilespmem:s12], [sflag:$0x5] =	stream.indirect_vreg.gather [hbm4b:s5+s0], $0x50, v0, vm0, $0xb8;
	[tilespmem:$0xE100] =	vst v63  }
0x146: {  	v0 =	vld [tilespmem:s31+$0x210];
	_ =	sdelay $0x6  }
0x147: {  	s13 =	simm.s32 $0xBE00  }
0x148: {  	[tilespmem:s13], [sflag:$0x5] =	stream.indirect_vreg.gather [hbm4b:s5+s0], $0x50, v0, vm0, $0xb8;
	[tilespmem:$0xE100] =	vst v63  }
0x149: {  	v0 =	vld [tilespmem:s31+$0x220];
	_ =	sdelay $0x6  }
0x14a: {  	s20 =	simm.s32 $0xC300  }
0x14b: {  	[tilespmem:s20], [sflag:$0x5] =	stream.indirect_vreg.gather [hbm4b:s5+s0], $0x50, v0, vm0, $0xb8;
	[tilespmem:$0xE100] =	vst v63  }
0x14c: {  	v0 =	vld [tilespmem:s31+$0x230];
	_ =	sdelay $0x6  }
0x14d: {  	s23 =	simm.s32 $0xC800  }
0x14e: {  	[tilespmem:s23], [sflag:$0x5] =	stream.indirect_vreg.gather [hbm4b:s5+s0], $0x50, v0, vm0, $0xb8;
	[tilespmem:$0xE100] =	vst v63  }
0x14f: {  	v0 =	vld [tilespmem:s31+$0x240];
	_ =	sdelay $0x6  }
0x150: {  	s13 =	simm.s32 $0xCD00  }
0x151: {  	[tilespmem:s13], [sflag:$0x5] =	stream.indirect_vreg.gather [hbm4b:s5+s0], $0x50, v0, vm0, $0xb8;
	[tilespmem:$0xE100] =	vst v63  }
0x152: {  	v0 =	vld [tilespmem:s31+$0x250];
	_ =	sdelay $0x6  }
0x153: {  	s20 =	simm.s32 $0xD200  }
0x154: {  	[tilespmem:s20], [sflag:$0x5] =	stream.indirect_vreg.gather [hbm4b:s5+s0], $0x50, v0, vm0, $0xb8;
	[tilespmem:$0xE100] =	vst v63  }
0x155: {  	v0 =	vld [tilespmem:s31+$0x260];
	_ =	sdelay $0x6  }
0x156: {  	s23 =	simm.s32 $0xD700  }
0x157: {  	[tilespmem:s23], [sflag:$0x5] =	stream.indirect_vreg.gather [hbm4b:s5+s0], $0x50, v0, vm0, $0xb8;
	[tilespmem:$0xE100] =	vst v63  }
0x158: {  	v0 =	vld [tilespmem:s31+$0x270];
	_ =	sdelay $0x6  }
0x159: {  	s13 =	simm.s32 $0xDC00;
	s20 =	rddreg [dreg:$0x5]  }
0x15a: {  	[tilespmem:s13], [sflag:$0x5] =	stream.indirect_vreg.gather [hbm4b:s5+s0], $0x50, v0, vm0, $0xb8;
	[tilespmem:$0xE100] =	vst v63  }
0x15b: {  	s0 =	sadd.s32 s31, s20  }
0x15c: {  	s30 =	simm.s32 $0x6950;
	s23 =	sshll.u32 s0, $0x3  }
0x15d: {  	s13 =	simm.s32 $0x8;
	_ =	swait.ge [sflag:s7], $0x2800;
	s12 =	sand.u32 $0x1FFFFC00, s23  }
0x15e: {  	s0 =	sadd.s32 $0x200, s31;
	[sflag:s7] =	ssyncset.done $0x0;
	s20 =	sadd.s32 s2, s12  }
0x15f: {  	[sflag:s7] =	ssyncadd.s32 $0xFFFFD800;
	s12 =	simm.s32 $0x6900;
	s23 =	sadd.s32 $0x0, s20  }
.LBB2_17:
0x160: {  	[hbm4b:s23+s3] =	stream.linear.scatter [tilespmem:s12], [sflag:$0x8], $0x40, $0x38;
	[tilespmem:$0xE100] =	vst v63  }
0x161: {  	s23 =	smov.u32 s13;
	s12 =	smov.u32 s30;
	p0 =	sne.s32 s13, $0x3F8  }
.Ltmp7:
0x162: {  	s13 =	sadd.s32 $0x8, s13;
	(pc) =	sbr.rel @p0 .LBB2_17-.Ltmp7, $2  }
0x163: {  	_ =	sdelay $0x2  }
0x164: {  	s30 =	sadd.s32 $0x50, s30;
	s23 =	sadd.s32 s23, s20  }
0x165: {  	[hbm4b:s23+s3] =	stream.linear.scatter [tilespmem:s12], [sflag:$0x8], $0x40, $0x38;
	[tilespmem:$0xE100] =	vst v63  }
0x166: {  	_ =	swait.ge [sflag:s19], $0x2000  }
0x167: {  	[sflag:s19] =	ssyncset.done $0x0  }
0x168: {  	[sflag:s19] =	ssyncadd.s32 $0xFFFFE000  }
0x169: {  	v0 =	vld [tilespmem:s31+$0x280];
	_ =	sdelay $0x6  }
0x16a: {  	s12 =	simm.s32 $0x0;
	s13 =	simm.s32 $0x1900  }
0x16b: {  	[tilespmem:s13], [sflag:$0x1] =	stream.indirect_vreg.gather [hbm4b:s5+s12], $0x50, v0, vm0, $0xb8;
	[tilespmem:$0xE100] =	vst v63  }
0x16c: {  	v0 =	vld [tilespmem:s31+$0x290];
	_ =	sdelay $0x6  }
0x16d: {  	s30 =	simm.s32 $0x1E00  }
0x16e: {  	[tilespmem:s30], [sflag:$0x1] =	stream.indirect_vreg.gather [hbm4b:s5+s12], $0x50, v0, vm0, $0xb8;
	[tilespmem:$0xE100] =	vst v63  }
0x16f: {  	v0 =	vld [tilespmem:s31+$0x2A0];
	_ =	sdelay $0x6  }
0x170: {  	s20 =	simm.s32 $0x2300  }
0x171: {  	[tilespmem:s20], [sflag:$0x1] =	stream.indirect_vreg.gather [hbm4b:s5+s12], $0x50, v0, vm0, $0xb8;
	[tilespmem:$0xE100] =	vst v63  }
0x172: {  	v0 =	vld [tilespmem:s31+$0x2B0];
	_ =	sdelay $0x6  }
0x173: {  	s23 =	simm.s32 $0x2800  }
0x174: {  	[tilespmem:s23], [sflag:$0x1] =	stream.indirect_vreg.gather [hbm4b:s5+s12], $0x50, v0, vm0, $0xb8;
	[tilespmem:$0xE100] =	vst v63  }
0x175: {  	v0 =	vld [tilespmem:s31+$0x2C0];
	_ =	sdelay $0x6  }
0x176: {  	s30 =	simm.s32 $0x2D00  }
0x177: {  	[tilespmem:s30], [sflag:$0x1] =	stream.indirect_vreg.gather [hbm4b:s5+s12], $0x50, v0, vm0, $0xb8;
	[tilespmem:$0xE100] =	vst v63  }
0x178: {  	v0 =	vld [tilespmem:s31+$0x2D0];
	_ =	sdelay $0x6  }
0x179: {  	s20 =	simm.s32 $0x3200  }
0x17a: {  	[tilespmem:s20], [sflag:$0x1] =	stream.indirect_vreg.gather [hbm4b:s5+s12], $0x50, v0, vm0, $0xb8;
	[tilespmem:$0xE100] =	vst v63  }
0x17b: {  	v0 =	vld [tilespmem:s31+$0x2E0];
	_ =	sdelay $0x6  }
0x17c: {  	s23 =	simm.s32 $0x3700  }
0x17d: {  	[tilespmem:s23], [sflag:$0x1] =	stream.indirect_vreg.gather [hbm4b:s5+s12], $0x50, v0, vm0, $0xb8;
	[tilespmem:$0xE100] =	vst v63  }
0x17e: {  	v0 =	vld [tilespmem:s31+$0x2F0];
	_ =	sdelay $0x4  }
0x17f: {  	s1 =	sadd.s32 s4, s1  }
0x180: {  	s1 =	sshll.u32 s1, $0x3  }
0x181: {  	s1 =	sand.u32 $0x1FFFFC00, s1;
	s30 =	simm.s32 $0x3C00  }
0x182: {  	[tilespmem:s30], [sflag:$0x1] =	stream.indirect_vreg.gather [hbm4b:s5+s12], $0x50, v0, vm0, $0xb8;
	[tilespmem:$0xE100] =	vst v63  }
0x183: {  	s1 =	sadd.s32 s2, s1;
	_ =	swait.ge [sflag:s21], $0x2800  }
0x184: {  	s13 =	simm.s32 $0x8;
	s20 =	simm.s32 $0x9150;
	[sflag:s21] =	ssyncset.done $0x0  }
0x185: {  	s23 =	sadd.s32 $0x0, s1;
	s12 =	simm.s32 $0x9100;
	[sflag:s21] =	ssyncadd.s32 $0xFFFFD800  }
.LBB2_19:
0x186: {  	[hbm4b:s23+s3] =	stream.linear.scatter [tilespmem:s12], [sflag:$0x9], $0x40, $0x38;
	[tilespmem:$0xE100] =	vst v63  }
0x187: {  	s23 =	smov.u32 s13;
	s12 =	smov.u32 s20;
	p0 =	sne.s32 s13, $0x3F8  }
.Ltmp8:
0x188: {  	s13 =	sadd.s32 $0x8, s13;
	(pc) =	sbr.rel @p0 .LBB2_19-.Ltmp8, $2  }
0x189: {  	_ =	sdelay $0x2  }
0x18a: {  	s20 =	sadd.s32 $0x50, s20;
	s23 =	sadd.s32 s23, s1  }
0x18b: {  	[hbm4b:s23+s3] =	stream.linear.scatter [tilespmem:s12], [sflag:$0x9], $0x40, $0x38;
	[tilespmem:$0xE100] =	vst v63  }
0x18c: {  	_ =	swait.ge [sflag:s22], $0x2000  }
0x18d: {  	[sflag:s22] =	ssyncset.done $0x0  }
0x18e: {  	[sflag:s22] =	ssyncadd.s32 $0xFFFFE000  }
0x18f: {  	v0 =	vld [tilespmem:s31+$0x300];
	_ =	sdelay $0x6  }
0x190: {  	s1 =	simm.s32 $0x0;
	s13 =	simm.s32 $0x4100  }
0x191: {  	[tilespmem:s13], [sflag:$0x2] =	stream.indirect_vreg.gather [hbm4b:s5+s1], $0x50, v0, vm0, $0xb8;
	[tilespmem:$0xE100] =	vst v63  }
0x192: {  	v0 =	vld [tilespmem:s31+$0x310];
	_ =	sdelay $0x6  }
0x193: {  	s20 =	simm.s32 $0x4600  }
0x194: {  	[tilespmem:s20], [sflag:$0x2] =	stream.indirect_vreg.gather [hbm4b:s5+s1], $0x50, v0, vm0, $0xb8;
	[tilespmem:$0xE100] =	vst v63  }
0x195: {  	v0 =	vld [tilespmem:s31+$0x320];
	_ =	sdelay $0x6  }
0x196: {  	s23 =	simm.s32 $0x4B00  }
0x197: {  	[tilespmem:s23], [sflag:$0x2] =	stream.indirect_vreg.gather [hbm4b:s5+s1], $0x50, v0, vm0, $0xb8;
	[tilespmem:$0xE100] =	vst v63  }
0x198: {  	v0 =	vld [tilespmem:s31+$0x330];
	_ =	sdelay $0x6  }
0x199: {  	s30 =	simm.s32 $0x5000  }
0x19a: {  	[tilespmem:s30], [sflag:$0x2] =	stream.indirect_vreg.gather [hbm4b:s5+s1], $0x50, v0, vm0, $0xb8;
	[tilespmem:$0xE100] =	vst v63  }
0x19b: {  	v0 =	vld [tilespmem:s31+$0x340];
	_ =	sdelay $0x6  }
0x19c: {  	s13 =	simm.s32 $0x5500  }
0x19d: {  	[tilespmem:s13], [sflag:$0x2] =	stream.indirect_vreg.gather [hbm4b:s5+s1], $0x50, v0, vm0, $0xb8;
	[tilespmem:$0xE100] =	vst v63  }
0x19e: {  	v0 =	vld [tilespmem:s31+$0x350];
	_ =	sdelay $0x6  }
0x19f: {  	s20 =	simm.s32 $0x5A00  }
0x1a0: {  	[tilespmem:s20], [sflag:$0x2] =	stream.indirect_vreg.gather [hbm4b:s5+s1], $0x50, v0, vm0, $0xb8;
	[tilespmem:$0xE100] =	vst v63  }
0x1a1: {  	v0 =	vld [tilespmem:s31+$0x360];
	_ =	sdelay $0x6  }
0x1a2: {  	s23 =	simm.s32 $0x5F00  }
0x1a3: {  	[tilespmem:s23], [sflag:$0x2] =	stream.indirect_vreg.gather [hbm4b:s5+s1], $0x50, v0, vm0, $0xb8;
	[tilespmem:$0xE100] =	vst v63  }
0x1a4: {  	v0 =	vld [tilespmem:s31+$0x370];
	_ =	sdelay $0x5  }
0x1a5: {  	s0 =	sadd.s32 s4, s0  }
0x1a6: {  	s0 =	sshll.u32 s0, $0x3;
	s30 =	simm.s32 $0x6400  }
0x1a7: {  	[tilespmem:s30], [sflag:$0x2] =	stream.indirect_vreg.gather [hbm4b:s5+s1], $0x50, v0, vm0, $0xb8;
	[tilespmem:$0xE100] =	vst v63  }
0x1a8: {  	s12 =	simm.s32 $0x8;
	s0 =	sand.u32 $0x1FFFFC00, s0;
	_ =	swait.ge [sflag:s24], $0x2800  }
0x1a9: {  	s0 =	sadd.s32 s2, s0;
	s13 =	simm.s32 $0xB950;
	[sflag:s24] =	ssyncset.done $0x0  }
0x1aa: {  	s20 =	sadd.s32 $0x0, s0;
	s1 =	simm.s32 $0xB900;
	[sflag:s24] =	ssyncadd.s32 $0xFFFFD800  }
.LBB2_21:
0x1ab: {  	[hbm4b:s20+s3] =	stream.linear.scatter [tilespmem:s1], [sflag:$0xA], $0x40, $0x38;
	[tilespmem:$0xE100] =	vst v63  }
0x1ac: {  	s20 =	smov.u32 s12;
	s1 =	smov.u32 s13;
	p0 =	sne.s32 s12, $0x3F8  }
.Ltmp9:
0x1ad: {  	s12 =	sadd.s32 $0x8, s12;
	(pc) =	sbr.rel @p0 .LBB2_21-.Ltmp9, $2  }
0x1ae: {  	_ =	sdelay $0x2  }
0x1af: {  	s13 =	sadd.s32 $0x50, s13;
	s20 =	sadd.s32 s20, s0  }
0x1b0: {  	[hbm4b:s20+s3] =	stream.linear.scatter [tilespmem:s1], [sflag:$0xA], $0x40, $0x38;
	[tilespmem:$0xE100] =	vst v63  }
0x1b1: {  	_ =	swait.ge [sflag:s25], $0x2000  }
0x1b2: {  	[sflag:s25] =	ssyncset.done $0x0  }
0x1b3: {  	[sflag:s25] =	ssyncadd.s32 $0xFFFFE000  }
0x1b4: {  	v0 =	vld [tilespmem:s31+$0x380];
	_ =	sdelay $0x6  }
0x1b5: {  	s0 =	simm.s32 $0x6900  }
0x1b6: {  	[tilespmem:s0], [sflag:$0x3] =	stream.indirect_vreg.gather [hbm4b:s5+s3], $0x50, v0, vm0, $0xb8;
	[tilespmem:$0xE100] =	vst v63  }
0x1b7: {  	v0 =	vld [tilespmem:s31+$0x390];
	_ =	sdelay $0x6  }
0x1b8: {  	s1 =	simm.s32 $0x6E00  }
0x1b9: {  	[tilespmem:s1], [sflag:$0x3] =	stream.indirect_vreg.gather [hbm4b:s5+s3], $0x50, v0, vm0, $0xb8;
	[tilespmem:$0xE100] =	vst v63  }
0x1ba: {  	v0 =	vld [tilespmem:s31+$0x3A0];
	_ =	sdelay $0x6  }
0x1bb: {  	s12 =	simm.s32 $0x7300  }
0x1bc: {  	[tilespmem:s12], [sflag:$0x3] =	stream.indirect_vreg.gather [hbm4b:s5+s3], $0x50, v0, vm0, $0xb8;
	[tilespmem:$0xE100] =	vst v63  }
0x1bd: {  	v0 =	vld [tilespmem:s31+$0x3B0];
	_ =	sdelay $0x6  }
0x1be: {  	s13 =	simm.s32 $0x7800  }
0x1bf: {  	[tilespmem:s13], [sflag:$0x3] =	stream.indirect_vreg.gather [hbm4b:s5+s3], $0x50, v0, vm0, $0xb8;
	[tilespmem:$0xE100] =	vst v63  }
0x1c0: {  	v0 =	vld [tilespmem:s31+$0x3C0];
	_ =	sdelay $0x6  }
0x1c1: {  	s20 =	simm.s32 $0x7D00  }
0x1c2: {  	[tilespmem:s20], [sflag:$0x3] =	stream.indirect_vreg.gather [hbm4b:s5+s3], $0x50, v0, vm0, $0xb8;
	[tilespmem:$0xE100] =	vst v63  }
0x1c3: {  	v0 =	vld [tilespmem:s31+$0x3D0];
	_ =	sdelay $0x6  }
0x1c4: {  	s23 =	simm.s32 $0x8200  }
0x1c5: {  	[tilespmem:s23], [sflag:$0x3] =	stream.indirect_vreg.gather [hbm4b:s5+s3], $0x50, v0, vm0, $0xb8;
	[tilespmem:$0xE100] =	vst v63  }
0x1c6: {  	v0 =	vld [tilespmem:s31+$0x3E0];
	_ =	sdelay $0x6  }
0x1c7: {  	s30 =	simm.s32 $0x8700  }
0x1c8: {  	[tilespmem:s30], [sflag:$0x3] =	stream.indirect_vreg.gather [hbm4b:s5+s3], $0x50, v0, vm0, $0xb8;
	[tilespmem:$0xE100] =	vst v63  }
0x1c9: {  	v0 =	vld [tilespmem:s31+$0x3F0];
	_ =	sdelay $0x1  }
0x1ca: {  	s29 =	sadd.s32 $0x1, s29  }
0x1cb: {  	p0 =	sne.s32 s29, $0x9  }
.Ltmp10:
0x1cc: {  	_ = 	snop;
	(pc) =	sbr.rel @p0 .LBB2_12-.Ltmp10, $3  }
0x1cd: {  	_ =	sdelay $0x1  }
0x1ce: {  	s31 =	simm.s32 $0x8C00  }
0x1cf: {  	[tilespmem:s31], [sflag:$0x3] =	stream.indirect_vreg.gather [hbm4b:s5+s3], $0x50, v0, vm0, $0xb8;
	[tilespmem:$0xE100] =	vst v63  }
0x1d0: {  	s0 =	simm.s32 $0x1  }
0x1d1: {  	_ =	swait.ge [sflag:s0], $0x2800  }
0x1d2: {  	s1 =	simm.s32 $0x8;
	s13 =	sadd.s32 $0x0, s14;
	[sflag:s0] =	ssyncset.done $0x0  }
0x1d3: {  	s12 =	simm.s32 $0x1950;
	[sflag:s0] =	ssyncadd.s32 $0xFFFFD800;
	s0 =	simm.s32 $0x1900  }
.LBB2_24:
0x1d4: {  	[hbm4b:s13+s3] =	stream.linear.scatter [tilespmem:s0], [sflag:$0x6], $0x40, $0x38;
	[tilespmem:$0xE100] =	vst v63  }
0x1d5: {  	s13 =	smov.u32 s1;
	s0 =	smov.u32 s12;
	p0 =	sne.s32 s1, $0x3F8  }
.Ltmp11:
0x1d6: {  	s1 =	sadd.s32 $0x8, s1;
	(pc) =	sbr.rel @p0 .LBB2_24-.Ltmp11, $2  }
0x1d7: {  	_ =	sdelay $0x2  }
0x1d8: {  	s12 =	sadd.s32 $0x50, s12;
	s13 =	sadd.s32 s13, s14  }
0x1d9: {  	[hbm4b:s13+s3] =	stream.linear.scatter [tilespmem:s0], [sflag:$0x6], $0x40, $0x38;
	[tilespmem:$0xE100] =	vst v63  }
0x1da: {  	_ =	swait.ge [sflag:s26], $0x2000  }
0x1db: {  	[sflag:s26] =	ssyncset.done $0x0  }
0x1dc: {  	[sflag:s26] =	ssyncadd.s32 $0xFFFFE000  }
0x1dd: {  	v0 =	vld [tilespmem:$0x1800];
	_ =	sdelay $0x6  }
0x1de: {  	s0 =	simm.s32 $0x0;
	s1 =	simm.s32 $0x9100  }
0x1df: {  	[tilespmem:s1], [sflag:$0x4] =	stream.indirect_vreg.gather [hbm4b:s5+s0], $0x50, v0, vm0, $0xb8;
	[tilespmem:$0xE100] =	vst v63  }
0x1e0: {  	v0 =	vld [tilespmem:$0x1810];
	_ =	sdelay $0x6  }
0x1e1: {  	s31 =	simm.s32 $0x9600  }
0x1e2: {  	[tilespmem:s31], [sflag:$0x4] =	stream.indirect_vreg.gather [hbm4b:s5+s0], $0x50, v0, vm0, $0xb8;
	[tilespmem:$0xE100] =	vst v63  }
0x1e3: {  	v0 =	vld [tilespmem:$0x1820];
	_ =	sdelay $0x6  }
0x1e4: {  	s12 =	simm.s32 $0x9B00  }
0x1e5: {  	[tilespmem:s12], [sflag:$0x4] =	stream.indirect_vreg.gather [hbm4b:s5+s0], $0x50, v0, vm0, $0xb8;
	[tilespmem:$0xE100] =	vst v63  }
0x1e6: {  	v0 =	vld [tilespmem:$0x1830];
	_ =	sdelay $0x6  }
0x1e7: {  	s13 =	simm.s32 $0xA000  }
0x1e8: {  	[tilespmem:s13], [sflag:$0x4] =	stream.indirect_vreg.gather [hbm4b:s5+s0], $0x50, v0, vm0, $0xb8;
	[tilespmem:$0xE100] =	vst v63  }
0x1e9: {  	v0 =	vld [tilespmem:$0x1840];
	_ =	sdelay $0x6  }
0x1ea: {  	s20 =	simm.s32 $0xA500  }
0x1eb: {  	[tilespmem:s20], [sflag:$0x4] =	stream.indirect_vreg.gather [hbm4b:s5+s0], $0x50, v0, vm0, $0xb8;
	[tilespmem:$0xE100] =	vst v63  }
0x1ec: {  	v0 =	vld [tilespmem:$0x1850];
	_ =	sdelay $0x6  }
0x1ed: {  	s23 =	simm.s32 $0xAA00  }
0x1ee: {  	[tilespmem:s23], [sflag:$0x4] =	stream.indirect_vreg.gather [hbm4b:s5+s0], $0x50, v0, vm0, $0xb8;
	[tilespmem:$0xE100] =	vst v63  }
0x1ef: {  	v0 =	vld [tilespmem:$0x1860];
	_ =	sdelay $0x6  }
0x1f0: {  	s29 =	simm.s32 $0xAF00  }
0x1f1: {  	[tilespmem:s29], [sflag:$0x4] =	stream.indirect_vreg.gather [hbm4b:s5+s0], $0x50, v0, vm0, $0xb8;
	[tilespmem:$0xE100] =	vst v63  }
0x1f2: {  	v0 =	vld [tilespmem:$0x1870];
	_ =	sdelay $0x6  }
0x1f3: {  	s30 =	simm.s32 $0xB400;
	s31 =	simm.s32 $0x2  }
0x1f4: {  	[tilespmem:s30], [sflag:$0x4] =	stream.indirect_vreg.gather [hbm4b:s5+s0], $0x50, v0, vm0, $0xb8;
	[tilespmem:$0xE100] =	vst v63  }
0x1f5: {  	_ =	swait.ge [sflag:s31], $0x2800  }
0x1f6: {  	s1 =	simm.s32 $0x8;
	s12 =	simm.s32 $0x4150;
	[sflag:s31] =	ssyncset.done $0x0  }
0x1f7: {  	s13 =	sadd.s32 $0x0, s15;
	s0 =	simm.s32 $0x4100;
	[sflag:s31] =	ssyncadd.s32 $0xFFFFD800  }
.LBB2_26:
0x1f8: {  	[hbm4b:s13+s3] =	stream.linear.scatter [tilespmem:s0], [sflag:$0x7], $0x40, $0x38;
	[tilespmem:$0xE100] =	vst v63  }
0x1f9: {  	s13 =	smov.u32 s1;
	s0 =	smov.u32 s12;
	p0 =	sne.s32 s1, $0x3F8  }
.Ltmp12:
0x1fa: {  	s1 =	sadd.s32 $0x8, s1;
	(pc) =	sbr.rel @p0 .LBB2_26-.Ltmp12, $2  }
0x1fb: {  	_ =	sdelay $0x2  }
0x1fc: {  	s12 =	sadd.s32 $0x50, s12;
	s13 =	sadd.s32 s13, s15  }
0x1fd: {  	[hbm4b:s13+s3] =	stream.linear.scatter [tilespmem:s0], [sflag:$0x7], $0x40, $0x38;
	[tilespmem:$0xE100] =	vst v63  }
0x1fe: {  	_ =	swait.ge [sflag:s28], $0x2000  }
0x1ff: {  	[sflag:s28] =	ssyncset.done $0x0  }
0x200: {  	[sflag:s28] =	ssyncadd.s32 $0xFFFFE000  }
0x201: {  	v0 =	vld [tilespmem:$0x1880];
	_ =	sdelay $0x6  }
0x202: {  	s0 =	simm.s32 $0x0;
	s1 =	simm.s32 $0xB900  }
0x203: {  	[tilespmem:s1], [sflag:$0x5] =	stream.indirect_vreg.gather [hbm4b:s5+s0], $0x50, v0, vm0, $0xb8;
	[tilespmem:$0xE100] =	vst v63  }
0x204: {  	v0 =	vld [tilespmem:$0x1890];
	_ =	sdelay $0x6  }
0x205: {  	s12 =	simm.s32 $0xBE00  }
0x206: {  	[tilespmem:s12], [sflag:$0x5] =	stream.indirect_vreg.gather [hbm4b:s5+s0], $0x50, v0, vm0, $0xb8;
	[tilespmem:$0xE100] =	vst v63  }
0x207: {  	v0 =	vld [tilespmem:$0x18A0];
	_ =	sdelay $0x6  }
0x208: {  	s13 =	simm.s32 $0xC300  }
0x209: {  	[tilespmem:s13], [sflag:$0x5] =	stream.indirect_vreg.gather [hbm4b:s5+s0], $0x50, v0, vm0, $0xb8;
	[tilespmem:$0xE100] =	vst v63  }
0x20a: {  	v0 =	vld [tilespmem:$0x18B0];
	_ =	sdelay $0x6  }
0x20b: {  	s20 =	simm.s32 $0xC800  }
0x20c: {  	[tilespmem:s20], [sflag:$0x5] =	stream.indirect_vreg.gather [hbm4b:s5+s0], $0x50, v0, vm0, $0xb8;
	[tilespmem:$0xE100] =	vst v63  }
0x20d: {  	v0 =	vld [tilespmem:$0x18C0];
	_ =	sdelay $0x6  }
0x20e: {  	s23 =	simm.s32 $0xCD00  }
0x20f: {  	[tilespmem:s23], [sflag:$0x5] =	stream.indirect_vreg.gather [hbm4b:s5+s0], $0x50, v0, vm0, $0xb8;
	[tilespmem:$0xE100] =	vst v63  }
0x210: {  	v0 =	vld [tilespmem:$0x18D0];
	_ =	sdelay $0x6  }
0x211: {  	s29 =	simm.s32 $0xD200  }
0x212: {  	[tilespmem:s29], [sflag:$0x5] =	stream.indirect_vreg.gather [hbm4b:s5+s0], $0x50, v0, vm0, $0xb8;
	[tilespmem:$0xE100] =	vst v63  }
0x213: {  	v0 =	vld [tilespmem:$0x18E0];
	_ =	sdelay $0x6  }
0x214: {  	s30 =	simm.s32 $0xD700  }
0x215: {  	[tilespmem:s30], [sflag:$0x5] =	stream.indirect_vreg.gather [hbm4b:s5+s0], $0x50, v0, vm0, $0xb8;
	[tilespmem:$0xE100] =	vst v63  }
0x216: {  	v0 =	vld [tilespmem:$0x18F0];
	_ =	sdelay $0x6  }
0x217: {  	s31 =	simm.s32 $0xDC00  }
0x218: {  	[tilespmem:s31], [sflag:$0x5] =	stream.indirect_vreg.gather [hbm4b:s5+s0], $0x50, v0, vm0, $0xb8;
	[tilespmem:$0xE100] =	vst v63  }
0x219: {  	_ =	swait.ge [sflag:s7], $0x2800  }
0x21a: {  	s1 =	simm.s32 $0x8;
	s12 =	simm.s32 $0x6950;
	[sflag:s7] =	ssyncset.done $0x0  }
0x21b: {  	s13 =	sadd.s32 $0x0, s16;
	s0 =	simm.s32 $0x6900;
	[sflag:s7] =	ssyncadd.s32 $0xFFFFD800  }
.LBB2_28:
0x21c: {  	[hbm4b:s13+s3] =	stream.linear.scatter [tilespmem:s0], [sflag:$0x8], $0x40, $0x38;
	[tilespmem:$0xE100] =	vst v63  }
0x21d: {  	s13 =	smov.u32 s1;
	s0 =	smov.u32 s12;
	p0 =	sne.s32 s1, $0x3F8  }
.Ltmp13:
0x21e: {  	s1 =	sadd.s32 $0x8, s1;
	(pc) =	sbr.rel @p0 .LBB2_28-.Ltmp13, $2  }
0x21f: {  	_ =	sdelay $0x2  }
0x220: {  	s12 =	sadd.s32 $0x50, s12;
	s13 =	sadd.s32 s13, s16  }
0x221: {  	[hbm4b:s13+s3] =	stream.linear.scatter [tilespmem:s0], [sflag:$0x8], $0x40, $0x38;
	[tilespmem:$0xE100] =	vst v63  }
0x222: {  	_ =	swait.ge [sflag:s21], $0x2800  }
0x223: {  	s0 =	simm.s32 $0x9100;
	s1 =	simm.s32 $0x8;
	[sflag:s21] =	ssyncset.done $0x0  }
0x224: {  	s13 =	sadd.s32 $0x0, s17;
	s12 =	simm.s32 $0x9150;
	[sflag:s21] =	ssyncadd.s32 $0xFFFFD800  }
.LBB2_30:
0x225: {  	[hbm4b:s13+s3] =	stream.linear.scatter [tilespmem:s0], [sflag:$0x9], $0x40, $0x38;
	[tilespmem:$0xE100] =	vst v63  }
0x226: {  	s13 =	smov.u32 s1;
	s0 =	smov.u32 s12;
	p0 =	sne.s32 s1, $0x3F8  }
.Ltmp14:
0x227: {  	s1 =	sadd.s32 $0x8, s1;
	(pc) =	sbr.rel @p0 .LBB2_30-.Ltmp14, $2  }
0x228: {  	_ =	sdelay $0x2  }
0x229: {  	s12 =	sadd.s32 $0x50, s12;
	s13 =	sadd.s32 s13, s17  }
0x22a: {  	[hbm4b:s13+s3] =	stream.linear.scatter [tilespmem:s0], [sflag:$0x9], $0x40, $0x38;
	[tilespmem:$0xE100] =	vst v63  }
0x22b: {  	_ =	swait.ge [sflag:s24], $0x2800  }
0x22c: {  	s0 =	simm.s32 $0xB900;
	s1 =	simm.s32 $0x8;
	[sflag:s24] =	ssyncset.done $0x0  }
0x22d: {  	s13 =	sadd.s32 $0x0, s18;
	s12 =	simm.s32 $0xB950;
	[sflag:s24] =	ssyncadd.s32 $0xFFFFD800  }
.LBB2_32:
0x22e: {  	[hbm4b:s13+s3] =	stream.linear.scatter [tilespmem:s0], [sflag:$0xA], $0x40, $0x38;
	[tilespmem:$0xE100] =	vst v63  }
0x22f: {  	s13 =	smov.u32 s1;
	s0 =	smov.u32 s12;
	p0 =	sne.s32 s1, $0x3F8  }
.Ltmp15:
0x230: {  	s1 =	sadd.s32 $0x8, s1;
	(pc) =	sbr.rel @p0 .LBB2_32-.Ltmp15, $2  }
0x231: {  	_ =	sdelay $0x2  }
0x232: {  	s12 =	sadd.s32 $0x50, s12;
	s13 =	sadd.s32 s13, s18  }
0x233: {  	[hbm4b:s13+s3] =	stream.linear.scatter [tilespmem:s0], [sflag:$0xA], $0x40, $0x38;
	[tilespmem:$0xE100] =	vst v63  }
0x234: {  	_ =	swait.ge [sflag:s19], $0x2000  }
0x235: {  	[sflag:s19] =	ssyncset.done $0x0  }
0x236: {  	[sflag:s19] =	ssyncadd.s32 $0xFFFFE000  }
0x237: {  	_ =	swait.ge [sflag:s22], $0x2000  }
0x238: {  	[sflag:s22] =	ssyncset.done $0x0  }
0x239: {  	[sflag:s22] =	ssyncadd.s32 $0xFFFFE000  }
0x23a: {  	_ =	swait.ge [sflag:s25], $0x2000  }
0x23b: {  	[sflag:s25] =	ssyncset.done $0x0  }
0x23c: {  	[sflag:s25] =	ssyncadd.s32 $0xFFFFE000  }
0x23d: {  	_ =	swait.ge [sflag:s26], $0x2000  }
0x23e: {  	[sflag:s26] =	ssyncset.done $0x0  }
0x23f: {  	[sflag:s26] =	ssyncadd.s32 $0xFFFFE000  }
0x240: {  	_ =	swait.ge [sflag:s28], $0x2000  }
0x241: {  	s1 =	rddreg [dreg:$0x7]  }
0x242: {  	s31 =	rddreg [dreg:$0x6];
	s1 =	sadd.s32 $0x1, s1  }
0x243: {  	p0 =	sne.s32 s1, s31  }
.Ltmp16:
0x244: {  	_ = 	snop;
	(pc) =	sbr.rel @p0 .LBB2_1-.Ltmp16, $3  }
0x245: {  	_ =	sdelay $0x1  }
0x246: {  	[sflag:s28] =	ssyncset.done $0x0  }
0x247: {  	[sflag:s28] =	ssyncadd.s32 $0xFFFFE000  }
0x248: {  	_ =	sfence.sel $0x180000  }
0x249: {  	[bflag:$0x0] =	sbarrier.arrive $0xFFFF  }
0x24a: {  	_ =	strace $0x90000047  }
0x24b: {  	s0 =	stileid.u32;
	[bflag:$0x2] =	sbarrier.arrive $0xFFFF  }
0x24c: {  	p0 =	sne.s32 s0, $0x0;
	s0 =	rddreg [dreg:$0x2]  }
0x24d: {  	s0 =	sadd.s32 @!p0 $0x100000, s0  }
0x24e: {  	[sflag:s0] =	ssyncadd.tile.s32 @!p0 $0x1;
	_ =	shalt  }
.Lfunc_end2:
_tile_overlayer_lowered:
.L_overlay_start_2:
0x24f: {  	(tag) =	ssettag $0x2  }
0x250: {  	s0 =	rddreg [dreg:$0x0];
	s2 =	stileid.u32  }
0x251: {  	s1 =	rddreg [dreg:$0x1];
	p0 =	sne.s32 s2, $0x0  }
0x252: {  	s3 =	rddreg [dreg:$0x2];
	[bflag:$0x3] =	sbarrier.arrive $0xFFFF;
	s2 =	simm.s32 @!p0 $0x1C0B  }
0x253: {  	[timem:s3], [sflag:s2] =	dma.local @!p0 [hbm:s0], s1  }
0x254: {  	s0 =	simm.s32 @!p0 $0xB  }
0x255: {  	_ =	swait.ge @!p0 [sflag:s0], s1  }
0x256: {  	s1 =	ssub.s32 @!p0 $0x0, s1;
	[sflag:s0] =	ssyncset.done @!p0 $0x0  }
0x257: {  	[sflag:s0] =	ssyncadd.s32 @!p0 s1  }
0x258: {  	[bflag:$0x3] =	sbarrier.arrive $0xFFFF  }
0x259: {  	_ =	shalt  }

// kernel: sparse-core-data-format-call.cloned.1.call-start
scs
called_computation_lowered:
.L_overlay_start_0:
0x0: {  	s2 =	sld [smem:$0x3FD9]  }
0x1: {  	s3 =	sld [smem:$0x3FFE];
	_ =	sdelay $0x1  }
0x2: {  	s1 =	srdreg.scid  }
0x3: {  	s0 =	sand.u32 $0x1, s1  }
0x4: {  	s18 =	sshll.u32 s0, $0xA;
	s2 =	sadd.s32 s3, s2  }
0x5: {  	s2 =	sadd.s32 s2, s18  }
0x6: {  	[smem:$0x3FC6] =	sst s2  }
0x7: {  	_ = 	snop  }
0x8: {  	s2 =	sld [smem:$0x3FD0];
	(tm) =	ssettm $0x1  }
0x9: {  	s19 =	sld [smem:$0x3FFB];
	_ =	sdelay $0x3  }
0xa: {  	_ =	strace s19  }
0xb: {  	s3 =	sld [smem:$0x3FFC];
	_ =	sdelay $0x3  }
0xc: {  	_ =	strace s3  }
0xd: {  	s3 =	sld [smem:$0x3FFD];
	_ =	sdelay $0x3  }
0xe: {  	_ =	strace s3  }
0xf: {  	_ =	strace $0x8FFFFFFF  }
0x10: {  	s20 =	sld [smem:$0x3FDB];
	_ =	sdelay $0x1  }
0x11: {  	s4 =	simm.s32 $_scs_section_size  }
0x12: {  	s5 =	simm.s32 $_size__tile_overlayer_lowered;
	s6 =	simm.s32 $_tile_overlayer_lowered  }
0x13: {  	s23 =	simm.s32 $0x1BFF;
	s22 =	sshll.u32 s6, $0x1;
	s3 =	sadd.s32 s4, s20  }
0x14: {  	s7 =	simm.s32 $0x0;
	s21 =	sshll.u32 s5, $0x1;
	s5 =	sadd.s32 s22, s3  }
0x15: {  	[timem:s7], [sflag:s23] =	dma.local [hbm:s5], s21  }
0x16: {  	_ =	swait.ge [sflag:s23], s21  }
0x17: {  	s4 =	ssub.s32 $0x0, s21;
	[sflag:s23] =	ssyncset.done $0x0  }
0x18: {  	[sflag:s23] =	ssyncadd.s32 s4;
	_ =	sdelay $0x1  }
0x19: {  	s24 =	simm.s32 $0x1B8B  }
0x1a: {  	_ =	swait.ge [sflag:s24], $0x1  }
0x1b: {  	[sflag:s24] =	ssyncset.done $0x0  }
0x1c: {  	s26 =	simm.s32 $0x1B8E;
	s25 =	sld [smem:$0x3FFE];
	[sflag:s24] =	ssyncadd.s32 $0xFFFFFFFF  }
0x1d: {  	s27 =	simm.s32 $execute0_lowered;
	[smem:$0x3FD2] =	sst s26  }
0x1e: {  	s5 =	sshll.u32 s27, $0x1;
	_ =	strace $0x80000049;
	[dreg:$0x1] =	wrdreg $0xFFFFFFFF  }
0x1f: {  	s28 =	simm.s32 $_size_execute0_lowered;
	s3 =	sadd.s32 s3, s5;
	[dreg:$0x0] =	wrdreg $0x0  }
0x20: {  	s5 =	sshll.u32 s28, $0x1;
	[dreg:$0x2] =	wrdreg s3  }
0x21: {  	[dreg:$0x3] =	wrdreg s5  }
0x22: {  	[dreg:$0x4] =	wrdreg $0xC0  }
0x23: {  	_ =	task [dreg:s7], $0x5FFFF  }
0x24: {  	[dreg:$0x1] =	wrdreg $0xFFFFFFFF  }
0x25: {  	[dreg:$0x0] =	wrdreg $0x60  }
0x26: {  	[dreg:$0x2] =	wrdreg s25  }
0x27: {  	[dreg:$0x3] =	wrdreg s2  }
0x28: {  	[dreg:$0x4] =	wrdreg $0x9  }
0x29: {  	_ =	task.clear_ibuf [dreg:s7], $0x5FFFF;
	_ =	strace $0x90000049  }
0x2a: {  	s29 =	simm.s32 $0x9;
	_ =	strace $0x8000004B  }
0x2b: {  	_ =	swait.ge [sflag:s29], $0x1  }
0x2c: {  	[sflag:s29] =	ssyncadd.s32 $0xFFFFFFFF  }
0x2d: {  	_ =	strace $0x9000004B  }
0x2e: {  	_ =	sfence  }
0x2f: {  	s30 =	sld [smem:$0x0];
	_ =	sdelay $0x2  }
0x30: {  	s31 =	sshll.u32 s1, $0xD;
	s1 =	sshrl.u32 s1, $0x2  }
0x31: {  	s3 =	sand.u32 $0x4000, s31;
	s1 =	sadd.s32 s1, s30  }
0x32: {  	s0 =	sor.u32 s3, s0;
	s1 =	sshll.u32 s1, $0x11  }
0x33: {  	s0 =	sor.u32 s1, s0  }
0x34: {  	s0 =	sadd.s32 $0x8F2B, s0  }
0x35: {  	[sflag:s0] =	ssyncadd.remote.s32 $0x1  }
0x36: {  	_ =	sfence.sel $0xFFFF  }
0x37: {  	[dreg:$0x0] =	wrdreg $0xFFFFFFFF;
	(pc) =	sbr.abs _section_cstart, $3  }
0x38: {  	[dreg:$0x1] =	wrdreg $0xFFFFFFFF  }
0x39: {  	_ =	task.clear_ibuf [dreg:s7], $0x2FFFF;
	_ =	strace $0x9FFFFFFF  }
0x3a: {  	(tm) =	ssettm $0x7FFFFFFF  }
0x3b: {  	_ =	shalt  }
tec
execute0_lowered:
.L_overlay_start_1:
0x0: {  	(tag) =	ssettag $0x1  }
0x1: {  	s0 =	stileid.u32;
	s6 =	rddreg [dreg:$0x0]  }
0x2: {  	s2 =	rddreg [dreg:$0x1];
	s5 =	srdreg.scid  }
0x3: {  	s31 =	simm.s32 $0x2;
	s13 =	simm.s32 $0x0;
	s1 =	sshll.u32 s0, $0x7  }
0x4: {  	s14 =	simm.s32 $0x0;
	s12 =	simm.s32 $0x0;
	s3 =	sand.u32 $0x380, s1  }
0x5: {  	s5 =	sshll.u32 s5, $0x4;
	s6 =	sadd.s32 $0xA00, s6;
	s4 =	ssub.s32 $0x400, s3  }
0x6: {  	s1 =	rddreg [dreg:$0x2];
	_ =	strace $0x8000004A;
	s7 =	sand.u32 $0x380, s4  }
0x7: {  	s5 =	sand.u32 $0x10, s5;
	p0 =	sne.s32 s7, $0x0;
	s7 =	simm.s32 $0x1  }
.Ltmp0:
0x8: {  	s8 =	sshrl.u32 s4, $0xA;
	s7 =	simm.s32 @!p0 $0x0;
	(pc) =	sbr.rel .LBB1_1-.Ltmp0, $4  }
0x9: {  	s9 =	sor.u32 s0, s5;
	s4 =	simm.s32 $0x1;
	s30 =	sadd.s32 s7, s8  }
0xa: {  	s11 =	smov.u32 s3;
	[sflag:s4] =	ssyncpa.u1 $0x0;
	s5 =	smul.u32 $0x32, s30  }
0xb: {  	[sflag:s31] =	ssyncpa.u1 $0x0;
	p0 =	por $0x0, $0x0;
	s7 =	sshrl.u32 s9, $0x3  }
0xc: {  	s9 =	simm.s32 $0x2000;
	s10 =	smov.u32 s7;
	s8 =	sor.u32 $0x1, s5  }
.LBB1_4:
0xd: {  	s17 =	sand.u32 $0x1F80, s14;
	s13 =	sshll.u32 s13, $0xD  }
0xe: {  	[tilespmem:s16+$0x810 ss:$0x81] =	vst.msk $0xffff, v2;
	s18 =	sshrl.u32 s14, $0x3;
	s31 =	sand.u32 $0x7, s14;
	s17 =	sadd.s32 s2, s17  }
0xf: {  	[tilespmem:s16+$0x1020 ss:$0x81] =	vst.msk $0xffff, v0;
	s18 =	sand.u32 $0xF, s18;
	s14 =	sshll.u32 s31, $0x12;
	s13 =	sadd.s32 s13, s17  }
0x10: {  	[tilespmem:s16+$0x0 ss:$0x81] =	vst.msk $0xffff, v1;
	s14 =	sor.u32 $0x400, s14;
	s13 =	sadd.s32 s18, s13  }
0x11: {  	[hbm4b:s13+s14] =	stream.strided.scatter [tilespmem:s15], [sflag:$0x2], $0x2000, s9, s14, $0x20;
	[tilespmem:$0x8080] =	vst v63  }
.LBB1_5:
0x12: {  	s15 =	sadd.s32 $0x4, s10  }
0x13: {  	s13 =	sadd.s32 $0x400, s11;
	s17 =	smov.u32 s11;
	p2 =	sgt.s32 s15, $0xC7  }
0x14: {  	s17 =	smov.u32 @p2 s13  }
0x15: {  	s15 =	smov.u32 @p2 s7;
	p2 =	sgt.s32 s17, $0x3FF  }
0x16: {  	s17 =	smov.u32 @p2 s3;
	p2 =	sne.s32 s12, s8  }
.Ltmp1:
0x17: {  	p1 =	slt.u32 s12, $0x2;
	(pc) =	sbr.rel @!p2 .LBB1_6-.Ltmp1, $4  }
0x18: {  	s16 =	simm.s32 @!p1 $0x2  }
0x19: {  	s14 =	smov.u32 s11;
	p0 =	por !p0, !p0;
	_ =	swait.ge @!p1 [sflag:s16], $0x2000  }
0x1a: {  	s13 =	smov.u32 s10;
	[sflag:s16] =	ssyncset.done @!p1 $0x0;
	s10 =	smov.u32 s15  }
0x1b: {  	s12 =	sadd.s32 $0x1, s12;
	[sflag:s16] =	ssyncadd.s32 @!p1 $0xFFFFE000;
	s11 =	smov.u32 s17  }
.LBB1_1:
0x1c: {  	p1 =	sge.u32 s12, s5  }
0x1d: {  	s15 =	sand.u32 @!p1 $0x1FFFFFF, s10  }
0x1e: {  	s16 =	smulhi.u32 @!p1 $0x147AE15, s15;
	_ =	sdelay $0x1  }
0x1f: {  	s16 =	smul.u32 @!p1 $0xC8, s16  }
0x20: {  	s17 =	sxor.u32 @!p1 $0xFFFFFFFF, s12;
	s18 =	smul.u32 @!p1 $0xC80, s11  }
0x21: {  	s31 =	sadd.s32 $0xFFFFFFFF, s12;
	s17 =	sshll.u32 @!p1 s17, $0xD;
	s15 =	ssub.s32 @!p1 s15, s16  }
0x22: {  	s16 =	sand.u32 @!p1 $0x2000, s17;
	s17 =	sadd.s32 @!p1 s6, s18;
	s15 =	sshll.u32 @!p1 s15, $0x4  }
0x23: {  	s18 =	simm.s32 @!p1 $0x6400;
	s15 =	sadd.s32 @!p1 s15, s17;
	s17 =	simm.s32 @!p1 $0x40  }
0x24: {  	[tilespmem:s16], [sflag:$0x1] =	stream.strided.gather @!p1 [hbm4b:s15+s17], $0x2000, s18, s17, $0x38;
	[tilespmem:$0x8080] =	vst v63  }
0x25: {  	p1 =	sge.u32 s31, s5  }
.Ltmp2:
0x26: {  	_ = 	snop;
	(pc) =	sbr.rel @p1 .LBB1_5-.Ltmp2, $1  }
0x27: {  	_ =	sdelay $0x3  }
0x28: {  	s15 =	simm.s32 $0x1  }
0x29: {  	_ =	swait.ge [sflag:s4], $0x2000;
	s15 =	simm.s32 @!p0 $0x0  }
0x2a: {  	[sflag:s4] =	ssyncset.done $0x0;
	s16 =	sshll.u32 s15, $0xD  }
0x2b: {  	[sflag:s4] =	ssyncadd.s32 $0xFFFFE000;
	s19 =	sor.u32 $0x20, s16  }
0x2c: {  	s15 =	smul.u32 $0x8100, s15;
	v3 =	vld [tilespmem:s19+$0x10]  }
0x2d: {  	s30 =	sand.u32 $0x1, s12;
	v2 =	vld [tilespmem:s19+$0xFFFFFFF0]  }
0x2e: {  	s16 =	smul.u32 $0x8100, s30;
	s15 =	sshrl.u32 s15, $0x2;
	v0 =	vld [tilespmem:s19+$0x0]  }
0x2f: {  	v1 =	vld [tilespmem:s19+$0xFFFFFFE0];
	s17 =	sor.u32 $0x4000, s15  }
0x30: {  	s31 =	sshrl.u32 s16, $0x2;
	s16 =	sadd.s32 $0x0, s17  }
0x31: {  	s18 =	simm.s32 $0x4;
	s19 =	sadd.s32 $0x40, s19;
	s15 =	sor.u32 $0x4000, s31;
	[tilespmem:s16+$0x1830 ss:$0x81] =	vst.msk $0xffff, v3  }
.LBB1_3:
0x32: {  	v3 =	vld [tilespmem:s19+$0x10];
	p1 =	sne.s32 s18, $0x1FC;
	[tilespmem:s16+$0x810 ss:$0x81] =	vst.msk $0xffff, v2;
	s20 =	smov.u32 s18;
	s18 =	sadd.s32 $0x4, s18  }
.Ltmp3:
0x33: {  	v2 =	vld [tilespmem:s19+$0xFFFFFFF0];
	[tilespmem:s16+$0x1020 ss:$0x81] =	vst.msk $0xffff, v0;
	(pc) =	sbr.rel @p1 .LBB1_3-.Ltmp3, $4  }
0x34: {  	v0 =	vld [tilespmem:s19+$0x0];
	[tilespmem:s16+$0x0 ss:$0x81] =	vst.msk $0xffff, v1  }
0x35: {  	s16 =	sshra.s32 s20, $0x2;
	v1 =	vld [tilespmem:s19+$0xFFFFFFE0]  }
0x36: {  	s16 =	sadd.s32 s16, s17  }
0x37: {  	s19 =	sadd.s32 $0x40, s19;
	[tilespmem:s16+$0x1830 ss:$0x81] =	vst.msk $0xffff, v3  }
.Ltmp4:
0x38: {  	_ = 	snop;
	(pc) =	sbr.rel .LBB1_4-.Ltmp4, $1  }
0x39: {  	_ =	sdelay $0x3  }
.LBB1_6:
0x3a: {  	_ =	sfence.sel $0x180000  }
0x3b: {  	s2 =	simm.s32 $0x1;
	[bflag:$0x0] =	sbarrier.arrive $0xFFFF  }
0x3c: {  	s31 =	simm.s32 $0x2;
	[sflag:s2] =	ssyncpa.u1 $0x1  }
0x3d: {  	[sflag:s31] =	ssyncpa.u1 $0x1  }
0x3e: {  	p0 =	sne.s32 s0, $0x0;
	_ =	strace $0x9000004A  }
0x3f: {  	s0 =	sadd.s32 @!p0 $0x100000, s1;
	[bflag:$0x2] =	sbarrier.arrive $0xFFFF  }
0x40: {  	[sflag:s0] =	ssyncadd.tile.s32 @!p0 $0x1;
	_ =	shalt  }
.Lfunc_end1:
_tile_overlayer_lowered:
.L_overlay_start_2:
0x41: {  	(tag) =	ssettag $0x2  }
0x42: {  	s0 =	rddreg [dreg:$0x0];
	s2 =	stileid.u32  }
0x43: {  	s1 =	rddreg [dreg:$0x1];
	p0 =	sne.s32 s2, $0x0  }
0x44: {  	s3 =	rddreg [dreg:$0x2];
	[bflag:$0x3] =	sbarrier.arrive $0xFFFF;
	s2 =	simm.s32 @!p0 $0x1C01  }
0x45: {  	[timem:s3], [sflag:s2] =	dma.local @!p0 [hbm:s0], s1  }
0x46: {  	s0 =	simm.s32 @!p0 $0x1  }
0x47: {  	_ =	swait.ge @!p0 [sflag:s0], s1  }
0x48: {  	s1 =	ssub.s32 @!p0 $0x0, s1;
	[sflag:s0] =	ssyncset.done @!p0 $0x0  }
0x49: {  	[sflag:s0] =	ssyncadd.s32 @!p0 s1  }
0x4a: {  	[bflag:$0x3] =	sbarrier.arrive $0xFFFF  }
0x4b: {  	_ =	shalt  }

</sc_bundles>
